<compile_context>
chip_gen: v7x
topology: tpu7x:2x2x1
jax: 0.10.2.dev20260603
libtpu: 0.0.44.dev20260713+nightly
codegen_flags: <defaults>
</compile_context>

<pallas_src>
import functools

import jax
import jax.numpy as jnp
import numpy as np
from jax import lax
from jax.experimental import pallas as pl
from jax.experimental.pallas import tpu as pltpu
from jax.experimental.pallas import tpu_sc as plsc

NC = 2
NS = 16
LANES = 16

ROW_BLOCK = 1000
EDGE_CHUNK = 80
ZROWS = 104


def _rnd16(x):
    b = lax.bitcast_convert_type(x, jnp.uint32)
    r = b + jnp.uint32(0x7FFF) + ((b >> 16) & jnp.uint32(1))
    return r & jnp.uint32(0xFFFF0000)


def _pack_rows(x, hq):
    lo = _rnd16(x[:, :hq]) >> 16
    hi = _rnd16(x[:, hq:])
    return lax.bitcast_convert_type(lo | hi, jnp.int32)


def _phase_a_body(x_ref, wq_ref, bq_ref, wk_ref, bk_ref, eqh_ref, ekh_ref):
    xb = x_ref[...]
    dn = (((1,), (1,)), ((), ()))
    eq = lax.dot_general(xb, wq_ref[...], dn,
                         preferred_element_type=jnp.float32) + bq_ref[0]
    ek = lax.dot_general(xb, wk_ref[...], dn,
                         preferred_element_type=jnp.float32) + bk_ref[0]
    hq = eq.shape[1] // 2
    eqh_ref[...] = _pack_rows(eq, hq)
    ekh_ref[...] = _pack_rows(ek, hq)


def _phase_a(x, Wq, bq, Wk, bk):
    n, d = x.shape
    h = Wq.shape[0]
    hh = h // 2
    nb = n // ROW_BLOCK
    grid = (nb, 2)
    out_shape = [jax.ShapeDtypeStruct((2 * n, hh // 2), jnp.int32)] * 2
    return pl.pallas_call(
        _phase_a_body,
        grid=grid,
        in_specs=[
            pl.BlockSpec((ROW_BLOCK, d), lambda i, c: (i, 0)),
            pl.BlockSpec((hh, d), lambda i, c: (c, 0)),
            pl.BlockSpec((1, 1, hh), lambda i, c: (c, 0, 0)),
            pl.BlockSpec((hh, d), lambda i, c: (c, 0)),
            pl.BlockSpec((1, 1, hh), lambda i, c: (c, 0, 0)),
        ],
        out_specs=[
            pl.BlockSpec((ROW_BLOCK, hh // 2), lambda i, c, nb=nb: (c * nb + i, 0)),
            pl.BlockSpec((ROW_BLOCK, hh // 2), lambda i, c, nb=nb: (c * nb + i, 0)),
        ],
        out_shape=out_shape,
    )(x, Wq, bq.reshape(2, 1, hh), Wk, bk.reshape(2, 1, hh))


def _phase_b_body(n, e, hh, eqh_hbm, ekh_hbm, eidx_hbm, out_hbm,
                  eidxb, sidxg, didxs, didxgs, eqv, ekv, mv, ftsh,
                  isem0, isem1, gsem0, gsem1, ssem0, ssem1):
    c = lax.axis_index("c")
    s = lax.axis_index("s")
    coff = c * n
    isem = (isem0, isem1)
    gsem = (gsem0, gsem1)
    ssem = (ssem0, ssem1)
    r0 = (n // (NS * 8)) * 8
    extra = n - NS * r0
    ept = e // NS
    nch = ept // EDGE_CHUNK
    K = EDGE_CHUNK

    zv = jnp.zeros((LANES,), jnp.float32)

    def zrow(r, carry):
        for g in range(hh // LANES):
            mv[0, r, pl.ds(g * LANES, LANES)] = zv
        return carry

    lax.fori_loop(0, K, zrow, 0)
    nzb = r0 // K
    zrem = r0 - nzb * K
    for j in range(nzb):
        pltpu.sync_copy(mv.at[0], ftsh.at[pl.ds(s * r0 + j * K, K), :])
    if zrem:
        pltpu.sync_copy(mv.at[0, pl.ds(0, zrem), :],
                        ftsh.at[pl.ds(s * r0 + nzb * K, zrem), :])

    @pl.when(s == NS - 1)
    def _zero_tail():
        pltpu.sync_copy(mv.at[0, pl.ds(0, extra), :],
                        ftsh.at[pl.ds(NS * r0, extra), :])

    plsc.subcore_barrier()

    def i_issue(i, b):
        base = s * ept + i * K
        pltpu.async_copy(eidx_hbm.at[:, pl.ds(base, K)], eidxb.at[b], isem[b])

    def i_wait(i, b):
        base = s * ept + i * K
        pltpu.make_async_copy(eidx_hbm.at[:, pl.ds(base, K)], eidxb.at[b],
                              isem[b]).wait()

    def idx_prep_gather(b):
        for j in range(K // LANES):
            sl = pl.ds(j * LANES, LANES)
            sidxg[b, sl] = eidxb[b, 0, sl] + coff
            didxgs[b, sl] = eidxb[b, 1, sl] + coff

    def idx_prep_scatter(b):
        for j in range(K // LANES):
            sl = pl.ds(j * LANES, LANES)
            didxs[b, sl] = eidxb[b, 1, sl]

    def g_issue(b):
        pltpu.async_copy(ekh_hbm.at[sidxg.at[b]], ekv.at[b], gsem[b])
        pltpu.async_copy(eqh_hbm.at[didxgs.at[b]], eqv.at[b], gsem[b])

    def g_wait(b):
        pltpu.make_async_copy(ekh_hbm.at[sidxg.at[b]], ekv.at[b], gsem[b]).wait()
        pltpu.make_async_copy(eqh_hbm.at[didxgs.at[b]], eqv.at[b], gsem[b]).wait()

    def s_wait(b):
        pltpu.make_async_copy(mv.at[b], ftsh.at[didxs.at[b]], ssem[b]).wait()

    def s_issue(b):
        pltpu.async_copy(mv.at[b], ftsh.at[didxs.at[b]], ssem[b], add=True)

    msk = jnp.int32(-65536)
    hw = hh // 2

    def compute(b):
        @plsc.parallel_loop(0, K, 1, unroll=4)
        def crow(r):
            for g in range(hw // LANES):
                sl = pl.ds(g * LANES, LANES)
                wq = eqv[b, r, sl]
                wk = ekv[b, r, sl]
                lo = (lax.bitcast_convert_type(wq << 16, jnp.float32)
                      + lax.bitcast_convert_type(wk << 16, jnp.float32))
                hi = (lax.bitcast_convert_type(wq & msk, jnp.float32)
                      + lax.bitcast_convert_type(wk & msk, jnp.float32))
                mv[b, r, pl.ds(g * LANES, LANES)] = jnp.maximum(lo, 0.0)
                mv[b, r, pl.ds(hw + g * LANES, LANES)] = jnp.maximum(hi, 0.0)

    i_issue(0, 0)
    i_wait(0, 0)
    idx_prep_gather(0)
    idx_prep_scatter(0)
    g_issue(0)

    def pair(i2, carry):
        for b in range(2):
            i = 2 * i2 + b
            nxt = 1 - b

            @pl.when(i + 1 < nch)
            def _ii():
                i_issue(i + 1, nxt)

            g_wait(b)
            compute(b)

            @pl.when(i + 1 < nch)
            def _gi():
                i_wait(i + 1, nxt)
                idx_prep_gather(nxt)
                g_issue(nxt)

            @pl.when(i > 0)
            def _ws():
                s_wait(nxt)

            @pl.when(i + 1 < nch)
            def _sp():
                idx_prep_scatter(nxt)

            s_issue(b)
        return carry

    lax.fori_loop(0, (nch - 1) // 2, pair, 0)
    ilast = nch - 1
    g_wait(0)
    compute(0)
    s_wait(1)
    s_issue(0)
    s_wait(0)
    plsc.subcore_barrier()

    @pl.when(s < NS - 1)
    def _copy_body():
        pltpu.sync_copy(ftsh.at[pl.ds(s * r0, r0), :],
                        out_hbm.at[pl.ds(coff + s * r0, r0), :])

    @pl.when(s == NS - 1)
    def _copy_tail():
        pltpu.sync_copy(ftsh.at[pl.ds((NS - 1) * r0, r0 + extra), :],
                        out_hbm.at[pl.ds(coff + (NS - 1) * r0, r0 + extra), :])


def _phase_b(eqh, ekh, eidx):
    n2, hw = eqh.shape
    hh = 2 * hw
    n = n2 // 2
    e = eidx.shape[1]
    ept = e // NS
    mesh = plsc.VectorSubcoreMesh(core_axis_name="c", subcore_axis_name="s",
                                  num_cores=NC, num_subcores=NS)
    kern = pl.kernel(
        functools.partial(_phase_b_body, n, e, hh),
        out_type=jax.ShapeDtypeStruct((2 * n, hh), jnp.float32),
        mesh=mesh,
        compiler_params=pltpu.CompilerParams(use_tc_tiling_on_sc=False),
        scratch_types=[
            pltpu.VMEM((2, 2, EDGE_CHUNK), jnp.int32),
            pltpu.VMEM((2, EDGE_CHUNK), jnp.int32),
            pltpu.VMEM((2, EDGE_CHUNK), jnp.int32),
            pltpu.VMEM((2, EDGE_CHUNK), jnp.int32),
            pltpu.VMEM((2, EDGE_CHUNK, hh // 2), jnp.int32),
            pltpu.VMEM((2, EDGE_CHUNK, hh // 2), jnp.int32),
            pltpu.VMEM((2, EDGE_CHUNK, hh), jnp.float32),
            pltpu.VMEM_SHARED((n, hh), jnp.float32),
            pltpu.SemaphoreType.DMA,
            pltpu.SemaphoreType.DMA,
            pltpu.SemaphoreType.DMA,
            pltpu.SemaphoreType.DMA,
            pltpu.SemaphoreType.DMA,
            pltpu.SemaphoreType.DMA,
        ],
    )
    return kern(eqh, ekh, eidx)


def _phase_c_body(ft0_ref, ft1_ref, wr_ref, br_ref, out_ref):
    hh = ft0_ref.shape[1]
    dn = (((1,), (1,)), ((), ()))
    wr = wr_ref[...]
    acc = lax.dot_general(ft0_ref[...], wr[:, :hh], dn,
                          preferred_element_type=jnp.float32)
    acc = acc + lax.dot_general(ft1_ref[...], wr[:, hh:], dn,
                                preferred_element_type=jnp.float32)
    out_ref[...] = acc + br_ref[...]


def _phase_c(fth, Wr, br):
    n2, hh = fth.shape
    n = n2 // 2
    o = Wr.shape[0]
    nb = n // ROW_BLOCK
    return pl.pallas_call(
        _phase_c_body,
        grid=(nb,),
        in_specs=[
            pl.BlockSpec((ROW_BLOCK, hh), lambda i: (i, 0)),
            pl.BlockSpec((ROW_BLOCK, hh), lambda i, nb=nb: (nb + i, 0)),
            pl.BlockSpec((o, 2 * hh), lambda i: (0, 0)),
            pl.BlockSpec((1, o), lambda i: (0, 0)),
        ],
        out_specs=pl.BlockSpec((ROW_BLOCK, o), lambda i: (i, 0)),
        out_shape=jax.ShapeDtypeStruct((n, o), jnp.float32),
    )(fth, fth, Wr, br.reshape(1, o))


def kernel(x, edge_index, Wq, bq, Wk, bk, Wr, br):
    eqh, ekh = _phase_a(x, Wq, bq, Wk, bk)
    fth = _phase_b(eqh, ekh, edge_index)
    return _phase_c(fth, Wr, br)

# --- scband reference (transcript-rebuilt; emitter-appended) ---
"""Pipeline reference for scband-sirconv-2645699854681 (READ-ONLY COPY).

The authoritative reference and input builder live on the scoring server;
editing this copy changes nothing except your own understanding.
"""

import jax, jax.numpy as jnp
import numpy as np

N, E, D, H, O = 10000, 160000, 256, 256, 256

def setup_inputs(seed: int = 0) -> dict:
    key = jax.random.key(seed)
    ks = jax.random.split(key, 8)
    x = jax.random.normal(ks[0], (N, D), dtype=jnp.float32)
    edge_index = jax.random.randint(ks[1], (2, E), 0, N, dtype=jnp.int32)
    # Learned parameters (dropout=0 so inference path has no masking)
    Wq = jax.random.normal(ks[2], (H, D), dtype=jnp.float32) * (1.0 / np.sqrt(D))
    bq = jnp.zeros((H,), dtype=jnp.float32)
    Wk = jax.random.normal(ks[3], (H, D), dtype=jnp.float32) * (1.0 / np.sqrt(D))
    bk = jnp.zeros((H,), dtype=jnp.float32)
    Wr = jax.random.normal(ks[4], (O, H), dtype=jnp.float32) * (1.0 / np.sqrt(H))
    br = jnp.zeros((O,), dtype=jnp.float32)
    return {"x": x, "edge_index": edge_index, "Wq": Wq, "bq": bq, "Wk": Wk, "bk": bk, "Wr": Wr, "br": br}

def reference(x, edge_index, Wq, bq, Wk, bk, Wr, br):
    # SIRConv with agg_type='sum': h_u = W_R @ sum_{v in N(u)} relu(W_Q h_u + W_K h_v)
    src = edge_index[0]
    dst = edge_index[1]
    # norm is all-ones for agg_type='sum'; dropout rate is 0 -> identity
    eq = x @ Wq.T + bq            # query transform (applied to dst node)
    ek = x @ Wk.T + bk            # key transform (applied to src node)
    m = jax.nn.relu(eq[dst] + ek[src])              # per-edge message [E, H]
    ft = jax.ops.segment_sum(m, dst, num_segments=N)  # scatter-add into dst nodes [N, H]
    rst = ft @ Wr.T + br                             # relation transform [N, O]
    return rst

if __name__ == "__main__":
    import jax
    _d = setup_inputs()
    print(jax.jit(kernel)(*tuple(_d.values())))

</pallas_src>

<mosaic_0001>
#map = affine_map<(d0, d1) -> (0, 0)>
module attributes {stable_mosaic.version = 14 : i64} {
  func.func @_phase_b_body(%arg0: i32, %arg1: i32, %arg2: memref<20000x64xi32, #tpu.memory_space<hbm>>, %arg3: memref<20000x64xi32, #tpu.memory_space<hbm>>, %arg4: memref<2x160000xi32, #tpu.memory_space<hbm>>, %arg5: memref<20000x128xf32, #tpu.memory_space<hbm>>, %arg6: memref<2x2x80xi32, #tpu.memory_space<vmem>>, %arg7: memref<2x80xi32, #tpu.memory_space<vmem>>, %arg8: memref<2x80xi32, #tpu.memory_space<vmem>>, %arg9: memref<2x80xi32, #tpu.memory_space<vmem>>, %arg10: memref<2x80x64xi32, #tpu.memory_space<vmem>>, %arg11: memref<2x80x64xi32, #tpu.memory_space<vmem>>, %arg12: memref<2x80x128xf32, #tpu.memory_space<vmem>>, %arg13: memref<10000x128xf32, #tpu.memory_space<vmem_shared>>, %arg14: memref<!tpu.dma_semaphore, #tpu.memory_space<semaphore_mem>>, %arg15: memref<!tpu.dma_semaphore, #tpu.memory_space<semaphore_mem>>, %arg16: memref<!tpu.dma_semaphore, #tpu.memory_space<semaphore_mem>>, %arg17: memref<!tpu.dma_semaphore, #tpu.memory_space<semaphore_mem>>, %arg18: memref<!tpu.dma_semaphore, #tpu.memory_space<semaphore_mem>>, %arg19: memref<!tpu.dma_semaphore, #tpu.memory_space<semaphore_mem>>) attributes {dimension_semantics = [#tpu.dimension_semantics<core_parallel>, #tpu.dimension_semantics<subcore_parallel>], iteration_bounds = array<i64: 2, 16>, scalar_prefetch = 0 : i64, scratch_operands = 14 : i64, tpu.core_type = #tpu.core_type<sc_vector_subcore>, window_params = [{transform_indices = #map}, {transform_indices = #map}, {transform_indices = #map}, {transform_indices = #map}]} {
    %mul3A = arith.constant 10000 : i32
    %mul3A_0 = arith.muli %arg0, %mul3A : i32
    %broadcast_in_dim3A = arith.constant 0.000000e+00 : f32
    %broadcast_in_dim3A_1 = vector.broadcast %broadcast_in_dim3A : f32 to vector<16xf32>
    %scan3A = arith.constant 0 : i32
    %scan3A_2 = arith.constant 0 : i32
    %scan3A_3 = arith.constant 80 : i32
    %scan3A_4 = arith.addi %scan3A_2, %scan3A_3 : i32
    %scan3A_5 = arith.constant 1 : i32
    scf.for %scan3A_396 = %scan3A_2 to %scan3A_4 step %scan3A_5  : i32 {
      %swap3A_397 = arith.constant 0 : i32
      %swap3A_398 = arith.index_cast %swap3A_397 : i32 to index
      %swap3A_399 = arith.index_cast %scan3A_396 : i32 to index
      %swap3A_400 = arith.constant 0 : index
      %swap3A_401 = tpu.vector_load %arg12[%swap3A_398, %swap3A_399, %swap3A_400] {strides = array<i32>} : memref<2x80x128xf32, #tpu.memory_space<vmem>>, vector<1x1x16xf32>,
      %swap3A_402 = vector.shape_cast %swap3A_401 : vector<1x1x16xf32> to vector<16xf32>
      %swap3A_403 = vector.shape_cast %broadcast_in_dim3A_1 : vector<16xf32> to vector<1x1x16xf32>
      tpu.vector_store %arg12[%swap3A_398, %swap3A_399, %swap3A_400], %swap3A_403 {strides = array<i32>} : memref<2x80x128xf32, #tpu.memory_space<vmem>>, vector<1x1x16xf32>,
      %swap3A_404 = arith.constant 0 : i32
      %swap3A_405 = arith.index_cast %swap3A_404 : i32 to index
      %swap3A_406 = arith.index_cast %scan3A_396 : i32 to index
      %swap3A_407 = arith.constant 16 : index
      %swap3A_408 = tpu.vector_load %arg12[%swap3A_405, %swap3A_406, %swap3A_407] {strides = array<i32>} : memref<2x80x128xf32, #tpu.memory_space<vmem>>, vector<1x1x16xf32>,
      %swap3A_409 = vector.shape_cast %swap3A_408 : vector<1x1x16xf32> to vector<16xf32>
      %swap3A_410 = vector.shape_cast %broadcast_in_dim3A_1 : vector<16xf32> to vector<1x1x16xf32>
      tpu.vector_store %arg12[%swap3A_405, %swap3A_406, %swap3A_407], %swap3A_410 {strides = array<i32>} : memref<2x80x128xf32, #tpu.memory_space<vmem>>, vector<1x1x16xf32>,
      %swap3A_411 = arith.constant 0 : i32
      %swap3A_412 = arith.index_cast %swap3A_411 : i32 to index
      %swap3A_413 = arith.index_cast %scan3A_396 : i32 to index
      %swap3A_414 = arith.constant 32 : index
      %swap3A_415 = tpu.vector_load %arg12[%swap3A_412, %swap3A_413, %swap3A_414] {strides = array<i32>} : memref<2x80x128xf32, #tpu.memory_space<vmem>>, vector<1x1x16xf32>,
      %swap3A_416 = vector.shape_cast %swap3A_415 : vector<1x1x16xf32> to vector<16xf32>
      %swap3A_417 = vector.shape_cast %broadcast_in_dim3A_1 : vector<16xf32> to vector<1x1x16xf32>
      tpu.vector_store %arg12[%swap3A_412, %swap3A_413, %swap3A_414], %swap3A_417 {strides = array<i32>} : memref<2x80x128xf32, #tpu.memory_space<vmem>>, vector<1x1x16xf32>,
      %swap3A_418 = arith.constant 0 : i32
      %swap3A_419 = arith.index_cast %swap3A_418 : i32 to index
      %swap3A_420 = arith.index_cast %scan3A_396 : i32 to index
      %swap3A_421 = arith.constant 48 : index
      %swap3A_422 = tpu.vector_load %arg12[%swap3A_419, %swap3A_420, %swap3A_421] {strides = array<i32>} : memref<2x80x128xf32, #tpu.memory_space<vmem>>, vector<1x1x16xf32>,
      %swap3A_423 = vector.shape_cast %swap3A_422 : vector<1x1x16xf32> to vector<16xf32>
      %swap3A_424 = vector.shape_cast %broadcast_in_dim3A_1 : vector<16xf32> to vector<1x1x16xf32>
      tpu.vector_store %arg12[%swap3A_419, %swap3A_420, %swap3A_421], %swap3A_424 {strides = array<i32>} : memref<2x80x128xf32, #tpu.memory_space<vmem>>, vector<1x1x16xf32>,
      %swap3A_425 = arith.constant 0 : i32
      %swap3A_426 = arith.index_cast %swap3A_425 : i32 to index
      %swap3A_427 = arith.index_cast %scan3A_396 : i32 to index
      %swap3A_428 = arith.constant 64 : index
      %swap3A_429 = tpu.vector_load %arg12[%swap3A_426, %swap3A_427, %swap3A_428] {strides = array<i32>} : memref<2x80x128xf32, #tpu.memory_space<vmem>>, vector<1x1x16xf32>,
      %swap3A_430 = vector.shape_cast %swap3A_429 : vector<1x1x16xf32> to vector<16xf32>
      %swap3A_431 = vector.shape_cast %broadcast_in_dim3A_1 : vector<16xf32> to vector<1x1x16xf32>
      tpu.vector_store %arg12[%swap3A_426, %swap3A_427, %swap3A_428], %swap3A_431 {strides = array<i32>} : memref<2x80x128xf32, #tpu.memory_space<vmem>>, vector<1x1x16xf32>,
      %swap3A_432 = arith.constant 0 : i32
      %swap3A_433 = arith.index_cast %swap3A_432 : i32 to index
      %swap3A_434 = arith.index_cast %scan3A_396 : i32 to index
      %swap3A_435 = arith.constant 80 : index
      %swap3A_436 = tpu.vector_load %arg12[%swap3A_433, %swap3A_434, %swap3A_435] {strides = array<i32>} : memref<2x80x128xf32, #tpu.memory_space<vmem>>, vector<1x1x16xf32>,
      %swap3A_437 = vector.shape_cast %swap3A_436 : vector<1x1x16xf32> to vector<16xf32>
      %swap3A_438 = vector.shape_cast %broadcast_in_dim3A_1 : vector<16xf32> to vector<1x1x16xf32>
      tpu.vector_store %arg12[%swap3A_433, %swap3A_434, %swap3A_435], %swap3A_438 {strides = array<i32>} : memref<2x80x128xf32, #tpu.memory_space<vmem>>, vector<1x1x16xf32>,
      %swap3A_439 = arith.constant 0 : i32
      %swap3A_440 = arith.index_cast %swap3A_439 : i32 to index
      %swap3A_441 = arith.index_cast %scan3A_396 : i32 to index
      %swap3A_442 = arith.constant 96 : index
      %swap3A_443 = tpu.vector_load %arg12[%swap3A_440, %swap3A_441, %swap3A_442] {strides = array<i32>} : memref<2x80x128xf32, #tpu.memory_space<vmem>>, vector<1x1x16xf32>,
      %swap3A_444 = vector.shape_cast %swap3A_443 : vector<1x1x16xf32> to vector<16xf32>
      %swap3A_445 = vector.shape_cast %broadcast_in_dim3A_1 : vector<16xf32> to vector<1x1x16xf32>
      tpu.vector_store %arg12[%swap3A_440, %swap3A_441, %swap3A_442], %swap3A_445 {strides = array<i32>} : memref<2x80x128xf32, #tpu.memory_space<vmem>>, vector<1x1x16xf32>,
      %swap3A_446 = arith.constant 0 : i32
      %swap3A_447 = arith.index_cast %swap3A_446 : i32 to index
      %swap3A_448 = arith.index_cast %scan3A_396 : i32 to index
      %swap3A_449 = arith.constant 112 : index
      %swap3A_450 = tpu.vector_load %arg12[%swap3A_447, %swap3A_448, %swap3A_449] {strides = array<i32>} : memref<2x80x128xf32, #tpu.memory_space<vmem>>, vector<1x1x16xf32>,
      %swap3A_451 = vector.shape_cast %swap3A_450 : vector<1x1x16xf32> to vector<16xf32>
      %swap3A_452 = vector.shape_cast %broadcast_in_dim3A_1 : vector<16xf32> to vector<1x1x16xf32>
      tpu.vector_store %arg12[%swap3A_447, %swap3A_448, %swap3A_449], %swap3A_452 {strides = array<i32>} : memref<2x80x128xf32, #tpu.memory_space<vmem>>, vector<1x1x16xf32>,
    }
    %scan3A_6 = arith.constant 80 : i32
    %mul3A_7 = arith.constant 624 : i32
    %mul3A_8 = arith.muli %arg1, %mul3A_7 : i32
    %add3A = arith.constant 0 : i32
    %add3A_9 = arith.addi %mul3A_8, %add3A : i32
    %run_scoped3A = arith.constant 0 : i32
    "tpu.region"() ({
      %run_scoped3A_396 = tpu.sem_alloc : memref<!tpu.dma_semaphore, #tpu.memory_space<semaphore_mem>>
      %dma_start3A_397 = arith.constant 0 : i32
      %dma_start3A_398 = arith.constant 0 : i32
      %dma_start3A_399 = tpu.memref_slice %arg12[%run_scoped3A, %dma_start3A_397, %dma_start3A_398] : memref<2x80x128xf32, #tpu.memory_space<vmem>> -> memref<1x80x128xf32, #tpu.memory_space<vmem>>
      %dma_start3A_400 = tpu.memref_squeeze %dma_start3A_399 : memref<1x80x128xf32, #tpu.memory_space<vmem>> -> memref<80x128xf32, #tpu.memory_space<vmem>>
      %dma_start3A_401 = arith.constant 0 : i32
      %dma_start3A_402 = tpu.memref_slice %arg13[%add3A_9, %dma_start3A_401] : memref<10000x128xf32, #tpu.memory_space<vmem_shared>> -> memref<80x128xf32, #tpu.memory_space<vmem_shared>>
      %dma_start3A_403 = arith.constant 0 : i32
      %dma_start3A_404 = tpu.memref_slice %arg13[%add3A_9, %dma_start3A_403] : memref<10000x128xf32, #tpu.memory_space<vmem_shared>> -> memref<80x128xf32, #tpu.memory_space<vmem_shared>>
      %dma_start3A_405 = arith.constant 0 : i32
      %dma_start3A_406 = arith.constant 0 : i32
      %dma_start3A_407 = tpu.memref_slice %arg12[%run_scoped3A, %dma_start3A_405, %dma_start3A_406] : memref<2x80x128xf32, #tpu.memory_space<vmem>> -> memref<1x80x128xf32, #tpu.memory_space<vmem>>
      %dma_start3A_408 = tpu.memref_squeeze %dma_start3A_407 : memref<1x80x128xf32, #tpu.memory_space<vmem>> -> memref<80x128xf32, #tpu.memory_space<vmem>>
      tpu.enqueue_dma source(%dma_start3A_408 : memref<80x128xf32, #tpu.memory_space<vmem>>) target(%dma_start3A_404 : memref<80x128xf32, #tpu.memory_space<vmem_shared>>) target_semaphore(%run_scoped3A_396 : memref<!tpu.dma_semaphore, #tpu.memory_space<semaphore_mem>>)
      %dma_wait3A_409 = arith.constant 0 : i32
      %dma_wait3A_410 = arith.constant 0 : i32
      %dma_wait3A_411 = tpu.memref_slice %arg12[%run_scoped3A, %dma_wait3A_409, %dma_wait3A_410] : memref<2x80x128xf32, #tpu.memory_space<vmem>> -> memref<1x80x128xf32, #tpu.memory_space<vmem>>
      %dma_wait3A_412 = tpu.memref_squeeze %dma_wait3A_411 : memref<1x80x128xf32, #tpu.memory_space<vmem>> -> memref<80x128xf32, #tpu.memory_space<vmem>>
      %dma_wait3A_413 = arith.constant 0 : i32
      %dma_wait3A_414 = tpu.memref_slice %arg13[%add3A_9, %dma_wait3A_413] : memref<10000x128xf32, #tpu.memory_space<vmem_shared>> -> memref<80x128xf32, #tpu.memory_space<vmem_shared>>
      %dma_wait3A_415 = arith.constant 0 : i32
      %dma_wait3A_416 = tpu.memref_slice %arg13[%add3A_9, %dma_wait3A_415] : memref<10000x128xf32, #tpu.memory_space<vmem_shared>> -> memref<80x128xf32, #tpu.memory_space<vmem_shared>>
      %dma_wait3A_417 = arith.constant 0 : i32
      %dma_wait3A_418 = arith.constant 0 : i32
      %dma_wait3A_419 = tpu.memref_slice %arg12[%run_scoped3A, %dma_wait3A_417, %dma_wait3A_418] : memref<2x80x128xf32, #tpu.memory_space<vmem>> -> memref<1x80x128xf32, #tpu.memory_space<vmem>>
      %dma_wait3A_420 = tpu.memref_squeeze %dma_wait3A_419 : memref<1x80x128xf32, #tpu.memory_space<vmem>> -> memref<80x128xf32, #tpu.memory_space<vmem>>
      tpu.wait_dma2 semaphore(%run_scoped3A_396 : memref<!tpu.dma_semaphore, #tpu.memory_space<semaphore_mem>>) src(%dma_wait3A_420 : memref<80x128xf32, #tpu.memory_space<vmem>>) dst(%dma_wait3A_416 : memref<80x128xf32, #tpu.memory_space<vmem_shared>>)
      tpu.yield
    }) : () -> ()
    %mul3A_10 = arith.constant 624 : i32
    %mul3A_11 = arith.muli %arg1, %mul3A_10 : i32
    %add3A_12 = arith.constant 80 : i32
    %add3A_13 = arith.addi %mul3A_11, %add3A_12 : i32
    %run_scoped3A_14 = arith.constant 0 : i32
    "tpu.region"() ({
      %run_scoped3A_396 = tpu.sem_alloc : memref<!tpu.dma_semaphore, #tpu.memory_space<semaphore_mem>>
      %dma_start3A_397 = arith.constant 0 : i32
      %dma_start3A_398 = arith.constant 0 : i32
      %dma_start3A_399 = tpu.memref_slice %arg12[%run_scoped3A_14, %dma_start3A_397, %dma_start3A_398] : memref<2x80x128xf32, #tpu.memory_space<vmem>> -> memref<1x80x128xf32, #tpu.memory_space<vmem>>
      %dma_start3A_400 = tpu.memref_squeeze %dma_start3A_399 : memref<1x80x128xf32, #tpu.memory_space<vmem>> -> memref<80x128xf32, #tpu.memory_space<vmem>>
      %dma_start3A_401 = arith.constant 0 : i32
      %dma_start3A_402 = tpu.memref_slice %arg13[%add3A_13, %dma_start3A_401] : memref<10000x128xf32, #tpu.memory_space<vmem_shared>> -> memref<80x128xf32, #tpu.memory_space<vmem_shared>>
      %dma_start3A_403 = arith.constant 0 : i32
      %dma_start3A_404 = tpu.memref_slice %arg13[%add3A_13, %dma_start3A_403] : memref<10000x128xf32, #tpu.memory_space<vmem_shared>> -> memref<80x128xf32, #tpu.memory_space<vmem_shared>>
      %dma_start3A_405 = arith.constant 0 : i32
      %dma_start3A_406 = arith.constant 0 : i32
      %dma_start3A_407 = tpu.memref_slice %arg12[%run_scoped3A_14, %dma_start3A_405, %dma_start3A_406] : memref<2x80x128xf32, #tpu.memory_space<vmem>> -> memref<1x80x128xf32, #tpu.memory_space<vmem>>
      %dma_start3A_408 = tpu.memref_squeeze %dma_start3A_407 : memref<1x80x128xf32, #tpu.memory_space<vmem>> -> memref<80x128xf32, #tpu.memory_space<vmem>>
      tpu.enqueue_dma source(%dma_start3A_408 : memref<80x128xf32, #tpu.memory_space<vmem>>) target(%dma_start3A_404 : memref<80x128xf32, #tpu.memory_space<vmem_shared>>) target_semaphore(%run_scoped3A_396 : memref<!tpu.dma_semaphore, #tpu.memory_space<semaphore_mem>>)
      %dma_wait3A_409 = arith.constant 0 : i32
      %dma_wait3A_410 = arith.constant 0 : i32
      %dma_wait3A_411 = tpu.memref_slice %arg12[%run_scoped3A_14, %dma_wait3A_409, %dma_wait3A_410] : memref<2x80x128xf32, #tpu.memory_space<vmem>> -> memref<1x80x128xf32, #tpu.memory_space<vmem>>
      %dma_wait3A_412 = tpu.memref_squeeze %dma_wait3A_411 : memref<1x80x128xf32, #tpu.memory_space<vmem>> -> memref<80x128xf32, #tpu.memory_space<vmem>>
      %dma_wait3A_413 = arith.constant 0 : i32
      %dma_wait3A_414 = tpu.memref_slice %arg13[%add3A_13, %dma_wait3A_413] : memref<10000x128xf32, #tpu.memory_space<vmem_shared>> -> memref<80x128xf32, #tpu.memory_space<vmem_shared>>
      %dma_wait3A_415 = arith.constant 0 : i32
      %dma_wait3A_416 = tpu.memref_slice %arg13[%add3A_13, %dma_wait3A_415] : memref<10000x128xf32, #tpu.memory_space<vmem_shared>> -> memref<80x128xf32, #tpu.memory_space<vmem_shared>>
      %dma_wait3A_417 = arith.constant 0 : i32
      %dma_wait3A_418 = arith.constant 0 : i32
      %dma_wait3A_419 = tpu.memref_slice %arg12[%run_scoped3A_14, %dma_wait3A_417, %dma_wait3A_418] : memref<2x80x128xf32, #tpu.memory_space<vmem>> -> memref<1x80x128xf32, #tpu.memory_space<vmem>>
      %dma_wait3A_420 = tpu.memref_squeeze %dma_wait3A_419 : memref<1x80x128xf32, #tpu.memory_space<vmem>> -> memref<80x128xf32, #tpu.memory_space<vmem>>
      tpu.wait_dma2 semaphore(%run_scoped3A_396 : memref<!tpu.dma_semaphore, #tpu.memory_space<semaphore_mem>>) src(%dma_wait3A_420 : memref<80x128xf32, #tpu.memory_space<vmem>>) dst(%dma_wait3A_416 : memref<80x128xf32, #tpu.memory_space<vmem_shared>>)
      tpu.yield
    }) : () -> ()
    %mul3A_15 = arith.constant 624 : i32
    %mul3A_16 = arith.muli %arg1, %mul3A_15 : i32
    %add3A_17 = arith.constant 160 : i32
    %add3A_18 = arith.addi %mul3A_16, %add3A_17 : i32
    %run_scoped3A_19 = arith.constant 0 : i32
    "tpu.region"() ({
      %run_scoped3A_396 = tpu.sem_alloc : memref<!tpu.dma_semaphore, #tpu.memory_space<semaphore_mem>>
      %dma_start3A_397 = arith.constant 0 : i32
      %dma_start3A_398 = arith.constant 0 : i32
      %dma_start3A_399 = tpu.memref_slice %arg12[%run_scoped3A_19, %dma_start3A_397, %dma_start3A_398] : memref<2x80x128xf32, #tpu.memory_space<vmem>> -> memref<1x80x128xf32, #tpu.memory_space<vmem>>
      %dma_start3A_400 = tpu.memref_squeeze %dma_start3A_399 : memref<1x80x128xf32, #tpu.memory_space<vmem>> -> memref<80x128xf32, #tpu.memory_space<vmem>>
      %dma_start3A_401 = arith.constant 0 : i32
      %dma_start3A_402 = tpu.memref_slice %arg13[%add3A_18, %dma_start3A_401] : memref<10000x128xf32, #tpu.memory_space<vmem_shared>> -> memref<80x128xf32, #tpu.memory_space<vmem_shared>>
      %dma_start3A_403 = arith.constant 0 : i32
      %dma_start3A_404 = tpu.memref_slice %arg13[%add3A_18, %dma_start3A_403] : memref<10000x128xf32, #tpu.memory_space<vmem_shared>> -> memref<80x128xf32, #tpu.memory_space<vmem_shared>>
      %dma_start3A_405 = arith.constant 0 : i32
      %dma_start3A_406 = arith.constant 0 : i32
      %dma_start3A_407 = tpu.memref_slice %arg12[%run_scoped3A_19, %dma_start3A_405, %dma_start3A_406] : memref<2x80x128xf32, #tpu.memory_space<vmem>> -> memref<1x80x128xf32, #tpu.memory_space<vmem>>
      %dma_start3A_408 = tpu.memref_squeeze %dma_start3A_407 : memref<1x80x128xf32, #tpu.memory_space<vmem>> -> memref<80x128xf32, #tpu.memory_space<vmem>>
      tpu.enqueue_dma source(%dma_start3A_408 : memref<80x128xf32, #tpu.memory_space<vmem>>) target(%dma_start3A_404 : memref<80x128xf32, #tpu.memory_space<vmem_shared>>) target_semaphore(%run_scoped3A_396 : memref<!tpu.dma_semaphore, #tpu.memory_space<semaphore_mem>>)
      %dma_wait3A_409 = arith.constant 0 : i32
      %dma_wait3A_410 = arith.constant 0 : i32
      %dma_wait3A_411 = tpu.memref_slice %arg12[%run_scoped3A_19, %dma_wait3A_409, %dma_wait3A_410] : memref<2x80x128xf32, #tpu.memory_space<vmem>> -> memref<1x80x128xf32, #tpu.memory_space<vmem>>
      %dma_wait3A_412 = tpu.memref_squeeze %dma_wait3A_411 : memref<1x80x128xf32, #tpu.memory_space<vmem>> -> memref<80x128xf32, #tpu.memory_space<vmem>>
      %dma_wait3A_413 = arith.constant 0 : i32
      %dma_wait3A_414 = tpu.memref_slice %arg13[%add3A_18, %dma_wait3A_413] : memref<10000x128xf32, #tpu.memory_space<vmem_shared>> -> memref<80x128xf32, #tpu.memory_space<vmem_shared>>
      %dma_wait3A_415 = arith.constant 0 : i32
      %dma_wait3A_416 = tpu.memref_slice %arg13[%add3A_18, %dma_wait3A_415] : memref<10000x128xf32, #tpu.memory_space<vmem_shared>> -> memref<80x128xf32, #tpu.memory_space<vmem_shared>>
      %dma_wait3A_417 = arith.constant 0 : i32
      %dma_wait3A_418 = arith.constant 0 : i32
      %dma_wait3A_419 = tpu.memref_slice %arg12[%run_scoped3A_19, %dma_wait3A_417, %dma_wait3A_418] : memref<2x80x128xf32, #tpu.memory_space<vmem>> -> memref<1x80x128xf32, #tpu.memory_space<vmem>>
      %dma_wait3A_420 = tpu.memref_squeeze %dma_wait3A_419 : memref<1x80x128xf32, #tpu.memory_space<vmem>> -> memref<80x128xf32, #tpu.memory_space<vmem>>
      tpu.wait_dma2 semaphore(%run_scoped3A_396 : memref<!tpu.dma_semaphore, #tpu.memory_space<semaphore_mem>>) src(%dma_wait3A_420 : memref<80x128xf32, #tpu.memory_space<vmem>>) dst(%dma_wait3A_416 : memref<80x128xf32, #tpu.memory_space<vmem_shared>>)
      tpu.yield
    }) : () -> ()
    %mul3A_20 = arith.constant 624 : i32
    %mul3A_21 = arith.muli %arg1, %mul3A_20 : i32
    %add3A_22 = arith.constant 240 : i32
    %add3A_23 = arith.addi %mul3A_21, %add3A_22 : i32
    %run_scoped3A_24 = arith.constant 0 : i32
    "tpu.region"() ({
      %run_scoped3A_396 = tpu.sem_alloc : memref<!tpu.dma_semaphore, #tpu.memory_space<semaphore_mem>>
      %dma_start3A_397 = arith.constant 0 : i32
      %dma_start3A_398 = arith.constant 0 : i32
      %dma_start3A_399 = tpu.memref_slice %arg12[%run_scoped3A_24, %dma_start3A_397, %dma_start3A_398] : memref<2x80x128xf32, #tpu.memory_space<vmem>> -> memref<1x80x128xf32, #tpu.memory_space<vmem>>
      %dma_start3A_400 = tpu.memref_squeeze %dma_start3A_399 : memref<1x80x128xf32, #tpu.memory_space<vmem>> -> memref<80x128xf32, #tpu.memory_space<vmem>>
      %dma_start3A_401 = arith.constant 0 : i32
      %dma_start3A_402 = tpu.memref_slice %arg13[%add3A_23, %dma_start3A_401] : memref<10000x128xf32, #tpu.memory_space<vmem_shared>> -> memref<80x128xf32, #tpu.memory_space<vmem_shared>>
      %dma_start3A_403 = arith.constant 0 : i32
      %dma_start3A_404 = tpu.memref_slice %arg13[%add3A_23, %dma_start3A_403] : memref<10000x128xf32, #tpu.memory_space<vmem_shared>> -> memref<80x128xf32, #tpu.memory_space<vmem_shared>>
      %dma_start3A_405 = arith.constant 0 : i32
      %dma_start3A_406 = arith.constant 0 : i32
      %dma_start3A_407 = tpu.memref_slice %arg12[%run_scoped3A_24, %dma_start3A_405, %dma_start3A_406] : memref<2x80x128xf32, #tpu.memory_space<vmem>> -> memref<1x80x128xf32, #tpu.memory_space<vmem>>
      %dma_start3A_408 = tpu.memref_squeeze %dma_start3A_407 : memref<1x80x128xf32, #tpu.memory_space<vmem>> -> memref<80x128xf32, #tpu.memory_space<vmem>>
      tpu.enqueue_dma source(%dma_start3A_408 : memref<80x128xf32, #tpu.memory_space<vmem>>) target(%dma_start3A_404 : memref<80x128xf32, #tpu.memory_space<vmem_shared>>) target_semaphore(%run_scoped3A_396 : memref<!tpu.dma_semaphore, #tpu.memory_space<semaphore_mem>>)
      %dma_wait3A_409 = arith.constant 0 : i32
      %dma_wait3A_410 = arith.constant 0 : i32
      %dma_wait3A_411 = tpu.memref_slice %arg12[%run_scoped3A_24, %dma_wait3A_409, %dma_wait3A_410] : memref<2x80x128xf32, #tpu.memory_space<vmem>> -> memref<1x80x128xf32, #tpu.memory_space<vmem>>
      %dma_wait3A_412 = tpu.memref_squeeze %dma_wait3A_411 : memref<1x80x128xf32, #tpu.memory_space<vmem>> -> memref<80x128xf32, #tpu.memory_space<vmem>>
      %dma_wait3A_413 = arith.constant 0 : i32
      %dma_wait3A_414 = tpu.memref_slice %arg13[%add3A_23, %dma_wait3A_413] : memref<10000x128xf32, #tpu.memory_space<vmem_shared>> -> memref<80x128xf32, #tpu.memory_space<vmem_shared>>
      %dma_wait3A_415 = arith.constant 0 : i32
      %dma_wait3A_416 = tpu.memref_slice %arg13[%add3A_23, %dma_wait3A_415] : memref<10000x128xf32, #tpu.memory_space<vmem_shared>> -> memref<80x128xf32, #tpu.memory_space<vmem_shared>>
      %dma_wait3A_417 = arith.constant 0 : i32
      %dma_wait3A_418 = arith.constant 0 : i32
      %dma_wait3A_419 = tpu.memref_slice %arg12[%run_scoped3A_24, %dma_wait3A_417, %dma_wait3A_418] : memref<2x80x128xf32, #tpu.memory_space<vmem>> -> memref<1x80x128xf32, #tpu.memory_space<vmem>>
      %dma_wait3A_420 = tpu.memref_squeeze %dma_wait3A_419 : memref<1x80x128xf32, #tpu.memory_space<vmem>> -> memref<80x128xf32, #tpu.memory_space<vmem>>
      tpu.wait_dma2 semaphore(%run_scoped3A_396 : memref<!tpu.dma_semaphore, #tpu.memory_space<semaphore_mem>>) src(%dma_wait3A_420 : memref<80x128xf32, #tpu.memory_space<vmem>>) dst(%dma_wait3A_416 : memref<80x128xf32, #tpu.memory_space<vmem_shared>>)
      tpu.yield
    }) : () -> ()
    %mul3A_25 = arith.constant 624 : i32
    %mul3A_26 = arith.muli %arg1, %mul3A_25 : i32
    %add3A_27 = arith.constant 320 : i32
    %add3A_28 = arith.addi %mul3A_26, %add3A_27 : i32
    %run_scoped3A_29 = arith.constant 0 : i32
    "tpu.region"() ({
      %run_scoped3A_396 = tpu.sem_alloc : memref<!tpu.dma_semaphore, #tpu.memory_space<semaphore_mem>>
      %dma_start3A_397 = arith.constant 0 : i32
      %dma_start3A_398 = arith.constant 0 : i32
      %dma_start3A_399 = tpu.memref_slice %arg12[%run_scoped3A_29, %dma_start3A_397, %dma_start3A_398] : memref<2x80x128xf32, #tpu.memory_space<vmem>> -> memref<1x80x128xf32, #tpu.memory_space<vmem>>
      %dma_start3A_400 = tpu.memref_squeeze %dma_start3A_399 : memref<1x80x128xf32, #tpu.memory_space<vmem>> -> memref<80x128xf32, #tpu.memory_space<vmem>>
      %dma_start3A_401 = arith.constant 0 : i32
      %dma_start3A_402 = tpu.memref_slice %arg13[%add3A_28, %dma_start3A_401] : memref<10000x128xf32, #tpu.memory_space<vmem_shared>> -> memref<80x128xf32, #tpu.memory_space<vmem_shared>>
      %dma_start3A_403 = arith.constant 0 : i32
      %dma_start3A_404 = tpu.memref_slice %arg13[%add3A_28, %dma_start3A_403] : memref<10000x128xf32, #tpu.memory_space<vmem_shared>> -> memref<80x128xf32, #tpu.memory_space<vmem_shared>>
      %dma_start3A_405 = arith.constant 0 : i32
      %dma_start3A_406 = arith.constant 0 : i32
      %dma_start3A_407 = tpu.memref_slice %arg12[%run_scoped3A_29, %dma_start3A_405, %dma_start3A_406] : memref<2x80x128xf32, #tpu.memory_space<vmem>> -> memref<1x80x128xf32, #tpu.memory_space<vmem>>
      %dma_start3A_408 = tpu.memref_squeeze %dma_start3A_407 : memref<1x80x128xf32, #tpu.memory_space<vmem>> -> memref<80x128xf32, #tpu.memory_space<vmem>>
      tpu.enqueue_dma source(%dma_start3A_408 : memref<80x128xf32, #tpu.memory_space<vmem>>) target(%dma_start3A_404 : memref<80x128xf32, #tpu.memory_space<vmem_shared>>) target_semaphore(%run_scoped3A_396 : memref<!tpu.dma_semaphore, #tpu.memory_space<semaphore_mem>>)
      %dma_wait3A_409 = arith.constant 0 : i32
      %dma_wait3A_410 = arith.constant 0 : i32
      %dma_wait3A_411 = tpu.memref_slice %arg12[%run_scoped3A_29, %dma_wait3A_409, %dma_wait3A_410] : memref<2x80x128xf32, #tpu.memory_space<vmem>> -> memref<1x80x128xf32, #tpu.memory_space<vmem>>
      %dma_wait3A_412 = tpu.memref_squeeze %dma_wait3A_411 : memref<1x80x128xf32, #tpu.memory_space<vmem>> -> memref<80x128xf32, #tpu.memory_space<vmem>>
      %dma_wait3A_413 = arith.constant 0 : i32
      %dma_wait3A_414 = tpu.memref_slice %arg13[%add3A_28, %dma_wait3A_413] : memref<10000x128xf32, #tpu.memory_space<vmem_shared>> -> memref<80x128xf32, #tpu.memory_space<vmem_shared>>
      %dma_wait3A_415 = arith.constant 0 : i32
      %dma_wait3A_416 = tpu.memref_slice %arg13[%add3A_28, %dma_wait3A_415] : memref<10000x128xf32, #tpu.memory_space<vmem_shared>> -> memref<80x128xf32, #tpu.memory_space<vmem_shared>>
      %dma_wait3A_417 = arith.constant 0 : i32
      %dma_wait3A_418 = arith.constant 0 : i32
      %dma_wait3A_419 = tpu.memref_slice %arg12[%run_scoped3A_29, %dma_wait3A_417, %dma_wait3A_418] : memref<2x80x128xf32, #tpu.memory_space<vmem>> -> memref<1x80x128xf32, #tpu.memory_space<vmem>>
      %dma_wait3A_420 = tpu.memref_squeeze %dma_wait3A_419 : memref<1x80x128xf32, #tpu.memory_space<vmem>> -> memref<80x128xf32, #tpu.memory_space<vmem>>
      tpu.wait_dma2 semaphore(%run_scoped3A_396 : memref<!tpu.dma_semaphore, #tpu.memory_space<semaphore_mem>>) src(%dma_wait3A_420 : memref<80x128xf32, #tpu.memory_space<vmem>>) dst(%dma_wait3A_416 : memref<80x128xf32, #tpu.memory_space<vmem_shared>>)
      tpu.yield
    }) : () -> ()
    %mul3A_30 = arith.constant 624 : i32
    %mul3A_31 = arith.muli %arg1, %mul3A_30 : i32
    %add3A_32 = arith.constant 400 : i32
    %add3A_33 = arith.addi %mul3A_31, %add3A_32 : i32
    %run_scoped3A_34 = arith.constant 0 : i32
    "tpu.region"() ({
      %run_scoped3A_396 = tpu.sem_alloc : memref<!tpu.dma_semaphore, #tpu.memory_space<semaphore_mem>>
      %dma_start3A_397 = arith.constant 0 : i32
      %dma_start3A_398 = arith.constant 0 : i32
      %dma_start3A_399 = tpu.memref_slice %arg12[%run_scoped3A_34, %dma_start3A_397, %dma_start3A_398] : memref<2x80x128xf32, #tpu.memory_space<vmem>> -> memref<1x80x128xf32, #tpu.memory_space<vmem>>
      %dma_start3A_400 = tpu.memref_squeeze %dma_start3A_399 : memref<1x80x128xf32, #tpu.memory_space<vmem>> -> memref<80x128xf32, #tpu.memory_space<vmem>>
      %dma_start3A_401 = arith.constant 0 : i32
      %dma_start3A_402 = tpu.memref_slice %arg13[%add3A_33, %dma_start3A_401] : memref<10000x128xf32, #tpu.memory_space<vmem_shared>> -> memref<80x128xf32, #tpu.memory_space<vmem_shared>>
      %dma_start3A_403 = arith.constant 0 : i32
      %dma_start3A_404 = tpu.memref_slice %arg13[%add3A_33, %dma_start3A_403] : memref<10000x128xf32, #tpu.memory_space<vmem_shared>> -> memref<80x128xf32, #tpu.memory_space<vmem_shared>>
      %dma_start3A_405 = arith.constant 0 : i32
      %dma_start3A_406 = arith.constant 0 : i32
      %dma_start3A_407 = tpu.memref_slice %arg12[%run_scoped3A_34, %dma_start3A_405, %dma_start3A_406] : memref<2x80x128xf32, #tpu.memory_space<vmem>> -> memref<1x80x128xf32, #tpu.memory_space<vmem>>
      %dma_start3A_408 = tpu.memref_squeeze %dma_start3A_407 : memref<1x80x128xf32, #tpu.memory_space<vmem>> -> memref<80x128xf32, #tpu.memory_space<vmem>>
      tpu.enqueue_dma source(%dma_start3A_408 : memref<80x128xf32, #tpu.memory_space<vmem>>) target(%dma_start3A_404 : memref<80x128xf32, #tpu.memory_space<vmem_shared>>) target_semaphore(%run_scoped3A_396 : memref<!tpu.dma_semaphore, #tpu.memory_space<semaphore_mem>>)
      %dma_wait3A_409 = arith.constant 0 : i32
      %dma_wait3A_410 = arith.constant 0 : i32
      %dma_wait3A_411 = tpu.memref_slice %arg12[%run_scoped3A_34, %dma_wait3A_409, %dma_wait3A_410] : memref<2x80x128xf32, #tpu.memory_space<vmem>> -> memref<1x80x128xf32, #tpu.memory_space<vmem>>
      %dma_wait3A_412 = tpu.memref_squeeze %dma_wait3A_411 : memref<1x80x128xf32, #tpu.memory_space<vmem>> -> memref<80x128xf32, #tpu.memory_space<vmem>>
      %dma_wait3A_413 = arith.constant 0 : i32
      %dma_wait3A_414 = tpu.memref_slice %arg13[%add3A_33, %dma_wait3A_413] : memref<10000x128xf32, #tpu.memory_space<vmem_shared>> -> memref<80x128xf32, #tpu.memory_space<vmem_shared>>
      %dma_wait3A_415 = arith.constant 0 : i32
      %dma_wait3A_416 = tpu.memref_slice %arg13[%add3A_33, %dma_wait3A_415] : memref<10000x128xf32, #tpu.memory_space<vmem_shared>> -> memref<80x128xf32, #tpu.memory_space<vmem_shared>>
      %dma_wait3A_417 = arith.constant 0 : i32
      %dma_wait3A_418 = arith.constant 0 : i32
      %dma_wait3A_419 = tpu.memref_slice %arg12[%run_scoped3A_34, %dma_wait3A_417, %dma_wait3A_418] : memref<2x80x128xf32, #tpu.memory_space<vmem>> -> memref<1x80x128xf32, #tpu.memory_space<vmem>>
      %dma_wait3A_420 = tpu.memref_squeeze %dma_wait3A_419 : memref<1x80x128xf32, #tpu.memory_space<vmem>> -> memref<80x128xf32, #tpu.memory_space<vmem>>
      tpu.wait_dma2 semaphore(%run_scoped3A_396 : memref<!tpu.dma_semaphore, #tpu.memory_space<semaphore_mem>>) src(%dma_wait3A_420 : memref<80x128xf32, #tpu.memory_space<vmem>>) dst(%dma_wait3A_416 : memref<80x128xf32, #tpu.memory_space<vmem_shared>>)
      tpu.yield
    }) : () -> ()
    %mul3A_35 = arith.constant 624 : i32
    %mul3A_36 = arith.muli %arg1, %mul3A_35 : i32
    %add3A_37 = arith.constant 480 : i32
    %add3A_38 = arith.addi %mul3A_36, %add3A_37 : i32
    %run_scoped3A_39 = arith.constant 0 : i32
    "tpu.region"() ({
      %run_scoped3A_396 = tpu.sem_alloc : memref<!tpu.dma_semaphore, #tpu.memory_space<semaphore_mem>>
      %dma_start3A_397 = arith.constant 0 : i32
      %dma_start3A_398 = arith.constant 0 : i32
      %dma_start3A_399 = tpu.memref_slice %arg12[%run_scoped3A_39, %dma_start3A_397, %dma_start3A_398] : memref<2x80x128xf32, #tpu.memory_space<vmem>> -> memref<1x80x128xf32, #tpu.memory_space<vmem>>
      %dma_start3A_400 = tpu.memref_squeeze %dma_start3A_399 : memref<1x80x128xf32, #tpu.memory_space<vmem>> -> memref<80x128xf32, #tpu.memory_space<vmem>>
      %dma_start3A_401 = arith.constant 0 : i32
      %dma_start3A_402 = tpu.memref_slice %arg13[%add3A_38, %dma_start3A_401] : memref<10000x128xf32, #tpu.memory_space<vmem_shared>> -> memref<80x128xf32, #tpu.memory_space<vmem_shared>>
      %dma_start3A_403 = arith.constant 0 : i32
      %dma_start3A_404 = tpu.memref_slice %arg13[%add3A_38, %dma_start3A_403] : memref<10000x128xf32, #tpu.memory_space<vmem_shared>> -> memref<80x128xf32, #tpu.memory_space<vmem_shared>>
      %dma_start3A_405 = arith.constant 0 : i32
      %dma_start3A_406 = arith.constant 0 : i32
      %dma_start3A_407 = tpu.memref_slice %arg12[%run_scoped3A_39, %dma_start3A_405, %dma_start3A_406] : memref<2x80x128xf32, #tpu.memory_space<vmem>> -> memref<1x80x128xf32, #tpu.memory_space<vmem>>
      %dma_start3A_408 = tpu.memref_squeeze %dma_start3A_407 : memref<1x80x128xf32, #tpu.memory_space<vmem>> -> memref<80x128xf32, #tpu.memory_space<vmem>>
      tpu.enqueue_dma source(%dma_start3A_408 : memref<80x128xf32, #tpu.memory_space<vmem>>) target(%dma_start3A_404 : memref<80x128xf32, #tpu.memory_space<vmem_shared>>) target_semaphore(%run_scoped3A_396 : memref<!tpu.dma_semaphore, #tpu.memory_space<semaphore_mem>>)
      %dma_wait3A_409 = arith.constant 0 : i32
      %dma_wait3A_410 = arith.constant 0 : i32
      %dma_wait3A_411 = tpu.memref_slice %arg12[%run_scoped3A_39, %dma_wait3A_409, %dma_wait3A_410] : memref<2x80x128xf32, #tpu.memory_space<vmem>> -> memref<1x80x128xf32, #tpu.memory_space<vmem>>
      %dma_wait3A_412 = tpu.memref_squeeze %dma_wait3A_411 : memref<1x80x128xf32, #tpu.memory_space<vmem>> -> memref<80x128xf32, #tpu.memory_space<vmem>>
      %dma_wait3A_413 = arith.constant 0 : i32
      %dma_wait3A_414 = tpu.memref_slice %arg13[%add3A_38, %dma_wait3A_413] : memref<10000x128xf32, #tpu.memory_space<vmem_shared>> -> memref<80x128xf32, #tpu.memory_space<vmem_shared>>
      %dma_wait3A_415 = arith.constant 0 : i32
      %dma_wait3A_416 = tpu.memref_slice %arg13[%add3A_38, %dma_wait3A_415] : memref<10000x128xf32, #tpu.memory_space<vmem_shared>> -> memref<80x128xf32, #tpu.memory_space<vmem_shared>>
      %dma_wait3A_417 = arith.constant 0 : i32
      %dma_wait3A_418 = arith.constant 0 : i32
      %dma_wait3A_419 = tpu.memref_slice %arg12[%run_scoped3A_39, %dma_wait3A_417, %dma_wait3A_418] : memref<2x80x128xf32, #tpu.memory_space<vmem>> -> memref<1x80x128xf32, #tpu.memory_space<vmem>>
      %dma_wait3A_420 = tpu.memref_squeeze %dma_wait3A_419 : memref<1x80x128xf32, #tpu.memory_space<vmem>> -> memref<80x128xf32, #tpu.memory_space<vmem>>
      tpu.wait_dma2 semaphore(%run_scoped3A_396 : memref<!tpu.dma_semaphore, #tpu.memory_space<semaphore_mem>>) src(%dma_wait3A_420 : memref<80x128xf32, #tpu.memory_space<vmem>>) dst(%dma_wait3A_416 : memref<80x128xf32, #tpu.memory_space<vmem_shared>>)
      tpu.yield
    }) : () -> ()
    %mul3A_40 = arith.constant 624 : i32
    %mul3A_41 = arith.muli %arg1, %mul3A_40 : i32
    %add3A_42 = arith.constant 560 : i32
    %add3A_43 = arith.addi %mul3A_41, %add3A_42 : i32
    %run_scoped3A_44 = arith.constant 0 : i32
    "tpu.region"() ({
      %run_scoped3A_396 = tpu.sem_alloc : memref<!tpu.dma_semaphore, #tpu.memory_space<semaphore_mem>>
      %dma_start3A_397 = arith.constant 0 : i32
      %dma_start3A_398 = arith.constant 0 : i32
      %dma_start3A_399 = tpu.memref_slice %arg12[%run_scoped3A_44, %dma_start3A_397, %dma_start3A_398] : memref<2x80x128xf32, #tpu.memory_space<vmem>> -> memref<1x64x128xf32, #tpu.memory_space<vmem>>
      %dma_start3A_400 = tpu.memref_squeeze %dma_start3A_399 : memref<1x64x128xf32, #tpu.memory_space<vmem>> -> memref<64x128xf32, #tpu.memory_space<vmem>>
      %dma_start3A_401 = arith.constant 0 : i32
      %dma_start3A_402 = tpu.memref_slice %arg13[%add3A_43, %dma_start3A_401] : memref<10000x128xf32, #tpu.memory_space<vmem_shared>> -> memref<64x128xf32, #tpu.memory_space<vmem_shared>>
      %dma_start3A_403 = arith.constant 0 : i32
      %dma_start3A_404 = tpu.memref_slice %arg13[%add3A_43, %dma_start3A_403] : memref<10000x128xf32, #tpu.memory_space<vmem_shared>> -> memref<64x128xf32, #tpu.memory_space<vmem_shared>>
      %dma_start3A_405 = arith.constant 0 : i32
      %dma_start3A_406 = arith.constant 0 : i32
      %dma_start3A_407 = tpu.memref_slice %arg12[%run_scoped3A_44, %dma_start3A_405, %dma_start3A_406] : memref<2x80x128xf32, #tpu.memory_space<vmem>> -> memref<1x64x128xf32, #tpu.memory_space<vmem>>
      %dma_start3A_408 = tpu.memref_squeeze %dma_start3A_407 : memref<1x64x128xf32, #tpu.memory_space<vmem>> -> memref<64x128xf32, #tpu.memory_space<vmem>>
      tpu.enqueue_dma source(%dma_start3A_408 : memref<64x128xf32, #tpu.memory_space<vmem>>) target(%dma_start3A_404 : memref<64x128xf32, #tpu.memory_space<vmem_shared>>) target_semaphore(%run_scoped3A_396 : memref<!tpu.dma_semaphore, #tpu.memory_space<semaphore_mem>>)
      %dma_wait3A_409 = arith.constant 0 : i32
      %dma_wait3A_410 = arith.constant 0 : i32
      %dma_wait3A_411 = tpu.memref_slice %arg12[%run_scoped3A_44, %dma_wait3A_409, %dma_wait3A_410] : memref<2x80x128xf32, #tpu.memory_space<vmem>> -> memref<1x64x128xf32, #tpu.memory_space<vmem>>
      %dma_wait3A_412 = tpu.memref_squeeze %dma_wait3A_411 : memref<1x64x128xf32, #tpu.memory_space<vmem>> -> memref<64x128xf32, #tpu.memory_space<vmem>>
      %dma_wait3A_413 = arith.constant 0 : i32
      %dma_wait3A_414 = tpu.memref_slice %arg13[%add3A_43, %dma_wait3A_413] : memref<10000x128xf32, #tpu.memory_space<vmem_shared>> -> memref<64x128xf32, #tpu.memory_space<vmem_shared>>
      %dma_wait3A_415 = arith.constant 0 : i32
      %dma_wait3A_416 = tpu.memref_slice %arg13[%add3A_43, %dma_wait3A_415] : memref<10000x128xf32, #tpu.memory_space<vmem_shared>> -> memref<64x128xf32, #tpu.memory_space<vmem_shared>>
      %dma_wait3A_417 = arith.constant 0 : i32
      %dma_wait3A_418 = arith.constant 0 : i32
      %dma_wait3A_419 = tpu.memref_slice %arg12[%run_scoped3A_44, %dma_wait3A_417, %dma_wait3A_418] : memref<2x80x128xf32, #tpu.memory_space<vmem>> -> memref<1x64x128xf32, #tpu.memory_space<vmem>>
      %dma_wait3A_420 = tpu.memref_squeeze %dma_wait3A_419 : memref<1x64x128xf32, #tpu.memory_space<vmem>> -> memref<64x128xf32, #tpu.memory_space<vmem>>
      tpu.wait_dma2 semaphore(%run_scoped3A_396 : memref<!tpu.dma_semaphore, #tpu.memory_space<semaphore_mem>>) src(%dma_wait3A_420 : memref<64x128xf32, #tpu.memory_space<vmem>>) dst(%dma_wait3A_416 : memref<64x128xf32, #tpu.memory_space<vmem_shared>>)
      tpu.yield
    }) : () -> ()
    %eq3A = arith.constant 15 : i32
    %eq3A_45 = arith.cmpi eq, %arg1, %eq3A : i32
    %convert_element_type3A = arith.extui %eq3A_45 : i1 to i32
    %cond3A = arith.constant 0 : i32
    %cond3A_46 = arith.cmpi ne, %convert_element_type3A, %cond3A : i32
    scf.if %cond3A_46 {
      %run_scoped3A_396 = arith.constant 0 : i32
      "tpu.region"() ({
        %run_scoped3A_397 = tpu.sem_alloc : memref<!tpu.dma_semaphore, #tpu.memory_space<semaphore_mem>>
        %dma_start3A_398 = arith.constant 0 : i32
        %dma_start3A_399 = arith.constant 0 : i32
        %dma_start3A_400 = tpu.memref_slice %arg12[%run_scoped3A_396, %dma_start3A_398, %dma_start3A_399] : memref<2x80x128xf32, #tpu.memory_space<vmem>> -> memref<1x16x128xf32, #tpu.memory_space<vmem>>
        %dma_start3A_401 = tpu.memref_squeeze %dma_start3A_400 : memref<1x16x128xf32, #tpu.memory_space<vmem>> -> memref<16x128xf32, #tpu.memory_space<vmem>>
        %dma_start3A_402 = arith.constant 9984 : i32
        %dma_start3A_403 = arith.constant 0 : i32
        %dma_start3A_404 = tpu.memref_slice %arg13[%dma_start3A_402, %dma_start3A_403] : memref<10000x128xf32, #tpu.memory_space<vmem_shared>> -> memref<16x128xf32, #tpu.memory_space<vmem_shared>>
        %dma_start3A_405 = arith.constant 9984 : i32
        %dma_start3A_406 = arith.constant 0 : i32
        %dma_start3A_407 = tpu.memref_slice %arg13[%dma_start3A_405, %dma_start3A_406] : memref<10000x128xf32, #tpu.memory_space<vmem_shared>> -> memref<16x128xf32, #tpu.memory_space<vmem_shared>>
        %dma_start3A_408 = arith.constant 0 : i32
        %dma_start3A_409 = arith.constant 0 : i32
        %dma_start3A_410 = tpu.memref_slice %arg12[%run_scoped3A_396, %dma_start3A_408, %dma_start3A_409] : memref<2x80x128xf32, #tpu.memory_space<vmem>> -> memref<1x16x128xf32, #tpu.memory_space<vmem>>
        %dma_start3A_411 = tpu.memref_squeeze %dma_start3A_410 : memref<1x16x128xf32, #tpu.memory_space<vmem>> -> memref<16x128xf32, #tpu.memory_space<vmem>>
        tpu.enqueue_dma source(%dma_start3A_411 : memref<16x128xf32, #tpu.memory_space<vmem>>) target(%dma_start3A_407 : memref<16x128xf32, #tpu.memory_space<vmem_shared>>) target_semaphore(%run_scoped3A_397 : memref<!tpu.dma_semaphore, #tpu.memory_space<semaphore_mem>>)
        %dma_wait3A_412 = arith.constant 0 : i32
        %dma_wait3A_413 = arith.constant 0 : i32
        %dma_wait3A_414 = tpu.memref_slice %arg12[%run_scoped3A_396, %dma_wait3A_412, %dma_wait3A_413] : memref<2x80x128xf32, #tpu.memory_space<vmem>> -> memref<1x16x128xf32, #tpu.memory_space<vmem>>
        %dma_wait3A_415 = tpu.memref_squeeze %dma_wait3A_414 : memref<1x16x128xf32, #tpu.memory_space<vmem>> -> memref<16x128xf32, #tpu.memory_space<vmem>>
        %dma_wait3A_416 = arith.constant 9984 : i32
        %dma_wait3A_417 = arith.constant 0 : i32
        %dma_wait3A_418 = tpu.memref_slice %arg13[%dma_wait3A_416, %dma_wait3A_417] : memref<10000x128xf32, #tpu.memory_space<vmem_shared>> -> memref<16x128xf32, #tpu.memory_space<vmem_shared>>
        %dma_wait3A_419 = arith.constant 9984 : i32
        %dma_wait3A_420 = arith.constant 0 : i32
        %dma_wait3A_421 = tpu.memref_slice %arg13[%dma_wait3A_419, %dma_wait3A_420] : memref<10000x128xf32, #tpu.memory_space<vmem_shared>> -> memref<16x128xf32, #tpu.memory_space<vmem_shared>>
        %dma_wait3A_422 = arith.constant 0 : i32
        %dma_wait3A_423 = arith.constant 0 : i32
        %dma_wait3A_424 = tpu.memref_slice %arg12[%run_scoped3A_396, %dma_wait3A_422, %dma_wait3A_423] : memref<2x80x128xf32, #tpu.memory_space<vmem>> -> memref<1x16x128xf32, #tpu.memory_space<vmem>>
        %dma_wait3A_425 = tpu.memref_squeeze %dma_wait3A_424 : memref<1x16x128xf32, #tpu.memory_space<vmem>> -> memref<16x128xf32, #tpu.memory_space<vmem>>
        tpu.wait_dma2 semaphore(%run_scoped3A_397 : memref<!tpu.dma_semaphore, #tpu.memory_space<semaphore_mem>>) src(%dma_wait3A_425 : memref<16x128xf32, #tpu.memory_space<vmem>>) dst(%dma_wait3A_421 : memref<16x128xf32, #tpu.memory_space<vmem_shared>>)
        tpu.yield
      }) : () -> ()
    } else {
    }
    %barrier3A = arith.constant 0 : index
    tpu.barrier barrier_id(%barrier3A)
    %mul3A_47 = arith.constant 10000 : i32
    %mul3A_48 = arith.muli %arg1, %mul3A_47 : i32
    %add3A_49 = arith.constant 0 : i32
    %add3A_50 = arith.addi %mul3A_48, %add3A_49 : i32
    %dma_start3A = arith.constant 0 : i32
    %dma_start3A_51 = arith.constant 0 : i32
    %dma_start3A_52 = arith.constant 0 : i32
    %dma_start3A_53 = tpu.memref_slice %arg6[%dma_start3A, %dma_start3A_51, %dma_start3A_52] : memref<2x2x80xi32, #tpu.memory_space<vmem>> -> memref<1x2x80xi32, #tpu.memory_space<vmem>>
    %dma_start3A_54 = tpu.memref_squeeze %dma_start3A_53 : memref<1x2x80xi32, #tpu.memory_space<vmem>> -> memref<2x80xi32, #tpu.memory_space<vmem>>
    %dma_start3A_55 = arith.constant 0 : i32
    %dma_start3A_56 = tpu.memref_slice %arg4[%dma_start3A_55, %add3A_50] : memref<2x160000xi32, #tpu.memory_space<hbm>> -> memref<2x80xi32, #tpu.memory_space<hbm>>
    %dma_start3A_57 = arith.constant 0 : i32
    %dma_start3A_58 = arith.constant 0 : i32
    %dma_start3A_59 = tpu.memref_slice %arg6[%dma_start3A, %dma_start3A_57, %dma_start3A_58] : memref<2x2x80xi32, #tpu.memory_space<vmem>> -> memref<1x2x80xi32, #tpu.memory_space<vmem>>
    %dma_start3A_60 = tpu.memref_squeeze %dma_start3A_59 : memref<1x2x80xi32, #tpu.memory_space<vmem>> -> memref<2x80xi32, #tpu.memory_space<vmem>>
    %dma_start3A_61 = arith.constant 0 : i32
    %dma_start3A_62 = tpu.memref_slice %arg4[%dma_start3A_61, %add3A_50] : memref<2x160000xi32, #tpu.memory_space<hbm>> -> memref<2x80xi32, #tpu.memory_space<hbm>>
    tpu.enqueue_dma source(%dma_start3A_62 : memref<2x80xi32, #tpu.memory_space<hbm>>) target(%dma_start3A_60 : memref<2x80xi32, #tpu.memory_space<vmem>>) target_semaphore(%arg14 : memref<!tpu.dma_semaphore, #tpu.memory_space<semaphore_mem>>)
    %mul3A_63 = arith.constant 10000 : i32
    %mul3A_64 = arith.muli %arg1, %mul3A_63 : i32
    %add3A_65 = arith.constant 0 : i32
    %add3A_66 = arith.addi %mul3A_64, %add3A_65 : i32
    %dma_wait3A = arith.constant 0 : i32
    %dma_wait3A_67 = arith.constant 0 : i32
    %dma_wait3A_68 = arith.constant 0 : i32
    %dma_wait3A_69 = tpu.memref_slice %arg6[%dma_wait3A, %dma_wait3A_67, %dma_wait3A_68] : memref<2x2x80xi32, #tpu.memory_space<vmem>> -> memref<1x2x80xi32, #tpu.memory_space<vmem>>
    %dma_wait3A_70 = tpu.memref_squeeze %dma_wait3A_69 : memref<1x2x80xi32, #tpu.memory_space<vmem>> -> memref<2x80xi32, #tpu.memory_space<vmem>>
    %dma_wait3A_71 = arith.constant 0 : i32
    %dma_wait3A_72 = tpu.memref_slice %arg4[%dma_wait3A_71, %add3A_66] : memref<2x160000xi32, #tpu.memory_space<hbm>> -> memref<2x80xi32, #tpu.memory_space<hbm>>
    %dma_wait3A_73 = arith.constant 0 : i32
    %dma_wait3A_74 = arith.constant 0 : i32
    %dma_wait3A_75 = tpu.memref_slice %arg6[%dma_wait3A, %dma_wait3A_73, %dma_wait3A_74] : memref<2x2x80xi32, #tpu.memory_space<vmem>> -> memref<1x2x80xi32, #tpu.memory_space<vmem>>
    %dma_wait3A_76 = tpu.memref_squeeze %dma_wait3A_75 : memref<1x2x80xi32, #tpu.memory_space<vmem>> -> memref<2x80xi32, #tpu.memory_space<vmem>>
    %dma_wait3A_77 = arith.constant 0 : i32
    %dma_wait3A_78 = tpu.memref_slice %arg4[%dma_wait3A_77, %add3A_66] : memref<2x160000xi32, #tpu.memory_space<hbm>> -> memref<2x80xi32, #tpu.memory_space<hbm>>
    tpu.wait_dma2 semaphore(%arg14 : memref<!tpu.dma_semaphore, #tpu.memory_space<semaphore_mem>>) src(%dma_wait3A_78 : memref<2x80xi32, #tpu.memory_space<hbm>>) dst(%dma_wait3A_76 : memref<2x80xi32, #tpu.memory_space<vmem>>)
    %get3A = arith.constant 0 : i32
    %get3A_79 = arith.constant 0 : i32
    %get3A_80 = arith.index_cast %get3A : i32 to index
    %get3A_81 = arith.index_cast %get3A_79 : i32 to index
    %get3A_82 = arith.constant 0 : index
    %get3A_83 = tpu.vector_load %arg6[%get3A_80, %get3A_81, %get3A_82] {strides = array<i32>} : memref<2x2x80xi32, #tpu.memory_space<vmem>>, vector<1x1x16xi32>,
    %get3A_84 = vector.shape_cast %get3A_83 : vector<1x1x16xi32> to vector<16xi32>
    %add3A_85 = vector.broadcast %mul3A_0 : i32 to vector<16xi32>
    %add3A_86 = arith.addi %get3A_84, %add3A_85 : vector<16xi32>
    %swap3A = arith.constant 0 : i32
    %swap3A_87 = arith.index_cast %swap3A : i32 to index
    %swap3A_88 = arith.constant 0 : index
    %swap3A_89 = tpu.vector_load %arg7[%swap3A_87, %swap3A_88] {strides = array<i32>} : memref<2x80xi32, #tpu.memory_space<vmem>>, vector<1x16xi32>,
    %swap3A_90 = vector.shape_cast %swap3A_89 : vector<1x16xi32> to vector<16xi32>
    %swap3A_91 = vector.shape_cast %add3A_86 : vector<16xi32> to vector<1x16xi32>
    tpu.vector_store %arg7[%swap3A_87, %swap3A_88], %swap3A_91 {strides = array<i32>} : memref<2x80xi32, #tpu.memory_space<vmem>>, vector<1x16xi32>,
    %get3A_92 = arith.constant 0 : i32
    %get3A_93 = arith.constant 1 : i32
    %get3A_94 = arith.index_cast %get3A_92 : i32 to index
    %get3A_95 = arith.index_cast %get3A_93 : i32 to index
    %get3A_96 = arith.constant 0 : index
    %get3A_97 = tpu.vector_load %arg6[%get3A_94, %get3A_95, %get3A_96] {strides = array<i32>} : memref<2x2x80xi32, #tpu.memory_space<vmem>>, vector<1x1x16xi32>,
    %get3A_98 = vector.shape_cast %get3A_97 : vector<1x1x16xi32> to vector<16xi32>
    %add3A_99 = vector.broadcast %mul3A_0 : i32 to vector<16xi32>
    %add3A_100 = arith.addi %get3A_98, %add3A_99 : vector<16xi32>
    %swap3A_101 = arith.constant 0 : i32
    %swap3A_102 = arith.index_cast %swap3A_101 : i32 to index
    %swap3A_103 = arith.constant 0 : index
    %swap3A_104 = tpu.vector_load %arg9[%swap3A_102, %swap3A_103] {strides = array<i32>} : memref<2x80xi32, #tpu.memory_space<vmem>>, vector<1x16xi32>,
    %swap3A_105 = vector.shape_cast %swap3A_104 : vector<1x16xi32> to vector<16xi32>
    %swap3A_106 = vector.shape_cast %add3A_100 : vector<16xi32> to vector<1x16xi32>
    tpu.vector_store %arg9[%swap3A_102, %swap3A_103], %swap3A_106 {strides = array<i32>} : memref<2x80xi32, #tpu.memory_space<vmem>>, vector<1x16xi32>,
    %get3A_107 = arith.constant 0 : i32
    %get3A_108 = arith.constant 0 : i32
    %get3A_109 = arith.index_cast %get3A_107 : i32 to index
    %get3A_110 = arith.index_cast %get3A_108 : i32 to index
    %get3A_111 = arith.constant 16 : index
    %get3A_112 = tpu.vector_load %arg6[%get3A_109, %get3A_110, %get3A_111] {strides = array<i32>} : memref<2x2x80xi32, #tpu.memory_space<vmem>>, vector<1x1x16xi32>,
    %get3A_113 = vector.shape_cast %get3A_112 : vector<1x1x16xi32> to vector<16xi32>
    %add3A_114 = vector.broadcast %mul3A_0 : i32 to vector<16xi32>
    %add3A_115 = arith.addi %get3A_113, %add3A_114 : vector<16xi32>
    %swap3A_116 = arith.constant 0 : i32
    %swap3A_117 = arith.index_cast %swap3A_116 : i32 to index
    %swap3A_118 = arith.constant 16 : index
    %swap3A_119 = tpu.vector_load %arg7[%swap3A_117, %swap3A_118] {strides = array<i32>} : memref<2x80xi32, #tpu.memory_space<vmem>>, vector<1x16xi32>,
    %swap3A_120 = vector.shape_cast %swap3A_119 : vector<1x16xi32> to vector<16xi32>
    %swap3A_121 = vector.shape_cast %add3A_115 : vector<16xi32> to vector<1x16xi32>
    tpu.vector_store %arg7[%swap3A_117, %swap3A_118], %swap3A_121 {strides = array<i32>} : memref<2x80xi32, #tpu.memory_space<vmem>>, vector<1x16xi32>,
    %get3A_122 = arith.constant 0 : i32
    %get3A_123 = arith.constant 1 : i32
    %get3A_124 = arith.index_cast %get3A_122 : i32 to index
    %get3A_125 = arith.index_cast %get3A_123 : i32 to index
    %get3A_126 = arith.constant 16 : index
    %get3A_127 = tpu.vector_load %arg6[%get3A_124, %get3A_125, %get3A_126] {strides = array<i32>} : memref<2x2x80xi32, #tpu.memory_space<vmem>>, vector<1x1x16xi32>,
    %get3A_128 = vector.shape_cast %get3A_127 : vector<1x1x16xi32> to vector<16xi32>
    %add3A_129 = vector.broadcast %mul3A_0 : i32 to vector<16xi32>
    %add3A_130 = arith.addi %get3A_128, %add3A_129 : vector<16xi32>
    %swap3A_131 = arith.constant 0 : i32
    %swap3A_132 = arith.index_cast %swap3A_131 : i32 to index
    %swap3A_133 = arith.constant 16 : index
    %swap3A_134 = tpu.vector_load %arg9[%swap3A_132, %swap3A_133] {strides = array<i32>} : memref<2x80xi32, #tpu.memory_space<vmem>>, vector<1x16xi32>,
    %swap3A_135 = vector.shape_cast %swap3A_134 : vector<1x16xi32> to vector<16xi32>
    %swap3A_136 = vector.shape_cast %add3A_130 : vector<16xi32> to vector<1x16xi32>
    tpu.vector_store %arg9[%swap3A_132, %swap3A_133], %swap3A_136 {strides = array<i32>} : memref<2x80xi32, #tpu.memory_space<vmem>>, vector<1x16xi32>,
    %get3A_137 = arith.constant 0 : i32
    %get3A_138 = arith.constant 0 : i32
    %get3A_139 = arith.index_cast %get3A_137 : i32 to index
    %get3A_140 = arith.index_cast %get3A_138 : i32 to index
    %get3A_141 = arith.constant 32 : index
    %get3A_142 = tpu.vector_load %arg6[%get3A_139, %get3A_140, %get3A_141] {strides = array<i32>} : memref<2x2x80xi32, #tpu.memory_space<vmem>>, vector<1x1x16xi32>,
    %get3A_143 = vector.shape_cast %get3A_142 : vector<1x1x16xi32> to vector<16xi32>
    %add3A_144 = vector.broadcast %mul3A_0 : i32 to vector<16xi32>
    %add3A_145 = arith.addi %get3A_143, %add3A_144 : vector<16xi32>
    %swap3A_146 = arith.constant 0 : i32
    %swap3A_147 = arith.index_cast %swap3A_146 : i32 to index
    %swap3A_148 = arith.constant 32 : index
    %swap3A_149 = tpu.vector_load %arg7[%swap3A_147, %swap3A_148] {strides = array<i32>} : memref<2x80xi32, #tpu.memory_space<vmem>>, vector<1x16xi32>,
    %swap3A_150 = vector.shape_cast %swap3A_149 : vector<1x16xi32> to vector<16xi32>
    %swap3A_151 = vector.shape_cast %add3A_145 : vector<16xi32> to vector<1x16xi32>
    tpu.vector_store %arg7[%swap3A_147, %swap3A_148], %swap3A_151 {strides = array<i32>} : memref<2x80xi32, #tpu.memory_space<vmem>>, vector<1x16xi32>,
    %get3A_152 = arith.constant 0 : i32
    %get3A_153 = arith.constant 1 : i32
    %get3A_154 = arith.index_cast %get3A_152 : i32 to index
    %get3A_155 = arith.index_cast %get3A_153 : i32 to index
    %get3A_156 = arith.constant 32 : index
    %get3A_157 = tpu.vector_load %arg6[%get3A_154, %get3A_155, %get3A_156] {strides = array<i32>} : memref<2x2x80xi32, #tpu.memory_space<vmem>>, vector<1x1x16xi32>,
    %get3A_158 = vector.shape_cast %get3A_157 : vector<1x1x16xi32> to vector<16xi32>
    %add3A_159 = vector.broadcast %mul3A_0 : i32 to vector<16xi32>
    %add3A_160 = arith.addi %get3A_158, %add3A_159 : vector<16xi32>
    %swap3A_161 = arith.constant 0 : i32
    %swap3A_162 = arith.index_cast %swap3A_161 : i32 to index
    %swap3A_163 = arith.constant 32 : index
    %swap3A_164 = tpu.vector_load %arg9[%swap3A_162, %swap3A_163] {strides = array<i32>} : memref<2x80xi32, #tpu.memory_space<vmem>>, vector<1x16xi32>,
    %swap3A_165 = vector.shape_cast %swap3A_164 : vector<1x16xi32> to vector<16xi32>
    %swap3A_166 = vector.shape_cast %add3A_160 : vector<16xi32> to vector<1x16xi32>
    tpu.vector_store %arg9[%swap3A_162, %swap3A_163], %swap3A_166 {strides = array<i32>} : memref<2x80xi32, #tpu.memory_space<vmem>>, vector<1x16xi32>,
    %get3A_167 = arith.constant 0 : i32
    %get3A_168 = arith.constant 0 : i32
    %get3A_169 = arith.index_cast %get3A_167 : i32 to index
    %get3A_170 = arith.index_cast %get3A_168 : i32 to index
    %get3A_171 = arith.constant 48 : index
    %get3A_172 = tpu.vector_load %arg6[%get3A_169, %get3A_170, %get3A_171] {strides = array<i32>} : memref<2x2x80xi32, #tpu.memory_space<vmem>>, vector<1x1x16xi32>,
    %get3A_173 = vector.shape_cast %get3A_172 : vector<1x1x16xi32> to vector<16xi32>
    %add3A_174 = vector.broadcast %mul3A_0 : i32 to vector<16xi32>
    %add3A_175 = arith.addi %get3A_173, %add3A_174 : vector<16xi32>
    %swap3A_176 = arith.constant 0 : i32
    %swap3A_177 = arith.index_cast %swap3A_176 : i32 to index
    %swap3A_178 = arith.constant 48 : index
    %swap3A_179 = tpu.vector_load %arg7[%swap3A_177, %swap3A_178] {strides = array<i32>} : memref<2x80xi32, #tpu.memory_space<vmem>>, vector<1x16xi32>,
    %swap3A_180 = vector.shape_cast %swap3A_179 : vector<1x16xi32> to vector<16xi32>
    %swap3A_181 = vector.shape_cast %add3A_175 : vector<16xi32> to vector<1x16xi32>
    tpu.vector_store %arg7[%swap3A_177, %swap3A_178], %swap3A_181 {strides = array<i32>} : memref<2x80xi32, #tpu.memory_space<vmem>>, vector<1x16xi32>,
    %get3A_182 = arith.constant 0 : i32
    %get3A_183 = arith.constant 1 : i32
    %get3A_184 = arith.index_cast %get3A_182 : i32 to index
    %get3A_185 = arith.index_cast %get3A_183 : i32 to index
    %get3A_186 = arith.constant 48 : index
    %get3A_187 = tpu.vector_load %arg6[%get3A_184, %get3A_185, %get3A_186] {strides = array<i32>} : memref<2x2x80xi32, #tpu.memory_space<vmem>>, vector<1x1x16xi32>,
    %get3A_188 = vector.shape_cast %get3A_187 : vector<1x1x16xi32> to vector<16xi32>
    %add3A_189 = vector.broadcast %mul3A_0 : i32 to vector<16xi32>
    %add3A_190 = arith.addi %get3A_188, %add3A_189 : vector<16xi32>
    %swap3A_191 = arith.constant 0 : i32
    %swap3A_192 = arith.index_cast %swap3A_191 : i32 to index
    %swap3A_193 = arith.constant 48 : index
    %swap3A_194 = tpu.vector_load %arg9[%swap3A_192, %swap3A_193] {strides = array<i32>} : memref<2x80xi32, #tpu.memory_space<vmem>>, vector<1x16xi32>,
    %swap3A_195 = vector.shape_cast %swap3A_194 : vector<1x16xi32> to vector<16xi32>
    %swap3A_196 = vector.shape_cast %add3A_190 : vector<16xi32> to vector<1x16xi32>
    tpu.vector_store %arg9[%swap3A_192, %swap3A_193], %swap3A_196 {strides = array<i32>} : memref<2x80xi32, #tpu.memory_space<vmem>>, vector<1x16xi32>,
    %get3A_197 = arith.constant 0 : i32
    %get3A_198 = arith.constant 0 : i32
    %get3A_199 = arith.index_cast %get3A_197 : i32 to index
    %get3A_200 = arith.index_cast %get3A_198 : i32 to index
    %get3A_201 = arith.constant 64 : index
    %get3A_202 = tpu.vector_load %arg6[%get3A_199, %get3A_200, %get3A_201] {strides = array<i32>} : memref<2x2x80xi32, #tpu.memory_space<vmem>>, vector<1x1x16xi32>,
    %get3A_203 = vector.shape_cast %get3A_202 : vector<1x1x16xi32> to vector<16xi32>
    %add3A_204 = vector.broadcast %mul3A_0 : i32 to vector<16xi32>
    %add3A_205 = arith.addi %get3A_203, %add3A_204 : vector<16xi32>
    %swap3A_206 = arith.constant 0 : i32
    %swap3A_207 = arith.index_cast %swap3A_206 : i32 to index
    %swap3A_208 = arith.constant 64 : index
    %swap3A_209 = tpu.vector_load %arg7[%swap3A_207, %swap3A_208] {strides = array<i32>} : memref<2x80xi32, #tpu.memory_space<vmem>>, vector<1x16xi32>,
    %swap3A_210 = vector.shape_cast %swap3A_209 : vector<1x16xi32> to vector<16xi32>
    %swap3A_211 = vector.shape_cast %add3A_205 : vector<16xi32> to vector<1x16xi32>
    tpu.vector_store %arg7[%swap3A_207, %swap3A_208], %swap3A_211 {strides = array<i32>} : memref<2x80xi32, #tpu.memory_space<vmem>>, vector<1x16xi32>,
    %get3A_212 = arith.constant 0 : i32
    %get3A_213 = arith.constant 1 : i32
    %get3A_214 = arith.index_cast %get3A_212 : i32 to index
    %get3A_215 = arith.index_cast %get3A_213 : i32 to index
    %get3A_216 = arith.constant 64 : index
    %get3A_217 = tpu.vector_load %arg6[%get3A_214, %get3A_215, %get3A_216] {strides = array<i32>} : memref<2x2x80xi32, #tpu.memory_space<vmem>>, vector<1x1x16xi32>,
    %get3A_218 = vector.shape_cast %get3A_217 : vector<1x1x16xi32> to vector<16xi32>
    %add3A_219 = vector.broadcast %mul3A_0 : i32 to vector<16xi32>
    %add3A_220 = arith.addi %get3A_218, %add3A_219 : vector<16xi32>
    %swap3A_221 = arith.constant 0 : i32
    %swap3A_222 = arith.index_cast %swap3A_221 : i32 to index
    %swap3A_223 = arith.constant 64 : index
    %swap3A_224 = tpu.vector_load %arg9[%swap3A_222, %swap3A_223] {strides = array<i32>} : memref<2x80xi32, #tpu.memory_space<vmem>>, vector<1x16xi32>,
    %swap3A_225 = vector.shape_cast %swap3A_224 : vector<1x16xi32> to vector<16xi32>
    %swap3A_226 = vector.shape_cast %add3A_220 : vector<16xi32> to vector<1x16xi32>
    tpu.vector_store %arg9[%swap3A_222, %swap3A_223], %swap3A_226 {strides = array<i32>} : memref<2x80xi32, #tpu.memory_space<vmem>>, vector<1x16xi32>,
    %get3A_227 = arith.constant 0 : i32
    %get3A_228 = arith.constant 1 : i32
    %get3A_229 = arith.index_cast %get3A_227 : i32 to index
    %get3A_230 = arith.index_cast %get3A_228 : i32 to index
    %get3A_231 = arith.constant 0 : index
    %get3A_232 = tpu.vector_load %arg6[%get3A_229, %get3A_230, %get3A_231] {strides = array<i32>} : memref<2x2x80xi32, #tpu.memory_space<vmem>>, vector<1x1x16xi32>,
    %get3A_233 = vector.shape_cast %get3A_232 : vector<1x1x16xi32> to vector<16xi32>
    %swap3A_234 = arith.constant 0 : i32
    %swap3A_235 = arith.index_cast %swap3A_234 : i32 to index
    %swap3A_236 = arith.constant 0 : index
    %swap3A_237 = tpu.vector_load %arg8[%swap3A_235, %swap3A_236] {strides = array<i32>} : memref<2x80xi32, #tpu.memory_space<vmem>>, vector<1x16xi32>,
    %swap3A_238 = vector.shape_cast %swap3A_237 : vector<1x16xi32> to vector<16xi32>
    %swap3A_239 = vector.shape_cast %get3A_233 : vector<16xi32> to vector<1x16xi32>
    tpu.vector_store %arg8[%swap3A_235, %swap3A_236], %swap3A_239 {strides = array<i32>} : memref<2x80xi32, #tpu.memory_space<vmem>>, vector<1x16xi32>,
    %get3A_240 = arith.constant 0 : i32
    %get3A_241 = arith.constant 1 : i32
    %get3A_242 = arith.index_cast %get3A_240 : i32 to index
    %get3A_243 = arith.index_cast %get3A_241 : i32 to index
    %get3A_244 = arith.constant 16 : index
    %get3A_245 = tpu.vector_load %arg6[%get3A_242, %get3A_243, %get3A_244] {strides = array<i32>} : memref<2x2x80xi32, #tpu.memory_space<vmem>>, vector<1x1x16xi32>,
    %get3A_246 = vector.shape_cast %get3A_245 : vector<1x1x16xi32> to vector<16xi32>
    %swap3A_247 = arith.constant 0 : i32
    %swap3A_248 = arith.index_cast %swap3A_247 : i32 to index
    %swap3A_249 = arith.constant 16 : index
    %swap3A_250 = tpu.vector_load %arg8[%swap3A_248, %swap3A_249] {strides = array<i32>} : memref<2x80xi32, #tpu.memory_space<vmem>>, vector<1x16xi32>,
    %swap3A_251 = vector.shape_cast %swap3A_250 : vector<1x16xi32> to vector<16xi32>
    %swap3A_252 = vector.shape_cast %get3A_246 : vector<16xi32> to vector<1x16xi32>
    tpu.vector_store %arg8[%swap3A_248, %swap3A_249], %swap3A_252 {strides = array<i32>} : memref<2x80xi32, #tpu.memory_space<vmem>>, vector<1x16xi32>,
    %get3A_253 = arith.constant 0 : i32
    %get3A_254 = arith.constant 1 : i32
    %get3A_255 = arith.index_cast %get3A_253 : i32 to index
    %get3A_256 = arith.index_cast %get3A_254 : i32 to index
    %get3A_257 = arith.constant 32 : index
    %get3A_258 = tpu.vector_load %arg6[%get3A_255, %get3A_256, %get3A_257] {strides = array<i32>} : memref<2x2x80xi32, #tpu.memory_space<vmem>>, vector<1x1x16xi32>,
    %get3A_259 = vector.shape_cast %get3A_258 : vector<1x1x16xi32> to vector<16xi32>
    %swap3A_260 = arith.constant 0 : i32
    %swap3A_261 = arith.index_cast %swap3A_260 : i32 to index
    %swap3A_262 = arith.constant 32 : index
    %swap3A_263 = tpu.vector_load %arg8[%swap3A_261, %swap3A_262] {strides = array<i32>} : memref<2x80xi32, #tpu.memory_space<vmem>>, vector<1x16xi32>,
    %swap3A_264 = vector.shape_cast %swap3A_263 : vector<1x16xi32> to vector<16xi32>
    %swap3A_265 = vector.shape_cast %get3A_259 : vector<16xi32> to vector<1x16xi32>
    tpu.vector_store %arg8[%swap3A_261, %swap3A_262], %swap3A_265 {strides = array<i32>} : memref<2x80xi32, #tpu.memory_space<vmem>>, vector<1x16xi32>,
    %get3A_266 = arith.constant 0 : i32
    %get3A_267 = arith.constant 1 : i32
    %get3A_268 = arith.index_cast %get3A_266 : i32 to index
    %get3A_269 = arith.index_cast %get3A_267 : i32 to index
    %get3A_270 = arith.constant 48 : index
    %get3A_271 = tpu.vector_load %arg6[%get3A_268, %get3A_269, %get3A_270] {strides = array<i32>} : memref<2x2x80xi32, #tpu.memory_space<vmem>>, vector<1x1x16xi32>,
    %get3A_272 = vector.shape_cast %get3A_271 : vector<1x1x16xi32> to vector<16xi32>
    %swap3A_273 = arith.constant 0 : i32
    %swap3A_274 = arith.index_cast %swap3A_273 : i32 to index
    %swap3A_275 = arith.constant 48 : index
    %swap3A_276 = tpu.vector_load %arg8[%swap3A_274, %swap3A_275] {strides = array<i32>} : memref<2x80xi32, #tpu.memory_space<vmem>>, vector<1x16xi32>,
    %swap3A_277 = vector.shape_cast %swap3A_276 : vector<1x16xi32> to vector<16xi32>
    %swap3A_278 = vector.shape_cast %get3A_272 : vector<16xi32> to vector<1x16xi32>
    tpu.vector_store %arg8[%swap3A_274, %swap3A_275], %swap3A_278 {strides = array<i32>} : memref<2x80xi32, #tpu.memory_space<vmem>>, vector<1x16xi32>,
    %get3A_279 = arith.constant 0 : i32
    %get3A_280 = arith.constant 1 : i32
    %get3A_281 = arith.index_cast %get3A_279 : i32 to index
    %get3A_282 = arith.index_cast %get3A_280 : i32 to index
    %get3A_283 = arith.constant 64 : index
    %get3A_284 = tpu.vector_load %arg6[%get3A_281, %get3A_282, %get3A_283] {strides = array<i32>} : memref<2x2x80xi32, #tpu.memory_space<vmem>>, vector<1x1x16xi32>,
    %get3A_285 = vector.shape_cast %get3A_284 : vector<1x1x16xi32> to vector<16xi32>
    %swap3A_286 = arith.constant 0 : i32
    %swap3A_287 = arith.index_cast %swap3A_286 : i32 to index
    %swap3A_288 = arith.constant 64 : index
    %swap3A_289 = tpu.vector_load %arg8[%swap3A_287, %swap3A_288] {strides = array<i32>} : memref<2x80xi32, #tpu.memory_space<vmem>>, vector<1x16xi32>,
    %swap3A_290 = vector.shape_cast %swap3A_289 : vector<1x16xi32> to vector<16xi32>
    %swap3A_291 = vector.shape_cast %get3A_285 : vector<16xi32> to vector<1x16xi32>
    tpu.vector_store %arg8[%swap3A_287, %swap3A_288], %swap3A_291 {strides = array<i32>} : memref<2x80xi32, #tpu.memory_space<vmem>>, vector<1x16xi32>,
    %dma_start3A_292 = arith.constant 0 : i32
    %dma_start3A_293 = arith.constant 0 : i32
    %dma_start3A_294 = arith.constant 0 : i32
    %dma_start3A_295 = arith.constant 0 : i32
    %dma_start3A_296 = tpu.memref_slice %arg11[%dma_start3A_293, %dma_start3A_294, %dma_start3A_295] : memref<2x80x64xi32, #tpu.memory_space<vmem>> -> memref<1x80x64xi32, #tpu.memory_space<vmem>>
    %dma_start3A_297 = tpu.memref_squeeze %dma_start3A_296 : memref<1x80x64xi32, #tpu.memory_space<vmem>> -> memref<80x64xi32, #tpu.memory_space<vmem>>
    %dma_start3A_298 = arith.constant 0 : i32
    %dma_start3A_299 = tpu.memref_slice %arg7[%dma_start3A_292, %dma_start3A_298] : memref<2x80xi32, #tpu.memory_space<vmem>> -> memref<1x80xi32, #tpu.memory_space<vmem>>
    %dma_start3A_300 = tpu.memref_squeeze %dma_start3A_299 : memref<1x80xi32, #tpu.memory_space<vmem>> -> memref<80xi32, #tpu.memory_space<vmem>>
    %dma_start3A_301 = arith.constant 0 : i32
    %dma_start3A_302 = arith.constant 0 : i32
    %dma_start3A_303 = tpu.memref_slice %arg3[%dma_start3A_301, %dma_start3A_302] : memref<20000x64xi32, #tpu.memory_space<hbm>> -> memref<20000x64xi32, #tpu.memory_space<hbm>>
    tpu.enqueue_indirect_dma source(%dma_start3A_303 : memref<20000x64xi32, #tpu.memory_space<hbm>>) target(%dma_start3A_297 : memref<80x64xi32, #tpu.memory_space<vmem>>) offsets(%dma_start3A_300 : memref<80xi32, #tpu.memory_space<vmem>>) semaphore(%arg16 : memref<!tpu.dma_semaphore, #tpu.memory_space<semaphore_mem>>)
    %dma_start3A_304 = arith.constant 0 : i32
    %dma_start3A_305 = arith.constant 0 : i32
    %dma_start3A_306 = arith.constant 0 : i32
    %dma_start3A_307 = arith.constant 0 : i32
    %dma_start3A_308 = tpu.memref_slice %arg10[%dma_start3A_305, %dma_start3A_306, %dma_start3A_307] : memref<2x80x64xi32, #tpu.memory_space<vmem>> -> memref<1x80x64xi32, #tpu.memory_space<vmem>>
    %dma_start3A_309 = tpu.memref_squeeze %dma_start3A_308 : memref<1x80x64xi32, #tpu.memory_space<vmem>> -> memref<80x64xi32, #tpu.memory_space<vmem>>
    %dma_start3A_310 = arith.constant 0 : i32
    %dma_start3A_311 = tpu.memref_slice %arg9[%dma_start3A_304, %dma_start3A_310] : memref<2x80xi32, #tpu.memory_space<vmem>> -> memref<1x80xi32, #tpu.memory_space<vmem>>
    %dma_start3A_312 = tpu.memref_squeeze %dma_start3A_311 : memref<1x80xi32, #tpu.memory_space<vmem>> -> memref<80xi32, #tpu.memory_space<vmem>>
    %dma_start3A_313 = arith.constant 0 : i32
    %dma_start3A_314 = arith.constant 0 : i32
    %dma_start3A_315 = tpu.memref_slice %arg2[%dma_start3A_313, %dma_start3A_314] : memref<20000x64xi32, #tpu.memory_space<hbm>> -> memref<20000x64xi32, #tpu.memory_space<hbm>>
    tpu.enqueue_indirect_dma source(%dma_start3A_315 : memref<20000x64xi32, #tpu.memory_space<hbm>>) target(%dma_start3A_309 : memref<80x64xi32, #tpu.memory_space<vmem>>) offsets(%dma_start3A_312 : memref<80xi32, #tpu.memory_space<vmem>>) semaphore(%arg16 : memref<!tpu.dma_semaphore, #tpu.memory_space<semaphore_mem>>)
    %scan3A_316 = arith.constant 0 : i32
    %scan3A_317 = arith.constant -65536 : i32
    %scan3A_318 = arith.constant 0 : i32
    %scan3A_319 = arith.constant 62 : i32
    %scan3A_320 = arith.addi %scan3A_318, %scan3A_319 : i32
    %scan3A_321 = arith.constant 1 : i32
    scf.for %scan3A_396 = %scan3A_318 to %scan3A_320 step %scan3A_321  : i32 {
      %mul3A_397 = arith.constant 2 : i32
      %mul3A_398 = arith.muli %mul3A_397, %scan3A_396 : i32
      %add3A_399 = arith.constant 0 : i32
      %add3A_400 = arith.addi %mul3A_398, %add3A_399 : i32
      %add3A_401 = arith.constant 1 : i32
      %add3A_402 = arith.addi %add3A_400, %add3A_401 : i32
      %lt3A_403 = arith.constant 125 : i32
      %lt3A_404 = arith.cmpi slt, %add3A_402, %lt3A_403 : i32
      %convert_element_type3A_405 = arith.extui %lt3A_404 : i1 to i32
      %cond3A_406 = arith.constant 0 : i32
      %cond3A_407 = arith.cmpi ne, %convert_element_type3A_405, %cond3A_406 : i32
      scf.if %cond3A_407 {
        %add3A_534 = arith.constant 1 : i32
        %add3A_535 = arith.addi %add3A_400, %add3A_534 : i32
        %mul3A_536 = arith.constant 10000 : i32
        %mul3A_537 = arith.muli %arg1, %mul3A_536 : i32
        %mul3A_538 = arith.constant 80 : i32
        %mul3A_539 = arith.muli %add3A_535, %mul3A_538 : i32
        %add3A_540 = arith.addi %mul3A_537, %mul3A_539 : i32
        %dma_start3A_541 = arith.constant 1 : i32
        %dma_start3A_542 = arith.constant 0 : i32
        %dma_start3A_543 = arith.constant 0 : i32
        %dma_start3A_544 = tpu.memref_slice %arg6[%dma_start3A_541, %dma_start3A_542, %dma_start3A_543] : memref<2x2x80xi32, #tpu.memory_space<vmem>> -> memref<1x2x80xi32, #tpu.memory_space<vmem>>
        %dma_start3A_545 = tpu.memref_squeeze %dma_start3A_544 : memref<1x2x80xi32, #tpu.memory_space<vmem>> -> memref<2x80xi32, #tpu.memory_space<vmem>>
        %dma_start3A_546 = arith.constant 0 : i32
        %dma_start3A_547 = tpu.memref_slice %arg4[%dma_start3A_546, %add3A_540] : memref<2x160000xi32, #tpu.memory_space<hbm>> -> memref<2x80xi32, #tpu.memory_space<hbm>>
        %dma_start3A_548 = arith.constant 0 : i32
        %dma_start3A_549 = arith.constant 0 : i32
        %dma_start3A_550 = tpu.memref_slice %arg6[%dma_start3A_541, %dma_start3A_548, %dma_start3A_549] : memref<2x2x80xi32, #tpu.memory_space<vmem>> -> memref<1x2x80xi32, #tpu.memory_space<vmem>>
        %dma_start3A_551 = tpu.memref_squeeze %dma_start3A_550 : memref<1x2x80xi32, #tpu.memory_space<vmem>> -> memref<2x80xi32, #tpu.memory_space<vmem>>
        %dma_start3A_552 = arith.constant 0 : i32
        %dma_start3A_553 = tpu.memref_slice %arg4[%dma_start3A_552, %add3A_540] : memref<2x160000xi32, #tpu.memory_space<hbm>> -> memref<2x80xi32, #tpu.memory_space<hbm>>
        tpu.enqueue_dma source(%dma_start3A_553 : memref<2x80xi32, #tpu.memory_space<hbm>>) target(%dma_start3A_551 : memref<2x80xi32, #tpu.memory_space<vmem>>) target_semaphore(%arg15 : memref<!tpu.dma_semaphore, #tpu.memory_space<semaphore_mem>>)
      } else {
      }
      %dma_wait3A_408 = arith.constant 0 : i32
      %dma_wait3A_409 = arith.constant 0 : i32
      %dma_wait3A_410 = arith.constant 0 : i32
      %dma_wait3A_411 = arith.constant 0 : i32
      %dma_wait3A_412 = tpu.memref_slice %arg11[%dma_wait3A_409, %dma_wait3A_410, %dma_wait3A_411] : memref<2x80x64xi32, #tpu.memory_space<vmem>> -> memref<1x80x64xi32, #tpu.memory_space<vmem>>
      %dma_wait3A_413 = tpu.memref_squeeze %dma_wait3A_412 : memref<1x80x64xi32, #tpu.memory_space<vmem>> -> memref<80x64xi32, #tpu.memory_space<vmem>>
      %dma_wait3A_414 = arith.constant 0 : i32
      %dma_wait3A_415 = tpu.memref_slice %arg7[%dma_wait3A_408, %dma_wait3A_414] : memref<2x80xi32, #tpu.memory_space<vmem>> -> memref<1x80xi32, #tpu.memory_space<vmem>>
      %dma_wait3A_416 = tpu.memref_squeeze %dma_wait3A_415 : memref<1x80xi32, #tpu.memory_space<vmem>> -> memref<80xi32, #tpu.memory_space<vmem>>
      %dma_wait3A_417 = arith.constant 0 : i32
      %dma_wait3A_418 = arith.constant 0 : i32
      %dma_wait3A_419 = tpu.memref_slice %arg3[%dma_wait3A_417, %dma_wait3A_418] : memref<20000x64xi32, #tpu.memory_space<hbm>> -> memref<20000x64xi32, #tpu.memory_space<hbm>>
      tpu.wait_indirect_dma semaphore(%arg16 : memref<!tpu.dma_semaphore, #tpu.memory_space<semaphore_mem>>) src(%dma_wait3A_419 : memref<20000x64xi32, #tpu.memory_space<hbm>>) dst(%dma_wait3A_413 : memref<80x64xi32, #tpu.memory_space<vmem>>)
      %dma_wait3A_420 = arith.constant 0 : i32
      %dma_wait3A_421 = arith.constant 0 : i32
      %dma_wait3A_422 = arith.constant 0 : i32
      %dma_wait3A_423 = arith.constant 0 : i32
      %dma_wait3A_424 = tpu.memref_slice %arg10[%dma_wait3A_421, %dma_wait3A_422, %dma_wait3A_423] : memref<2x80x64xi32, #tpu.memory_space<vmem>> -> memref<1x80x64xi32, #tpu.memory_space<vmem>>
      %dma_wait3A_425 = tpu.memref_squeeze %dma_wait3A_424 : memref<1x80x64xi32, #tpu.memory_space<vmem>> -> memref<80x64xi32, #tpu.memory_space<vmem>>
      %dma_wait3A_426 = arith.constant 0 : i32
      %dma_wait3A_427 = tpu.memref_slice %arg9[%dma_wait3A_420, %dma_wait3A_426] : memref<2x80xi32, #tpu.memory_space<vmem>> -> memref<1x80xi32, #tpu.memory_space<vmem>>
      %dma_wait3A_428 = tpu.memref_squeeze %dma_wait3A_427 : memref<1x80xi32, #tpu.memory_space<vmem>> -> memref<80xi32, #tpu.memory_space<vmem>>
      %dma_wait3A_429 = arith.constant 0 : i32
      %dma_wait3A_430 = arith.constant 0 : i32
      %dma_wait3A_431 = tpu.memref_slice %arg2[%dma_wait3A_429, %dma_wait3A_430] : memref<20000x64xi32, #tpu.memory_space<hbm>> -> memref<20000x64xi32, #tpu.memory_space<hbm>>
      tpu.wait_indirect_dma semaphore(%arg16 : memref<!tpu.dma_semaphore, #tpu.memory_space<semaphore_mem>>) src(%dma_wait3A_431 : memref<20000x64xi32, #tpu.memory_space<hbm>>) dst(%dma_wait3A_425 : memref<80x64xi32, #tpu.memory_space<vmem>>)
      %parallel_loop3A_432 = arith.constant 0 : i32
      %parallel_loop3A_433 = arith.constant 80 : i32
      %parallel_loop3A_434 = arith.constant 1 : i32
      scf.for %parallel_loop3A_534 = %parallel_loop3A_432 to %parallel_loop3A_433 step %parallel_loop3A_434  : i32 {
        %parallel_loop3A_535 = arith.constant 0 : i32
        %parallel_loop3A_536 = arith.index_cast %parallel_loop3A_535 : i32 to index
        %parallel_loop3A_537 = arith.index_cast %parallel_loop3A_534 : i32 to index
        %parallel_loop3A_538 = arith.constant 0 : index
        %parallel_loop3A_539 = tpu.vector_load %arg10[%parallel_loop3A_536, %parallel_loop3A_537, %parallel_loop3A_538] {strides = array<i32>} : memref<2x80x64xi32, #tpu.memory_space<vmem>>, vector<1x1x16xi32>,
        %parallel_loop3A_540 = vector.shape_cast %parallel_loop3A_539 : vector<1x1x16xi32> to vector<16xi32>
        %parallel_loop3A_541 = arith.constant 0 : i32
        %parallel_loop3A_542 = arith.index_cast %parallel_loop3A_541 : i32 to index
        %parallel_loop3A_543 = arith.index_cast %parallel_loop3A_534 : i32 to index
        %parallel_loop3A_544 = arith.constant 0 : index
        %parallel_loop3A_545 = tpu.vector_load %arg11[%parallel_loop3A_542, %parallel_loop3A_543, %parallel_loop3A_544] {strides = array<i32>} : memref<2x80x64xi32, #tpu.memory_space<vmem>>, vector<1x1x16xi32>,
        %parallel_loop3A_546 = vector.shape_cast %parallel_loop3A_545 : vector<1x1x16xi32> to vector<16xi32>
        %parallel_loop3A_547 = arith.constant 16 : i32
        %parallel_loop3A_548 = vector.broadcast %parallel_loop3A_547 : i32 to vector<16xi32>
        %parallel_loop3A_549 = arith.shli %parallel_loop3A_540, %parallel_loop3A_548 : vector<16xi32>
        %parallel_loop3A_550 = tpu.bitcast %parallel_loop3A_549 : vector<16xi32> -> vector<16xf32>
        %parallel_loop3A_551 = arith.constant 16 : i32
        %parallel_loop3A_552 = vector.broadcast %parallel_loop3A_551 : i32 to vector<16xi32>
        %parallel_loop3A_553 = arith.shli %parallel_loop3A_546, %parallel_loop3A_552 : vector<16xi32>
        %parallel_loop3A_554 = tpu.bitcast %parallel_loop3A_553 : vector<16xi32> -> vector<16xf32>
        %parallel_loop3A_555 = arith.addf %parallel_loop3A_550, %parallel_loop3A_554 : vector<16xf32>
        %parallel_loop3A_556 = vector.broadcast %scan3A_317 : i32 to vector<16xi32>
        %parallel_loop3A_557 = arith.andi %parallel_loop3A_540, %parallel_loop3A_556 : vector<16xi32>
        %parallel_loop3A_558 = tpu.bitcast %parallel_loop3A_557 : vector<16xi32> -> vector<16xf32>
        %parallel_loop3A_559 = vector.broadcast %scan3A_317 : i32 to vector<16xi32>
        %parallel_loop3A_560 = arith.andi %parallel_loop3A_546, %parallel_loop3A_559 : vector<16xi32>
        %parallel_loop3A_561 = tpu.bitcast %parallel_loop3A_560 : vector<16xi32> -> vector<16xf32>
        %parallel_loop3A_562 = arith.addf %parallel_loop3A_558, %parallel_loop3A_561 : vector<16xf32>
        %parallel_loop3A_563 = arith.constant 0.000000e+00 : f32
        %parallel_loop3A_564 = vector.broadcast %parallel_loop3A_563 : f32 to vector<16xf32>
        %parallel_loop3A_565 = arith.maximumf %parallel_loop3A_555, %parallel_loop3A_564 : vector<16xf32>
        %parallel_loop3A_566 = arith.constant 0 : i32
        %parallel_loop3A_567 = arith.index_cast %parallel_loop3A_566 : i32 to index
        %parallel_loop3A_568 = arith.index_cast %parallel_loop3A_534 : i32 to index
        %parallel_loop3A_569 = arith.constant 0 : index
        %parallel_loop3A_570 = tpu.vector_load %arg12[%parallel_loop3A_567, %parallel_loop3A_568, %parallel_loop3A_569] {strides = array<i32>} : memref<2x80x128xf32, #tpu.memory_space<vmem>>, vector<1x1x16xf32>,
        %parallel_loop3A_571 = vector.shape_cast %parallel_loop3A_570 : vector<1x1x16xf32> to vector<16xf32>
        %parallel_loop3A_572 = vector.shape_cast %parallel_loop3A_565 : vector<16xf32> to vector<1x1x16xf32>
        tpu.vector_store %arg12[%parallel_loop3A_567, %parallel_loop3A_568, %parallel_loop3A_569], %parallel_loop3A_572 {strides = array<i32>} : memref<2x80x128xf32, #tpu.memory_space<vmem>>, vector<1x1x16xf32>,
        %parallel_loop3A_573 = arith.constant 0.000000e+00 : f32
        %parallel_loop3A_574 = vector.broadcast %parallel_loop3A_573 : f32 to vector<16xf32>
        %parallel_loop3A_575 = arith.maximumf %parallel_loop3A_562, %parallel_loop3A_574 : vector<16xf32>
        %parallel_loop3A_576 = arith.constant 0 : i32
        %parallel_loop3A_577 = arith.index_cast %parallel_loop3A_576 : i32 to index
        %parallel_loop3A_578 = arith.index_cast %parallel_loop3A_534 : i32 to index
        %parallel_loop3A_579 = arith.constant 64 : index
        %parallel_loop3A_580 = tpu.vector_load %arg12[%parallel_loop3A_577, %parallel_loop3A_578, %parallel_loop3A_579] {strides = array<i32>} : memref<2x80x128xf32, #tpu.memory_space<vmem>>, vector<1x1x16xf32>,
        %parallel_loop3A_581 = vector.shape_cast %parallel_loop3A_580 : vector<1x1x16xf32> to vector<16xf32>
        %parallel_loop3A_582 = vector.shape_cast %parallel_loop3A_575 : vector<16xf32> to vector<1x1x16xf32>
        tpu.vector_store %arg12[%parallel_loop3A_577, %parallel_loop3A_578, %parallel_loop3A_579], %parallel_loop3A_582 {strides = array<i32>} : memref<2x80x128xf32, #tpu.memory_space<vmem>>, vector<1x1x16xf32>,
        %parallel_loop3A_583 = arith.constant 0 : i32
        %parallel_loop3A_584 = arith.index_cast %parallel_loop3A_583 : i32 to index
        %parallel_loop3A_585 = arith.index_cast %parallel_loop3A_534 : i32 to index
        %parallel_loop3A_586 = arith.constant 16 : index
        %parallel_loop3A_587 = tpu.vector_load %arg10[%parallel_loop3A_584, %parallel_loop3A_585, %parallel_loop3A_586] {strides = array<i32>} : memref<2x80x64xi32, #tpu.memory_space<vmem>>, vector<1x1x16xi32>,
        %parallel_loop3A_588 = vector.shape_cast %parallel_loop3A_587 : vector<1x1x16xi32> to vector<16xi32>
        %parallel_loop3A_589 = arith.constant 0 : i32
        %parallel_loop3A_590 = arith.index_cast %parallel_loop3A_589 : i32 to index
        %parallel_loop3A_591 = arith.index_cast %parallel_loop3A_534 : i32 to index
        %parallel_loop3A_592 = arith.constant 16 : index
        %parallel_loop3A_593 = tpu.vector_load %arg11[%parallel_loop3A_590, %parallel_loop3A_591, %parallel_loop3A_592] {strides = array<i32>} : memref<2x80x64xi32, #tpu.memory_space<vmem>>, vector<1x1x16xi32>,
        %parallel_loop3A_594 = vector.shape_cast %parallel_loop3A_593 : vector<1x1x16xi32> to vector<16xi32>
        %parallel_loop3A_595 = arith.constant 16 : i32
        %parallel_loop3A_596 = vector.broadcast %parallel_loop3A_595 : i32 to vector<16xi32>
        %parallel_loop3A_597 = arith.shli %parallel_loop3A_588, %parallel_loop3A_596 : vector<16xi32>
        %parallel_loop3A_598 = tpu.bitcast %parallel_loop3A_597 : vector<16xi32> -> vector<16xf32>
        %parallel_loop3A_599 = arith.constant 16 : i32
        %parallel_loop3A_600 = vector.broadcast %parallel_loop3A_599 : i32 to vector<16xi32>
        %parallel_loop3A_601 = arith.shli %parallel_loop3A_594, %parallel_loop3A_600 : vector<16xi32>
        %parallel_loop3A_602 = tpu.bitcast %parallel_loop3A_601 : vector<16xi32> -> vector<16xf32>
        %parallel_loop3A_603 = arith.addf %parallel_loop3A_598, %parallel_loop3A_602 : vector<16xf32>
        %parallel_loop3A_604 = vector.broadcast %scan3A_317 : i32 to vector<16xi32>
        %parallel_loop3A_605 = arith.andi %parallel_loop3A_588, %parallel_loop3A_604 : vector<16xi32>
        %parallel_loop3A_606 = tpu.bitcast %parallel_loop3A_605 : vector<16xi32> -> vector<16xf32>
        %parallel_loop3A_607 = vector.broadcast %scan3A_317 : i32 to vector<16xi32>
        %parallel_loop3A_608 = arith.andi %parallel_loop3A_594, %parallel_loop3A_607 : vector<16xi32>
        %parallel_loop3A_609 = tpu.bitcast %parallel_loop3A_608 : vector<16xi32> -> vector<16xf32>
        %parallel_loop3A_610 = arith.addf %parallel_loop3A_606, %parallel_loop3A_609 : vector<16xf32>
        %parallel_loop3A_611 = arith.constant 0.000000e+00 : f32
        %parallel_loop3A_612 = vector.broadcast %parallel_loop3A_611 : f32 to vector<16xf32>
        %parallel_loop3A_613 = arith.maximumf %parallel_loop3A_603, %parallel_loop3A_612 : vector<16xf32>
        %parallel_loop3A_614 = arith.constant 0 : i32
        %parallel_loop3A_615 = arith.index_cast %parallel_loop3A_614 : i32 to index
        %parallel_loop3A_616 = arith.index_cast %parallel_loop3A_534 : i32 to index
        %parallel_loop3A_617 = arith.constant 16 : index
        %parallel_loop3A_618 = tpu.vector_load %arg12[%parallel_loop3A_615, %parallel_loop3A_616, %parallel_loop3A_617] {strides = array<i32>} : memref<2x80x128xf32, #tpu.memory_space<vmem>>, vector<1x1x16xf32>,
        %parallel_loop3A_619 = vector.shape_cast %parallel_loop3A_618 : vector<1x1x16xf32> to vector<16xf32>
        %parallel_loop3A_620 = vector.shape_cast %parallel_loop3A_613 : vector<16xf32> to vector<1x1x16xf32>
        tpu.vector_store %arg12[%parallel_loop3A_615, %parallel_loop3A_616, %parallel_loop3A_617], %parallel_loop3A_620 {strides = array<i32>} : memref<2x80x128xf32, #tpu.memory_space<vmem>>, vector<1x1x16xf32>,
        %parallel_loop3A_621 = arith.constant 0.000000e+00 : f32
        %parallel_loop3A_622 = vector.broadcast %parallel_loop3A_621 : f32 to vector<16xf32>
        %parallel_loop3A_623 = arith.maximumf %parallel_loop3A_610, %parallel_loop3A_622 : vector<16xf32>
        %parallel_loop3A_624 = arith.constant 0 : i32
        %parallel_loop3A_625 = arith.index_cast %parallel_loop3A_624 : i32 to index
        %parallel_loop3A_626 = arith.index_cast %parallel_loop3A_534 : i32 to index
        %parallel_loop3A_627 = arith.constant 80 : index
        %parallel_loop3A_628 = tpu.vector_load %arg12[%parallel_loop3A_625, %parallel_loop3A_626, %parallel_loop3A_627] {strides = array<i32>} : memref<2x80x128xf32, #tpu.memory_space<vmem>>, vector<1x1x16xf32>,
        %parallel_loop3A_629 = vector.shape_cast %parallel_loop3A_628 : vector<1x1x16xf32> to vector<16xf32>
        %parallel_loop3A_630 = vector.shape_cast %parallel_loop3A_623 : vector<16xf32> to vector<1x1x16xf32>
        tpu.vector_store %arg12[%parallel_loop3A_625, %parallel_loop3A_626, %parallel_loop3A_627], %parallel_loop3A_630 {strides = array<i32>} : memref<2x80x128xf32, #tpu.memory_space<vmem>>, vector<1x1x16xf32>,
        %parallel_loop3A_631 = arith.constant 0 : i32
        %parallel_loop3A_632 = arith.index_cast %parallel_loop3A_631 : i32 to index
        %parallel_loop3A_633 = arith.index_cast %parallel_loop3A_534 : i32 to index
        %parallel_loop3A_634 = arith.constant 32 : index
        %parallel_loop3A_635 = tpu.vector_load %arg10[%parallel_loop3A_632, %parallel_loop3A_633, %parallel_loop3A_634] {strides = array<i32>} : memref<2x80x64xi32, #tpu.memory_space<vmem>>, vector<1x1x16xi32>,
        %parallel_loop3A_636 = vector.shape_cast %parallel_loop3A_635 : vector<1x1x16xi32> to vector<16xi32>
        %parallel_loop3A_637 = arith.constant 0 : i32
        %parallel_loop3A_638 = arith.index_cast %parallel_loop3A_637 : i32 to index
        %parallel_loop3A_639 = arith.index_cast %parallel_loop3A_534 : i32 to index
        %parallel_loop3A_640 = arith.constant 32 : index
        %parallel_loop3A_641 = tpu.vector_load %arg11[%parallel_loop3A_638, %parallel_loop3A_639, %parallel_loop3A_640] {strides = array<i32>} : memref<2x80x64xi32, #tpu.memory_space<vmem>>, vector<1x1x16xi32>,
        %parallel_loop3A_642 = vector.shape_cast %parallel_loop3A_641 : vector<1x1x16xi32> to vector<16xi32>
        %parallel_loop3A_643 = arith.constant 16 : i32
        %parallel_loop3A_644 = vector.broadcast %parallel_loop3A_643 : i32 to vector<16xi32>
        %parallel_loop3A_645 = arith.shli %parallel_loop3A_636, %parallel_loop3A_644 : vector<16xi32>
        %parallel_loop3A_646 = tpu.bitcast %parallel_loop3A_645 : vector<16xi32> -> vector<16xf32>
        %parallel_loop3A_647 = arith.constant 16 : i32
        %parallel_loop3A_648 = vector.broadcast %parallel_loop3A_647 : i32 to vector<16xi32>
        %parallel_loop3A_649 = arith.shli %parallel_loop3A_642, %parallel_loop3A_648 : vector<16xi32>
        %parallel_loop3A_650 = tpu.bitcast %parallel_loop3A_649 : vector<16xi32> -> vector<16xf32>
        %parallel_loop3A_651 = arith.addf %parallel_loop3A_646, %parallel_loop3A_650 : vector<16xf32>
        %parallel_loop3A_652 = vector.broadcast %scan3A_317 : i32 to vector<16xi32>
        %parallel_loop3A_653 = arith.andi %parallel_loop3A_636, %parallel_loop3A_652 : vector<16xi32>
        %parallel_loop3A_654 = tpu.bitcast %parallel_loop3A_653 : vector<16xi32> -> vector<16xf32>
        %parallel_loop3A_655 = vector.broadcast %scan3A_317 : i32 to vector<16xi32>
        %parallel_loop3A_656 = arith.andi %parallel_loop3A_642, %parallel_loop3A_655 : vector<16xi32>
        %parallel_loop3A_657 = tpu.bitcast %parallel_loop3A_656 : vector<16xi32> -> vector<16xf32>
        %parallel_loop3A_658 = arith.addf %parallel_loop3A_654, %parallel_loop3A_657 : vector<16xf32>
        %parallel_loop3A_659 = arith.constant 0.000000e+00 : f32
        %parallel_loop3A_660 = vector.broadcast %parallel_loop3A_659 : f32 to vector<16xf32>
        %parallel_loop3A_661 = arith.maximumf %parallel_loop3A_651, %parallel_loop3A_660 : vector<16xf32>
        %parallel_loop3A_662 = arith.constant 0 : i32
        %parallel_loop3A_663 = arith.index_cast %parallel_loop3A_662 : i32 to index
        %parallel_loop3A_664 = arith.index_cast %parallel_loop3A_534 : i32 to index
        %parallel_loop3A_665 = arith.constant 32 : index
        %parallel_loop3A_666 = tpu.vector_load %arg12[%parallel_loop3A_663, %parallel_loop3A_664, %parallel_loop3A_665] {strides = array<i32>} : memref<2x80x128xf32, #tpu.memory_space<vmem>>, vector<1x1x16xf32>,
        %parallel_loop3A_667 = vector.shape_cast %parallel_loop3A_666 : vector<1x1x16xf32> to vector<16xf32>
        %parallel_loop3A_668 = vector.shape_cast %parallel_loop3A_661 : vector<16xf32> to vector<1x1x16xf32>
        tpu.vector_store %arg12[%parallel_loop3A_663, %parallel_loop3A_664, %parallel_loop3A_665], %parallel_loop3A_668 {strides = array<i32>} : memref<2x80x128xf32, #tpu.memory_space<vmem>>, vector<1x1x16xf32>,
        %parallel_loop3A_669 = arith.constant 0.000000e+00 : f32
        %parallel_loop3A_670 = vector.broadcast %parallel_loop3A_669 : f32 to vector<16xf32>
        %parallel_loop3A_671 = arith.maximumf %parallel_loop3A_658, %parallel_loop3A_670 : vector<16xf32>
        %parallel_loop3A_672 = arith.constant 0 : i32
        %parallel_loop3A_673 = arith.index_cast %parallel_loop3A_672 : i32 to index
        %parallel_loop3A_674 = arith.index_cast %parallel_loop3A_534 : i32 to index
        %parallel_loop3A_675 = arith.constant 96 : index
        %parallel_loop3A_676 = tpu.vector_load %arg12[%parallel_loop3A_673, %parallel_loop3A_674, %parallel_loop3A_675] {strides = array<i32>} : memref<2x80x128xf32, #tpu.memory_space<vmem>>, vector<1x1x16xf32>,
        %parallel_loop3A_677 = vector.shape_cast %parallel_loop3A_676 : vector<1x1x16xf32> to vector<16xf32>
        %parallel_loop3A_678 = vector.shape_cast %parallel_loop3A_671 : vector<16xf32> to vector<1x1x16xf32>
        tpu.vector_store %arg12[%parallel_loop3A_673, %parallel_loop3A_674, %parallel_loop3A_675], %parallel_loop3A_678 {strides = array<i32>} : memref<2x80x128xf32, #tpu.memory_space<vmem>>, vector<1x1x16xf32>,
        %parallel_loop3A_679 = arith.constant 0 : i32
        %parallel_loop3A_680 = arith.index_cast %parallel_loop3A_679 : i32 to index
        %parallel_loop3A_681 = arith.index_cast %parallel_loop3A_534 : i32 to index
        %parallel_loop3A_682 = arith.constant 48 : index
        %parallel_loop3A_683 = tpu.vector_load %arg10[%parallel_loop3A_680, %parallel_loop3A_681, %parallel_loop3A_682] {strides = array<i32>} : memref<2x80x64xi32, #tpu.memory_space<vmem>>, vector<1x1x16xi32>,
        %parallel_loop3A_684 = vector.shape_cast %parallel_loop3A_683 : vector<1x1x16xi32> to vector<16xi32>
        %parallel_loop3A_685 = arith.constant 0 : i32
        %parallel_loop3A_686 = arith.index_cast %parallel_loop3A_685 : i32 to index
        %parallel_loop3A_687 = arith.index_cast %parallel_loop3A_534 : i32 to index
        %parallel_loop3A_688 = arith.constant 48 : index
        %parallel_loop3A_689 = tpu.vector_load %arg11[%parallel_loop3A_686, %parallel_loop3A_687, %parallel_loop3A_688] {strides = array<i32>} : memref<2x80x64xi32, #tpu.memory_space<vmem>>, vector<1x1x16xi32>,
        %parallel_loop3A_690 = vector.shape_cast %parallel_loop3A_689 : vector<1x1x16xi32> to vector<16xi32>
        %parallel_loop3A_691 = arith.constant 16 : i32
        %parallel_loop3A_692 = vector.broadcast %parallel_loop3A_691 : i32 to vector<16xi32>
        %parallel_loop3A_693 = arith.shli %parallel_loop3A_684, %parallel_loop3A_692 : vector<16xi32>
        %parallel_loop3A_694 = tpu.bitcast %parallel_loop3A_693 : vector<16xi32> -> vector<16xf32>
        %parallel_loop3A_695 = arith.constant 16 : i32
        %parallel_loop3A_696 = vector.broadcast %parallel_loop3A_695 : i32 to vector<16xi32>
        %parallel_loop3A_697 = arith.shli %parallel_loop3A_690, %parallel_loop3A_696 : vector<16xi32>
        %parallel_loop3A_698 = tpu.bitcast %parallel_loop3A_697 : vector<16xi32> -> vector<16xf32>
        %parallel_loop3A_699 = arith.addf %parallel_loop3A_694, %parallel_loop3A_698 : vector<16xf32>
        %parallel_loop3A_700 = vector.broadcast %scan3A_317 : i32 to vector<16xi32>
        %parallel_loop3A_701 = arith.andi %parallel_loop3A_684, %parallel_loop3A_700 : vector<16xi32>
        %parallel_loop3A_702 = tpu.bitcast %parallel_loop3A_701 : vector<16xi32> -> vector<16xf32>
        %parallel_loop3A_703 = vector.broadcast %scan3A_317 : i32 to vector<16xi32>
        %parallel_loop3A_704 = arith.andi %parallel_loop3A_690, %parallel_loop3A_703 : vector<16xi32>
        %parallel_loop3A_705 = tpu.bitcast %parallel_loop3A_704 : vector<16xi32> -> vector<16xf32>
        %parallel_loop3A_706 = arith.addf %parallel_loop3A_702, %parallel_loop3A_705 : vector<16xf32>
        %parallel_loop3A_707 = arith.constant 0.000000e+00 : f32
        %parallel_loop3A_708 = vector.broadcast %parallel_loop3A_707 : f32 to vector<16xf32>
        %parallel_loop3A_709 = arith.maximumf %parallel_loop3A_699, %parallel_loop3A_708 : vector<16xf32>
        %parallel_loop3A_710 = arith.constant 0 : i32
        %parallel_loop3A_711 = arith.index_cast %parallel_loop3A_710 : i32 to index
        %parallel_loop3A_712 = arith.index_cast %parallel_loop3A_534 : i32 to index
        %parallel_loop3A_713 = arith.constant 48 : index
        %parallel_loop3A_714 = tpu.vector_load %arg12[%parallel_loop3A_711, %parallel_loop3A_712, %parallel_loop3A_713] {strides = array<i32>} : memref<2x80x128xf32, #tpu.memory_space<vmem>>, vector<1x1x16xf32>,
        %parallel_loop3A_715 = vector.shape_cast %parallel_loop3A_714 : vector<1x1x16xf32> to vector<16xf32>
        %parallel_loop3A_716 = vector.shape_cast %parallel_loop3A_709 : vector<16xf32> to vector<1x1x16xf32>
        tpu.vector_store %arg12[%parallel_loop3A_711, %parallel_loop3A_712, %parallel_loop3A_713], %parallel_loop3A_716 {strides = array<i32>} : memref<2x80x128xf32, #tpu.memory_space<vmem>>, vector<1x1x16xf32>,
        %parallel_loop3A_717 = arith.constant 0.000000e+00 : f32
        %parallel_loop3A_718 = vector.broadcast %parallel_loop3A_717 : f32 to vector<16xf32>
        %parallel_loop3A_719 = arith.maximumf %parallel_loop3A_706, %parallel_loop3A_718 : vector<16xf32>
        %parallel_loop3A_720 = arith.constant 0 : i32
        %parallel_loop3A_721 = arith.index_cast %parallel_loop3A_720 : i32 to index
        %parallel_loop3A_722 = arith.index_cast %parallel_loop3A_534 : i32 to index
        %parallel_loop3A_723 = arith.constant 112 : index
        %parallel_loop3A_724 = tpu.vector_load %arg12[%parallel_loop3A_721, %parallel_loop3A_722, %parallel_loop3A_723] {strides = array<i32>} : memref<2x80x128xf32, #tpu.memory_space<vmem>>, vector<1x1x16xf32>,
        %parallel_loop3A_725 = vector.shape_cast %parallel_loop3A_724 : vector<1x1x16xf32> to vector<16xf32>
        %parallel_loop3A_726 = vector.shape_cast %parallel_loop3A_719 : vector<16xf32> to vector<1x1x16xf32>
        tpu.vector_store %arg12[%parallel_loop3A_721, %parallel_loop3A_722, %parallel_loop3A_723], %parallel_loop3A_726 {strides = array<i32>} : memref<2x80x128xf32, #tpu.memory_space<vmem>>, vector<1x1x16xf32>,
      } {sc.loop_unroll_factor = 4 : i64, sc.parallel_access}
      %add3A_435 = arith.constant 1 : i32
      %add3A_436 = arith.addi %add3A_400, %add3A_435 : i32
      %lt3A_437 = arith.constant 125 : i32
      %lt3A_438 = arith.cmpi slt, %add3A_436, %lt3A_437 : i32
      %convert_element_type3A_439 = arith.extui %lt3A_438 : i1 to i32
      %cond3A_440 = arith.constant 0 : i32
      %cond3A_441 = arith.cmpi ne, %convert_element_type3A_439, %cond3A_440 : i32
      scf.if %cond3A_441 {
        %add3A_534 = arith.constant 1 : i32
        %add3A_535 = arith.addi %add3A_400, %add3A_534 : i32
        %mul3A_536 = arith.constant 10000 : i32
        %mul3A_537 = arith.muli %arg1, %mul3A_536 : i32
        %mul3A_538 = arith.constant 80 : i32
        %mul3A_539 = arith.muli %add3A_535, %mul3A_538 : i32
        %add3A_540 = arith.addi %mul3A_537, %mul3A_539 : i32
        %dma_wait3A_541 = arith.constant 1 : i32
        %dma_wait3A_542 = arith.constant 0 : i32
        %dma_wait3A_543 = arith.constant 0 : i32
        %dma_wait3A_544 = tpu.memref_slice %arg6[%dma_wait3A_541, %dma_wait3A_542, %dma_wait3A_543] : memref<2x2x80xi32, #tpu.memory_space<vmem>> -> memref<1x2x80xi32, #tpu.memory_space<vmem>>
        %dma_wait3A_545 = tpu.memref_squeeze %dma_wait3A_544 : memref<1x2x80xi32, #tpu.memory_space<vmem>> -> memref<2x80xi32, #tpu.memory_space<vmem>>
        %dma_wait3A_546 = arith.constant 0 : i32
        %dma_wait3A_547 = tpu.memref_slice %arg4[%dma_wait3A_546, %add3A_540] : memref<2x160000xi32, #tpu.memory_space<hbm>> -> memref<2x80xi32, #tpu.memory_space<hbm>>
        %dma_wait3A_548 = arith.constant 0 : i32
        %dma_wait3A_549 = arith.constant 0 : i32
        %dma_wait3A_550 = tpu.memref_slice %arg6[%dma_wait3A_541, %dma_wait3A_548, %dma_wait3A_549] : memref<2x2x80xi32, #tpu.memory_space<vmem>> -> memref<1x2x80xi32, #tpu.memory_space<vmem>>
        %dma_wait3A_551 = tpu.memref_squeeze %dma_wait3A_550 : memref<1x2x80xi32, #tpu.memory_space<vmem>> -> memref<2x80xi32, #tpu.memory_space<vmem>>
        %dma_wait3A_552 = arith.constant 0 : i32
        %dma_wait3A_553 = tpu.memref_slice %arg4[%dma_wait3A_552, %add3A_540] : memref<2x160000xi32, #tpu.memory_space<hbm>> -> memref<2x80xi32, #tpu.memory_space<hbm>>
        tpu.wait_dma2 semaphore(%arg15 : memref<!tpu.dma_semaphore, #tpu.memory_space<semaphore_mem>>) src(%dma_wait3A_553 : memref<2x80xi32, #tpu.memory_space<hbm>>) dst(%dma_wait3A_551 : memref<2x80xi32, #tpu.memory_space<vmem>>)
        %get3A_554 = arith.constant 1 : i32
        %get3A_555 = arith.constant 0 : i32
        %get3A_556 = arith.index_cast %get3A_554 : i32 to index
        %get3A_557 = arith.index_cast %get3A_555 : i32 to index
        %get3A_558 = arith.constant 0 : index
        %get3A_559 = tpu.vector_load %arg6[%get3A_556, %get3A_557, %get3A_558] {strides = array<i32>} : memref<2x2x80xi32, #tpu.memory_space<vmem>>, vector<1x1x16xi32>,
        %get3A_560 = vector.shape_cast %get3A_559 : vector<1x1x16xi32> to vector<16xi32>
        %add3A_561 = vector.broadcast %mul3A_0 : i32 to vector<16xi32>
        %add3A_562 = arith.addi %get3A_560, %add3A_561 : vector<16xi32>
        %swap3A_563 = arith.constant 1 : i32
        %swap3A_564 = arith.index_cast %swap3A_563 : i32 to index
        %swap3A_565 = arith.constant 0 : index
        %swap3A_566 = tpu.vector_load %arg7[%swap3A_564, %swap3A_565] {strides = array<i32>} : memref<2x80xi32, #tpu.memory_space<vmem>>, vector<1x16xi32>,
        %swap3A_567 = vector.shape_cast %swap3A_566 : vector<1x16xi32> to vector<16xi32>
        %swap3A_568 = vector.shape_cast %add3A_562 : vector<16xi32> to vector<1x16xi32>
        tpu.vector_store %arg7[%swap3A_564, %swap3A_565], %swap3A_568 {strides = array<i32>} : memref<2x80xi32, #tpu.memory_space<vmem>>, vector<1x16xi32>,
        %get3A_569 = arith.constant 1 : i32
        %get3A_570 = arith.constant 1 : i32
        %get3A_571 = arith.index_cast %get3A_569 : i32 to index
        %get3A_572 = arith.index_cast %get3A_570 : i32 to index
        %get3A_573 = arith.constant 0 : index
        %get3A_574 = tpu.vector_load %arg6[%get3A_571, %get3A_572, %get3A_573] {strides = array<i32>} : memref<2x2x80xi32, #tpu.memory_space<vmem>>, vector<1x1x16xi32>,
        %get3A_575 = vector.shape_cast %get3A_574 : vector<1x1x16xi32> to vector<16xi32>
        %add3A_576 = vector.broadcast %mul3A_0 : i32 to vector<16xi32>
        %add3A_577 = arith.addi %get3A_575, %add3A_576 : vector<16xi32>
        %swap3A_578 = arith.constant 1 : i32
        %swap3A_579 = arith.index_cast %swap3A_578 : i32 to index
        %swap3A_580 = arith.constant 0 : index
        %swap3A_581 = tpu.vector_load %arg9[%swap3A_579, %swap3A_580] {strides = array<i32>} : memref<2x80xi32, #tpu.memory_space<vmem>>, vector<1x16xi32>,
        %swap3A_582 = vector.shape_cast %swap3A_581 : vector<1x16xi32> to vector<16xi32>
        %swap3A_583 = vector.shape_cast %add3A_577 : vector<16xi32> to vector<1x16xi32>
        tpu.vector_store %arg9[%swap3A_579, %swap3A_580], %swap3A_583 {strides = array<i32>} : memref<2x80xi32, #tpu.memory_space<vmem>>, vector<1x16xi32>,
        %get3A_584 = arith.constant 1 : i32
        %get3A_585 = arith.constant 0 : i32
        %get3A_586 = arith.index_cast %get3A_584 : i32 to index
        %get3A_587 = arith.index_cast %get3A_585 : i32 to index
        %get3A_588 = arith.constant 16 : index
        %get3A_589 = tpu.vector_load %arg6[%get3A_586, %get3A_587, %get3A_588] {strides = array<i32>} : memref<2x2x80xi32, #tpu.memory_space<vmem>>, vector<1x1x16xi32>,
        %get3A_590 = vector.shape_cast %get3A_589 : vector<1x1x16xi32> to vector<16xi32>
        %add3A_591 = vector.broadcast %mul3A_0 : i32 to vector<16xi32>
        %add3A_592 = arith.addi %get3A_590, %add3A_591 : vector<16xi32>
        %swap3A_593 = arith.constant 1 : i32
        %swap3A_594 = arith.index_cast %swap3A_593 : i32 to index
        %swap3A_595 = arith.constant 16 : index
        %swap3A_596 = tpu.vector_load %arg7[%swap3A_594, %swap3A_595] {strides = array<i32>} : memref<2x80xi32, #tpu.memory_space<vmem>>, vector<1x16xi32>,
        %swap3A_597 = vector.shape_cast %swap3A_596 : vector<1x16xi32> to vector<16xi32>
        %swap3A_598 = vector.shape_cast %add3A_592 : vector<16xi32> to vector<1x16xi32>
        tpu.vector_store %arg7[%swap3A_594, %swap3A_595], %swap3A_598 {strides = array<i32>} : memref<2x80xi32, #tpu.memory_space<vmem>>, vector<1x16xi32>,
        %get3A_599 = arith.constant 1 : i32
        %get3A_600 = arith.constant 1 : i32
        %get3A_601 = arith.index_cast %get3A_599 : i32 to index
        %get3A_602 = arith.index_cast %get3A_600 : i32 to index
        %get3A_603 = arith.constant 16 : index
        %get3A_604 = tpu.vector_load %arg6[%get3A_601, %get3A_602, %get3A_603] {strides = array<i32>} : memref<2x2x80xi32, #tpu.memory_space<vmem>>, vector<1x1x16xi32>,
        %get3A_605 = vector.shape_cast %get3A_604 : vector<1x1x16xi32> to vector<16xi32>
        %add3A_606 = vector.broadcast %mul3A_0 : i32 to vector<16xi32>
        %add3A_607 = arith.addi %get3A_605, %add3A_606 : vector<16xi32>
        %swap3A_608 = arith.constant 1 : i32
        %swap3A_609 = arith.index_cast %swap3A_608 : i32 to index
        %swap3A_610 = arith.constant 16 : index
        %swap3A_611 = tpu.vector_load %arg9[%swap3A_609, %swap3A_610] {strides = array<i32>} : memref<2x80xi32, #tpu.memory_space<vmem>>, vector<1x16xi32>,
        %swap3A_612 = vector.shape_cast %swap3A_611 : vector<1x16xi32> to vector<16xi32>
        %swap3A_613 = vector.shape_cast %add3A_607 : vector<16xi32> to vector<1x16xi32>
        tpu.vector_store %arg9[%swap3A_609, %swap3A_610], %swap3A_613 {strides = array<i32>} : memref<2x80xi32, #tpu.memory_space<vmem>>, vector<1x16xi32>,
        %get3A_614 = arith.constant 1 : i32
        %get3A_615 = arith.constant 0 : i32
        %get3A_616 = arith.index_cast %get3A_614 : i32 to index
        %get3A_617 = arith.index_cast %get3A_615 : i32 to index
        %get3A_618 = arith.constant 32 : index
        %get3A_619 = tpu.vector_load %arg6[%get3A_616, %get3A_617, %get3A_618] {strides = array<i32>} : memref<2x2x80xi32, #tpu.memory_space<vmem>>, vector<1x1x16xi32>,
        %get3A_620 = vector.shape_cast %get3A_619 : vector<1x1x16xi32> to vector<16xi32>
        %add3A_621 = vector.broadcast %mul3A_0 : i32 to vector<16xi32>
        %add3A_622 = arith.addi %get3A_620, %add3A_621 : vector<16xi32>
        %swap3A_623 = arith.constant 1 : i32
        %swap3A_624 = arith.index_cast %swap3A_623 : i32 to index
        %swap3A_625 = arith.constant 32 : index
        %swap3A_626 = tpu.vector_load %arg7[%swap3A_624, %swap3A_625] {strides = array<i32>} : memref<2x80xi32, #tpu.memory_space<vmem>>, vector<1x16xi32>,
        %swap3A_627 = vector.shape_cast %swap3A_626 : vector<1x16xi32> to vector<16xi32>
        %swap3A_628 = vector.shape_cast %add3A_622 : vector<16xi32> to vector<1x16xi32>
        tpu.vector_store %arg7[%swap3A_624, %swap3A_625], %swap3A_628 {strides = array<i32>} : memref<2x80xi32, #tpu.memory_space<vmem>>, vector<1x16xi32>,
        %get3A_629 = arith.constant 1 : i32
        %get3A_630 = arith.constant 1 : i32
        %get3A_631 = arith.index_cast %get3A_629 : i32 to index
        %get3A_632 = arith.index_cast %get3A_630 : i32 to index
        %get3A_633 = arith.constant 32 : index
        %get3A_634 = tpu.vector_load %arg6[%get3A_631, %get3A_632, %get3A_633] {strides = array<i32>} : memref<2x2x80xi32, #tpu.memory_space<vmem>>, vector<1x1x16xi32>,
        %get3A_635 = vector.shape_cast %get3A_634 : vector<1x1x16xi32> to vector<16xi32>
        %add3A_636 = vector.broadcast %mul3A_0 : i32 to vector<16xi32>
        %add3A_637 = arith.addi %get3A_635, %add3A_636 : vector<16xi32>
        %swap3A_638 = arith.constant 1 : i32
        %swap3A_639 = arith.index_cast %swap3A_638 : i32 to index
        %swap3A_640 = arith.constant 32 : index
        %swap3A_641 = tpu.vector_load %arg9[%swap3A_639, %swap3A_640] {strides = array<i32>} : memref<2x80xi32, #tpu.memory_space<vmem>>, vector<1x16xi32>,
        %swap3A_642 = vector.shape_cast %swap3A_641 : vector<1x16xi32> to vector<16xi32>
        %swap3A_643 = vector.shape_cast %add3A_637 : vector<16xi32> to vector<1x16xi32>
        tpu.vector_store %arg9[%swap3A_639, %swap3A_640], %swap3A_643 {strides = array<i32>} : memref<2x80xi32, #tpu.memory_space<vmem>>, vector<1x16xi32>,
        %get3A_644 = arith.constant 1 : i32
        %get3A_645 = arith.constant 0 : i32
        %get3A_646 = arith.index_cast %get3A_644 : i32 to index
        %get3A_647 = arith.index_cast %get3A_645 : i32 to index
        %get3A_648 = arith.constant 48 : index
        %get3A_649 = tpu.vector_load %arg6[%get3A_646, %get3A_647, %get3A_648] {strides = array<i32>} : memref<2x2x80xi32, #tpu.memory_space<vmem>>, vector<1x1x16xi32>,
        %get3A_650 = vector.shape_cast %get3A_649 : vector<1x1x16xi32> to vector<16xi32>
        %add3A_651 = vector.broadcast %mul3A_0 : i32 to vector<16xi32>
        %add3A_652 = arith.addi %get3A_650, %add3A_651 : vector<16xi32>
        %swap3A_653 = arith.constant 1 : i32
        %swap3A_654 = arith.index_cast %swap3A_653 : i32 to index
        %swap3A_655 = arith.constant 48 : index
        %swap3A_656 = tpu.vector_load %arg7[%swap3A_654, %swap3A_655] {strides = array<i32>} : memref<2x80xi32, #tpu.memory_space<vmem>>, vector<1x16xi32>,
        %swap3A_657 = vector.shape_cast %swap3A_656 : vector<1x16xi32> to vector<16xi32>
        %swap3A_658 = vector.shape_cast %add3A_652 : vector<16xi32> to vector<1x16xi32>
        tpu.vector_store %arg7[%swap3A_654, %swap3A_655], %swap3A_658 {strides = array<i32>} : memref<2x80xi32, #tpu.memory_space<vmem>>, vector<1x16xi32>,
        %get3A_659 = arith.constant 1 : i32
        %get3A_660 = arith.constant 1 : i32
        %get3A_661 = arith.index_cast %get3A_659 : i32 to index
        %get3A_662 = arith.index_cast %get3A_660 : i32 to index
        %get3A_663 = arith.constant 48 : index
        %get3A_664 = tpu.vector_load %arg6[%get3A_661, %get3A_662, %get3A_663] {strides = array<i32>} : memref<2x2x80xi32, #tpu.memory_space<vmem>>, vector<1x1x16xi32>,
        %get3A_665 = vector.shape_cast %get3A_664 : vector<1x1x16xi32> to vector<16xi32>
        %add3A_666 = vector.broadcast %mul3A_0 : i32 to vector<16xi32>
        %add3A_667 = arith.addi %get3A_665, %add3A_666 : vector<16xi32>
        %swap3A_668 = arith.constant 1 : i32
        %swap3A_669 = arith.index_cast %swap3A_668 : i32 to index
        %swap3A_670 = arith.constant 48 : index
        %swap3A_671 = tpu.vector_load %arg9[%swap3A_669, %swap3A_670] {strides = array<i32>} : memref<2x80xi32, #tpu.memory_space<vmem>>, vector<1x16xi32>,
        %swap3A_672 = vector.shape_cast %swap3A_671 : vector<1x16xi32> to vector<16xi32>
        %swap3A_673 = vector.shape_cast %add3A_667 : vector<16xi32> to vector<1x16xi32>
        tpu.vector_store %arg9[%swap3A_669, %swap3A_670], %swap3A_673 {strides = array<i32>} : memref<2x80xi32, #tpu.memory_space<vmem>>, vector<1x16xi32>,
        %get3A_674 = arith.constant 1 : i32
        %get3A_675 = arith.constant 0 : i32
        %get3A_676 = arith.index_cast %get3A_674 : i32 to index
        %get3A_677 = arith.index_cast %get3A_675 : i32 to index
        %get3A_678 = arith.constant 64 : index
        %get3A_679 = tpu.vector_load %arg6[%get3A_676, %get3A_677, %get3A_678] {strides = array<i32>} : memref<2x2x80xi32, #tpu.memory_space<vmem>>, vector<1x1x16xi32>,
        %get3A_680 = vector.shape_cast %get3A_679 : vector<1x1x16xi32> to vector<16xi32>
        %add3A_681 = vector.broadcast %mul3A_0 : i32 to vector<16xi32>
        %add3A_682 = arith.addi %get3A_680, %add3A_681 : vector<16xi32>
        %swap3A_683 = arith.constant 1 : i32
        %swap3A_684 = arith.index_cast %swap3A_683 : i32 to index
        %swap3A_685 = arith.constant 64 : index
        %swap3A_686 = tpu.vector_load %arg7[%swap3A_684, %swap3A_685] {strides = array<i32>} : memref<2x80xi32, #tpu.memory_space<vmem>>, vector<1x16xi32>,
        %swap3A_687 = vector.shape_cast %swap3A_686 : vector<1x16xi32> to vector<16xi32>
        %swap3A_688 = vector.shape_cast %add3A_682 : vector<16xi32> to vector<1x16xi32>
        tpu.vector_store %arg7[%swap3A_684, %swap3A_685], %swap3A_688 {strides = array<i32>} : memref<2x80xi32, #tpu.memory_space<vmem>>, vector<1x16xi32>,
        %get3A_689 = arith.constant 1 : i32
        %get3A_690 = arith.constant 1 : i32
        %get3A_691 = arith.index_cast %get3A_689 : i32 to index
        %get3A_692 = arith.index_cast %get3A_690 : i32 to index
        %get3A_693 = arith.constant 64 : index
        %get3A_694 = tpu.vector_load %arg6[%get3A_691, %get3A_692, %get3A_693] {strides = array<i32>} : memref<2x2x80xi32, #tpu.memory_space<vmem>>, vector<1x1x16xi32>,
        %get3A_695 = vector.shape_cast %get3A_694 : vector<1x1x16xi32> to vector<16xi32>
        %add3A_696 = vector.broadcast %mul3A_0 : i32 to vector<16xi32>
        %add3A_697 = arith.addi %get3A_695, %add3A_696 : vector<16xi32>
        %swap3A_698 = arith.constant 1 : i32
        %swap3A_699 = arith.index_cast %swap3A_698 : i32 to index
        %swap3A_700 = arith.constant 64 : index
        %swap3A_701 = tpu.vector_load %arg9[%swap3A_699, %swap3A_700] {strides = array<i32>} : memref<2x80xi32, #tpu.memory_space<vmem>>, vector<1x16xi32>,
        %swap3A_702 = vector.shape_cast %swap3A_701 : vector<1x16xi32> to vector<16xi32>
        %swap3A_703 = vector.shape_cast %add3A_697 : vector<16xi32> to vector<1x16xi32>
        tpu.vector_store %arg9[%swap3A_699, %swap3A_700], %swap3A_703 {strides = array<i32>} : memref<2x80xi32, #tpu.memory_space<vmem>>, vector<1x16xi32>,
        %dma_start3A_704 = arith.constant 1 : i32
        %dma_start3A_705 = arith.constant 1 : i32
        %dma_start3A_706 = arith.constant 0 : i32
        %dma_start3A_707 = arith.constant 0 : i32
        %dma_start3A_708 = tpu.memref_slice %arg11[%dma_start3A_705, %dma_start3A_706, %dma_start3A_707] : memref<2x80x64xi32, #tpu.memory_space<vmem>> -> memref<1x80x64xi32, #tpu.memory_space<vmem>>
        %dma_start3A_709 = tpu.memref_squeeze %dma_start3A_708 : memref<1x80x64xi32, #tpu.memory_space<vmem>> -> memref<80x64xi32, #tpu.memory_space<vmem>>
        %dma_start3A_710 = arith.constant 0 : i32
        %dma_start3A_711 = tpu.memref_slice %arg7[%dma_start3A_704, %dma_start3A_710] : memref<2x80xi32, #tpu.memory_space<vmem>> -> memref<1x80xi32, #tpu.memory_space<vmem>>
        %dma_start3A_712 = tpu.memref_squeeze %dma_start3A_711 : memref<1x80xi32, #tpu.memory_space<vmem>> -> memref<80xi32, #tpu.memory_space<vmem>>
        %dma_start3A_713 = arith.constant 0 : i32
        %dma_start3A_714 = arith.constant 0 : i32
        %dma_start3A_715 = tpu.memref_slice %arg3[%dma_start3A_713, %dma_start3A_714] : memref<20000x64xi32, #tpu.memory_space<hbm>> -> memref<20000x64xi32, #tpu.memory_space<hbm>>
        tpu.enqueue_indirect_dma source(%dma_start3A_715 : memref<20000x64xi32, #tpu.memory_space<hbm>>) target(%dma_start3A_709 : memref<80x64xi32, #tpu.memory_space<vmem>>) offsets(%dma_start3A_712 : memref<80xi32, #tpu.memory_space<vmem>>) semaphore(%arg17 : memref<!tpu.dma_semaphore, #tpu.memory_space<semaphore_mem>>)
        %dma_start3A_716 = arith.constant 1 : i32
        %dma_start3A_717 = arith.constant 1 : i32
        %dma_start3A_718 = arith.constant 0 : i32
        %dma_start3A_719 = arith.constant 0 : i32
        %dma_start3A_720 = tpu.memref_slice %arg10[%dma_start3A_717, %dma_start3A_718, %dma_start3A_719] : memref<2x80x64xi32, #tpu.memory_space<vmem>> -> memref<1x80x64xi32, #tpu.memory_space<vmem>>
        %dma_start3A_721 = tpu.memref_squeeze %dma_start3A_720 : memref<1x80x64xi32, #tpu.memory_space<vmem>> -> memref<80x64xi32, #tpu.memory_space<vmem>>
        %dma_start3A_722 = arith.constant 0 : i32
        %dma_start3A_723 = tpu.memref_slice %arg9[%dma_start3A_716, %dma_start3A_722] : memref<2x80xi32, #tpu.memory_space<vmem>> -> memref<1x80xi32, #tpu.memory_space<vmem>>
        %dma_start3A_724 = tpu.memref_squeeze %dma_start3A_723 : memref<1x80xi32, #tpu.memory_space<vmem>> -> memref<80xi32, #tpu.memory_space<vmem>>
        %dma_start3A_725 = arith.constant 0 : i32
        %dma_start3A_726 = arith.constant 0 : i32
        %dma_start3A_727 = tpu.memref_slice %arg2[%dma_start3A_725, %dma_start3A_726] : memref<20000x64xi32, #tpu.memory_space<hbm>> -> memref<20000x64xi32, #tpu.memory_space<hbm>>
        tpu.enqueue_indirect_dma source(%dma_start3A_727 : memref<20000x64xi32, #tpu.memory_space<hbm>>) target(%dma_start3A_721 : memref<80x64xi32, #tpu.memory_space<vmem>>) offsets(%dma_start3A_724 : memref<80xi32, #tpu.memory_space<vmem>>) semaphore(%arg17 : memref<!tpu.dma_semaphore, #tpu.memory_space<semaphore_mem>>)
      } else {
      }
      %gt3A = arith.constant 0 : i32
      %gt3A_442 = arith.cmpi sgt, %add3A_400, %gt3A : i32
      %convert_element_type3A_443 = arith.extui %gt3A_442 : i1 to i32
      %cond3A_444 = arith.constant 0 : i32
      %cond3A_445 = arith.cmpi ne, %convert_element_type3A_443, %cond3A_444 : i32
      scf.if %cond3A_445 {
        %dma_wait3A_534 = arith.constant 1 : i32
        %dma_wait3A_535 = arith.constant 1 : i32
        %dma_wait3A_536 = arith.constant 0 : i32
        %dma_wait3A_537 = arith.constant 0 : i32
        %dma_wait3A_538 = tpu.memref_slice %arg12[%dma_wait3A_534, %dma_wait3A_536, %dma_wait3A_537] : memref<2x80x128xf32, #tpu.memory_space<vmem>> -> memref<1x80x128xf32, #tpu.memory_space<vmem>>
        %dma_wait3A_539 = tpu.memref_squeeze %dma_wait3A_538 : memref<1x80x128xf32, #tpu.memory_space<vmem>> -> memref<80x128xf32, #tpu.memory_space<vmem>>
        %dma_wait3A_540 = arith.constant 0 : i32
        %dma_wait3A_541 = tpu.memref_slice %arg8[%dma_wait3A_535, %dma_wait3A_540] : memref<2x80xi32, #tpu.memory_space<vmem>> -> memref<1x80xi32, #tpu.memory_space<vmem>>
        %dma_wait3A_542 = tpu.memref_squeeze %dma_wait3A_541 : memref<1x80xi32, #tpu.memory_space<vmem>> -> memref<80xi32, #tpu.memory_space<vmem>>
        %dma_wait3A_543 = arith.constant 0 : i32
        %dma_wait3A_544 = arith.constant 0 : i32
        %dma_wait3A_545 = tpu.memref_slice %arg13[%dma_wait3A_543, %dma_wait3A_544] : memref<10000x128xf32, #tpu.memory_space<vmem_shared>> -> memref<10000x128xf32, #tpu.memory_space<vmem_shared>>
        tpu.wait_indirect_dma semaphore(%arg19 : memref<!tpu.dma_semaphore, #tpu.memory_space<semaphore_mem>>) src(%dma_wait3A_539 : memref<80x128xf32, #tpu.memory_space<vmem>>) dst(%dma_wait3A_545 : memref<10000x128xf32, #tpu.memory_space<vmem_shared>>)
      } else {
      }
      %add3A_446 = arith.constant 1 : i32
      %add3A_447 = arith.addi %add3A_400, %add3A_446 : i32
      %lt3A_448 = arith.constant 125 : i32
      %lt3A_449 = arith.cmpi slt, %add3A_447, %lt3A_448 : i32
      %convert_element_type3A_450 = arith.extui %lt3A_449 : i1 to i32
      %cond3A_451 = arith.constant 0 : i32
      %cond3A_452 = arith.cmpi ne, %convert_element_type3A_450, %cond3A_451 : i32
      scf.if %cond3A_452 {
        %get3A_534 = arith.constant 1 : i32
        %get3A_535 = arith.constant 1 : i32
        %get3A_536 = arith.index_cast %get3A_534 : i32 to index
        %get3A_537 = arith.index_cast %get3A_535 : i32 to index
        %get3A_538 = arith.constant 0 : index
        %get3A_539 = tpu.vector_load %arg6[%get3A_536, %get3A_537, %get3A_538] {strides = array<i32>} : memref<2x2x80xi32, #tpu.memory_space<vmem>>, vector<1x1x16xi32>,
        %get3A_540 = vector.shape_cast %get3A_539 : vector<1x1x16xi32> to vector<16xi32>
        %swap3A_541 = arith.constant 1 : i32
        %swap3A_542 = arith.index_cast %swap3A_541 : i32 to index
        %swap3A_543 = arith.constant 0 : index
        %swap3A_544 = tpu.vector_load %arg8[%swap3A_542, %swap3A_543] {strides = array<i32>} : memref<2x80xi32, #tpu.memory_space<vmem>>, vector<1x16xi32>,
        %swap3A_545 = vector.shape_cast %swap3A_544 : vector<1x16xi32> to vector<16xi32>
        %swap3A_546 = vector.shape_cast %get3A_540 : vector<16xi32> to vector<1x16xi32>
        tpu.vector_store %arg8[%swap3A_542, %swap3A_543], %swap3A_546 {strides = array<i32>} : memref<2x80xi32, #tpu.memory_space<vmem>>, vector<1x16xi32>,
        %get3A_547 = arith.constant 1 : i32
        %get3A_548 = arith.constant 1 : i32
        %get3A_549 = arith.index_cast %get3A_547 : i32 to index
        %get3A_550 = arith.index_cast %get3A_548 : i32 to index
        %get3A_551 = arith.constant 16 : index
        %get3A_552 = tpu.vector_load %arg6[%get3A_549, %get3A_550, %get3A_551] {strides = array<i32>} : memref<2x2x80xi32, #tpu.memory_space<vmem>>, vector<1x1x16xi32>,
        %get3A_553 = vector.shape_cast %get3A_552 : vector<1x1x16xi32> to vector<16xi32>
        %swap3A_554 = arith.constant 1 : i32
        %swap3A_555 = arith.index_cast %swap3A_554 : i32 to index
        %swap3A_556 = arith.constant 16 : index
        %swap3A_557 = tpu.vector_load %arg8[%swap3A_555, %swap3A_556] {strides = array<i32>} : memref<2x80xi32, #tpu.memory_space<vmem>>, vector<1x16xi32>,
        %swap3A_558 = vector.shape_cast %swap3A_557 : vector<1x16xi32> to vector<16xi32>
        %swap3A_559 = vector.shape_cast %get3A_553 : vector<16xi32> to vector<1x16xi32>
        tpu.vector_store %arg8[%swap3A_555, %swap3A_556], %swap3A_559 {strides = array<i32>} : memref<2x80xi32, #tpu.memory_space<vmem>>, vector<1x16xi32>,
        %get3A_560 = arith.constant 1 : i32
        %get3A_561 = arith.constant 1 : i32
        %get3A_562 = arith.index_cast %get3A_560 : i32 to index
        %get3A_563 = arith.index_cast %get3A_561 : i32 to index
        %get3A_564 = arith.constant 32 : index
        %get3A_565 = tpu.vector_load %arg6[%get3A_562, %get3A_563, %get3A_564] {strides = array<i32>} : memref<2x2x80xi32, #tpu.memory_space<vmem>>, vector<1x1x16xi32>,
        %get3A_566 = vector.shape_cast %get3A_565 : vector<1x1x16xi32> to vector<16xi32>
        %swap3A_567 = arith.constant 1 : i32
        %swap3A_568 = arith.index_cast %swap3A_567 : i32 to index
        %swap3A_569 = arith.constant 32 : index
        %swap3A_570 = tpu.vector_load %arg8[%swap3A_568, %swap3A_569] {strides = array<i32>} : memref<2x80xi32, #tpu.memory_space<vmem>>, vector<1x16xi32>,
        %swap3A_571 = vector.shape_cast %swap3A_570 : vector<1x16xi32> to vector<16xi32>
        %swap3A_572 = vector.shape_cast %get3A_566 : vector<16xi32> to vector<1x16xi32>
        tpu.vector_store %arg8[%swap3A_568, %swap3A_569], %swap3A_572 {strides = array<i32>} : memref<2x80xi32, #tpu.memory_space<vmem>>, vector<1x16xi32>,
        %get3A_573 = arith.constant 1 : i32
        %get3A_574 = arith.constant 1 : i32
        %get3A_575 = arith.index_cast %get3A_573 : i32 to index
        %get3A_576 = arith.index_cast %get3A_574 : i32 to index
        %get3A_577 = arith.constant 48 : index
        %get3A_578 = tpu.vector_load %arg6[%get3A_575, %get3A_576, %get3A_577] {strides = array<i32>} : memref<2x2x80xi32, #tpu.memory_space<vmem>>, vector<1x1x16xi32>,
        %get3A_579 = vector.shape_cast %get3A_578 : vector<1x1x16xi32> to vector<16xi32>
        %swap3A_580 = arith.constant 1 : i32
        %swap3A_581 = arith.index_cast %swap3A_580 : i32 to index
        %swap3A_582 = arith.constant 48 : index
        %swap3A_583 = tpu.vector_load %arg8[%swap3A_581, %swap3A_582] {strides = array<i32>} : memref<2x80xi32, #tpu.memory_space<vmem>>, vector<1x16xi32>,
        %swap3A_584 = vector.shape_cast %swap3A_583 : vector<1x16xi32> to vector<16xi32>
        %swap3A_585 = vector.shape_cast %get3A_579 : vector<16xi32> to vector<1x16xi32>
        tpu.vector_store %arg8[%swap3A_581, %swap3A_582], %swap3A_585 {strides = array<i32>} : memref<2x80xi32, #tpu.memory_space<vmem>>, vector<1x16xi32>,
        %get3A_586 = arith.constant 1 : i32
        %get3A_587 = arith.constant 1 : i32
        %get3A_588 = arith.index_cast %get3A_586 : i32 to index
        %get3A_589 = arith.index_cast %get3A_587 : i32 to index
        %get3A_590 = arith.constant 64 : index
        %get3A_591 = tpu.vector_load %arg6[%get3A_588, %get3A_589, %get3A_590] {strides = array<i32>} : memref<2x2x80xi32, #tpu.memory_space<vmem>>, vector<1x1x16xi32>,
        %get3A_592 = vector.shape_cast %get3A_591 : vector<1x1x16xi32> to vector<16xi32>
        %swap3A_593 = arith.constant 1 : i32
        %swap3A_594 = arith.index_cast %swap3A_593 : i32 to index
        %swap3A_595 = arith.constant 64 : index
        %swap3A_596 = tpu.vector_load %arg8[%swap3A_594, %swap3A_595] {strides = array<i32>} : memref<2x80xi32, #tpu.memory_space<vmem>>, vector<1x16xi32>,
        %swap3A_597 = vector.shape_cast %swap3A_596 : vector<1x16xi32> to vector<16xi32>
        %swap3A_598 = vector.shape_cast %get3A_592 : vector<16xi32> to vector<1x16xi32>
        tpu.vector_store %arg8[%swap3A_594, %swap3A_595], %swap3A_598 {strides = array<i32>} : memref<2x80xi32, #tpu.memory_space<vmem>>, vector<1x16xi32>,
      } else {
      }
      %dma_start3A_453 = arith.constant 0 : i32
      %dma_start3A_454 = arith.constant 0 : i32
      %dma_start3A_455 = arith.constant 0 : i32
      %dma_start3A_456 = arith.constant 0 : i32
      %dma_start3A_457 = tpu.memref_slice %arg12[%dma_start3A_453, %dma_start3A_455, %dma_start3A_456] : memref<2x80x128xf32, #tpu.memory_space<vmem>> -> memref<1x80x128xf32, #tpu.memory_space<vmem>>
      %dma_start3A_458 = tpu.memref_squeeze %dma_start3A_457 : memref<1x80x128xf32, #tpu.memory_space<vmem>> -> memref<80x128xf32, #tpu.memory_space<vmem>>
      %dma_start3A_459 = arith.constant 0 : i32
      %dma_start3A_460 = tpu.memref_slice %arg8[%dma_start3A_454, %dma_start3A_459] : memref<2x80xi32, #tpu.memory_space<vmem>> -> memref<1x80xi32, #tpu.memory_space<vmem>>
      %dma_start3A_461 = tpu.memref_squeeze %dma_start3A_460 : memref<1x80xi32, #tpu.memory_space<vmem>> -> memref<80xi32, #tpu.memory_space<vmem>>
      %dma_start3A_462 = arith.constant 0 : i32
      %dma_start3A_463 = arith.constant 0 : i32
      %dma_start3A_464 = tpu.memref_slice %arg13[%dma_start3A_462, %dma_start3A_463] : memref<10000x128xf32, #tpu.memory_space<vmem_shared>> -> memref<10000x128xf32, #tpu.memory_space<vmem_shared>>
      tpu.enqueue_indirect_dma source(%dma_start3A_458 : memref<80x128xf32, #tpu.memory_space<vmem>>) target(%dma_start3A_464 : memref<10000x128xf32, #tpu.memory_space<vmem_shared>>) offsets(%dma_start3A_461 : memref<80xi32, #tpu.memory_space<vmem>>) semaphore(%arg18 : memref<!tpu.dma_semaphore, #tpu.memory_space<semaphore_mem>>) {add = true}
      %mul3A_465 = arith.constant 2 : i32
      %mul3A_466 = arith.muli %mul3A_465, %scan3A_396 : i32
      %add3A_467 = arith.constant 1 : i32
      %add3A_468 = arith.addi %mul3A_466, %add3A_467 : i32
      %add3A_469 = arith.constant 1 : i32
      %add3A_470 = arith.addi %add3A_468, %add3A_469 : i32
      %lt3A_471 = arith.constant 125 : i32
      %lt3A_472 = arith.cmpi slt, %add3A_470, %lt3A_471 : i32
      %convert_element_type3A_473 = arith.extui %lt3A_472 : i1 to i32
      %cond3A_474 = arith.constant 0 : i32
      %cond3A_475 = arith.cmpi ne, %convert_element_type3A_473, %cond3A_474 : i32
      scf.if %cond3A_475 {
        %add3A_534 = arith.constant 1 : i32
        %add3A_535 = arith.addi %add3A_468, %add3A_534 : i32
        %mul3A_536 = arith.constant 10000 : i32
        %mul3A_537 = arith.muli %arg1, %mul3A_536 : i32
        %mul3A_538 = arith.constant 80 : i32
        %mul3A_539 = arith.muli %add3A_535, %mul3A_538 : i32
        %add3A_540 = arith.addi %mul3A_537, %mul3A_539 : i32
        %dma_start3A_541 = arith.constant 0 : i32
        %dma_start3A_542 = arith.constant 0 : i32
        %dma_start3A_543 = arith.constant 0 : i32
        %dma_start3A_544 = tpu.memref_slice %arg6[%dma_start3A_541, %dma_start3A_542, %dma_start3A_543] : memref<2x2x80xi32, #tpu.memory_space<vmem>> -> memref<1x2x80xi32, #tpu.memory_space<vmem>>
        %dma_start3A_545 = tpu.memref_squeeze %dma_start3A_544 : memref<1x2x80xi32, #tpu.memory_space<vmem>> -> memref<2x80xi32, #tpu.memory_space<vmem>>
        %dma_start3A_546 = arith.constant 0 : i32
        %dma_start3A_547 = tpu.memref_slice %arg4[%dma_start3A_546, %add3A_540] : memref<2x160000xi32, #tpu.memory_space<hbm>> -> memref<2x80xi32, #tpu.memory_space<hbm>>
        %dma_start3A_548 = arith.constant 0 : i32
        %dma_start3A_549 = arith.constant 0 : i32
        %dma_start3A_550 = tpu.memref_slice %arg6[%dma_start3A_541, %dma_start3A_548, %dma_start3A_549] : memref<2x2x80xi32, #tpu.memory_space<vmem>> -> memref<1x2x80xi32, #tpu.memory_space<vmem>>
        %dma_start3A_551 = tpu.memref_squeeze %dma_start3A_550 : memref<1x2x80xi32, #tpu.memory_space<vmem>> -> memref<2x80xi32, #tpu.memory_space<vmem>>
        %dma_start3A_552 = arith.constant 0 : i32
        %dma_start3A_553 = tpu.memref_slice %arg4[%dma_start3A_552, %add3A_540] : memref<2x160000xi32, #tpu.memory_space<hbm>> -> memref<2x80xi32, #tpu.memory_space<hbm>>
        tpu.enqueue_dma source(%dma_start3A_553 : memref<2x80xi32, #tpu.memory_space<hbm>>) target(%dma_start3A_551 : memref<2x80xi32, #tpu.memory_space<vmem>>) target_semaphore(%arg14 : memref<!tpu.dma_semaphore, #tpu.memory_space<semaphore_mem>>)
      } else {
      }
      %dma_wait3A_476 = arith.constant 1 : i32
      %dma_wait3A_477 = arith.constant 1 : i32
      %dma_wait3A_478 = arith.constant 0 : i32
      %dma_wait3A_479 = arith.constant 0 : i32
      %dma_wait3A_480 = tpu.memref_slice %arg11[%dma_wait3A_477, %dma_wait3A_478, %dma_wait3A_479] : memref<2x80x64xi32, #tpu.memory_space<vmem>> -> memref<1x80x64xi32, #tpu.memory_space<vmem>>
      %dma_wait3A_481 = tpu.memref_squeeze %dma_wait3A_480 : memref<1x80x64xi32, #tpu.memory_space<vmem>> -> memref<80x64xi32, #tpu.memory_space<vmem>>
      %dma_wait3A_482 = arith.constant 0 : i32
      %dma_wait3A_483 = tpu.memref_slice %arg7[%dma_wait3A_476, %dma_wait3A_482] : memref<2x80xi32, #tpu.memory_space<vmem>> -> memref<1x80xi32, #tpu.memory_space<vmem>>
      %dma_wait3A_484 = tpu.memref_squeeze %dma_wait3A_483 : memref<1x80xi32, #tpu.memory_space<vmem>> -> memref<80xi32, #tpu.memory_space<vmem>>
      %dma_wait3A_485 = arith.constant 0 : i32
      %dma_wait3A_486 = arith.constant 0 : i32
      %dma_wait3A_487 = tpu.memref_slice %arg3[%dma_wait3A_485, %dma_wait3A_486] : memref<20000x64xi32, #tpu.memory_space<hbm>> -> memref<20000x64xi32, #tpu.memory_space<hbm>>
      tpu.wait_indirect_dma semaphore(%arg17 : memref<!tpu.dma_semaphore, #tpu.memory_space<semaphore_mem>>) src(%dma_wait3A_487 : memref<20000x64xi32, #tpu.memory_space<hbm>>) dst(%dma_wait3A_481 : memref<80x64xi32, #tpu.memory_space<vmem>>)
      %dma_wait3A_488 = arith.constant 1 : i32
      %dma_wait3A_489 = arith.constant 1 : i32
      %dma_wait3A_490 = arith.constant 0 : i32
      %dma_wait3A_491 = arith.constant 0 : i32
      %dma_wait3A_492 = tpu.memref_slice %arg10[%dma_wait3A_489, %dma_wait3A_490, %dma_wait3A_491] : memref<2x80x64xi32, #tpu.memory_space<vmem>> -> memref<1x80x64xi32, #tpu.memory_space<vmem>>
      %dma_wait3A_493 = tpu.memref_squeeze %dma_wait3A_492 : memref<1x80x64xi32, #tpu.memory_space<vmem>> -> memref<80x64xi32, #tpu.memory_space<vmem>>
      %dma_wait3A_494 = arith.constant 0 : i32
      %dma_wait3A_495 = tpu.memref_slice %arg9[%dma_wait3A_488, %dma_wait3A_494] : memref<2x80xi32, #tpu.memory_space<vmem>> -> memref<1x80xi32, #tpu.memory_space<vmem>>
      %dma_wait3A_496 = tpu.memref_squeeze %dma_wait3A_495 : memref<1x80xi32, #tpu.memory_space<vmem>> -> memref<80xi32, #tpu.memory_space<vmem>>
      %dma_wait3A_497 = arith.constant 0 : i32
      %dma_wait3A_498 = arith.constant 0 : i32
      %dma_wait3A_499 = tpu.memref_slice %arg2[%dma_wait3A_497, %dma_wait3A_498] : memref<20000x64xi32, #tpu.memory_space<hbm>> -> memref<20000x64xi32, #tpu.memory_space<hbm>>
      tpu.wait_indirect_dma semaphore(%arg17 : memref<!tpu.dma_semaphore, #tpu.memory_space<semaphore_mem>>) src(%dma_wait3A_499 : memref<20000x64xi32, #tpu.memory_space<hbm>>) dst(%dma_wait3A_493 : memref<80x64xi32, #tpu.memory_space<vmem>>)
      %parallel_loop3A_500 = arith.constant 0 : i32
      %parallel_loop3A_501 = arith.constant 80 : i32
      %parallel_loop3A_502 = arith.constant 1 : i32
      scf.for %parallel_loop3A_534 = %parallel_loop3A_500 to %parallel_loop3A_501 step %parallel_loop3A_502  : i32 {
        %parallel_loop3A_535 = arith.constant 1 : i32
        %parallel_loop3A_536 = arith.index_cast %parallel_loop3A_535 : i32 to index
        %parallel_loop3A_537 = arith.index_cast %parallel_loop3A_534 : i32 to index
        %parallel_loop3A_538 = arith.constant 0 : index
        %parallel_loop3A_539 = tpu.vector_load %arg10[%parallel_loop3A_536, %parallel_loop3A_537, %parallel_loop3A_538] {strides = array<i32>} : memref<2x80x64xi32, #tpu.memory_space<vmem>>, vector<1x1x16xi32>,
        %parallel_loop3A_540 = vector.shape_cast %parallel_loop3A_539 : vector<1x1x16xi32> to vector<16xi32>
        %parallel_loop3A_541 = arith.constant 1 : i32
        %parallel_loop3A_542 = arith.index_cast %parallel_loop3A_541 : i32 to index
        %parallel_loop3A_543 = arith.index_cast %parallel_loop3A_534 : i32 to index
        %parallel_loop3A_544 = arith.constant 0 : index
        %parallel_loop3A_545 = tpu.vector_load %arg11[%parallel_loop3A_542, %parallel_loop3A_543, %parallel_loop3A_544] {strides = array<i32>} : memref<2x80x64xi32, #tpu.memory_space<vmem>>, vector<1x1x16xi32>,
        %parallel_loop3A_546 = vector.shape_cast %parallel_loop3A_545 : vector<1x1x16xi32> to vector<16xi32>
        %parallel_loop3A_547 = arith.constant 16 : i32
        %parallel_loop3A_548 = vector.broadcast %parallel_loop3A_547 : i32 to vector<16xi32>
        %parallel_loop3A_549 = arith.shli %parallel_loop3A_540, %parallel_loop3A_548 : vector<16xi32>
        %parallel_loop3A_550 = tpu.bitcast %parallel_loop3A_549 : vector<16xi32> -> vector<16xf32>
        %parallel_loop3A_551 = arith.constant 16 : i32
        %parallel_loop3A_552 = vector.broadcast %parallel_loop3A_551 : i32 to vector<16xi32>
        %parallel_loop3A_553 = arith.shli %parallel_loop3A_546, %parallel_loop3A_552 : vector<16xi32>
        %parallel_loop3A_554 = tpu.bitcast %parallel_loop3A_553 : vector<16xi32> -> vector<16xf32>
        %parallel_loop3A_555 = arith.addf %parallel_loop3A_550, %parallel_loop3A_554 : vector<16xf32>
        %parallel_loop3A_556 = vector.broadcast %scan3A_317 : i32 to vector<16xi32>
        %parallel_loop3A_557 = arith.andi %parallel_loop3A_540, %parallel_loop3A_556 : vector<16xi32>
        %parallel_loop3A_558 = tpu.bitcast %parallel_loop3A_557 : vector<16xi32> -> vector<16xf32>
        %parallel_loop3A_559 = vector.broadcast %scan3A_317 : i32 to vector<16xi32>
        %parallel_loop3A_560 = arith.andi %parallel_loop3A_546, %parallel_loop3A_559 : vector<16xi32>
        %parallel_loop3A_561 = tpu.bitcast %parallel_loop3A_560 : vector<16xi32> -> vector<16xf32>
        %parallel_loop3A_562 = arith.addf %parallel_loop3A_558, %parallel_loop3A_561 : vector<16xf32>
        %parallel_loop3A_563 = arith.constant 0.000000e+00 : f32
        %parallel_loop3A_564 = vector.broadcast %parallel_loop3A_563 : f32 to vector<16xf32>
        %parallel_loop3A_565 = arith.maximumf %parallel_loop3A_555, %parallel_loop3A_564 : vector<16xf32>
        %parallel_loop3A_566 = arith.constant 1 : i32
        %parallel_loop3A_567 = arith.index_cast %parallel_loop3A_566 : i32 to index
        %parallel_loop3A_568 = arith.index_cast %parallel_loop3A_534 : i32 to index
        %parallel_loop3A_569 = arith.constant 0 : index
        %parallel_loop3A_570 = tpu.vector_load %arg12[%parallel_loop3A_567, %parallel_loop3A_568, %parallel_loop3A_569] {strides = array<i32>} : memref<2x80x128xf32, #tpu.memory_space<vmem>>, vector<1x1x16xf32>,
        %parallel_loop3A_571 = vector.shape_cast %parallel_loop3A_570 : vector<1x1x16xf32> to vector<16xf32>
        %parallel_loop3A_572 = vector.shape_cast %parallel_loop3A_565 : vector<16xf32> to vector<1x1x16xf32>
        tpu.vector_store %arg12[%parallel_loop3A_567, %parallel_loop3A_568, %parallel_loop3A_569], %parallel_loop3A_572 {strides = array<i32>} : memref<2x80x128xf32, #tpu.memory_space<vmem>>, vector<1x1x16xf32>,
        %parallel_loop3A_573 = arith.constant 0.000000e+00 : f32
        %parallel_loop3A_574 = vector.broadcast %parallel_loop3A_573 : f32 to vector<16xf32>
        %parallel_loop3A_575 = arith.maximumf %parallel_loop3A_562, %parallel_loop3A_574 : vector<16xf32>
        %parallel_loop3A_576 = arith.constant 1 : i32
        %parallel_loop3A_577 = arith.index_cast %parallel_loop3A_576 : i32 to index
        %parallel_loop3A_578 = arith.index_cast %parallel_loop3A_534 : i32 to index
        %parallel_loop3A_579 = arith.constant 64 : index
        %parallel_loop3A_580 = tpu.vector_load %arg12[%parallel_loop3A_577, %parallel_loop3A_578, %parallel_loop3A_579] {strides = array<i32>} : memref<2x80x128xf32, #tpu.memory_space<vmem>>, vector<1x1x16xf32>,
        %parallel_loop3A_581 = vector.shape_cast %parallel_loop3A_580 : vector<1x1x16xf32> to vector<16xf32>
        %parallel_loop3A_582 = vector.shape_cast %parallel_loop3A_575 : vector<16xf32> to vector<1x1x16xf32>
        tpu.vector_store %arg12[%parallel_loop3A_577, %parallel_loop3A_578, %parallel_loop3A_579], %parallel_loop3A_582 {strides = array<i32>} : memref<2x80x128xf32, #tpu.memory_space<vmem>>, vector<1x1x16xf32>,
        %parallel_loop3A_583 = arith.constant 1 : i32
        %parallel_loop3A_584 = arith.index_cast %parallel_loop3A_583 : i32 to index
        %parallel_loop3A_585 = arith.index_cast %parallel_loop3A_534 : i32 to index
        %parallel_loop3A_586 = arith.constant 16 : index
        %parallel_loop3A_587 = tpu.vector_load %arg10[%parallel_loop3A_584, %parallel_loop3A_585, %parallel_loop3A_586] {strides = array<i32>} : memref<2x80x64xi32, #tpu.memory_space<vmem>>, vector<1x1x16xi32>,
        %parallel_loop3A_588 = vector.shape_cast %parallel_loop3A_587 : vector<1x1x16xi32> to vector<16xi32>
        %parallel_loop3A_589 = arith.constant 1 : i32
        %parallel_loop3A_590 = arith.index_cast %parallel_loop3A_589 : i32 to index
        %parallel_loop3A_591 = arith.index_cast %parallel_loop3A_534 : i32 to index
        %parallel_loop3A_592 = arith.constant 16 : index
        %parallel_loop3A_593 = tpu.vector_load %arg11[%parallel_loop3A_590, %parallel_loop3A_591, %parallel_loop3A_592] {strides = array<i32>} : memref<2x80x64xi32, #tpu.memory_space<vmem>>, vector<1x1x16xi32>,
        %parallel_loop3A_594 = vector.shape_cast %parallel_loop3A_593 : vector<1x1x16xi32> to vector<16xi32>
        %parallel_loop3A_595 = arith.constant 16 : i32
        %parallel_loop3A_596 = vector.broadcast %parallel_loop3A_595 : i32 to vector<16xi32>
        %parallel_loop3A_597 = arith.shli %parallel_loop3A_588, %parallel_loop3A_596 : vector<16xi32>
        %parallel_loop3A_598 = tpu.bitcast %parallel_loop3A_597 : vector<16xi32> -> vector<16xf32>
        %parallel_loop3A_599 = arith.constant 16 : i32
        %parallel_loop3A_600 = vector.broadcast %parallel_loop3A_599 : i32 to vector<16xi32>
        %parallel_loop3A_601 = arith.shli %parallel_loop3A_594, %parallel_loop3A_600 : vector<16xi32>
        %parallel_loop3A_602 = tpu.bitcast %parallel_loop3A_601 : vector<16xi32> -> vector<16xf32>
        %parallel_loop3A_603 = arith.addf %parallel_loop3A_598, %parallel_loop3A_602 : vector<16xf32>
        %parallel_loop3A_604 = vector.broadcast %scan3A_317 : i32 to vector<16xi32>
        %parallel_loop3A_605 = arith.andi %parallel_loop3A_588, %parallel_loop3A_604 : vector<16xi32>
        %parallel_loop3A_606 = tpu.bitcast %parallel_loop3A_605 : vector<16xi32> -> vector<16xf32>
        %parallel_loop3A_607 = vector.broadcast %scan3A_317 : i32 to vector<16xi32>
        %parallel_loop3A_608 = arith.andi %parallel_loop3A_594, %parallel_loop3A_607 : vector<16xi32>
        %parallel_loop3A_609 = tpu.bitcast %parallel_loop3A_608 : vector<16xi32> -> vector<16xf32>
        %parallel_loop3A_610 = arith.addf %parallel_loop3A_606, %parallel_loop3A_609 : vector<16xf32>
        %parallel_loop3A_611 = arith.constant 0.000000e+00 : f32
        %parallel_loop3A_612 = vector.broadcast %parallel_loop3A_611 : f32 to vector<16xf32>
        %parallel_loop3A_613 = arith.maximumf %parallel_loop3A_603, %parallel_loop3A_612 : vector<16xf32>
        %parallel_loop3A_614 = arith.constant 1 : i32
        %parallel_loop3A_615 = arith.index_cast %parallel_loop3A_614 : i32 to index
        %parallel_loop3A_616 = arith.index_cast %parallel_loop3A_534 : i32 to index
        %parallel_loop3A_617 = arith.constant 16 : index
        %parallel_loop3A_618 = tpu.vector_load %arg12[%parallel_loop3A_615, %parallel_loop3A_616, %parallel_loop3A_617] {strides = array<i32>} : memref<2x80x128xf32, #tpu.memory_space<vmem>>, vector<1x1x16xf32>,
        %parallel_loop3A_619 = vector.shape_cast %parallel_loop3A_618 : vector<1x1x16xf32> to vector<16xf32>
        %parallel_loop3A_620 = vector.shape_cast %parallel_loop3A_613 : vector<16xf32> to vector<1x1x16xf32>
        tpu.vector_store %arg12[%parallel_loop3A_615, %parallel_loop3A_616, %parallel_loop3A_617], %parallel_loop3A_620 {strides = array<i32>} : memref<2x80x128xf32, #tpu.memory_space<vmem>>, vector<1x1x16xf32>,
        %parallel_loop3A_621 = arith.constant 0.000000e+00 : f32
        %parallel_loop3A_622 = vector.broadcast %parallel_loop3A_621 : f32 to vector<16xf32>
        %parallel_loop3A_623 = arith.maximumf %parallel_loop3A_610, %parallel_loop3A_622 : vector<16xf32>
        %parallel_loop3A_624 = arith.constant 1 : i32
        %parallel_loop3A_625 = arith.index_cast %parallel_loop3A_624 : i32 to index
        %parallel_loop3A_626 = arith.index_cast %parallel_loop3A_534 : i32 to index
        %parallel_loop3A_627 = arith.constant 80 : index
        %parallel_loop3A_628 = tpu.vector_load %arg12[%parallel_loop3A_625, %parallel_loop3A_626, %parallel_loop3A_627] {strides = array<i32>} : memref<2x80x128xf32, #tpu.memory_space<vmem>>, vector<1x1x16xf32>,
        %parallel_loop3A_629 = vector.shape_cast %parallel_loop3A_628 : vector<1x1x16xf32> to vector<16xf32>
        %parallel_loop3A_630 = vector.shape_cast %parallel_loop3A_623 : vector<16xf32> to vector<1x1x16xf32>
        tpu.vector_store %arg12[%parallel_loop3A_625, %parallel_loop3A_626, %parallel_loop3A_627], %parallel_loop3A_630 {strides = array<i32>} : memref<2x80x128xf32, #tpu.memory_space<vmem>>, vector<1x1x16xf32>,
        %parallel_loop3A_631 = arith.constant 1 : i32
        %parallel_loop3A_632 = arith.index_cast %parallel_loop3A_631 : i32 to index
        %parallel_loop3A_633 = arith.index_cast %parallel_loop3A_534 : i32 to index
        %parallel_loop3A_634 = arith.constant 32 : index
        %parallel_loop3A_635 = tpu.vector_load %arg10[%parallel_loop3A_632, %parallel_loop3A_633, %parallel_loop3A_634] {strides = array<i32>} : memref<2x80x64xi32, #tpu.memory_space<vmem>>, vector<1x1x16xi32>,
        %parallel_loop3A_636 = vector.shape_cast %parallel_loop3A_635 : vector<1x1x16xi32> to vector<16xi32>
        %parallel_loop3A_637 = arith.constant 1 : i32
        %parallel_loop3A_638 = arith.index_cast %parallel_loop3A_637 : i32 to index
        %parallel_loop3A_639 = arith.index_cast %parallel_loop3A_534 : i32 to index
        %parallel_loop3A_640 = arith.constant 32 : index
        %parallel_loop3A_641 = tpu.vector_load %arg11[%parallel_loop3A_638, %parallel_loop3A_639, %parallel_loop3A_640] {strides = array<i32>} : memref<2x80x64xi32, #tpu.memory_space<vmem>>, vector<1x1x16xi32>,
        %parallel_loop3A_642 = vector.shape_cast %parallel_loop3A_641 : vector<1x1x16xi32> to vector<16xi32>
        %parallel_loop3A_643 = arith.constant 16 : i32
        %parallel_loop3A_644 = vector.broadcast %parallel_loop3A_643 : i32 to vector<16xi32>
        %parallel_loop3A_645 = arith.shli %parallel_loop3A_636, %parallel_loop3A_644 : vector<16xi32>
        %parallel_loop3A_646 = tpu.bitcast %parallel_loop3A_645 : vector<16xi32> -> vector<16xf32>
        %parallel_loop3A_647 = arith.constant 16 : i32
        %parallel_loop3A_648 = vector.broadcast %parallel_loop3A_647 : i32 to vector<16xi32>
        %parallel_loop3A_649 = arith.shli %parallel_loop3A_642, %parallel_loop3A_648 : vector<16xi32>
        %parallel_loop3A_650 = tpu.bitcast %parallel_loop3A_649 : vector<16xi32> -> vector<16xf32>
        %parallel_loop3A_651 = arith.addf %parallel_loop3A_646, %parallel_loop3A_650 : vector<16xf32>
        %parallel_loop3A_652 = vector.broadcast %scan3A_317 : i32 to vector<16xi32>
        %parallel_loop3A_653 = arith.andi %parallel_loop3A_636, %parallel_loop3A_652 : vector<16xi32>
        %parallel_loop3A_654 = tpu.bitcast %parallel_loop3A_653 : vector<16xi32> -> vector<16xf32>
        %parallel_loop3A_655 = vector.broadcast %scan3A_317 : i32 to vector<16xi32>
        %parallel_loop3A_656 = arith.andi %parallel_loop3A_642, %parallel_loop3A_655 : vector<16xi32>
        %parallel_loop3A_657 = tpu.bitcast %parallel_loop3A_656 : vector<16xi32> -> vector<16xf32>
        %parallel_loop3A_658 = arith.addf %parallel_loop3A_654, %parallel_loop3A_657 : vector<16xf32>
        %parallel_loop3A_659 = arith.constant 0.000000e+00 : f32
        %parallel_loop3A_660 = vector.broadcast %parallel_loop3A_659 : f32 to vector<16xf32>
        %parallel_loop3A_661 = arith.maximumf %parallel_loop3A_651, %parallel_loop3A_660 : vector<16xf32>
        %parallel_loop3A_662 = arith.constant 1 : i32
        %parallel_loop3A_663 = arith.index_cast %parallel_loop3A_662 : i32 to index
        %parallel_loop3A_664 = arith.index_cast %parallel_loop3A_534 : i32 to index
        %parallel_loop3A_665 = arith.constant 32 : index
        %parallel_loop3A_666 = tpu.vector_load %arg12[%parallel_loop3A_663, %parallel_loop3A_664, %parallel_loop3A_665] {strides = array<i32>} : memref<2x80x128xf32, #tpu.memory_space<vmem>>, vector<1x1x16xf32>,
        %parallel_loop3A_667 = vector.shape_cast %parallel_loop3A_666 : vector<1x1x16xf32> to vector<16xf32>
        %parallel_loop3A_668 = vector.shape_cast %parallel_loop3A_661 : vector<16xf32> to vector<1x1x16xf32>
        tpu.vector_store %arg12[%parallel_loop3A_663, %parallel_loop3A_664, %parallel_loop3A_665], %parallel_loop3A_668 {strides = array<i32>} : memref<2x80x128xf32, #tpu.memory_space<vmem>>, vector<1x1x16xf32>,
        %parallel_loop3A_669 = arith.constant 0.000000e+00 : f32
        %parallel_loop3A_670 = vector.broadcast %parallel_loop3A_669 : f32 to vector<16xf32>
        %parallel_loop3A_671 = arith.maximumf %parallel_loop3A_658, %parallel_loop3A_670 : vector<16xf32>
        %parallel_loop3A_672 = arith.constant 1 : i32
        %parallel_loop3A_673 = arith.index_cast %parallel_loop3A_672 : i32 to index
        %parallel_loop3A_674 = arith.index_cast %parallel_loop3A_534 : i32 to index
        %parallel_loop3A_675 = arith.constant 96 : index
        %parallel_loop3A_676 = tpu.vector_load %arg12[%parallel_loop3A_673, %parallel_loop3A_674, %parallel_loop3A_675] {strides = array<i32>} : memref<2x80x128xf32, #tpu.memory_space<vmem>>, vector<1x1x16xf32>,
        %parallel_loop3A_677 = vector.shape_cast %parallel_loop3A_676 : vector<1x1x16xf32> to vector<16xf32>
        %parallel_loop3A_678 = vector.shape_cast %parallel_loop3A_671 : vector<16xf32> to vector<1x1x16xf32>
        tpu.vector_store %arg12[%parallel_loop3A_673, %parallel_loop3A_674, %parallel_loop3A_675], %parallel_loop3A_678 {strides = array<i32>} : memref<2x80x128xf32, #tpu.memory_space<vmem>>, vector<1x1x16xf32>,
        %parallel_loop3A_679 = arith.constant 1 : i32
        %parallel_loop3A_680 = arith.index_cast %parallel_loop3A_679 : i32 to index
        %parallel_loop3A_681 = arith.index_cast %parallel_loop3A_534 : i32 to index
        %parallel_loop3A_682 = arith.constant 48 : index
        %parallel_loop3A_683 = tpu.vector_load %arg10[%parallel_loop3A_680, %parallel_loop3A_681, %parallel_loop3A_682] {strides = array<i32>} : memref<2x80x64xi32, #tpu.memory_space<vmem>>, vector<1x1x16xi32>,
        %parallel_loop3A_684 = vector.shape_cast %parallel_loop3A_683 : vector<1x1x16xi32> to vector<16xi32>
        %parallel_loop3A_685 = arith.constant 1 : i32
        %parallel_loop3A_686 = arith.index_cast %parallel_loop3A_685 : i32 to index
        %parallel_loop3A_687 = arith.index_cast %parallel_loop3A_534 : i32 to index
        %parallel_loop3A_688 = arith.constant 48 : index
        %parallel_loop3A_689 = tpu.vector_load %arg11[%parallel_loop3A_686, %parallel_loop3A_687, %parallel_loop3A_688] {strides = array<i32>} : memref<2x80x64xi32, #tpu.memory_space<vmem>>, vector<1x1x16xi32>,
        %parallel_loop3A_690 = vector.shape_cast %parallel_loop3A_689 : vector<1x1x16xi32> to vector<16xi32>
        %parallel_loop3A_691 = arith.constant 16 : i32
        %parallel_loop3A_692 = vector.broadcast %parallel_loop3A_691 : i32 to vector<16xi32>
        %parallel_loop3A_693 = arith.shli %parallel_loop3A_684, %parallel_loop3A_692 : vector<16xi32>
        %parallel_loop3A_694 = tpu.bitcast %parallel_loop3A_693 : vector<16xi32> -> vector<16xf32>
        %parallel_loop3A_695 = arith.constant 16 : i32
        %parallel_loop3A_696 = vector.broadcast %parallel_loop3A_695 : i32 to vector<16xi32>
        %parallel_loop3A_697 = arith.shli %parallel_loop3A_690, %parallel_loop3A_696 : vector<16xi32>
        %parallel_loop3A_698 = tpu.bitcast %parallel_loop3A_697 : vector<16xi32> -> vector<16xf32>
        %parallel_loop3A_699 = arith.addf %parallel_loop3A_694, %parallel_loop3A_698 : vector<16xf32>
        %parallel_loop3A_700 = vector.broadcast %scan3A_317 : i32 to vector<16xi32>
        %parallel_loop3A_701 = arith.andi %parallel_loop3A_684, %parallel_loop3A_700 : vector<16xi32>
        %parallel_loop3A_702 = tpu.bitcast %parallel_loop3A_701 : vector<16xi32> -> vector<16xf32>
        %parallel_loop3A_703 = vector.broadcast %scan3A_317 : i32 to vector<16xi32>
        %parallel_loop3A_704 = arith.andi %parallel_loop3A_690, %parallel_loop3A_703 : vector<16xi32>
        %parallel_loop3A_705 = tpu.bitcast %parallel_loop3A_704 : vector<16xi32> -> vector<16xf32>
        %parallel_loop3A_706 = arith.addf %parallel_loop3A_702, %parallel_loop3A_705 : vector<16xf32>
        %parallel_loop3A_707 = arith.constant 0.000000e+00 : f32
        %parallel_loop3A_708 = vector.broadcast %parallel_loop3A_707 : f32 to vector<16xf32>
        %parallel_loop3A_709 = arith.maximumf %parallel_loop3A_699, %parallel_loop3A_708 : vector<16xf32>
        %parallel_loop3A_710 = arith.constant 1 : i32
        %parallel_loop3A_711 = arith.index_cast %parallel_loop3A_710 : i32 to index
        %parallel_loop3A_712 = arith.index_cast %parallel_loop3A_534 : i32 to index
        %parallel_loop3A_713 = arith.constant 48 : index
        %parallel_loop3A_714 = tpu.vector_load %arg12[%parallel_loop3A_711, %parallel_loop3A_712, %parallel_loop3A_713] {strides = array<i32>} : memref<2x80x128xf32, #tpu.memory_space<vmem>>, vector<1x1x16xf32>,
        %parallel_loop3A_715 = vector.shape_cast %parallel_loop3A_714 : vector<1x1x16xf32> to vector<16xf32>
        %parallel_loop3A_716 = vector.shape_cast %parallel_loop3A_709 : vector<16xf32> to vector<1x1x16xf32>
        tpu.vector_store %arg12[%parallel_loop3A_711, %parallel_loop3A_712, %parallel_loop3A_713], %parallel_loop3A_716 {strides = array<i32>} : memref<2x80x128xf32, #tpu.memory_space<vmem>>, vector<1x1x16xf32>,
        %parallel_loop3A_717 = arith.constant 0.000000e+00 : f32
        %parallel_loop3A_718 = vector.broadcast %parallel_loop3A_717 : f32 to vector<16xf32>
        %parallel_loop3A_719 = arith.maximumf %parallel_loop3A_706, %parallel_loop3A_718 : vector<16xf32>
        %parallel_loop3A_720 = arith.constant 1 : i32
        %parallel_loop3A_721 = arith.index_cast %parallel_loop3A_720 : i32 to index
        %parallel_loop3A_722 = arith.index_cast %parallel_loop3A_534 : i32 to index
        %parallel_loop3A_723 = arith.constant 112 : index
        %parallel_loop3A_724 = tpu.vector_load %arg12[%parallel_loop3A_721, %parallel_loop3A_722, %parallel_loop3A_723] {strides = array<i32>} : memref<2x80x128xf32, #tpu.memory_space<vmem>>, vector<1x1x16xf32>,
        %parallel_loop3A_725 = vector.shape_cast %parallel_loop3A_724 : vector<1x1x16xf32> to vector<16xf32>
        %parallel_loop3A_726 = vector.shape_cast %parallel_loop3A_719 : vector<16xf32> to vector<1x1x16xf32>
        tpu.vector_store %arg12[%parallel_loop3A_721, %parallel_loop3A_722, %parallel_loop3A_723], %parallel_loop3A_726 {strides = array<i32>} : memref<2x80x128xf32, #tpu.memory_space<vmem>>, vector<1x1x16xf32>,
      } {sc.loop_unroll_factor = 4 : i64, sc.parallel_access}
      %add3A_503 = arith.constant 1 : i32
      %add3A_504 = arith.addi %add3A_468, %add3A_503 : i32
      %lt3A_505 = arith.constant 125 : i32
      %lt3A_506 = arith.cmpi slt, %add3A_504, %lt3A_505 : i32
      %convert_element_type3A_507 = arith.extui %lt3A_506 : i1 to i32
      %cond3A_508 = arith.constant 0 : i32
      %cond3A_509 = arith.cmpi ne, %convert_element_type3A_507, %cond3A_508 : i32
      scf.if %cond3A_509 {
        %add3A_534 = arith.constant 1 : i32
        %add3A_535 = arith.addi %add3A_468, %add3A_534 : i32
        %mul3A_536 = arith.constant 10000 : i32
        %mul3A_537 = arith.muli %arg1, %mul3A_536 : i32
        %mul3A_538 = arith.constant 80 : i32
        %mul3A_539 = arith.muli %add3A_535, %mul3A_538 : i32
        %add3A_540 = arith.addi %mul3A_537, %mul3A_539 : i32
        %dma_wait3A_541 = arith.constant 0 : i32
        %dma_wait3A_542 = arith.constant 0 : i32
        %dma_wait3A_543 = arith.constant 0 : i32
        %dma_wait3A_544 = tpu.memref_slice %arg6[%dma_wait3A_541, %dma_wait3A_542, %dma_wait3A_543] : memref<2x2x80xi32, #tpu.memory_space<vmem>> -> memref<1x2x80xi32, #tpu.memory_space<vmem>>
        %dma_wait3A_545 = tpu.memref_squeeze %dma_wait3A_544 : memref<1x2x80xi32, #tpu.memory_space<vmem>> -> memref<2x80xi32, #tpu.memory_space<vmem>>
        %dma_wait3A_546 = arith.constant 0 : i32
        %dma_wait3A_547 = tpu.memref_slice %arg4[%dma_wait3A_546, %add3A_540] : memref<2x160000xi32, #tpu.memory_space<hbm>> -> memref<2x80xi32, #tpu.memory_space<hbm>>
        %dma_wait3A_548 = arith.constant 0 : i32
        %dma_wait3A_549 = arith.constant 0 : i32
        %dma_wait3A_550 = tpu.memref_slice %arg6[%dma_wait3A_541, %dma_wait3A_548, %dma_wait3A_549] : memref<2x2x80xi32, #tpu.memory_space<vmem>> -> memref<1x2x80xi32, #tpu.memory_space<vmem>>
        %dma_wait3A_551 = tpu.memref_squeeze %dma_wait3A_550 : memref<1x2x80xi32, #tpu.memory_space<vmem>> -> memref<2x80xi32, #tpu.memory_space<vmem>>
        %dma_wait3A_552 = arith.constant 0 : i32
        %dma_wait3A_553 = tpu.memref_slice %arg4[%dma_wait3A_552, %add3A_540] : memref<2x160000xi32, #tpu.memory_space<hbm>> -> memref<2x80xi32, #tpu.memory_space<hbm>>
        tpu.wait_dma2 semaphore(%arg14 : memref<!tpu.dma_semaphore, #tpu.memory_space<semaphore_mem>>) src(%dma_wait3A_553 : memref<2x80xi32, #tpu.memory_space<hbm>>) dst(%dma_wait3A_551 : memref<2x80xi32, #tpu.memory_space<vmem>>)
        %get3A_554 = arith.constant 0 : i32
        %get3A_555 = arith.constant 0 : i32
        %get3A_556 = arith.index_cast %get3A_554 : i32 to index
        %get3A_557 = arith.index_cast %get3A_555 : i32 to index
        %get3A_558 = arith.constant 0 : index
        %get3A_559 = tpu.vector_load %arg6[%get3A_556, %get3A_557, %get3A_558] {strides = array<i32>} : memref<2x2x80xi32, #tpu.memory_space<vmem>>, vector<1x1x16xi32>,
        %get3A_560 = vector.shape_cast %get3A_559 : vector<1x1x16xi32> to vector<16xi32>
        %add3A_561 = vector.broadcast %mul3A_0 : i32 to vector<16xi32>
        %add3A_562 = arith.addi %get3A_560, %add3A_561 : vector<16xi32>
        %swap3A_563 = arith.constant 0 : i32
        %swap3A_564 = arith.index_cast %swap3A_563 : i32 to index
        %swap3A_565 = arith.constant 0 : index
        %swap3A_566 = tpu.vector_load %arg7[%swap3A_564, %swap3A_565] {strides = array<i32>} : memref<2x80xi32, #tpu.memory_space<vmem>>, vector<1x16xi32>,
        %swap3A_567 = vector.shape_cast %swap3A_566 : vector<1x16xi32> to vector<16xi32>
        %swap3A_568 = vector.shape_cast %add3A_562 : vector<16xi32> to vector<1x16xi32>
        tpu.vector_store %arg7[%swap3A_564, %swap3A_565], %swap3A_568 {strides = array<i32>} : memref<2x80xi32, #tpu.memory_space<vmem>>, vector<1x16xi32>,
        %get3A_569 = arith.constant 0 : i32
        %get3A_570 = arith.constant 1 : i32
        %get3A_571 = arith.index_cast %get3A_569 : i32 to index
        %get3A_572 = arith.index_cast %get3A_570 : i32 to index
        %get3A_573 = arith.constant 0 : index
        %get3A_574 = tpu.vector_load %arg6[%get3A_571, %get3A_572, %get3A_573] {strides = array<i32>} : memref<2x2x80xi32, #tpu.memory_space<vmem>>, vector<1x1x16xi32>,
        %get3A_575 = vector.shape_cast %get3A_574 : vector<1x1x16xi32> to vector<16xi32>
        %add3A_576 = vector.broadcast %mul3A_0 : i32 to vector<16xi32>
        %add3A_577 = arith.addi %get3A_575, %add3A_576 : vector<16xi32>
        %swap3A_578 = arith.constant 0 : i32
        %swap3A_579 = arith.index_cast %swap3A_578 : i32 to index
        %swap3A_580 = arith.constant 0 : index
        %swap3A_581 = tpu.vector_load %arg9[%swap3A_579, %swap3A_580] {strides = array<i32>} : memref<2x80xi32, #tpu.memory_space<vmem>>, vector<1x16xi32>,
        %swap3A_582 = vector.shape_cast %swap3A_581 : vector<1x16xi32> to vector<16xi32>
        %swap3A_583 = vector.shape_cast %add3A_577 : vector<16xi32> to vector<1x16xi32>
        tpu.vector_store %arg9[%swap3A_579, %swap3A_580], %swap3A_583 {strides = array<i32>} : memref<2x80xi32, #tpu.memory_space<vmem>>, vector<1x16xi32>,
        %get3A_584 = arith.constant 0 : i32
        %get3A_585 = arith.constant 0 : i32
        %get3A_586 = arith.index_cast %get3A_584 : i32 to index
        %get3A_587 = arith.index_cast %get3A_585 : i32 to index
        %get3A_588 = arith.constant 16 : index
        %get3A_589 = tpu.vector_load %arg6[%get3A_586, %get3A_587, %get3A_588] {strides = array<i32>} : memref<2x2x80xi32, #tpu.memory_space<vmem>>, vector<1x1x16xi32>,
        %get3A_590 = vector.shape_cast %get3A_589 : vector<1x1x16xi32> to vector<16xi32>
        %add3A_591 = vector.broadcast %mul3A_0 : i32 to vector<16xi32>
        %add3A_592 = arith.addi %get3A_590, %add3A_591 : vector<16xi32>
        %swap3A_593 = arith.constant 0 : i32
        %swap3A_594 = arith.index_cast %swap3A_593 : i32 to index
        %swap3A_595 = arith.constant 16 : index
        %swap3A_596 = tpu.vector_load %arg7[%swap3A_594, %swap3A_595] {strides = array<i32>} : memref<2x80xi32, #tpu.memory_space<vmem>>, vector<1x16xi32>,
        %swap3A_597 = vector.shape_cast %swap3A_596 : vector<1x16xi32> to vector<16xi32>
        %swap3A_598 = vector.shape_cast %add3A_592 : vector<16xi32> to vector<1x16xi32>
        tpu.vector_store %arg7[%swap3A_594, %swap3A_595], %swap3A_598 {strides = array<i32>} : memref<2x80xi32, #tpu.memory_space<vmem>>, vector<1x16xi32>,
        %get3A_599 = arith.constant 0 : i32
        %get3A_600 = arith.constant 1 : i32
        %get3A_601 = arith.index_cast %get3A_599 : i32 to index
        %get3A_602 = arith.index_cast %get3A_600 : i32 to index
        %get3A_603 = arith.constant 16 : index
        %get3A_604 = tpu.vector_load %arg6[%get3A_601, %get3A_602, %get3A_603] {strides = array<i32>} : memref<2x2x80xi32, #tpu.memory_space<vmem>>, vector<1x1x16xi32>,
        %get3A_605 = vector.shape_cast %get3A_604 : vector<1x1x16xi32> to vector<16xi32>
        %add3A_606 = vector.broadcast %mul3A_0 : i32 to vector<16xi32>
        %add3A_607 = arith.addi %get3A_605, %add3A_606 : vector<16xi32>
        %swap3A_608 = arith.constant 0 : i32
        %swap3A_609 = arith.index_cast %swap3A_608 : i32 to index
        %swap3A_610 = arith.constant 16 : index
        %swap3A_611 = tpu.vector_load %arg9[%swap3A_609, %swap3A_610] {strides = array<i32>} : memref<2x80xi32, #tpu.memory_space<vmem>>, vector<1x16xi32>,
        %swap3A_612 = vector.shape_cast %swap3A_611 : vector<1x16xi32> to vector<16xi32>
        %swap3A_613 = vector.shape_cast %add3A_607 : vector<16xi32> to vector<1x16xi32>
        tpu.vector_store %arg9[%swap3A_609, %swap3A_610], %swap3A_613 {strides = array<i32>} : memref<2x80xi32, #tpu.memory_space<vmem>>, vector<1x16xi32>,
        %get3A_614 = arith.constant 0 : i32
        %get3A_615 = arith.constant 0 : i32
        %get3A_616 = arith.index_cast %get3A_614 : i32 to index
        %get3A_617 = arith.index_cast %get3A_615 : i32 to index
        %get3A_618 = arith.constant 32 : index
        %get3A_619 = tpu.vector_load %arg6[%get3A_616, %get3A_617, %get3A_618] {strides = array<i32>} : memref<2x2x80xi32, #tpu.memory_space<vmem>>, vector<1x1x16xi32>,
        %get3A_620 = vector.shape_cast %get3A_619 : vector<1x1x16xi32> to vector<16xi32>
        %add3A_621 = vector.broadcast %mul3A_0 : i32 to vector<16xi32>
        %add3A_622 = arith.addi %get3A_620, %add3A_621 : vector<16xi32>
        %swap3A_623 = arith.constant 0 : i32
        %swap3A_624 = arith.index_cast %swap3A_623 : i32 to index
        %swap3A_625 = arith.constant 32 : index
        %swap3A_626 = tpu.vector_load %arg7[%swap3A_624, %swap3A_625] {strides = array<i32>} : memref<2x80xi32, #tpu.memory_space<vmem>>, vector<1x16xi32>,
        %swap3A_627 = vector.shape_cast %swap3A_626 : vector<1x16xi32> to vector<16xi32>
        %swap3A_628 = vector.shape_cast %add3A_622 : vector<16xi32> to vector<1x16xi32>
        tpu.vector_store %arg7[%swap3A_624, %swap3A_625], %swap3A_628 {strides = array<i32>} : memref<2x80xi32, #tpu.memory_space<vmem>>, vector<1x16xi32>,
        %get3A_629 = arith.constant 0 : i32
        %get3A_630 = arith.constant 1 : i32
        %get3A_631 = arith.index_cast %get3A_629 : i32 to index
        %get3A_632 = arith.index_cast %get3A_630 : i32 to index
        %get3A_633 = arith.constant 32 : index
        %get3A_634 = tpu.vector_load %arg6[%get3A_631, %get3A_632, %get3A_633] {strides = array<i32>} : memref<2x2x80xi32, #tpu.memory_space<vmem>>, vector<1x1x16xi32>,
        %get3A_635 = vector.shape_cast %get3A_634 : vector<1x1x16xi32> to vector<16xi32>
        %add3A_636 = vector.broadcast %mul3A_0 : i32 to vector<16xi32>
        %add3A_637 = arith.addi %get3A_635, %add3A_636 : vector<16xi32>
        %swap3A_638 = arith.constant 0 : i32
        %swap3A_639 = arith.index_cast %swap3A_638 : i32 to index
        %swap3A_640 = arith.constant 32 : index
        %swap3A_641 = tpu.vector_load %arg9[%swap3A_639, %swap3A_640] {strides = array<i32>} : memref<2x80xi32, #tpu.memory_space<vmem>>, vector<1x16xi32>,
        %swap3A_642 = vector.shape_cast %swap3A_641 : vector<1x16xi32> to vector<16xi32>
        %swap3A_643 = vector.shape_cast %add3A_637 : vector<16xi32> to vector<1x16xi32>
        tpu.vector_store %arg9[%swap3A_639, %swap3A_640], %swap3A_643 {strides = array<i32>} : memref<2x80xi32, #tpu.memory_space<vmem>>, vector<1x16xi32>,
        %get3A_644 = arith.constant 0 : i32
        %get3A_645 = arith.constant 0 : i32
        %get3A_646 = arith.index_cast %get3A_644 : i32 to index
        %get3A_647 = arith.index_cast %get3A_645 : i32 to index
        %get3A_648 = arith.constant 48 : index
        %get3A_649 = tpu.vector_load %arg6[%get3A_646, %get3A_647, %get3A_648] {strides = array<i32>} : memref<2x2x80xi32, #tpu.memory_space<vmem>>, vector<1x1x16xi32>,
        %get3A_650 = vector.shape_cast %get3A_649 : vector<1x1x16xi32> to vector<16xi32>
        %add3A_651 = vector.broadcast %mul3A_0 : i32 to vector<16xi32>
        %add3A_652 = arith.addi %get3A_650, %add3A_651 : vector<16xi32>
        %swap3A_653 = arith.constant 0 : i32
        %swap3A_654 = arith.index_cast %swap3A_653 : i32 to index
        %swap3A_655 = arith.constant 48 : index
        %swap3A_656 = tpu.vector_load %arg7[%swap3A_654, %swap3A_655] {strides = array<i32>} : memref<2x80xi32, #tpu.memory_space<vmem>>, vector<1x16xi32>,
        %swap3A_657 = vector.shape_cast %swap3A_656 : vector<1x16xi32> to vector<16xi32>
        %swap3A_658 = vector.shape_cast %add3A_652 : vector<16xi32> to vector<1x16xi32>
        tpu.vector_store %arg7[%swap3A_654, %swap3A_655], %swap3A_658 {strides = array<i32>} : memref<2x80xi32, #tpu.memory_space<vmem>>, vector<1x16xi32>,
        %get3A_659 = arith.constant 0 : i32
        %get3A_660 = arith.constant 1 : i32
        %get3A_661 = arith.index_cast %get3A_659 : i32 to index
        %get3A_662 = arith.index_cast %get3A_660 : i32 to index
        %get3A_663 = arith.constant 48 : index
        %get3A_664 = tpu.vector_load %arg6[%get3A_661, %get3A_662, %get3A_663] {strides = array<i32>} : memref<2x2x80xi32, #tpu.memory_space<vmem>>, vector<1x1x16xi32>,
        %get3A_665 = vector.shape_cast %get3A_664 : vector<1x1x16xi32> to vector<16xi32>
        %add3A_666 = vector.broadcast %mul3A_0 : i32 to vector<16xi32>
        %add3A_667 = arith.addi %get3A_665, %add3A_666 : vector<16xi32>
        %swap3A_668 = arith.constant 0 : i32
        %swap3A_669 = arith.index_cast %swap3A_668 : i32 to index
        %swap3A_670 = arith.constant 48 : index
        %swap3A_671 = tpu.vector_load %arg9[%swap3A_669, %swap3A_670] {strides = array<i32>} : memref<2x80xi32, #tpu.memory_space<vmem>>, vector<1x16xi32>,
        %swap3A_672 = vector.shape_cast %swap3A_671 : vector<1x16xi32> to vector<16xi32>
        %swap3A_673 = vector.shape_cast %add3A_667 : vector<16xi32> to vector<1x16xi32>
        tpu.vector_store %arg9[%swap3A_669, %swap3A_670], %swap3A_673 {strides = array<i32>} : memref<2x80xi32, #tpu.memory_space<vmem>>, vector<1x16xi32>,
        %get3A_674 = arith.constant 0 : i32
        %get3A_675 = arith.constant 0 : i32
        %get3A_676 = arith.index_cast %get3A_674 : i32 to index
        %get3A_677 = arith.index_cast %get3A_675 : i32 to index
        %get3A_678 = arith.constant 64 : index
        %get3A_679 = tpu.vector_load %arg6[%get3A_676, %get3A_677, %get3A_678] {strides = array<i32>} : memref<2x2x80xi32, #tpu.memory_space<vmem>>, vector<1x1x16xi32>,
        %get3A_680 = vector.shape_cast %get3A_679 : vector<1x1x16xi32> to vector<16xi32>
        %add3A_681 = vector.broadcast %mul3A_0 : i32 to vector<16xi32>
        %add3A_682 = arith.addi %get3A_680, %add3A_681 : vector<16xi32>
        %swap3A_683 = arith.constant 0 : i32
        %swap3A_684 = arith.index_cast %swap3A_683 : i32 to index
        %swap3A_685 = arith.constant 64 : index
        %swap3A_686 = tpu.vector_load %arg7[%swap3A_684, %swap3A_685] {strides = array<i32>} : memref<2x80xi32, #tpu.memory_space<vmem>>, vector<1x16xi32>,
        %swap3A_687 = vector.shape_cast %swap3A_686 : vector<1x16xi32> to vector<16xi32>
        %swap3A_688 = vector.shape_cast %add3A_682 : vector<16xi32> to vector<1x16xi32>
        tpu.vector_store %arg7[%swap3A_684, %swap3A_685], %swap3A_688 {strides = array<i32>} : memref<2x80xi32, #tpu.memory_space<vmem>>, vector<1x16xi32>,
        %get3A_689 = arith.constant 0 : i32
        %get3A_690 = arith.constant 1 : i32
        %get3A_691 = arith.index_cast %get3A_689 : i32 to index
        %get3A_692 = arith.index_cast %get3A_690 : i32 to index
        %get3A_693 = arith.constant 64 : index
        %get3A_694 = tpu.vector_load %arg6[%get3A_691, %get3A_692, %get3A_693] {strides = array<i32>} : memref<2x2x80xi32, #tpu.memory_space<vmem>>, vector<1x1x16xi32>,
        %get3A_695 = vector.shape_cast %get3A_694 : vector<1x1x16xi32> to vector<16xi32>
        %add3A_696 = vector.broadcast %mul3A_0 : i32 to vector<16xi32>
        %add3A_697 = arith.addi %get3A_695, %add3A_696 : vector<16xi32>
        %swap3A_698 = arith.constant 0 : i32
        %swap3A_699 = arith.index_cast %swap3A_698 : i32 to index
        %swap3A_700 = arith.constant 64 : index
        %swap3A_701 = tpu.vector_load %arg9[%swap3A_699, %swap3A_700] {strides = array<i32>} : memref<2x80xi32, #tpu.memory_space<vmem>>, vector<1x16xi32>,
        %swap3A_702 = vector.shape_cast %swap3A_701 : vector<1x16xi32> to vector<16xi32>
        %swap3A_703 = vector.shape_cast %add3A_697 : vector<16xi32> to vector<1x16xi32>
        tpu.vector_store %arg9[%swap3A_699, %swap3A_700], %swap3A_703 {strides = array<i32>} : memref<2x80xi32, #tpu.memory_space<vmem>>, vector<1x16xi32>,
        %dma_start3A_704 = arith.constant 0 : i32
        %dma_start3A_705 = arith.constant 0 : i32
        %dma_start3A_706 = arith.constant 0 : i32
        %dma_start3A_707 = arith.constant 0 : i32
        %dma_start3A_708 = tpu.memref_slice %arg11[%dma_start3A_705, %dma_start3A_706, %dma_start3A_707] : memref<2x80x64xi32, #tpu.memory_space<vmem>> -> memref<1x80x64xi32, #tpu.memory_space<vmem>>
        %dma_start3A_709 = tpu.memref_squeeze %dma_start3A_708 : memref<1x80x64xi32, #tpu.memory_space<vmem>> -> memref<80x64xi32, #tpu.memory_space<vmem>>
        %dma_start3A_710 = arith.constant 0 : i32
        %dma_start3A_711 = tpu.memref_slice %arg7[%dma_start3A_704, %dma_start3A_710] : memref<2x80xi32, #tpu.memory_space<vmem>> -> memref<1x80xi32, #tpu.memory_space<vmem>>
        %dma_start3A_712 = tpu.memref_squeeze %dma_start3A_711 : memref<1x80xi32, #tpu.memory_space<vmem>> -> memref<80xi32, #tpu.memory_space<vmem>>
        %dma_start3A_713 = arith.constant 0 : i32
        %dma_start3A_714 = arith.constant 0 : i32
        %dma_start3A_715 = tpu.memref_slice %arg3[%dma_start3A_713, %dma_start3A_714] : memref<20000x64xi32, #tpu.memory_space<hbm>> -> memref<20000x64xi32, #tpu.memory_space<hbm>>
        tpu.enqueue_indirect_dma source(%dma_start3A_715 : memref<20000x64xi32, #tpu.memory_space<hbm>>) target(%dma_start3A_709 : memref<80x64xi32, #tpu.memory_space<vmem>>) offsets(%dma_start3A_712 : memref<80xi32, #tpu.memory_space<vmem>>) semaphore(%arg16 : memref<!tpu.dma_semaphore, #tpu.memory_space<semaphore_mem>>)
        %dma_start3A_716 = arith.constant 0 : i32
        %dma_start3A_717 = arith.constant 0 : i32
        %dma_start3A_718 = arith.constant 0 : i32
        %dma_start3A_719 = arith.constant 0 : i32
        %dma_start3A_720 = tpu.memref_slice %arg10[%dma_start3A_717, %dma_start3A_718, %dma_start3A_719] : memref<2x80x64xi32, #tpu.memory_space<vmem>> -> memref<1x80x64xi32, #tpu.memory_space<vmem>>
        %dma_start3A_721 = tpu.memref_squeeze %dma_start3A_720 : memref<1x80x64xi32, #tpu.memory_space<vmem>> -> memref<80x64xi32, #tpu.memory_space<vmem>>
        %dma_start3A_722 = arith.constant 0 : i32
        %dma_start3A_723 = tpu.memref_slice %arg9[%dma_start3A_716, %dma_start3A_722] : memref<2x80xi32, #tpu.memory_space<vmem>> -> memref<1x80xi32, #tpu.memory_space<vmem>>
        %dma_start3A_724 = tpu.memref_squeeze %dma_start3A_723 : memref<1x80xi32, #tpu.memory_space<vmem>> -> memref<80xi32, #tpu.memory_space<vmem>>
        %dma_start3A_725 = arith.constant 0 : i32
        %dma_start3A_726 = arith.constant 0 : i32
        %dma_start3A_727 = tpu.memref_slice %arg2[%dma_start3A_725, %dma_start3A_726] : memref<20000x64xi32, #tpu.memory_space<hbm>> -> memref<20000x64xi32, #tpu.memory_space<hbm>>
        tpu.enqueue_indirect_dma source(%dma_start3A_727 : memref<20000x64xi32, #tpu.memory_space<hbm>>) target(%dma_start3A_721 : memref<80x64xi32, #tpu.memory_space<vmem>>) offsets(%dma_start3A_724 : memref<80xi32, #tpu.memory_space<vmem>>) semaphore(%arg16 : memref<!tpu.dma_semaphore, #tpu.memory_space<semaphore_mem>>)
      } else {
      }
      %gt3A_510 = arith.constant 0 : i32
      %gt3A_511 = arith.cmpi sgt, %add3A_468, %gt3A_510 : i32
      %convert_element_type3A_512 = arith.extui %gt3A_511 : i1 to i32
      %cond3A_513 = arith.constant 0 : i32
      %cond3A_514 = arith.cmpi ne, %convert_element_type3A_512, %cond3A_513 : i32
      scf.if %cond3A_514 {
        %dma_wait3A_534 = arith.constant 0 : i32
        %dma_wait3A_535 = arith.constant 0 : i32
        %dma_wait3A_536 = arith.constant 0 : i32
        %dma_wait3A_537 = arith.constant 0 : i32
        %dma_wait3A_538 = tpu.memref_slice %arg12[%dma_wait3A_534, %dma_wait3A_536, %dma_wait3A_537] : memref<2x80x128xf32, #tpu.memory_space<vmem>> -> memref<1x80x128xf32, #tpu.memory_space<vmem>>
        %dma_wait3A_539 = tpu.memref_squeeze %dma_wait3A_538 : memref<1x80x128xf32, #tpu.memory_space<vmem>> -> memref<80x128xf32, #tpu.memory_space<vmem>>
        %dma_wait3A_540 = arith.constant 0 : i32
        %dma_wait3A_541 = tpu.memref_slice %arg8[%dma_wait3A_535, %dma_wait3A_540] : memref<2x80xi32, #tpu.memory_space<vmem>> -> memref<1x80xi32, #tpu.memory_space<vmem>>
        %dma_wait3A_542 = tpu.memref_squeeze %dma_wait3A_541 : memref<1x80xi32, #tpu.memory_space<vmem>> -> memref<80xi32, #tpu.memory_space<vmem>>
        %dma_wait3A_543 = arith.constant 0 : i32
        %dma_wait3A_544 = arith.constant 0 : i32
        %dma_wait3A_545 = tpu.memref_slice %arg13[%dma_wait3A_543, %dma_wait3A_544] : memref<10000x128xf32, #tpu.memory_space<vmem_shared>> -> memref<10000x128xf32, #tpu.memory_space<vmem_shared>>
        tpu.wait_indirect_dma semaphore(%arg18 : memref<!tpu.dma_semaphore, #tpu.memory_space<semaphore_mem>>) src(%dma_wait3A_539 : memref<80x128xf32, #tpu.memory_space<vmem>>) dst(%dma_wait3A_545 : memref<10000x128xf32, #tpu.memory_space<vmem_shared>>)
      } else {
      }
      %add3A_515 = arith.constant 1 : i32
      %add3A_516 = arith.addi %add3A_468, %add3A_515 : i32
      %lt3A_517 = arith.constant 125 : i32
      %lt3A_518 = arith.cmpi slt, %add3A_516, %lt3A_517 : i32
      %convert_element_type3A_519 = arith.extui %lt3A_518 : i1 to i32
      %cond3A_520 = arith.constant 0 : i32
      %cond3A_521 = arith.cmpi ne, %convert_element_type3A_519, %cond3A_520 : i32
      scf.if %cond3A_521 {
        %get3A_534 = arith.constant 0 : i32
        %get3A_535 = arith.constant 1 : i32
        %get3A_536 = arith.index_cast %get3A_534 : i32 to index
        %get3A_537 = arith.index_cast %get3A_535 : i32 to index
        %get3A_538 = arith.constant 0 : index
        %get3A_539 = tpu.vector_load %arg6[%get3A_536, %get3A_537, %get3A_538] {strides = array<i32>} : memref<2x2x80xi32, #tpu.memory_space<vmem>>, vector<1x1x16xi32>,
        %get3A_540 = vector.shape_cast %get3A_539 : vector<1x1x16xi32> to vector<16xi32>
        %swap3A_541 = arith.constant 0 : i32
        %swap3A_542 = arith.index_cast %swap3A_541 : i32 to index
        %swap3A_543 = arith.constant 0 : index
        %swap3A_544 = tpu.vector_load %arg8[%swap3A_542, %swap3A_543] {strides = array<i32>} : memref<2x80xi32, #tpu.memory_space<vmem>>, vector<1x16xi32>,
        %swap3A_545 = vector.shape_cast %swap3A_544 : vector<1x16xi32> to vector<16xi32>
        %swap3A_546 = vector.shape_cast %get3A_540 : vector<16xi32> to vector<1x16xi32>
        tpu.vector_store %arg8[%swap3A_542, %swap3A_543], %swap3A_546 {strides = array<i32>} : memref<2x80xi32, #tpu.memory_space<vmem>>, vector<1x16xi32>,
        %get3A_547 = arith.constant 0 : i32
        %get3A_548 = arith.constant 1 : i32
        %get3A_549 = arith.index_cast %get3A_547 : i32 to index
        %get3A_550 = arith.index_cast %get3A_548 : i32 to index
        %get3A_551 = arith.constant 16 : index
        %get3A_552 = tpu.vector_load %arg6[%get3A_549, %get3A_550, %get3A_551] {strides = array<i32>} : memref<2x2x80xi32, #tpu.memory_space<vmem>>, vector<1x1x16xi32>,
        %get3A_553 = vector.shape_cast %get3A_552 : vector<1x1x16xi32> to vector<16xi32>
        %swap3A_554 = arith.constant 0 : i32
        %swap3A_555 = arith.index_cast %swap3A_554 : i32 to index
        %swap3A_556 = arith.constant 16 : index
        %swap3A_557 = tpu.vector_load %arg8[%swap3A_555, %swap3A_556] {strides = array<i32>} : memref<2x80xi32, #tpu.memory_space<vmem>>, vector<1x16xi32>,
        %swap3A_558 = vector.shape_cast %swap3A_557 : vector<1x16xi32> to vector<16xi32>
        %swap3A_559 = vector.shape_cast %get3A_553 : vector<16xi32> to vector<1x16xi32>
        tpu.vector_store %arg8[%swap3A_555, %swap3A_556], %swap3A_559 {strides = array<i32>} : memref<2x80xi32, #tpu.memory_space<vmem>>, vector<1x16xi32>,
        %get3A_560 = arith.constant 0 : i32
        %get3A_561 = arith.constant 1 : i32
        %get3A_562 = arith.index_cast %get3A_560 : i32 to index
        %get3A_563 = arith.index_cast %get3A_561 : i32 to index
        %get3A_564 = arith.constant 32 : index
        %get3A_565 = tpu.vector_load %arg6[%get3A_562, %get3A_563, %get3A_564] {strides = array<i32>} : memref<2x2x80xi32, #tpu.memory_space<vmem>>, vector<1x1x16xi32>,
        %get3A_566 = vector.shape_cast %get3A_565 : vector<1x1x16xi32> to vector<16xi32>
        %swap3A_567 = arith.constant 0 : i32
        %swap3A_568 = arith.index_cast %swap3A_567 : i32 to index
        %swap3A_569 = arith.constant 32 : index
        %swap3A_570 = tpu.vector_load %arg8[%swap3A_568, %swap3A_569] {strides = array<i32>} : memref<2x80xi32, #tpu.memory_space<vmem>>, vector<1x16xi32>,
        %swap3A_571 = vector.shape_cast %swap3A_570 : vector<1x16xi32> to vector<16xi32>
        %swap3A_572 = vector.shape_cast %get3A_566 : vector<16xi32> to vector<1x16xi32>
        tpu.vector_store %arg8[%swap3A_568, %swap3A_569], %swap3A_572 {strides = array<i32>} : memref<2x80xi32, #tpu.memory_space<vmem>>, vector<1x16xi32>,
        %get3A_573 = arith.constant 0 : i32
        %get3A_574 = arith.constant 1 : i32
        %get3A_575 = arith.index_cast %get3A_573 : i32 to index
        %get3A_576 = arith.index_cast %get3A_574 : i32 to index
        %get3A_577 = arith.constant 48 : index
        %get3A_578 = tpu.vector_load %arg6[%get3A_575, %get3A_576, %get3A_577] {strides = array<i32>} : memref<2x2x80xi32, #tpu.memory_space<vmem>>, vector<1x1x16xi32>,
        %get3A_579 = vector.shape_cast %get3A_578 : vector<1x1x16xi32> to vector<16xi32>
        %swap3A_580 = arith.constant 0 : i32
        %swap3A_581 = arith.index_cast %swap3A_580 : i32 to index
        %swap3A_582 = arith.constant 48 : index
        %swap3A_583 = tpu.vector_load %arg8[%swap3A_581, %swap3A_582] {strides = array<i32>} : memref<2x80xi32, #tpu.memory_space<vmem>>, vector<1x16xi32>,
        %swap3A_584 = vector.shape_cast %swap3A_583 : vector<1x16xi32> to vector<16xi32>
        %swap3A_585 = vector.shape_cast %get3A_579 : vector<16xi32> to vector<1x16xi32>
        tpu.vector_store %arg8[%swap3A_581, %swap3A_582], %swap3A_585 {strides = array<i32>} : memref<2x80xi32, #tpu.memory_space<vmem>>, vector<1x16xi32>,
        %get3A_586 = arith.constant 0 : i32
        %get3A_587 = arith.constant 1 : i32
        %get3A_588 = arith.index_cast %get3A_586 : i32 to index
        %get3A_589 = arith.index_cast %get3A_587 : i32 to index
        %get3A_590 = arith.constant 64 : index
        %get3A_591 = tpu.vector_load %arg6[%get3A_588, %get3A_589, %get3A_590] {strides = array<i32>} : memref<2x2x80xi32, #tpu.memory_space<vmem>>, vector<1x1x16xi32>,
        %get3A_592 = vector.shape_cast %get3A_591 : vector<1x1x16xi32> to vector<16xi32>
        %swap3A_593 = arith.constant 0 : i32
        %swap3A_594 = arith.index_cast %swap3A_593 : i32 to index
        %swap3A_595 = arith.constant 64 : index
        %swap3A_596 = tpu.vector_load %arg8[%swap3A_594, %swap3A_595] {strides = array<i32>} : memref<2x80xi32, #tpu.memory_space<vmem>>, vector<1x16xi32>,
        %swap3A_597 = vector.shape_cast %swap3A_596 : vector<1x16xi32> to vector<16xi32>
        %swap3A_598 = vector.shape_cast %get3A_592 : vector<16xi32> to vector<1x16xi32>
        tpu.vector_store %arg8[%swap3A_594, %swap3A_595], %swap3A_598 {strides = array<i32>} : memref<2x80xi32, #tpu.memory_space<vmem>>, vector<1x16xi32>,
      } else {
      }
      %dma_start3A_522 = arith.constant 1 : i32
      %dma_start3A_523 = arith.constant 1 : i32
      %dma_start3A_524 = arith.constant 0 : i32
      %dma_start3A_525 = arith.constant 0 : i32
      %dma_start3A_526 = tpu.memref_slice %arg12[%dma_start3A_522, %dma_start3A_524, %dma_start3A_525] : memref<2x80x128xf32, #tpu.memory_space<vmem>> -> memref<1x80x128xf32, #tpu.memory_space<vmem>>
      %dma_start3A_527 = tpu.memref_squeeze %dma_start3A_526 : memref<1x80x128xf32, #tpu.memory_space<vmem>> -> memref<80x128xf32, #tpu.memory_space<vmem>>
      %dma_start3A_528 = arith.constant 0 : i32
      %dma_start3A_529 = tpu.memref_slice %arg8[%dma_start3A_523, %dma_start3A_528] : memref<2x80xi32, #tpu.memory_space<vmem>> -> memref<1x80xi32, #tpu.memory_space<vmem>>
      %dma_start3A_530 = tpu.memref_squeeze %dma_start3A_529 : memref<1x80xi32, #tpu.memory_space<vmem>> -> memref<80xi32, #tpu.memory_space<vmem>>
      %dma_start3A_531 = arith.constant 0 : i32
      %dma_start3A_532 = arith.constant 0 : i32
      %dma_start3A_533 = tpu.memref_slice %arg13[%dma_start3A_531, %dma_start3A_532] : memref<10000x128xf32, #tpu.memory_space<vmem_shared>> -> memref<10000x128xf32, #tpu.memory_space<vmem_shared>>
      tpu.enqueue_indirect_dma source(%dma_start3A_527 : memref<80x128xf32, #tpu.memory_space<vmem>>) target(%dma_start3A_533 : memref<10000x128xf32, #tpu.memory_space<vmem_shared>>) offsets(%dma_start3A_530 : memref<80xi32, #tpu.memory_space<vmem>>) semaphore(%arg19 : memref<!tpu.dma_semaphore, #tpu.memory_space<semaphore_mem>>) {add = true}
    }
    %scan3A_322 = arith.constant 62 : i32
    %dma_wait3A_323 = arith.constant 0 : i32
    %dma_wait3A_324 = arith.constant 0 : i32
    %dma_wait3A_325 = arith.constant 0 : i32
    %dma_wait3A_326 = arith.constant 0 : i32
    %dma_wait3A_327 = tpu.memref_slice %arg11[%dma_wait3A_324, %dma_wait3A_325, %dma_wait3A_326] : memref<2x80x64xi32, #tpu.memory_space<vmem>> -> memref<1x80x64xi32, #tpu.memory_space<vmem>>
    %dma_wait3A_328 = tpu.memref_squeeze %dma_wait3A_327 : memref<1x80x64xi32, #tpu.memory_space<vmem>> -> memref<80x64xi32, #tpu.memory_space<vmem>>
    %dma_wait3A_329 = arith.constant 0 : i32
    %dma_wait3A_330 = tpu.memref_slice %arg7[%dma_wait3A_323, %dma_wait3A_329] : memref<2x80xi32, #tpu.memory_space<vmem>> -> memref<1x80xi32, #tpu.memory_space<vmem>>
    %dma_wait3A_331 = tpu.memref_squeeze %dma_wait3A_330 : memref<1x80xi32, #tpu.memory_space<vmem>> -> memref<80xi32, #tpu.memory_space<vmem>>
    %dma_wait3A_332 = arith.constant 0 : i32
    %dma_wait3A_333 = arith.constant 0 : i32
    %dma_wait3A_334 = tpu.memref_slice %arg3[%dma_wait3A_332, %dma_wait3A_333] : memref<20000x64xi32, #tpu.memory_space<hbm>> -> memref<20000x64xi32, #tpu.memory_space<hbm>>
    tpu.wait_indirect_dma semaphore(%arg16 : memref<!tpu.dma_semaphore, #tpu.memory_space<semaphore_mem>>) src(%dma_wait3A_334 : memref<20000x64xi32, #tpu.memory_space<hbm>>) dst(%dma_wait3A_328 : memref<80x64xi32, #tpu.memory_space<vmem>>)
    %dma_wait3A_335 = arith.constant 0 : i32
    %dma_wait3A_336 = arith.constant 0 : i32
    %dma_wait3A_337 = arith.constant 0 : i32
    %dma_wait3A_338 = arith.constant 0 : i32
    %dma_wait3A_339 = tpu.memref_slice %arg10[%dma_wait3A_336, %dma_wait3A_337, %dma_wait3A_338] : memref<2x80x64xi32, #tpu.memory_space<vmem>> -> memref<1x80x64xi32, #tpu.memory_space<vmem>>
    %dma_wait3A_340 = tpu.memref_squeeze %dma_wait3A_339 : memref<1x80x64xi32, #tpu.memory_space<vmem>> -> memref<80x64xi32, #tpu.memory_space<vmem>>
    %dma_wait3A_341 = arith.constant 0 : i32
    %dma_wait3A_342 = tpu.memref_slice %arg9[%dma_wait3A_335, %dma_wait3A_341] : memref<2x80xi32, #tpu.memory_space<vmem>> -> memref<1x80xi32, #tpu.memory_space<vmem>>
    %dma_wait3A_343 = tpu.memref_squeeze %dma_wait3A_342 : memref<1x80xi32, #tpu.memory_space<vmem>> -> memref<80xi32, #tpu.memory_space<vmem>>
    %dma_wait3A_344 = arith.constant 0 : i32
    %dma_wait3A_345 = arith.constant 0 : i32
    %dma_wait3A_346 = tpu.memref_slice %arg2[%dma_wait3A_344, %dma_wait3A_345] : memref<20000x64xi32, #tpu.memory_space<hbm>> -> memref<20000x64xi32, #tpu.memory_space<hbm>>
    tpu.wait_indirect_dma semaphore(%arg16 : memref<!tpu.dma_semaphore, #tpu.memory_space<semaphore_mem>>) src(%dma_wait3A_346 : memref<20000x64xi32, #tpu.memory_space<hbm>>) dst(%dma_wait3A_340 : memref<80x64xi32, #tpu.memory_space<vmem>>)
    %parallel_loop3A = arith.constant 0 : i32
    %parallel_loop3A_347 = arith.constant 80 : i32
    %parallel_loop3A_348 = arith.constant 1 : i32
    %parallel_loop3A_349 = arith.constant -65536 : i32
    scf.for %parallel_loop3A_396 = %parallel_loop3A to %parallel_loop3A_347 step %parallel_loop3A_348  : i32 {
      %parallel_loop3A_397 = arith.constant 0 : i32
      %parallel_loop3A_398 = arith.index_cast %parallel_loop3A_397 : i32 to index
      %parallel_loop3A_399 = arith.index_cast %parallel_loop3A_396 : i32 to index
      %parallel_loop3A_400 = arith.constant 0 : index
      %parallel_loop3A_401 = tpu.vector_load %arg10[%parallel_loop3A_398, %parallel_loop3A_399, %parallel_loop3A_400] {strides = array<i32>} : memref<2x80x64xi32, #tpu.memory_space<vmem>>, vector<1x1x16xi32>,
      %parallel_loop3A_402 = vector.shape_cast %parallel_loop3A_401 : vector<1x1x16xi32> to vector<16xi32>
      %parallel_loop3A_403 = arith.constant 0 : i32
      %parallel_loop3A_404 = arith.index_cast %parallel_loop3A_403 : i32 to index
      %parallel_loop3A_405 = arith.index_cast %parallel_loop3A_396 : i32 to index
      %parallel_loop3A_406 = arith.constant 0 : index
      %parallel_loop3A_407 = tpu.vector_load %arg11[%parallel_loop3A_404, %parallel_loop3A_405, %parallel_loop3A_406] {strides = array<i32>} : memref<2x80x64xi32, #tpu.memory_space<vmem>>, vector<1x1x16xi32>,
      %parallel_loop3A_408 = vector.shape_cast %parallel_loop3A_407 : vector<1x1x16xi32> to vector<16xi32>
      %parallel_loop3A_409 = arith.constant 16 : i32
      %parallel_loop3A_410 = vector.broadcast %parallel_loop3A_409 : i32 to vector<16xi32>
      %parallel_loop3A_411 = arith.shli %parallel_loop3A_402, %parallel_loop3A_410 : vector<16xi32>
      %parallel_loop3A_412 = tpu.bitcast %parallel_loop3A_411 : vector<16xi32> -> vector<16xf32>
      %parallel_loop3A_413 = arith.constant 16 : i32
      %parallel_loop3A_414 = vector.broadcast %parallel_loop3A_413 : i32 to vector<16xi32>
      %parallel_loop3A_415 = arith.shli %parallel_loop3A_408, %parallel_loop3A_414 : vector<16xi32>
      %parallel_loop3A_416 = tpu.bitcast %parallel_loop3A_415 : vector<16xi32> -> vector<16xf32>
      %parallel_loop3A_417 = arith.addf %parallel_loop3A_412, %parallel_loop3A_416 : vector<16xf32>
      %parallel_loop3A_418 = vector.broadcast %parallel_loop3A_349 : i32 to vector<16xi32>
      %parallel_loop3A_419 = arith.andi %parallel_loop3A_402, %parallel_loop3A_418 : vector<16xi32>
      %parallel_loop3A_420 = tpu.bitcast %parallel_loop3A_419 : vector<16xi32> -> vector<16xf32>
      %parallel_loop3A_421 = vector.broadcast %parallel_loop3A_349 : i32 to vector<16xi32>
      %parallel_loop3A_422 = arith.andi %parallel_loop3A_408, %parallel_loop3A_421 : vector<16xi32>
      %parallel_loop3A_423 = tpu.bitcast %parallel_loop3A_422 : vector<16xi32> -> vector<16xf32>
      %parallel_loop3A_424 = arith.addf %parallel_loop3A_420, %parallel_loop3A_423 : vector<16xf32>
      %parallel_loop3A_425 = arith.constant 0.000000e+00 : f32
      %parallel_loop3A_426 = vector.broadcast %parallel_loop3A_425 : f32 to vector<16xf32>
      %parallel_loop3A_427 = arith.maximumf %parallel_loop3A_417, %parallel_loop3A_426 : vector<16xf32>
      %parallel_loop3A_428 = arith.constant 0 : i32
      %parallel_loop3A_429 = arith.index_cast %parallel_loop3A_428 : i32 to index
      %parallel_loop3A_430 = arith.index_cast %parallel_loop3A_396 : i32 to index
      %parallel_loop3A_431 = arith.constant 0 : index
      %parallel_loop3A_432 = tpu.vector_load %arg12[%parallel_loop3A_429, %parallel_loop3A_430, %parallel_loop3A_431] {strides = array<i32>} : memref<2x80x128xf32, #tpu.memory_space<vmem>>, vector<1x1x16xf32>,
      %parallel_loop3A_433 = vector.shape_cast %parallel_loop3A_432 : vector<1x1x16xf32> to vector<16xf32>
      %parallel_loop3A_434 = vector.shape_cast %parallel_loop3A_427 : vector<16xf32> to vector<1x1x16xf32>
      tpu.vector_store %arg12[%parallel_loop3A_429, %parallel_loop3A_430, %parallel_loop3A_431], %parallel_loop3A_434 {strides = array<i32>} : memref<2x80x128xf32, #tpu.memory_space<vmem>>, vector<1x1x16xf32>,
      %parallel_loop3A_435 = arith.constant 0.000000e+00 : f32
      %parallel_loop3A_436 = vector.broadcast %parallel_loop3A_435 : f32 to vector<16xf32>
      %parallel_loop3A_437 = arith.maximumf %parallel_loop3A_424, %parallel_loop3A_436 : vector<16xf32>
      %parallel_loop3A_438 = arith.constant 0 : i32
      %parallel_loop3A_439 = arith.index_cast %parallel_loop3A_438 : i32 to index
      %parallel_loop3A_440 = arith.index_cast %parallel_loop3A_396 : i32 to index
      %parallel_loop3A_441 = arith.constant 64 : index
      %parallel_loop3A_442 = tpu.vector_load %arg12[%parallel_loop3A_439, %parallel_loop3A_440, %parallel_loop3A_441] {strides = array<i32>} : memref<2x80x128xf32, #tpu.memory_space<vmem>>, vector<1x1x16xf32>,
      %parallel_loop3A_443 = vector.shape_cast %parallel_loop3A_442 : vector<1x1x16xf32> to vector<16xf32>
      %parallel_loop3A_444 = vector.shape_cast %parallel_loop3A_437 : vector<16xf32> to vector<1x1x16xf32>
      tpu.vector_store %arg12[%parallel_loop3A_439, %parallel_loop3A_440, %parallel_loop3A_441], %parallel_loop3A_444 {strides = array<i32>} : memref<2x80x128xf32, #tpu.memory_space<vmem>>, vector<1x1x16xf32>,
      %parallel_loop3A_445 = arith.constant 0 : i32
      %parallel_loop3A_446 = arith.index_cast %parallel_loop3A_445 : i32 to index
      %parallel_loop3A_447 = arith.index_cast %parallel_loop3A_396 : i32 to index
      %parallel_loop3A_448 = arith.constant 16 : index
      %parallel_loop3A_449 = tpu.vector_load %arg10[%parallel_loop3A_446, %parallel_loop3A_447, %parallel_loop3A_448] {strides = array<i32>} : memref<2x80x64xi32, #tpu.memory_space<vmem>>, vector<1x1x16xi32>,
      %parallel_loop3A_450 = vector.shape_cast %parallel_loop3A_449 : vector<1x1x16xi32> to vector<16xi32>
      %parallel_loop3A_451 = arith.constant 0 : i32
      %parallel_loop3A_452 = arith.index_cast %parallel_loop3A_451 : i32 to index
      %parallel_loop3A_453 = arith.index_cast %parallel_loop3A_396 : i32 to index
      %parallel_loop3A_454 = arith.constant 16 : index
      %parallel_loop3A_455 = tpu.vector_load %arg11[%parallel_loop3A_452, %parallel_loop3A_453, %parallel_loop3A_454] {strides = array<i32>} : memref<2x80x64xi32, #tpu.memory_space<vmem>>, vector<1x1x16xi32>,
      %parallel_loop3A_456 = vector.shape_cast %parallel_loop3A_455 : vector<1x1x16xi32> to vector<16xi32>
      %parallel_loop3A_457 = arith.constant 16 : i32
      %parallel_loop3A_458 = vector.broadcast %parallel_loop3A_457 : i32 to vector<16xi32>
      %parallel_loop3A_459 = arith.shli %parallel_loop3A_450, %parallel_loop3A_458 : vector<16xi32>
      %parallel_loop3A_460 = tpu.bitcast %parallel_loop3A_459 : vector<16xi32> -> vector<16xf32>
      %parallel_loop3A_461 = arith.constant 16 : i32
      %parallel_loop3A_462 = vector.broadcast %parallel_loop3A_461 : i32 to vector<16xi32>
      %parallel_loop3A_463 = arith.shli %parallel_loop3A_456, %parallel_loop3A_462 : vector<16xi32>
      %parallel_loop3A_464 = tpu.bitcast %parallel_loop3A_463 : vector<16xi32> -> vector<16xf32>
      %parallel_loop3A_465 = arith.addf %parallel_loop3A_460, %parallel_loop3A_464 : vector<16xf32>
      %parallel_loop3A_466 = vector.broadcast %parallel_loop3A_349 : i32 to vector<16xi32>
      %parallel_loop3A_467 = arith.andi %parallel_loop3A_450, %parallel_loop3A_466 : vector<16xi32>
      %parallel_loop3A_468 = tpu.bitcast %parallel_loop3A_467 : vector<16xi32> -> vector<16xf32>
      %parallel_loop3A_469 = vector.broadcast %parallel_loop3A_349 : i32 to vector<16xi32>
      %parallel_loop3A_470 = arith.andi %parallel_loop3A_456, %parallel_loop3A_469 : vector<16xi32>
      %parallel_loop3A_471 = tpu.bitcast %parallel_loop3A_470 : vector<16xi32> -> vector<16xf32>
      %parallel_loop3A_472 = arith.addf %parallel_loop3A_468, %parallel_loop3A_471 : vector<16xf32>
      %parallel_loop3A_473 = arith.constant 0.000000e+00 : f32
      %parallel_loop3A_474 = vector.broadcast %parallel_loop3A_473 : f32 to vector<16xf32>
      %parallel_loop3A_475 = arith.maximumf %parallel_loop3A_465, %parallel_loop3A_474 : vector<16xf32>
      %parallel_loop3A_476 = arith.constant 0 : i32
      %parallel_loop3A_477 = arith.index_cast %parallel_loop3A_476 : i32 to index
      %parallel_loop3A_478 = arith.index_cast %parallel_loop3A_396 : i32 to index
      %parallel_loop3A_479 = arith.constant 16 : index
      %parallel_loop3A_480 = tpu.vector_load %arg12[%parallel_loop3A_477, %parallel_loop3A_478, %parallel_loop3A_479] {strides = array<i32>} : memref<2x80x128xf32, #tpu.memory_space<vmem>>, vector<1x1x16xf32>,
      %parallel_loop3A_481 = vector.shape_cast %parallel_loop3A_480 : vector<1x1x16xf32> to vector<16xf32>
      %parallel_loop3A_482 = vector.shape_cast %parallel_loop3A_475 : vector<16xf32> to vector<1x1x16xf32>
      tpu.vector_store %arg12[%parallel_loop3A_477, %parallel_loop3A_478, %parallel_loop3A_479], %parallel_loop3A_482 {strides = array<i32>} : memref<2x80x128xf32, #tpu.memory_space<vmem>>, vector<1x1x16xf32>,
      %parallel_loop3A_483 = arith.constant 0.000000e+00 : f32
      %parallel_loop3A_484 = vector.broadcast %parallel_loop3A_483 : f32 to vector<16xf32>
      %parallel_loop3A_485 = arith.maximumf %parallel_loop3A_472, %parallel_loop3A_484 : vector<16xf32>
      %parallel_loop3A_486 = arith.constant 0 : i32
      %parallel_loop3A_487 = arith.index_cast %parallel_loop3A_486 : i32 to index
      %parallel_loop3A_488 = arith.index_cast %parallel_loop3A_396 : i32 to index
      %parallel_loop3A_489 = arith.constant 80 : index
      %parallel_loop3A_490 = tpu.vector_load %arg12[%parallel_loop3A_487, %parallel_loop3A_488, %parallel_loop3A_489] {strides = array<i32>} : memref<2x80x128xf32, #tpu.memory_space<vmem>>, vector<1x1x16xf32>,
      %parallel_loop3A_491 = vector.shape_cast %parallel_loop3A_490 : vector<1x1x16xf32> to vector<16xf32>
      %parallel_loop3A_492 = vector.shape_cast %parallel_loop3A_485 : vector<16xf32> to vector<1x1x16xf32>
      tpu.vector_store %arg12[%parallel_loop3A_487, %parallel_loop3A_488, %parallel_loop3A_489], %parallel_loop3A_492 {strides = array<i32>} : memref<2x80x128xf32, #tpu.memory_space<vmem>>, vector<1x1x16xf32>,
      %parallel_loop3A_493 = arith.constant 0 : i32
      %parallel_loop3A_494 = arith.index_cast %parallel_loop3A_493 : i32 to index
      %parallel_loop3A_495 = arith.index_cast %parallel_loop3A_396 : i32 to index
      %parallel_loop3A_496 = arith.constant 32 : index
      %parallel_loop3A_497 = tpu.vector_load %arg10[%parallel_loop3A_494, %parallel_loop3A_495, %parallel_loop3A_496] {strides = array<i32>} : memref<2x80x64xi32, #tpu.memory_space<vmem>>, vector<1x1x16xi32>,
      %parallel_loop3A_498 = vector.shape_cast %parallel_loop3A_497 : vector<1x1x16xi32> to vector<16xi32>
      %parallel_loop3A_499 = arith.constant 0 : i32
      %parallel_loop3A_500 = arith.index_cast %parallel_loop3A_499 : i32 to index
      %parallel_loop3A_501 = arith.index_cast %parallel_loop3A_396 : i32 to index
      %parallel_loop3A_502 = arith.constant 32 : index
      %parallel_loop3A_503 = tpu.vector_load %arg11[%parallel_loop3A_500, %parallel_loop3A_501, %parallel_loop3A_502] {strides = array<i32>} : memref<2x80x64xi32, #tpu.memory_space<vmem>>, vector<1x1x16xi32>,
      %parallel_loop3A_504 = vector.shape_cast %parallel_loop3A_503 : vector<1x1x16xi32> to vector<16xi32>
      %parallel_loop3A_505 = arith.constant 16 : i32
      %parallel_loop3A_506 = vector.broadcast %parallel_loop3A_505 : i32 to vector<16xi32>
      %parallel_loop3A_507 = arith.shli %parallel_loop3A_498, %parallel_loop3A_506 : vector<16xi32>
      %parallel_loop3A_508 = tpu.bitcast %parallel_loop3A_507 : vector<16xi32> -> vector<16xf32>
      %parallel_loop3A_509 = arith.constant 16 : i32
      %parallel_loop3A_510 = vector.broadcast %parallel_loop3A_509 : i32 to vector<16xi32>
      %parallel_loop3A_511 = arith.shli %parallel_loop3A_504, %parallel_loop3A_510 : vector<16xi32>
      %parallel_loop3A_512 = tpu.bitcast %parallel_loop3A_511 : vector<16xi32> -> vector<16xf32>
      %parallel_loop3A_513 = arith.addf %parallel_loop3A_508, %parallel_loop3A_512 : vector<16xf32>
      %parallel_loop3A_514 = vector.broadcast %parallel_loop3A_349 : i32 to vector<16xi32>
      %parallel_loop3A_515 = arith.andi %parallel_loop3A_498, %parallel_loop3A_514 : vector<16xi32>
      %parallel_loop3A_516 = tpu.bitcast %parallel_loop3A_515 : vector<16xi32> -> vector<16xf32>
      %parallel_loop3A_517 = vector.broadcast %parallel_loop3A_349 : i32 to vector<16xi32>
      %parallel_loop3A_518 = arith.andi %parallel_loop3A_504, %parallel_loop3A_517 : vector<16xi32>
      %parallel_loop3A_519 = tpu.bitcast %parallel_loop3A_518 : vector<16xi32> -> vector<16xf32>
      %parallel_loop3A_520 = arith.addf %parallel_loop3A_516, %parallel_loop3A_519 : vector<16xf32>
      %parallel_loop3A_521 = arith.constant 0.000000e+00 : f32
      %parallel_loop3A_522 = vector.broadcast %parallel_loop3A_521 : f32 to vector<16xf32>
      %parallel_loop3A_523 = arith.maximumf %parallel_loop3A_513, %parallel_loop3A_522 : vector<16xf32>
      %parallel_loop3A_524 = arith.constant 0 : i32
      %parallel_loop3A_525 = arith.index_cast %parallel_loop3A_524 : i32 to index
      %parallel_loop3A_526 = arith.index_cast %parallel_loop3A_396 : i32 to index
      %parallel_loop3A_527 = arith.constant 32 : index
      %parallel_loop3A_528 = tpu.vector_load %arg12[%parallel_loop3A_525, %parallel_loop3A_526, %parallel_loop3A_527] {strides = array<i32>} : memref<2x80x128xf32, #tpu.memory_space<vmem>>, vector<1x1x16xf32>,
      %parallel_loop3A_529 = vector.shape_cast %parallel_loop3A_528 : vector<1x1x16xf32> to vector<16xf32>
      %parallel_loop3A_530 = vector.shape_cast %parallel_loop3A_523 : vector<16xf32> to vector<1x1x16xf32>
      tpu.vector_store %arg12[%parallel_loop3A_525, %parallel_loop3A_526, %parallel_loop3A_527], %parallel_loop3A_530 {strides = array<i32>} : memref<2x80x128xf32, #tpu.memory_space<vmem>>, vector<1x1x16xf32>,
      %parallel_loop3A_531 = arith.constant 0.000000e+00 : f32
      %parallel_loop3A_532 = vector.broadcast %parallel_loop3A_531 : f32 to vector<16xf32>
      %parallel_loop3A_533 = arith.maximumf %parallel_loop3A_520, %parallel_loop3A_532 : vector<16xf32>
      %parallel_loop3A_534 = arith.constant 0 : i32
      %parallel_loop3A_535 = arith.index_cast %parallel_loop3A_534 : i32 to index
      %parallel_loop3A_536 = arith.index_cast %parallel_loop3A_396 : i32 to index
      %parallel_loop3A_537 = arith.constant 96 : index
      %parallel_loop3A_538 = tpu.vector_load %arg12[%parallel_loop3A_535, %parallel_loop3A_536, %parallel_loop3A_537] {strides = array<i32>} : memref<2x80x128xf32, #tpu.memory_space<vmem>>, vector<1x1x16xf32>,
      %parallel_loop3A_539 = vector.shape_cast %parallel_loop3A_538 : vector<1x1x16xf32> to vector<16xf32>
      %parallel_loop3A_540 = vector.shape_cast %parallel_loop3A_533 : vector<16xf32> to vector<1x1x16xf32>
      tpu.vector_store %arg12[%parallel_loop3A_535, %parallel_loop3A_536, %parallel_loop3A_537], %parallel_loop3A_540 {strides = array<i32>} : memref<2x80x128xf32, #tpu.memory_space<vmem>>, vector<1x1x16xf32>,
      %parallel_loop3A_541 = arith.constant 0 : i32
      %parallel_loop3A_542 = arith.index_cast %parallel_loop3A_541 : i32 to index
      %parallel_loop3A_543 = arith.index_cast %parallel_loop3A_396 : i32 to index
      %parallel_loop3A_544 = arith.constant 48 : index
      %parallel_loop3A_545 = tpu.vector_load %arg10[%parallel_loop3A_542, %parallel_loop3A_543, %parallel_loop3A_544] {strides = array<i32>} : memref<2x80x64xi32, #tpu.memory_space<vmem>>, vector<1x1x16xi32>,
      %parallel_loop3A_546 = vector.shape_cast %parallel_loop3A_545 : vector<1x1x16xi32> to vector<16xi32>
      %parallel_loop3A_547 = arith.constant 0 : i32
      %parallel_loop3A_548 = arith.index_cast %parallel_loop3A_547 : i32 to index
      %parallel_loop3A_549 = arith.index_cast %parallel_loop3A_396 : i32 to index
      %parallel_loop3A_550 = arith.constant 48 : index
      %parallel_loop3A_551 = tpu.vector_load %arg11[%parallel_loop3A_548, %parallel_loop3A_549, %parallel_loop3A_550] {strides = array<i32>} : memref<2x80x64xi32, #tpu.memory_space<vmem>>, vector<1x1x16xi32>,
      %parallel_loop3A_552 = vector.shape_cast %parallel_loop3A_551 : vector<1x1x16xi32> to vector<16xi32>
      %parallel_loop3A_553 = arith.constant 16 : i32
      %parallel_loop3A_554 = vector.broadcast %parallel_loop3A_553 : i32 to vector<16xi32>
      %parallel_loop3A_555 = arith.shli %parallel_loop3A_546, %parallel_loop3A_554 : vector<16xi32>
      %parallel_loop3A_556 = tpu.bitcast %parallel_loop3A_555 : vector<16xi32> -> vector<16xf32>
      %parallel_loop3A_557 = arith.constant 16 : i32
      %parallel_loop3A_558 = vector.broadcast %parallel_loop3A_557 : i32 to vector<16xi32>
      %parallel_loop3A_559 = arith.shli %parallel_loop3A_552, %parallel_loop3A_558 : vector<16xi32>
      %parallel_loop3A_560 = tpu.bitcast %parallel_loop3A_559 : vector<16xi32> -> vector<16xf32>
      %parallel_loop3A_561 = arith.addf %parallel_loop3A_556, %parallel_loop3A_560 : vector<16xf32>
      %parallel_loop3A_562 = vector.broadcast %parallel_loop3A_349 : i32 to vector<16xi32>
      %parallel_loop3A_563 = arith.andi %parallel_loop3A_546, %parallel_loop3A_562 : vector<16xi32>
      %parallel_loop3A_564 = tpu.bitcast %parallel_loop3A_563 : vector<16xi32> -> vector<16xf32>
      %parallel_loop3A_565 = vector.broadcast %parallel_loop3A_349 : i32 to vector<16xi32>
      %parallel_loop3A_566 = arith.andi %parallel_loop3A_552, %parallel_loop3A_565 : vector<16xi32>
      %parallel_loop3A_567 = tpu.bitcast %parallel_loop3A_566 : vector<16xi32> -> vector<16xf32>
      %parallel_loop3A_568 = arith.addf %parallel_loop3A_564, %parallel_loop3A_567 : vector<16xf32>
      %parallel_loop3A_569 = arith.constant 0.000000e+00 : f32
      %parallel_loop3A_570 = vector.broadcast %parallel_loop3A_569 : f32 to vector<16xf32>
      %parallel_loop3A_571 = arith.maximumf %parallel_loop3A_561, %parallel_loop3A_570 : vector<16xf32>
      %parallel_loop3A_572 = arith.constant 0 : i32
      %parallel_loop3A_573 = arith.index_cast %parallel_loop3A_572 : i32 to index
      %parallel_loop3A_574 = arith.index_cast %parallel_loop3A_396 : i32 to index
      %parallel_loop3A_575 = arith.constant 48 : index
      %parallel_loop3A_576 = tpu.vector_load %arg12[%parallel_loop3A_573, %parallel_loop3A_574, %parallel_loop3A_575] {strides = array<i32>} : memref<2x80x128xf32, #tpu.memory_space<vmem>>, vector<1x1x16xf32>,
      %parallel_loop3A_577 = vector.shape_cast %parallel_loop3A_576 : vector<1x1x16xf32> to vector<16xf32>
      %parallel_loop3A_578 = vector.shape_cast %parallel_loop3A_571 : vector<16xf32> to vector<1x1x16xf32>
      tpu.vector_store %arg12[%parallel_loop3A_573, %parallel_loop3A_574, %parallel_loop3A_575], %parallel_loop3A_578 {strides = array<i32>} : memref<2x80x128xf32, #tpu.memory_space<vmem>>, vector<1x1x16xf32>,
      %parallel_loop3A_579 = arith.constant 0.000000e+00 : f32
      %parallel_loop3A_580 = vector.broadcast %parallel_loop3A_579 : f32 to vector<16xf32>
      %parallel_loop3A_581 = arith.maximumf %parallel_loop3A_568, %parallel_loop3A_580 : vector<16xf32>
      %parallel_loop3A_582 = arith.constant 0 : i32
      %parallel_loop3A_583 = arith.index_cast %parallel_loop3A_582 : i32 to index
      %parallel_loop3A_584 = arith.index_cast %parallel_loop3A_396 : i32 to index
      %parallel_loop3A_585 = arith.constant 112 : index
      %parallel_loop3A_586 = tpu.vector_load %arg12[%parallel_loop3A_583, %parallel_loop3A_584, %parallel_loop3A_585] {strides = array<i32>} : memref<2x80x128xf32, #tpu.memory_space<vmem>>, vector<1x1x16xf32>,
      %parallel_loop3A_587 = vector.shape_cast %parallel_loop3A_586 : vector<1x1x16xf32> to vector<16xf32>
      %parallel_loop3A_588 = vector.shape_cast %parallel_loop3A_581 : vector<16xf32> to vector<1x1x16xf32>
      tpu.vector_store %arg12[%parallel_loop3A_583, %parallel_loop3A_584, %parallel_loop3A_585], %parallel_loop3A_588 {strides = array<i32>} : memref<2x80x128xf32, #tpu.memory_space<vmem>>, vector<1x1x16xf32>,
    } {sc.loop_unroll_factor = 4 : i64, sc.parallel_access}
    %dma_wait3A_350 = arith.constant 1 : i32
    %dma_wait3A_351 = arith.constant 1 : i32
    %dma_wait3A_352 = arith.constant 0 : i32
    %dma_wait3A_353 = arith.constant 0 : i32
    %dma_wait3A_354 = tpu.memref_slice %arg12[%dma_wait3A_350, %dma_wait3A_352, %dma_wait3A_353] : memref<2x80x128xf32, #tpu.memory_space<vmem>> -> memref<1x80x128xf32, #tpu.memory_space<vmem>>
    %dma_wait3A_355 = tpu.memref_squeeze %dma_wait3A_354 : memref<1x80x128xf32, #tpu.memory_space<vmem>> -> memref<80x128xf32, #tpu.memory_space<vmem>>
    %dma_wait3A_356 = arith.constant 0 : i32
    %dma_wait3A_357 = tpu.memref_slice %arg8[%dma_wait3A_351, %dma_wait3A_356] : memref<2x80xi32, #tpu.memory_space<vmem>> -> memref<1x80xi32, #tpu.memory_space<vmem>>
    %dma_wait3A_358 = tpu.memref_squeeze %dma_wait3A_357 : memref<1x80xi32, #tpu.memory_space<vmem>> -> memref<80xi32, #tpu.memory_space<vmem>>
    %dma_wait3A_359 = arith.constant 0 : i32
    %dma_wait3A_360 = arith.constant 0 : i32
    %dma_wait3A_361 = tpu.memref_slice %arg13[%dma_wait3A_359, %dma_wait3A_360] : memref<10000x128xf32, #tpu.memory_space<vmem_shared>> -> memref<10000x128xf32, #tpu.memory_space<vmem_shared>>
    tpu.wait_indirect_dma semaphore(%arg19 : memref<!tpu.dma_semaphore, #tpu.memory_space<semaphore_mem>>) src(%dma_wait3A_355 : memref<80x128xf32, #tpu.memory_space<vmem>>) dst(%dma_wait3A_361 : memref<10000x128xf32, #tpu.memory_space<vmem_shared>>)
    %dma_start3A_362 = arith.constant 0 : i32
    %dma_start3A_363 = arith.constant 0 : i32
    %dma_start3A_364 = arith.constant 0 : i32
    %dma_start3A_365 = arith.constant 0 : i32
    %dma_start3A_366 = tpu.memref_slice %arg12[%dma_start3A_362, %dma_start3A_364, %dma_start3A_365] : memref<2x80x128xf32, #tpu.memory_space<vmem>> -> memref<1x80x128xf32, #tpu.memory_space<vmem>>
    %dma_start3A_367 = tpu.memref_squeeze %dma_start3A_366 : memref<1x80x128xf32, #tpu.memory_space<vmem>> -> memref<80x128xf32, #tpu.memory_space<vmem>>
    %dma_start3A_368 = arith.constant 0 : i32
    %dma_start3A_369 = tpu.memref_slice %arg8[%dma_start3A_363, %dma_start3A_368] : memref<2x80xi32, #tpu.memory_space<vmem>> -> memref<1x80xi32, #tpu.memory_space<vmem>>
    %dma_start3A_370 = tpu.memref_squeeze %dma_start3A_369 : memref<1x80xi32, #tpu.memory_space<vmem>> -> memref<80xi32, #tpu.memory_space<vmem>>
    %dma_start3A_371 = arith.constant 0 : i32
    %dma_start3A_372 = arith.constant 0 : i32
    %dma_start3A_373 = tpu.memref_slice %arg13[%dma_start3A_371, %dma_start3A_372] : memref<10000x128xf32, #tpu.memory_space<vmem_shared>> -> memref<10000x128xf32, #tpu.memory_space<vmem_shared>>
    tpu.enqueue_indirect_dma source(%dma_start3A_367 : memref<80x128xf32, #tpu.memory_space<vmem>>) target(%dma_start3A_373 : memref<10000x128xf32, #tpu.memory_space<vmem_shared>>) offsets(%dma_start3A_370 : memref<80xi32, #tpu.memory_space<vmem>>) semaphore(%arg18 : memref<!tpu.dma_semaphore, #tpu.memory_space<semaphore_mem>>) {add = true}
    %dma_wait3A_374 = arith.constant 0 : i32
    %dma_wait3A_375 = arith.constant 0 : i32
    %dma_wait3A_376 = arith.constant 0 : i32
    %dma_wait3A_377 = arith.constant 0 : i32
    %dma_wait3A_378 = tpu.memref_slice %arg12[%dma_wait3A_374, %dma_wait3A_376, %dma_wait3A_377] : memref<2x80x128xf32, #tpu.memory_space<vmem>> -> memref<1x80x128xf32, #tpu.memory_space<vmem>>
    %dma_wait3A_379 = tpu.memref_squeeze %dma_wait3A_378 : memref<1x80x128xf32, #tpu.memory_space<vmem>> -> memref<80x128xf32, #tpu.memory_space<vmem>>
    %dma_wait3A_380 = arith.constant 0 : i32
    %dma_wait3A_381 = tpu.memref_slice %arg8[%dma_wait3A_375, %dma_wait3A_380] : memref<2x80xi32, #tpu.memory_space<vmem>> -> memref<1x80xi32, #tpu.memory_space<vmem>>
    %dma_wait3A_382 = tpu.memref_squeeze %dma_wait3A_381 : memref<1x80xi32, #tpu.memory_space<vmem>> -> memref<80xi32, #tpu.memory_space<vmem>>
    %dma_wait3A_383 = arith.constant 0 : i32
    %dma_wait3A_384 = arith.constant 0 : i32
    %dma_wait3A_385 = tpu.memref_slice %arg13[%dma_wait3A_383, %dma_wait3A_384] : memref<10000x128xf32, #tpu.memory_space<vmem_shared>> -> memref<10000x128xf32, #tpu.memory_space<vmem_shared>>
    tpu.wait_indirect_dma semaphore(%arg18 : memref<!tpu.dma_semaphore, #tpu.memory_space<semaphore_mem>>) src(%dma_wait3A_379 : memref<80x128xf32, #tpu.memory_space<vmem>>) dst(%dma_wait3A_385 : memref<10000x128xf32, #tpu.memory_space<vmem_shared>>)
    %barrier3A_386 = arith.constant 0 : index
    tpu.barrier barrier_id(%barrier3A_386)
    %lt3A = arith.constant 15 : i32
    %lt3A_387 = arith.cmpi slt, %arg1, %lt3A : i32
    %convert_element_type3A_388 = arith.extui %lt3A_387 : i1 to i32
    %cond3A_389 = arith.constant 0 : i32
    %cond3A_390 = arith.cmpi ne, %convert_element_type3A_388, %cond3A_389 : i32
    scf.if %cond3A_390 {
      %mul3A_396 = arith.constant 624 : i32
      %mul3A_397 = arith.muli %arg1, %mul3A_396 : i32
      %mul3A_398 = arith.constant 624 : i32
      %mul3A_399 = arith.muli %arg1, %mul3A_398 : i32
      %add3A_400 = arith.addi %mul3A_0, %mul3A_399 : i32
      "tpu.region"() ({
        %run_scoped3A_401 = tpu.sem_alloc : memref<!tpu.dma_semaphore, #tpu.memory_space<semaphore_mem>>
        %dma_start3A_402 = arith.constant 0 : i32
        %dma_start3A_403 = tpu.memref_slice %arg5[%add3A_400, %dma_start3A_402] : memref<20000x128xf32, #tpu.memory_space<hbm>> -> memref<624x128xf32, #tpu.memory_space<hbm>>
        %dma_start3A_404 = arith.constant 0 : i32
        %dma_start3A_405 = tpu.memref_slice %arg13[%mul3A_397, %dma_start3A_404] : memref<10000x128xf32, #tpu.memory_space<vmem_shared>> -> memref<624x128xf32, #tpu.memory_space<vmem_shared>>
        tpu.enqueue_dma source(%dma_start3A_405 : memref<624x128xf32, #tpu.memory_space<vmem_shared>>) target(%dma_start3A_403 : memref<624x128xf32, #tpu.memory_space<hbm>>) target_semaphore(%run_scoped3A_401 : memref<!tpu.dma_semaphore, #tpu.memory_space<semaphore_mem>>)
        %dma_wait3A_406 = arith.constant 0 : i32
        %dma_wait3A_407 = tpu.memref_slice %arg5[%add3A_400, %dma_wait3A_406] : memref<20000x128xf32, #tpu.memory_space<hbm>> -> memref<624x128xf32, #tpu.memory_space<hbm>>
        %dma_wait3A_408 = arith.constant 0 : i32
        %dma_wait3A_409 = tpu.memref_slice %arg13[%mul3A_397, %dma_wait3A_408] : memref<10000x128xf32, #tpu.memory_space<vmem_shared>> -> memref<624x128xf32, #tpu.memory_space<vmem_shared>>
        tpu.wait_dma2 semaphore(%run_scoped3A_401 : memref<!tpu.dma_semaphore, #tpu.memory_space<semaphore_mem>>) src(%dma_wait3A_409 : memref<624x128xf32, #tpu.memory_space<vmem_shared>>) dst(%dma_wait3A_407 : memref<624x128xf32, #tpu.memory_space<hbm>>)
        tpu.yield
      }) : () -> ()
    } else {
    }
    %eq3A_391 = arith.constant 15 : i32
    %eq3A_392 = arith.cmpi eq, %arg1, %eq3A_391 : i32
    %convert_element_type3A_393 = arith.extui %eq3A_392 : i1 to i32
    %cond3A_394 = arith.constant 0 : i32
    %cond3A_395 = arith.cmpi ne, %convert_element_type3A_393, %cond3A_394 : i32
    scf.if %cond3A_395 {
      %add3A_396 = arith.constant 9360 : i32
      %add3A_397 = arith.addi %mul3A_0, %add3A_396 : i32
      "tpu.region"() ({
        %run_scoped3A_398 = tpu.sem_alloc : memref<!tpu.dma_semaphore, #tpu.memory_space<semaphore_mem>>
        %dma_start3A_399 = arith.constant 0 : i32
        %dma_start3A_400 = tpu.memref_slice %arg5[%add3A_397, %dma_start3A_399] : memref<20000x128xf32, #tpu.memory_space<hbm>> -> memref<640x128xf32, #tpu.memory_space<hbm>>
        %dma_start3A_401 = arith.constant 9360 : i32
        %dma_start3A_402 = arith.constant 0 : i32
        %dma_start3A_403 = tpu.memref_slice %arg13[%dma_start3A_401, %dma_start3A_402] : memref<10000x128xf32, #tpu.memory_space<vmem_shared>> -> memref<640x128xf32, #tpu.memory_space<vmem_shared>>
        tpu.enqueue_dma source(%dma_start3A_403 : memref<640x128xf32, #tpu.memory_space<vmem_shared>>) target(%dma_start3A_400 : memref<640x128xf32, #tpu.memory_space<hbm>>) target_semaphore(%run_scoped3A_398 : memref<!tpu.dma_semaphore, #tpu.memory_space<semaphore_mem>>)
        %dma_wait3A_404 = arith.constant 0 : i32
        %dma_wait3A_405 = tpu.memref_slice %arg5[%add3A_397, %dma_wait3A_404] : memref<20000x128xf32, #tpu.memory_space<hbm>> -> memref<640x128xf32, #tpu.memory_space<hbm>>
        %dma_wait3A_406 = arith.constant 9360 : i32
        %dma_wait3A_407 = arith.constant 0 : i32
        %dma_wait3A_408 = tpu.memref_slice %arg13[%dma_wait3A_406, %dma_wait3A_407] : memref<10000x128xf32, #tpu.memory_space<vmem_shared>> -> memref<640x128xf32, #tpu.memory_space<vmem_shared>>
        tpu.wait_dma2 semaphore(%run_scoped3A_398 : memref<!tpu.dma_semaphore, #tpu.memory_space<semaphore_mem>>) src(%dma_wait3A_408 : memref<640x128xf32, #tpu.memory_space<vmem_shared>>) dst(%dma_wait3A_405 : memref<640x128xf32, #tpu.memory_space<hbm>>)
        tpu.yield
      }) : () -> ()
    } else {
    }
    return
  }
}

module attributes {stable_mosaic.version = 14 : i64} {
  func.func @_phase_a_body(%arg0: i32, %arg1: i32, %arg2: memref<1000x256xf32, #tpu.memory_space<vmem>>, %arg3: memref<128x256xf32, #tpu.memory_space<vmem>>, %arg4: memref<1x1x128xf32, #tpu.memory_space<vmem>>, %arg5: memref<128x256xf32, #tpu.memory_space<vmem>>, %arg6: memref<1x1x128xf32, #tpu.memory_space<vmem>>, %arg7: memref<1000x64xi32, #tpu.memory_space<vmem>>, %arg8: memref<1000x64xi32, #tpu.memory_space<vmem>>) attributes {dimension_semantics = [#tpu.dimension_semantics<arbitrary>, #tpu.dimension_semantics<arbitrary>], iteration_bounds = array<i64: 10, 2>, scalar_prefetch = 0 : i64, scratch_operands = 0 : i64, tpu.core_type = #tpu.core_type<tc>, window_params = [{transform_indices = @transform_0, window_bounds = array<i64: 1000, 256>}, {transform_indices = @transform_1, window_bounds = array<i64: 128, 256>}, {transform_indices = @transform_2, window_bounds = array<i64: 1, 1, 128>}, {transform_indices = @transform_3, window_bounds = array<i64: 128, 256>}, {transform_indices = @transform_4, window_bounds = array<i64: 1, 1, 128>}, {transform_indices = @transform_5, window_bounds = array<i64: 1000, 64>}, {transform_indices = @transform_6, window_bounds = array<i64: 1000, 64>}]} {
    %get3A = arith.constant 0 : index
    %get3A_0 = arith.constant 0 : index
    %get3A_1 = vector.load %arg2[%get3A, %get3A_0] : memref<1000x256xf32, #tpu.memory_space<vmem>>, vector<1000x256xf32>
    %get3A_2 = arith.constant 0 : index
    %get3A_3 = arith.constant 0 : index
    %get3A_4 = vector.load %arg3[%get3A_2, %get3A_3] : memref<128x256xf32, #tpu.memory_space<vmem>>, vector<128x256xf32>
    %dot_general3A = arith.constant dense<0.000000e+00> : vector<1000x128xf32>
    %dot_general3A_5 = tpu.matmul %get3A_1, %get3A_4, %dot_general3A {dimension_numbers = #tpu.dot_dimension_numbers<[1], [1], [0], [0], [0, 0, 1, 0], [], []>, transpose_lhs_hint = false} : vector<1000x256xf32>, vector<128x256xf32>, vector<1000x128xf32> -> vector<1000x128xf32>
    %get3A_6 = arith.constant 0 : index
    %get3A_7 = arith.constant 0 : index
    %get3A_8 = arith.constant 0 : index
    %get3A_9 = vector.load %arg4[%get3A_6, %get3A_7, %get3A_8] : memref<1x1x128xf32, #tpu.memory_space<vmem>>, vector<1x1x128xf32>
    %get3A_10 = vector.shape_cast %get3A_9 : vector<1x1x128xf32> to vector<1x128xf32>
    %add3A = vector.broadcast %get3A_10 : vector<1x128xf32> to vector<1000x128xf32>
    %add3A_11 = arith.addf %dot_general3A_5, %add3A : vector<1000x128xf32>
    %get3A_12 = arith.constant 0 : index
    %get3A_13 = arith.constant 0 : index
    %get3A_14 = vector.load %arg5[%get3A_12, %get3A_13] : memref<128x256xf32, #tpu.memory_space<vmem>>, vector<128x256xf32>
    %dot_general3A_15 = arith.constant dense<0.000000e+00> : vector<1000x128xf32>
    %dot_general3A_16 = tpu.matmul %get3A_1, %get3A_14, %dot_general3A_15 {dimension_numbers = #tpu.dot_dimension_numbers<[1], [1], [0], [0], [0, 0, 1, 0], [], []>, transpose_lhs_hint = false} : vector<1000x256xf32>, vector<128x256xf32>, vector<1000x128xf32> -> vector<1000x128xf32>
    %get3A_17 = arith.constant 0 : index
    %get3A_18 = arith.constant 0 : index
    %get3A_19 = arith.constant 0 : index
    %get3A_20 = vector.load %arg6[%get3A_17, %get3A_18, %get3A_19] : memref<1x1x128xf32, #tpu.memory_space<vmem>>, vector<1x1x128xf32>
    %get3A_21 = vector.shape_cast %get3A_20 : vector<1x1x128xf32> to vector<1x128xf32>
    %add3A_22 = vector.broadcast %get3A_21 : vector<1x128xf32> to vector<1000x128xf32>
    %add3A_23 = arith.addf %dot_general3A_16, %add3A_22 : vector<1000x128xf32>
    %slice3A = vector.extract_strided_slice %add3A_11 {offsets = [0, 0], sizes = [1000, 64], strides = [1, 1]} : vector<1000x128xf32> to vector<1000x64xf32>
    %bitcast_convert_type3A = tpu.bitcast %slice3A : vector<1000x64xf32> -> vector<1000x64xi32>
    %add3A_24 = arith.constant 32767 : i32
    %add3A_25 = vector.broadcast %add3A_24 : i32 to vector<1000x64xi32>
    %add3A_26 = arith.addi %bitcast_convert_type3A, %add3A_25 : vector<1000x64xi32>
    %shift_right_logical3A = arith.constant 16 : i32
    %shift_right_logical3A_27 = vector.broadcast %shift_right_logical3A : i32 to vector<1000x64xi32>
    %shift_right_logical3A_28 = arith.shrui %bitcast_convert_type3A, %shift_right_logical3A_27 : vector<1000x64xi32>
    %and3A = arith.constant 1 : i32
    %and3A_29 = vector.broadcast %and3A : i32 to vector<1000x64xi32>
    %and3A_30 = arith.andi %shift_right_logical3A_28, %and3A_29 : vector<1000x64xi32>
    %add3A_31 = arith.addi %add3A_26, %and3A_30 : vector<1000x64xi32>
    %and3A_32 = arith.constant -65536 : i32
    %and3A_33 = vector.broadcast %and3A_32 : i32 to vector<1000x64xi32>
    %and3A_34 = arith.andi %add3A_31, %and3A_33 : vector<1000x64xi32>
    %shift_right_logical3A_35 = arith.constant 16 : i32
    %shift_right_logical3A_36 = vector.broadcast %shift_right_logical3A_35 : i32 to vector<1000x64xi32>
    %shift_right_logical3A_37 = arith.shrui %and3A_34, %shift_right_logical3A_36 : vector<1000x64xi32>
    %slice3A_38 = vector.extract_strided_slice %add3A_11 {offsets = [0, 64], sizes = [1000, 64], strides = [1, 1]} : vector<1000x128xf32> to vector<1000x64xf32>
    %bitcast_convert_type3A_39 = tpu.bitcast %slice3A_38 : vector<1000x64xf32> -> vector<1000x64xi32>
    %add3A_40 = arith.constant 32767 : i32
    %add3A_41 = vector.broadcast %add3A_40 : i32 to vector<1000x64xi32>
    %add3A_42 = arith.addi %bitcast_convert_type3A_39, %add3A_41 : vector<1000x64xi32>
    %shift_right_logical3A_43 = arith.constant 16 : i32
    %shift_right_logical3A_44 = vector.broadcast %shift_right_logical3A_43 : i32 to vector<1000x64xi32>
    %shift_right_logical3A_45 = arith.shrui %bitcast_convert_type3A_39, %shift_right_logical3A_44 : vector<1000x64xi32>
    %and3A_46 = arith.constant 1 : i32
    %and3A_47 = vector.broadcast %and3A_46 : i32 to vector<1000x64xi32>
    %and3A_48 = arith.andi %shift_right_logical3A_45, %and3A_47 : vector<1000x64xi32>
    %add3A_49 = arith.addi %add3A_42, %and3A_48 : vector<1000x64xi32>
    %and3A_50 = arith.constant -65536 : i32
    %and3A_51 = vector.broadcast %and3A_50 : i32 to vector<1000x64xi32>
    %and3A_52 = arith.andi %add3A_49, %and3A_51 : vector<1000x64xi32>
    %or3A = arith.ori %shift_right_logical3A_37, %and3A_52 : vector<1000x64xi32>
    %bitcast_convert_type3A_53 = tpu.bitcast %or3A : vector<1000x64xi32> -> vector<1000x64xi32>
    %swap3A = arith.constant 0 : index
    %swap3A_54 = arith.constant 0 : index
    %swap3A_55 = vector.load %arg7[%swap3A, %swap3A_54] : memref<1000x64xi32, #tpu.memory_space<vmem>>, vector<1000x64xi32>
    tpu.vector_store %arg7[%swap3A, %swap3A_54], %bitcast_convert_type3A_53 {strides = array<i32>} : memref<1000x64xi32, #tpu.memory_space<vmem>>, vector<1000x64xi32>,
    %slice3A_56 = vector.extract_strided_slice %add3A_23 {offsets = [0, 0], sizes = [1000, 64], strides = [1, 1]} : vector<1000x128xf32> to vector<1000x64xf32>
    %bitcast_convert_type3A_57 = tpu.bitcast %slice3A_56 : vector<1000x64xf32> -> vector<1000x64xi32>
    %add3A_58 = arith.constant 32767 : i32
    %add3A_59 = vector.broadcast %add3A_58 : i32 to vector<1000x64xi32>
    %add3A_60 = arith.addi %bitcast_convert_type3A_57, %add3A_59 : vector<1000x64xi32>
    %shift_right_logical3A_61 = arith.constant 16 : i32
    %shift_right_logical3A_62 = vector.broadcast %shift_right_logical3A_61 : i32 to vector<1000x64xi32>
    %shift_right_logical3A_63 = arith.shrui %bitcast_convert_type3A_57, %shift_right_logical3A_62 : vector<1000x64xi32>
    %and3A_64 = arith.constant 1 : i32
    %and3A_65 = vector.broadcast %and3A_64 : i32 to vector<1000x64xi32>
    %and3A_66 = arith.andi %shift_right_logical3A_63, %and3A_65 : vector<1000x64xi32>
    %add3A_67 = arith.addi %add3A_60, %and3A_66 : vector<1000x64xi32>
    %and3A_68 = arith.constant -65536 : i32
    %and3A_69 = vector.broadcast %and3A_68 : i32 to vector<1000x64xi32>
    %and3A_70 = arith.andi %add3A_67, %and3A_69 : vector<1000x64xi32>
    %shift_right_logical3A_71 = arith.constant 16 : i32
    %shift_right_logical3A_72 = vector.broadcast %shift_right_logical3A_71 : i32 to vector<1000x64xi32>
    %shift_right_logical3A_73 = arith.shrui %and3A_70, %shift_right_logical3A_72 : vector<1000x64xi32>
    %slice3A_74 = vector.extract_strided_slice %add3A_23 {offsets = [0, 64], sizes = [1000, 64], strides = [1, 1]} : vector<1000x128xf32> to vector<1000x64xf32>
    %bitcast_convert_type3A_75 = tpu.bitcast %slice3A_74 : vector<1000x64xf32> -> vector<1000x64xi32>
    %add3A_76 = arith.constant 32767 : i32
    %add3A_77 = vector.broadcast %add3A_76 : i32 to vector<1000x64xi32>
    %add3A_78 = arith.addi %bitcast_convert_type3A_75, %add3A_77 : vector<1000x64xi32>
    %shift_right_logical3A_79 = arith.constant 16 : i32
    %shift_right_logical3A_80 = vector.broadcast %shift_right_logical3A_79 : i32 to vector<1000x64xi32>
    %shift_right_logical3A_81 = arith.shrui %bitcast_convert_type3A_75, %shift_right_logical3A_80 : vector<1000x64xi32>
    %and3A_82 = arith.constant 1 : i32
    %and3A_83 = vector.broadcast %and3A_82 : i32 to vector<1000x64xi32>
    %and3A_84 = arith.andi %shift_right_logical3A_81, %and3A_83 : vector<1000x64xi32>
    %add3A_85 = arith.addi %add3A_78, %and3A_84 : vector<1000x64xi32>
    %and3A_86 = arith.constant -65536 : i32
    %and3A_87 = vector.broadcast %and3A_86 : i32 to vector<1000x64xi32>
    %and3A_88 = arith.andi %add3A_85, %and3A_87 : vector<1000x64xi32>
    %or3A_89 = arith.ori %shift_right_logical3A_73, %and3A_88 : vector<1000x64xi32>
    %bitcast_convert_type3A_90 = tpu.bitcast %or3A_89 : vector<1000x64xi32> -> vector<1000x64xi32>
    %swap3A_91 = arith.constant 0 : index
    %swap3A_92 = arith.constant 0 : index
    %swap3A_93 = vector.load %arg8[%swap3A_91, %swap3A_92] : memref<1000x64xi32, #tpu.memory_space<vmem>>, vector<1000x64xi32>
    tpu.vector_store %arg8[%swap3A_91, %swap3A_92], %bitcast_convert_type3A_90 {strides = array<i32>} : memref<1000x64xi32, #tpu.memory_space<vmem>>, vector<1000x64xi32>,
    return
  }
  func.func @transform_0(%arg0: i32, %arg1: i32) -> (i32, i32) {
    %c0_i32 = arith.constant 0 : i32
    %c0_i32_0 = arith.constant 0 : i32
    return %arg0, %c0_i32 : i32, i32
  }
  func.func @transform_1(%arg0: i32, %arg1: i32) -> (i32, i32) {
    %c0_i32 = arith.constant 0 : i32
    %c0_i32_0 = arith.constant 0 : i32
    return %arg1, %c0_i32 : i32, i32
  }
  func.func @transform_2(%arg0: i32, %arg1: i32) -> (i32, i32, i32) {
    %c0_i32 = arith.constant 0 : i32
    %c0_i32_0 = arith.constant 0 : i32
    %c0_i32_1 = arith.constant 0 : i32
    return %arg1, %c0_i32, %c0_i32_0 : i32, i32, i32
  }
  func.func @transform_3(%arg0: i32, %arg1: i32) -> (i32, i32) {
    %c0_i32 = arith.constant 0 : i32
    %c0_i32_0 = arith.constant 0 : i32
    return %arg1, %c0_i32 : i32, i32
  }
  func.func @transform_4(%arg0: i32, %arg1: i32) -> (i32, i32, i32) {
    %c0_i32 = arith.constant 0 : i32
    %c0_i32_0 = arith.constant 0 : i32
    %c0_i32_1 = arith.constant 0 : i32
    return %arg1, %c0_i32, %c0_i32_0 : i32, i32, i32
  }
  func.func @transform_5(%arg0: i32, %arg1: i32) -> (i32, i32) {
    %mul3A = arith.constant 10 : i32
    %mul3A_0 = arith.muli %arg1, %mul3A : i32
    %add3A = arith.addi %mul3A_0, %arg0 : i32
    %c0_i32 = arith.constant 0 : i32
    %c0_i32_1 = arith.constant 0 : i32
    return %add3A, %c0_i32 : i32, i32
  }
  func.func @transform_6(%arg0: i32, %arg1: i32) -> (i32, i32) {
    %mul3A = arith.constant 10 : i32
    %mul3A_0 = arith.muli %arg1, %mul3A : i32
    %add3A = arith.addi %mul3A_0, %arg0 : i32
    %c0_i32 = arith.constant 0 : i32
    %c0_i32_1 = arith.constant 0 : i32
    return %add3A, %c0_i32 : i32, i32
  }
}

module attributes {stable_mosaic.version = 14 : i64} {
  func.func @_phase_c_body(%arg0: i32, %arg1: memref<1000x128xf32, #tpu.memory_space<vmem>>, %arg2: memref<1000x128xf32, #tpu.memory_space<vmem>>, %arg3: memref<256x256xf32, #tpu.memory_space<vmem>>, %arg4: memref<1x256xf32, #tpu.memory_space<vmem>>, %arg5: memref<1000x256xf32, #tpu.memory_space<vmem>>) attributes {dimension_semantics = [#tpu.dimension_semantics<arbitrary>], iteration_bounds = array<i64: 10>, scalar_prefetch = 0 : i64, scratch_operands = 0 : i64, tpu.core_type = #tpu.core_type<tc>, window_params = [{transform_indices = @transform_0, window_bounds = array<i64: 1000, 128>}, {transform_indices = @transform_1, window_bounds = array<i64: 1000, 128>}, {pipeline_mode = #tpu.pipeline_mode<synchronous>, transform_indices = @transform_2, window_bounds = array<i64: 256, 256>}, {pipeline_mode = #tpu.pipeline_mode<synchronous>, transform_indices = @transform_3, window_bounds = array<i64: 1, 256>}, {transform_indices = @transform_4, window_bounds = array<i64: 1000, 256>}]} {
    %get3A = arith.constant 0 : index
    %get3A_0 = arith.constant 0 : index
    %get3A_1 = vector.load %arg3[%get3A, %get3A_0] : memref<256x256xf32, #tpu.memory_space<vmem>>, vector<256x256xf32>
    %get3A_2 = arith.constant 0 : index
    %get3A_3 = arith.constant 0 : index
    %get3A_4 = vector.load %arg1[%get3A_2, %get3A_3] : memref<1000x128xf32, #tpu.memory_space<vmem>>, vector<1000x128xf32>
    %slice3A = vector.extract_strided_slice %get3A_1 {offsets = [0, 0], sizes = [256, 128], strides = [1, 1]} : vector<256x256xf32> to vector<256x128xf32>
    %dot_general3A = arith.constant dense<0.000000e+00> : vector<1000x256xf32>
    %dot_general3A_5 = tpu.matmul %get3A_4, %slice3A, %dot_general3A {dimension_numbers = #tpu.dot_dimension_numbers<[1], [1], [0], [0], [0, 0, 1, 0], [], []>, transpose_lhs_hint = false} : vector<1000x128xf32>, vector<256x128xf32>, vector<1000x256xf32> -> vector<1000x256xf32>
    %get3A_6 = arith.constant 0 : index
    %get3A_7 = arith.constant 0 : index
    %get3A_8 = vector.load %arg2[%get3A_6, %get3A_7] : memref<1000x128xf32, #tpu.memory_space<vmem>>, vector<1000x128xf32>
    %slice3A_9 = vector.extract_strided_slice %get3A_1 {offsets = [0, 128], sizes = [256, 128], strides = [1, 1]} : vector<256x256xf32> to vector<256x128xf32>
    %dot_general3A_10 = arith.constant dense<0.000000e+00> : vector<1000x256xf32>
    %dot_general3A_11 = tpu.matmul %get3A_8, %slice3A_9, %dot_general3A_10 {dimension_numbers = #tpu.dot_dimension_numbers<[1], [1], [0], [0], [0, 0, 1, 0], [], []>, transpose_lhs_hint = false} : vector<1000x128xf32>, vector<256x128xf32>, vector<1000x256xf32> -> vector<1000x256xf32>
    %add3A = arith.addf %dot_general3A_5, %dot_general3A_11 : vector<1000x256xf32>
    %get3A_12 = arith.constant 0 : index
    %get3A_13 = arith.constant 0 : index
    %get3A_14 = vector.load %arg4[%get3A_12, %get3A_13] : memref<1x256xf32, #tpu.memory_space<vmem>>, vector<1x256xf32>
    %add3A_15 = vector.broadcast %get3A_14 : vector<1x256xf32> to vector<1000x256xf32>
    %add3A_16 = arith.addf %add3A, %add3A_15 : vector<1000x256xf32>
    %swap3A = arith.constant 0 : index
    %swap3A_17 = arith.constant 0 : index
    %swap3A_18 = vector.load %arg5[%swap3A, %swap3A_17] : memref<1000x256xf32, #tpu.memory_space<vmem>>, vector<1000x256xf32>
    tpu.vector_store %arg5[%swap3A, %swap3A_17], %add3A_16 {strides = array<i32>} : memref<1000x256xf32, #tpu.memory_space<vmem>>, vector<1000x256xf32>,
    return
  }
  func.func @transform_0(%arg0: i32) -> (i32, i32) {
    %c0_i32 = arith.constant 0 : i32
    %c0_i32_0 = arith.constant 0 : i32
    return %arg0, %c0_i32 : i32, i32
  }
  func.func @transform_1(%arg0: i32) -> (i32, i32) {
    %add3A = arith.constant 10 : i32
    %add3A_0 = arith.addi %add3A, %arg0 : i32
    %c0_i32 = arith.constant 0 : i32
    %c0_i32_1 = arith.constant 0 : i32
    return %add3A_0, %c0_i32 : i32, i32
  }
  func.func @transform_2(%arg0: i32) -> (i32, i32) {
    %c0_i32 = arith.constant 0 : i32
    %c0_i32_0 = arith.constant 0 : i32
    %c0_i32_1 = arith.constant 0 : i32
    return %c0_i32, %c0_i32_0 : i32, i32
  }
  func.func @transform_3(%arg0: i32) -> (i32, i32) {
    %c0_i32 = arith.constant 0 : i32
    %c0_i32_0 = arith.constant 0 : i32
    %c0_i32_1 = arith.constant 0 : i32
    return %c0_i32, %c0_i32_0 : i32, i32
  }
  func.func @transform_4(%arg0: i32) -> (i32, i32) {
    %c0_i32 = arith.constant 0 : i32
    %c0_i32_0 = arith.constant 0 : i32
    return %arg0, %c0_i32 : i32, i32
  }
}

</mosaic_0001>

<sc_bundles>
// kernel: kernel.5.cloned.1.call-start
scs
__scs_entry_jumppad:
0x0: {  	(pc) =	sbr.rel $0x88, $3  }
0x1: {  	(tag) =	ssettag $0x0;
	lr =	simm.s32 $0x1  }
0x2: {  	[smem:$0x3F99] =	sst lr;
	_ =	strace $0xD0000000  }
0x3: {  	_ = 	snop  }
0x4: {  	_ = 	snop  }
0x5: {  	_ = 	snop  }
0x6: {  	_ = 	snop  }
0x7: {  	_ = 	snop  }
__scs_overlays_trampoline_lowered:
0x8: {  	[smem:$0x3FA8] =	sst s0  }
0x9: {  	[smem:$0x3FA9] =	sst s1  }
0xa: {  	[smem:$0x3FAA] =	sst s2  }
0xb: {  	[smem:$0x3FAB] =	sst s3  }
0xc: {  	[smem:$0x3FAC] =	sst s4  }
0xd: {  	[smem:$0x3FAD] =	sst s5  }
0xe: {  	[smem:$0x3FAE] =	sst s6  }
0xf: {  	[smem:$0x3FAF] =	sst s7  }
0x10: {  	[smem:$0x3FB0] =	sst s8  }
0x11: {  	[smem:$0x3FB1] =	sst s9;
	s0 =	simm.s32 @!p0 $0x0  }
0x12: {  	s1 =	sld [smem:$0x3F97];
	s0 =	simm.s32 @p0 $0x1  }
0x13: {  	[smem:$0x3FB2] =	sst s0;
	s0 =	simm.s32 @!p1 $0x0  }
0x14: {  	s2 =	sld [smem:$0x3F96];
	s0 =	simm.s32 @p1 $0x1  }
0x15: {  	[smem:$0x3FB3] =	sst s0;
	s0 =	simm.s32 @!p2 $0x0  }
0x16: {  	s3 =	sld [smem:$0x3FDB];
	s0 =	simm.s32 @p2 $0x1  }
0x17: {  	s4 =	simm.s32 $0x1BF5;
	[smem:$0x3FB5] =	sst s0  }
0x18: {  	s0 =	sld [smem:$0x3F98];
	_ =	swait.ge [sflag:s4], $0x0  }
0x19: {  	s7 =	sld [smem:$0x3F99]  }
0x1a: {  	s8 =	sadd.s32 $0xFFFFE003, lr  }
0x1b: {  	s9 =	sadd.s32 $0xFFFFFEF7, lr;
	s5 =	simm.s32 $0xFFFFFFFF;
	p2 =	slt.u32 s8, $0xFFFFF086  }
0x1c: {  	p1 =	slt.u32 s9, $0xF7A;
	s5 =	simm.s32 @!p2 $0x0  }
0x1d: {  	s5 =	simm.s32 @p1 $0x1;
	p0 =	seq.s32 s7, s2  }
0x1e: {  	s7 =	smul.u32 @!p0 $0xF7A, s2;
	p2 =	seq.s32 @!p0 s5, $0x0  }
0x1f: {  	s9 =	smul.u32 $0xF7A, s1;
	s8 =	simm.s32 @!p0 $0x1BF5;
	p2 =	por !p2, p0  }
0x20: {  	[sflag:s8] =	ssyncset.s32 @!p0 $0xFFFFF086;
	s6 =	sadd.s32 @!p0 s3, s7;
	s7 =	simm.s32 @!p0 $0x108  }
0x21: {  	s3 =	sadd.s32 s3, s9;
	s6 =	sadd.s32 @!p0 $0x88, s6;
	s7 =	simm.s32 @p2 $0x1082  }
0x22: {  	[simem:s7], [sflag:s8] =	dma.local @!p0 [hbm:s6], $0xF7A  }
0x23: {  	s9 =	sor.u32 $0xD0000000, s2;
	s6 =	simm.s32 $0x108;
	_ =	swait.ge @!p0 [sflag:s8], $0x0  }
0x24: {  	s3 =	sadd.s32 $0x88, s3;
	s6 =	simm.s32 @!p1 $0x1082;
	[sflag:s4] =	ssyncset.s32 $0xFFFFF086  }
0x25: {  	[simem:s6], [sflag:s4] =	dma.local [hbm:s3], $0xF7A  }
0x26: {  	[smem:$0x3F99] =	sst s1;
	(tag) =	ssettag s2;
	_ =	strace s9  }
0x27: {  	s1 =	sld [smem:$0x3FA9]  }
0x28: {  	s2 =	sld [smem:$0x3FAA]  }
0x29: {  	s4 =	sld [smem:$0x3FAC]  }
0x2a: {  	p0 =	seq.s32 s5, $0x0;
	s5 =	sld [smem:$0x3FAD]  }
0x2b: {  	s6 =	sld [smem:$0x3FAE]  }
0x2c: {  	s7 =	sld [smem:$0x3FAF]  }
0x2d: {  	s3 =	simm.s32 $0x108;
	s8 =	sld [smem:$0x3FB0]  }
0x2e: {  	s3 =	simm.s32 @!p0 $0x1082;
	s9 =	sld [smem:$0x3FB1]  }
0x2f: {  	lr =	sadd.s32 s0, s3;
	s0 =	sld [smem:$0x3FA8]  }
0x30: {  	s3 =	sld [smem:$0x3FAB]  }
0x31: {  	[smem:$0x3FB4] =	sst s10  }
0x32: {  	s10 =	sld [smem:$0x3FB2];
	_ =	sdelay $0x3  }
0x33: {  	p0 =	seq.s32 s10, $0x1;
	s10 =	sld [smem:$0x3FB4];
	_ =	sdelay $0x3  }
0x34: {  	[smem:$0x3FB4] =	sst s10  }
0x35: {  	s10 =	sld [smem:$0x3FB3];
	_ =	sdelay $0x3  }
0x36: {  	p1 =	seq.s32 s10, $0x1;
	s10 =	sld [smem:$0x3FB4];
	_ =	sdelay $0x3  }
0x37: {  	[smem:$0x3FB4] =	sst s10  }
0x38: {  	s10 =	sld [smem:$0x3FB5]  }
0x39: {  	_ = 	snop;
	(pc) =	sbr.ind lr, $3  }
0x3a: {  	_ = 	snop  }
0x3b: {  	_ = 	snop  }
0x3c: {  	p2 =	seq.s32 s10, $0x1;
	s10 =	sld [smem:$0x3FB4]  }
0x3d: {  	_ =	shalt  }
0x3e: {  	_ =	shalt  }
0x3f: {  	_ =	shalt  }
0x40: {  	_ =	shalt  }
0x41: {  	_ =	shalt  }
0x42: {  	_ =	shalt  }
0x43: {  	_ =	shalt  }
0x44: {  	_ =	shalt  }
0x45: {  	_ =	shalt  }
0x46: {  	_ =	shalt  }
0x47: {  	_ =	shalt  }
0x48: {  	_ =	shalt  }
0x49: {  	_ =	shalt  }
0x4a: {  	_ =	shalt  }
0x4b: {  	_ =	shalt  }
0x4c: {  	_ =	shalt  }
0x4d: {  	_ =	shalt  }
0x4e: {  	_ =	shalt  }
0x4f: {  	_ =	shalt  }
0x50: {  	_ =	shalt  }
0x51: {  	_ =	shalt  }
0x52: {  	_ =	shalt  }
0x53: {  	_ =	shalt  }
0x54: {  	_ =	shalt  }
0x55: {  	_ =	shalt  }
0x56: {  	_ =	shalt  }
0x57: {  	_ =	shalt  }
0x58: {  	_ =	shalt  }
0x59: {  	_ =	shalt  }
0x5a: {  	_ =	shalt  }
0x5b: {  	_ =	shalt  }
0x5c: {  	_ =	shalt  }
0x5d: {  	_ =	shalt  }
0x5e: {  	_ =	shalt  }
0x5f: {  	_ =	shalt  }
0x60: {  	_ =	shalt  }
0x61: {  	_ =	shalt  }
0x62: {  	_ =	shalt  }
0x63: {  	_ =	shalt  }
0x64: {  	_ =	shalt  }
0x65: {  	_ =	shalt  }
0x66: {  	_ =	shalt  }
0x67: {  	_ =	shalt  }
0x68: {  	_ =	shalt  }
0x69: {  	_ =	shalt  }
0x6a: {  	_ =	shalt  }
0x6b: {  	_ =	shalt  }
0x6c: {  	_ =	shalt  }
0x6d: {  	_ =	shalt  }
0x6e: {  	_ =	shalt  }
0x6f: {  	_ =	shalt  }
0x70: {  	_ =	shalt  }
0x71: {  	_ =	shalt  }
0x72: {  	_ =	shalt  }
0x73: {  	_ =	shalt  }
0x74: {  	_ =	shalt  }
0x75: {  	_ =	shalt  }
0x76: {  	_ =	shalt  }
0x77: {  	_ =	shalt  }
0x78: {  	_ =	shalt  }
0x79: {  	_ =	shalt  }
0x7a: {  	_ =	shalt  }
0x7b: {  	_ =	shalt  }
0x7c: {  	_ =	shalt  }
0x7d: {  	_ =	shalt  }
0x7e: {  	_ =	shalt  }
0x7f: {  	_ =	shalt  }
0x80: {  	_ =	shalt  }
0x81: {  	_ =	shalt  }
0x82: {  	_ =	shalt  }
0x83: {  	_ =	shalt  }
0x84: {  	_ =	shalt  }
0x85: {  	_ =	shalt  }
0x86: {  	_ =	shalt  }
0x87: {  	_ =	shalt  }
.Lfunc_end0:
.L_simem_size_0:
called_computation_lowered:
.L_overlay_start_0:
0x88: {  	s2 =	sld [smem:$0x3FD9]  }
0x89: {  	s3 =	sld [smem:$0x3FFE];
	_ =	sdelay $0x1  }
0x8a: {  	s1 =	srdreg.scid  }
0x8b: {  	s0 =	sand.u32 $0x1, s1  }
0x8c: {  	s17 =	sshll.u32 s0, $0xA;
	s2 =	sadd.s32 s3, s2  }
0x8d: {  	s2 =	sadd.s32 s2, s17  }
0x8e: {  	[smem:$0x3FC0] =	sst s2  }
0x8f: {  	_ = 	snop  }
0x90: {  	s2 =	sld [smem:$0x3FD0];
	(tm) =	ssettm $0x1  }
0x91: {  	s18 =	sld [smem:$0x3FFB];
	_ =	sdelay $0x3  }
0x92: {  	_ =	strace s18  }
0x93: {  	s3 =	sld [smem:$0x3FFC];
	_ =	sdelay $0x3  }
0x94: {  	_ =	strace s3  }
0x95: {  	s3 =	sld [smem:$0x3FFD];
	_ =	sdelay $0x3  }
0x96: {  	_ =	strace s3  }
0x97: {  	_ =	strace $0x8FFFFFFF  }
0x98: {  	s19 =	sld [smem:$0x3FDB];
	_ =	sdelay $0x1  }
0x99: {  	s4 =	simm.s32 $_scs_section_size  }
0x9a: {  	s5 =	simm.s32 $_size__tile_overlayer_lowered;
	s6 =	simm.s32 $_tile_overlayer_lowered  }
0x9b: {  	s22 =	simm.s32 $0x1BFF;
	s21 =	sshll.u32 s6, $0x1;
	s3 =	sadd.s32 s4, s19  }
0x9c: {  	s7 =	simm.s32 $0x0;
	s20 =	sshll.u32 s5, $0x1;
	s5 =	sadd.s32 s21, s3  }
0x9d: {  	[timem:s7], [sflag:s22] =	dma.local [hbm:s5], s20  }
0x9e: {  	_ =	swait.ge [sflag:s22], s20  }
0x9f: {  	s4 =	ssub.s32 $0x0, s20;
	[sflag:s22] =	ssyncset.done $0x0  }
0xa0: {  	[sflag:s22] =	ssyncadd.s32 s4;
	_ =	sdelay $0x1  }
0xa1: {  	s23 =	simm.s32 $0x1B8B  }
0xa2: {  	_ =	swait.ge [sflag:s23], $0x1  }
0xa3: {  	[sflag:s23] =	ssyncset.done $0x0  }
0xa4: {  	s25 =	simm.s32 $0x1B8E;
	s24 =	sld [smem:$0x3FFE];
	[sflag:s23] =	ssyncadd.s32 $0xFFFFFFFF  }
0xa5: {  	s26 =	simm.s32 $execute0_lowered;
	[smem:$0x3FD2] =	sst s25  }
0xa6: {  	s5 =	sshll.u32 s26, $0x1;
	_ =	strace $0x80000046;
	[dreg:$0x1] =	wrdreg $0xFFFFFFFF  }
0xa7: {  	s28 =	simm.s32 $_size_execute0_lowered;
	s3 =	sadd.s32 s3, s5;
	[dreg:$0x0] =	wrdreg $0x0  }
0xa8: {  	s5 =	sshll.u32 s28, $0x1;
	[dreg:$0x2] =	wrdreg s3  }
0xa9: {  	[dreg:$0x3] =	wrdreg s5  }
0xaa: {  	[dreg:$0x4] =	wrdreg $0xC0  }
0xab: {  	_ =	task [dreg:s7], $0x5FFFF  }
0xac: {  	[dreg:$0x1] =	wrdreg $0xFFFFFFFF  }
0xad: {  	[dreg:$0x0] =	wrdreg $0x60  }
0xae: {  	[dreg:$0x2] =	wrdreg s24  }
0xaf: {  	[dreg:$0x3] =	wrdreg s2  }
0xb0: {  	[dreg:$0x4] =	wrdreg $0xA3200  }
0xb1: {  	[dreg:$0x5] =	wrdreg $0x9  }
0xb2: {  	_ =	task.clear_ibuf [dreg:s7], $0x6FFFF;
	_ =	strace $0x90000046  }
0xb3: {  	s29 =	simm.s32 $0x9;
	_ =	strace $0x80000048  }
0xb4: {  	_ =	swait.ge [sflag:s29], $0x1  }
0xb5: {  	[sflag:s29] =	ssyncadd.s32 $0xFFFFFFFF  }
0xb6: {  	_ =	strace $0x90000048  }
0xb7: {  	_ =	sfence  }
0xb8: {  	s30 =	sld [smem:$0x0];
	_ =	sdelay $0x2  }
0xb9: {  	s31 =	sshll.u32 s1, $0xD;
	s1 =	sshrl.u32 s1, $0x2  }
0xba: {  	s3 =	sand.u32 $0x4000, s31;
	s1 =	sadd.s32 s1, s30  }
0xbb: {  	s0 =	sor.u32 s3, s0;
	s1 =	sshll.u32 s1, $0x11  }
0xbc: {  	s0 =	sor.u32 s1, s0  }
0xbd: {  	s0 =	sadd.s32 $0x8F2B, s0  }
0xbe: {  	[sflag:s0] =	ssyncadd.remote.s32 $0x1  }
0xbf: {  	_ =	sfence.sel $0xFFFF  }
0xc0: {  	[dreg:$0x0] =	wrdreg $0xFFFFFFFF;
	(pc) =	sbr.abs _section_cstart, $3  }
0xc1: {  	[dreg:$0x1] =	wrdreg $0xFFFFFFFF  }
0xc2: {  	_ =	task.clear_ibuf [dreg:s7], $0x2FFFF;
	_ =	strace $0x9FFFFFFF  }
0xc3: {  	(tm) =	ssettm $0x7FFFFFFF  }
tec
execute0_lowered:
.L_overlay_start_1:
0x0: {  	(tag) =	ssettag $0x1  }
0x1: {  	s0 =	rddreg [dreg:$0x0]  }
0x2: {  	s2 =	rddreg [dreg:$0x1]  }
0x3: {  	s1 =	rddreg [dreg:$0x2];
	s3 =	simm.s32 $0x0  }
0x4: {  	s14 =	srdreg.scid;
	s11 =	stileid.u32;
	s28 =	simm.s32 $0x1  }
0x5: {  	s29 =	simm.s32 $0x140;
	s30 =	simm.s32 $0x2B20;
	s31 =	simm.s32 $0x280  }
0x6: {  	[smem:$0x7FF] =	sst s3;
	s4 =	sadd.s32 $0x28800, s0;
	s7 =	smul.u32 $0x4E000, s11  }
0x7: {  	s3 =	sand.u32 $0x1, s14;
	s5 =	sadd.s32 $0x1600, s0;
	s16 =	smul.u32 $0x270, s11  }
0x8: {  	s6 =	sadd.s32 $0x4FA00, s0;
	s19 =	smul.u32 $0x2710, s11;
	s24 =	sadd.s32 $0x138000, s1  }
0x9: {  	p0 =	sne.s32 s11, $0xF;
	p1 =	seq.s32 s11, $0xF;
	s14 =	simm.s32 $0x1E0  }
0xa: {  	_ =	strace $0x80000047;
	s15 =	ssub.s32 $0x2, s3;
	s10 =	smul.u32 $0x2710, s3  }
0xb: {  	s3 =	smul.u32 $0x138800, s3;
	[dreg:$0xc] =	wrdreg s24;
	s8 =	sshrl.u32 s15, $0x1  }
0xc: {  	s7 =	sshrl.u32 s7, $0x2;
	s23 =	sshrl.u32 s19, $0x3;
	s17 =	sadd.s32 $0x50, s19  }
0xd: {  	s0 =	ssub.s32 s15, s8;
	s12 =	sadd.s32 s7, s1;
	s8 =	sadd.s32 s16, s10  }
0xe: {  	s3 =	sshrl.u32 s3, $0x3;
	s7 =	sadd.s32 $0x2800, s12;
	[dreg:$0x4] =	wrdreg s12  }
0xf: {  	s15 =	simm.s32 $0x4;
	s18 =	sadd.s32 $0x5000, s12;
	[dreg:$0x5] =	wrdreg s7  }
0x10: {  	s16 =	simm.s32 $0x5;
	s9 =	sadd.s32 $0x7800, s12;
	[dreg:$0x6] =	wrdreg s18  }
0x11: {  	s20 =	sadd.s32 $0xA000, s12;
	s21 =	sadd.s32 $0xC800, s12;
	[dreg:$0x7] =	wrdreg s9  }
0x12: {  	s22 =	sadd.s32 $0xF000, s12;
	s13 =	sadd.s32 $0x11800, s12;
	[dreg:$0x8] =	wrdreg s20  }
0x13: {  	s25 =	sshll.u32 s8, $0x4;
	s3 =	sadd.s32 s2, s3;
	[dreg:$0x9] =	wrdreg s21  }
0x14: {  	s0 =	smax.u32 s0, $0x1;
	s8 =	simm.s32 $0x3;
	[dreg:$0xa] =	wrdreg s22  }
0x15: {  	[dreg:$0xb] =	wrdreg s13;
	s9 =	sadd.s32 s6, s23;
	s18 =	sadd.s32 $0xA0, s19  }
0x16: {  	s2 =	sadd.s32 s2, s25;
	s26 =	sadd.s32 $0x24900, s3;
	[dreg:$0x10] =	wrdreg s0  }
0x17: {  	s22 =	simm.s32 $0x5320;
	s25 =	simm.s32 $0x50;
	s13 =	simm.s32 $0x1720  }
0x18: {  	s19 =	simm.s32 $0x230;
	s20 =	simm.s32 $0x7B20;
	[dreg:$0xd] =	wrdreg s9  }
0x19: {  	s7 =	simm.s32 $0x0;
	[dreg:$0xe] =	wrdreg s2;
	s2 =	sadd.s32 $0x124800, s1  }
0x1a: {  	[dreg:$0xf] =	wrdreg s26;
	s26 =	simm.s32 $0x27100;
	s0 =	sshrl.u32 @p1 s2, $0x3  }
0x1b: {  	v1 =	vimm.f32 $0.0e+00;
	v0 =	vmov s10;
	s9 =	simm.s32 $0x2;
	[dreg:$0x11] =	wrdreg s0;
	s0 =	simm.s32 $0x320  }
.LBB2_1:
0x1c: {  	[dreg:$0x12] =	wrdreg s7;
	s2 =	simm.s32 $0x0;
	s3 =	simm.s32 $0x200  }
.LBB2_2:
0x1d: {  	p2 =	sne.s32 s3, $0x9E00;
	[tilespmem:s2+$0x5390] =	vst v1  }
0x1e: {  	[tilespmem:s2+$0x5320] =	vst v1  }
0x1f: {  	[tilespmem:s2+$0x5330] =	vst v1  }
.Ltmp0:
0x20: {  	[tilespmem:s2+$0x5340] =	vst v1;
	(pc) =	sbr.rel @p2 .LBB2_2-.Ltmp0, $4  }
0x21: {  	[tilespmem:s2+$0x5350] =	vst v1  }
0x22: {  	[tilespmem:s2+$0x5360] =	vst v1  }
0x23: {  	[tilespmem:s2+$0x5370] =	vst v1  }
0x24: {  	[tilespmem:s2+$0x5380] =	vst v1;
	s2 =	sshra.s32 s3, $0x2;
	s3 =	sadd.s32 $0x200, s3  }
0x25: {  	[tilespmem:s2+$0x5390] =	vst v1  }
0x26: {  	[tilespmem:s2+$0x5320] =	vst v1  }
0x27: {  	[tilespmem:s2+$0x5330] =	vst v1  }
0x28: {  	[tilespmem:s2+$0x5340] =	vst v1  }
0x29: {  	[tilespmem:s2+$0x5350] =	vst v1  }
0x2a: {  	[tilespmem:s2+$0x5360] =	vst v1  }
0x2b: {  	[tilespmem:s2+$0x5370] =	vst v1  }
0x2c: {  	[tilespmem:s2+$0x5380] =	vst v1;
	s3 =	simm.s32 $0x7  }
0x2d: {  	[spmem:s12] =	stream.linear.scatter [tilespmem:s22], [sflag:$0x7], $0x2800, $0x38;
	[tilespmem:$0x1DBA0] =	vst v63  }
0x2e: {  	_ =	swait.ge [sflag:s3], $0x2800  }
0x2f: {  	[sflag:s3] =	ssyncset.done $0x0  }
0x30: {  	s24 =	rddreg [dreg:$0x5];
	[sflag:s3] =	ssyncadd.s32 $0xFFFFD800  }
0x31: {  	[spmem:s24] =	stream.linear.scatter [tilespmem:s22], [sflag:$0x7], $0x2800, $0x38;
	[tilespmem:$0x1DBA0] =	vst v63  }
0x32: {  	_ =	swait.ge [sflag:s3], $0x2800  }
0x33: {  	[sflag:s3] =	ssyncset.done $0x0  }
0x34: {  	s7 =	rddreg [dreg:$0x6];
	[sflag:s3] =	ssyncadd.s32 $0xFFFFD800  }
0x35: {  	[spmem:s7] =	stream.linear.scatter [tilespmem:s22], [sflag:$0x7], $0x2800, $0x38;
	[tilespmem:$0x1DBA0] =	vst v63  }
0x36: {  	_ =	swait.ge [sflag:s3], $0x2800  }
0x37: {  	[sflag:s3] =	ssyncset.done $0x0  }
0x38: {  	s10 =	rddreg [dreg:$0x7];
	[sflag:s3] =	ssyncadd.s32 $0xFFFFD800  }
0x39: {  	[spmem:s10] =	stream.linear.scatter [tilespmem:s22], [sflag:$0x7], $0x2800, $0x38;
	[tilespmem:$0x1DBA0] =	vst v63  }
0x3a: {  	_ =	swait.ge [sflag:s3], $0x2800  }
0x3b: {  	[sflag:s3] =	ssyncset.done $0x0  }
0x3c: {  	s11 =	rddreg [dreg:$0x8];
	[sflag:s3] =	ssyncadd.s32 $0xFFFFD800  }
0x3d: {  	[spmem:s11] =	stream.linear.scatter [tilespmem:s22], [sflag:$0x7], $0x2800, $0x38;
	[tilespmem:$0x1DBA0] =	vst v63  }
0x3e: {  	_ =	swait.ge [sflag:s3], $0x2800  }
0x3f: {  	[sflag:s3] =	ssyncset.done $0x0  }
0x40: {  	s12 =	rddreg [dreg:$0x9];
	[sflag:s3] =	ssyncadd.s32 $0xFFFFD800  }
0x41: {  	[spmem:s12] =	stream.linear.scatter [tilespmem:s22], [sflag:$0x7], $0x2800, $0x38;
	[tilespmem:$0x1DBA0] =	vst v63  }
0x42: {  	_ =	swait.ge [sflag:s3], $0x2800  }
0x43: {  	[sflag:s3] =	ssyncset.done $0x0  }
0x44: {  	s21 =	rddreg [dreg:$0xa];
	[sflag:s3] =	ssyncadd.s32 $0xFFFFD800  }
0x45: {  	[spmem:s21] =	stream.linear.scatter [tilespmem:s22], [sflag:$0x7], $0x2800, $0x38;
	[tilespmem:$0x1DBA0] =	vst v63  }
0x46: {  	_ =	swait.ge [sflag:s3], $0x2800  }
0x47: {  	[sflag:s3] =	ssyncset.done $0x0  }
0x48: {  	s23 =	rddreg [dreg:$0xb];
	[sflag:s3] =	ssyncadd.s32 $0xFFFFD800  }
0x49: {  	[spmem:s23] =	stream.linear.scatter [tilespmem:s22], [sflag:$0x7], $0x2000, $0x38;
	[tilespmem:$0x1DBA0] =	vst v63  }
0x4a: {  	_ =	swait.ge [sflag:s3], $0x2000  }
0x4b: {  	[sflag:s3] =	ssyncset.done $0x0  }
0x4c: {  	s2 =	simm.s32 @!p0 $0x5320;
	[sflag:s3] =	ssyncadd.s32 $0xFFFFE000;
	s3 =	rddreg [dreg:$0xc]  }
0x4d: {  	[spmem:s3] =	stream.linear.scatter @!p0 [tilespmem:s2], [sflag:$0x7], $0x800, $0x38;
	[tilespmem:$0x1DBA0] =	vst v63  }
0x4e: {  	s2 =	simm.s32 @!p0 $0x7  }
0x4f: {  	_ =	swait.ge @!p0 [sflag:s2], $0x800  }
0x50: {  	[sflag:s2] =	ssyncset.done @!p0 $0x0  }
0x51: {  	[sflag:s2] =	ssyncadd.s32 @!p0 $0xFFFFF800  }
0x52: {  	[bflag:$0x0] =	sbarrier.arrive $0xFFFF  }
0x53: {  	s21 =	simm.s32 $0x0;
	s24 =	rddreg [dreg:$0xd]  }
0x54: {  	[tilespmem:s21], [sflag:$0x1] =	stream.strided.gather [hbm4b:s24+s25], $0xA0, s26, s25, $0x38;
	[tilespmem:$0x1DBA0] =	vst v63  }
0x55: {  	_ =	swait.ge [sflag:s28], $0xA0  }
0x56: {  	[sflag:s28] =	ssyncset.done $0x0  }
0x57: {  	[sflag:s28] =	ssyncadd.s32 $0xFFFFFF60  }
0x58: {  	v2 =	vld [tilespmem:$0x0]  }
0x59: {  	v3 =	vld [tilespmem:$0x50]  }
0x5a: {  	v4 =	vld [tilespmem:$0x10]  }
0x5b: {  	v5 =	vld [tilespmem:$0x60]  }
0x5c: {  	v6 =	vld [tilespmem:$0x20]  }
0x5d: {  	v7 =	vld [tilespmem:$0x70];
	v2 =	vadd.s32 v0, v2  }
0x5e: {  	[tilespmem:$0x140] =	vst v2;
	v2 =	vadd.s32 v0, v3;
	v3 =	vld [tilespmem:$0x30]  }
0x5f: {  	v58 =	vld [tilespmem:$0x80];
	[tilespmem:$0x280] =	vst v2;
	v2 =	vadd.s32 v0, v4  }
0x60: {  	v59 =	vld [tilespmem:$0x40];
	[tilespmem:$0x150] =	vst v2;
	v2 =	vadd.s32 v0, v5  }
0x61: {  	v60 =	vld [tilespmem:$0x90];
	[tilespmem:$0x290] =	vst v2;
	v2 =	vadd.s32 v0, v6  }
0x62: {  	[tilespmem:$0x160] =	vst v2;
	v2 =	vadd.s32 v0, v7  }
0x63: {  	v61 =	vld [tilespmem:$0x60];
	[tilespmem:$0x2A0] =	vst v2;
	v2 =	vadd.s32 v0, v3  }
0x64: {  	v62 =	vld [tilespmem:$0x70];
	[tilespmem:$0x170] =	vst v2;
	v2 =	vadd.s32 v0, v58  }
0x65: {  	v63 =	vld [tilespmem:$0x80];
	[tilespmem:$0x2B0] =	vst v2;
	v2 =	vadd.s32 v0, v59  }
0x66: {  	v3 =	vld [tilespmem:$0x50];
	[tilespmem:$0x180] =	vst v2;
	v2 =	vadd.s32 v0, v60  }
0x67: {  	[tilespmem:$0x2C0] =	vst v2;
	v2 =	vld [tilespmem:$0x90]  }
0x68: {  	[tilespmem:$0x1F0] =	vst v61  }
0x69: {  	[tilespmem:$0x200] =	vst v62  }
0x6a: {  	[tilespmem:$0x210] =	vst v63  }
0x6b: {  	[tilespmem:$0x1E0] =	vst v3  }
0x6c: {  	[tilespmem:$0x220] =	vst v2  }
0x6d: {  	[tilespmem:s30], [sflag:$0x3] =	stream.indirect.gather [hbm4b:s5+s25], $0x40, s29, s25, $0xb8;
	[tilespmem:$0x1DBA0] =	vst v63  }
0x6e: {  	_ = 	snop  }
0x6f: {  	[tilespmem:s0], [sflag:$0x3] =	stream.indirect.gather [hbm4b:s4+s25], $0x40, s31, s25, $0xb8;
	[tilespmem:$0x1DBA0] =	vst v63  }
.LBB2_4:
0x70: {  	s7 =	smul.u32 $0xA0, s21;
	_ =	sdelay $0x1  }
0x71: {  	s2 =	sadd.s32 s7, s17  }
0x72: {  	s2 =	sshrl.u32 s2, $0x3  }
0x73: {  	s3 =	simm.s32 $0xA0;
	s2 =	sadd.s32 s6, s2  }
0x74: {  	[tilespmem:s3], [sflag:$0x2] =	stream.strided.gather [hbm4b:s2+s25], $0xA0, s26, s25, $0x38;
	[tilespmem:$0x1DBA0] =	vst v63  }
0x75: {  	_ =	swait.ge [sflag:s8], $0x1400  }
0x76: {  	[sflag:s8] =	ssyncset.done $0x0  }
0x77: {  	[sflag:s8] =	ssyncadd.s32 $0xFFFFEC00  }
0x78: {  	_ =	swait.ge [sflag:s8], $0x1400  }
0x79: {  	[sflag:s8] =	ssyncset.done $0x0  }
0x7a: {  	s11 =	simm.s32 $0x3A0;
	[sflag:s8] =	ssyncadd.s32 $0xFFFFEC00  }
0x7b: {  	s10 =	simm.s32 $0x2BA0;
	v2 =	vld [tilespmem:s11+$0x40]  }
0x7c: {  	v3 =	vld [tilespmem:s10+$0x40];
	_ =	sdelay $0x3  }
0x7d: {  	v6 =	vld [tilespmem:s10+$0xFFFFFF80]  }
0x7e: {  	v7 =	vld [tilespmem:s10+$0xFFFFFFC0];
	v4 =	vshll.u32 v2, $0x10;
	v5 =	vshll.u32 v3, $0x10  }
0x7f: {  	v2 =	vand.u32 $0xFFFF0000, v2;
	v3 =	vand.u32 $0xFFFF0000, v3;
	v4 =	vadd.f32 v5, v4;
	v5 =	vld [tilespmem:s11+$0xFFFFFFC0]  }
0x80: {  	v2 =	vadd.f32 v3, v2;
	v3 =	vld [tilespmem:s11+$0xFFFFFF80]  }
0x81: {  	s24 =	simm.s32 $0x5420;
	v4 =	vmax.f32 v4, $0.0e+00  }
0x82: {  	v2 =	vmax.f32 v2, $0.0e+00;
	[tilespmem:s24+$0x80] =	vst v4  }
0x83: {  	[tilespmem:s24+$0xC0] =	vst v2  }
0x84: {  	v12 =	vshll.u32 v7, $0x10;
	v7 =	vand.u32 $0xFFFF0000, v7;
	v4 =	vshll.u32 v6, $0x10;
	v2 =	vld [tilespmem:s11+$0x50]  }
0x85: {  	v6 =	vand.u32 $0xFFFF0000, v6;
	v8 =	vld [tilespmem:s10+$0x50];
	v9 =	vshll.u32 v5, $0x10;
	v10 =	vshll.u32 v3, $0x10  }
0x86: {  	v3 =	vand.u32 $0xFFFF0000, v3;
	v5 =	vand.u32 $0xFFFF0000, v5;
	v4 =	vadd.f32 v4, v10  }
0x87: {  	v11 =	vld [tilespmem:s11+$0x0];
	v3 =	vadd.f32 v6, v3;
	v5 =	vadd.f32 v7, v5  }
0x88: {  	v6 =	vld [tilespmem:s10+$0x0];
	v9 =	vadd.f32 v12, v9  }
0x89: {  	v4 =	vmax.f32 v4, $0.0e+00;
	v3 =	vmax.f32 v3, $0.0e+00;
	v5 =	vmax.f32 v5, $0.0e+00  }
0x8a: {  	[tilespmem:s24+$0xFFFFFF00] =	vst v4;
	v4 =	vmax.f32 v9, $0.0e+00;
	v7 =	vshll.u32 v2, $0x10;
	v9 =	vshll.u32 v8, $0x10  }
0x8b: {  	[tilespmem:s24+$0xFFFFFF40] =	vst v3;
	v2 =	vand.u32 $0xFFFF0000, v2;
	v3 =	vadd.f32 v9, v7;
	v7 =	vand.u32 $0xFFFF0000, v8  }
0x8c: {  	[tilespmem:s24+$0xFFFFFFC0] =	vst v5;
	v8 =	vshll.u32 v11, $0x10;
	v9 =	vld [tilespmem:s11+$0xFFFFFF90];
	v2 =	vadd.f32 v7, v2  }
0x8d: {  	[tilespmem:s24+$0xFFFFFF80] =	vst v4;
	v10 =	vld [tilespmem:s10+$0xFFFFFF90];
	v4 =	vshll.u32 v6, $0x10;
	v7 =	vand.u32 $0xFFFF0000, v11;
	v3 =	vmax.f32 v3, $0.0e+00  }
0x8e: {  	v5 =	vand.u32 $0xFFFF0000, v6;
	v6 =	vld [tilespmem:s11+$0xFFFFFFD0];
	v4 =	vadd.f32 v4, v8;
	[tilespmem:s24+$0x90] =	vst v3;
	v2 =	vmax.f32 v2, $0.0e+00  }
0x8f: {  	v3 =	vadd.f32 v5, v7;
	v5 =	vld [tilespmem:s10+$0xFFFFFFD0];
	[tilespmem:s24+$0xD0] =	vst v2  }
0x90: {  	v2 =	vmax.f32 v4, $0.0e+00;
	v4 =	vld [tilespmem:s11+$0x60]  }
0x91: {  	v3 =	vmax.f32 v3, $0.0e+00;
	[tilespmem:s24+$0x0] =	vst v2;
	v2 =	vld [tilespmem:s10+$0x60]  }
0x92: {  	v7 =	vshll.u32 v10, $0x10;
	v10 =	vand.u32 $0xFFFF0000, v10;
	[tilespmem:s24+$0x40] =	vst v3;
	v3 =	vshll.u32 v9, $0x10  }
0x93: {  	v9 =	vand.u32 $0xFFFF0000, v9;
	v3 =	vadd.f32 v7, v3;
	v7 =	vshll.u32 v6, $0x10  }
0x94: {  	v8 =	vld [tilespmem:s11+$0x10];
	v6 =	vand.u32 $0xFFFF0000, v6;
	v9 =	vadd.f32 v10, v9;
	v11 =	vshll.u32 v5, $0x10  }
0x95: {  	v10 =	vld [tilespmem:s10+$0x10];
	v5 =	vand.u32 $0xFFFF0000, v5;
	v3 =	vmax.f32 v3, $0.0e+00;
	v7 =	vadd.f32 v11, v7  }
0x96: {  	[tilespmem:s24+$0xFFFFFF10] =	vst v3;
	v3 =	vmax.f32 v9, $0.0e+00;
	v9 =	vshll.u32 v4, $0x10;
	v12 =	vshll.u32 v2, $0x10  }
0x97: {  	v4 =	vand.u32 $0xFFFF0000, v4;
	v2 =	vand.u32 $0xFFFF0000, v2;
	[tilespmem:s24+$0xFFFFFF50] =	vst v3;
	v3 =	vadd.f32 v12, v9  }
0x98: {  	v5 =	vadd.f32 v5, v6;
	v2 =	vadd.f32 v2, v4;
	v11 =	vld [tilespmem:s11+$0xFFFFFFA0]  }
0x99: {  	v9 =	vshll.u32 v8, $0x10;
	v4 =	vand.u32 $0xFFFF0000, v8;
	v6 =	vld [tilespmem:s10+$0xFFFFFFA0];
	v3 =	vmax.f32 v3, $0.0e+00  }
0x9a: {  	v8 =	vshll.u32 v10, $0x10;
	v10 =	vand.u32 $0xFFFF0000, v10;
	v2 =	vmax.f32 v2, $0.0e+00;
	[tilespmem:s24+$0xA0] =	vst v3  }
0x9b: {  	v7 =	vmax.f32 v7, $0.0e+00;
	v4 =	vadd.f32 v10, v4;
	v3 =	vadd.f32 v8, v9;
	[tilespmem:s24+$0xE0] =	vst v2  }
0x9c: {  	[tilespmem:s24+$0xFFFFFF90] =	vst v7;
	v2 =	vmax.f32 v5, $0.0e+00;
	v5 =	vld [tilespmem:s11+$0x70]  }
0x9d: {  	v4 =	vmax.f32 v4, $0.0e+00;
	[tilespmem:s24+$0xFFFFFFD0] =	vst v2;
	v7 =	vld [tilespmem:s10+$0x70];
	v3 =	vmax.f32 v3, $0.0e+00;
	v2 =	vshll.u32 v11, $0x10  }
0x9e: {  	v9 =	vld [tilespmem:s11+$0xFFFFFFE0];
	v8 =	vand.u32 $0xFFFF0000, v11;
	[tilespmem:s24+$0x10] =	vst v3;
	v3 =	vshll.u32 v6, $0x10;
	v6 =	vand.u32 $0xFFFF0000, v6  }
0x9f: {  	[tilespmem:s24+$0x50] =	vst v4;
	v4 =	vld [tilespmem:s10+$0xFFFFFFE0];
	v2 =	vadd.f32 v3, v2;
	v3 =	vadd.f32 v6, v8  }
0xa0: {  	v6 =	vld [tilespmem:s11+$0x20]  }
0xa1: {  	s23 =	simm.s32 $0x4A0;
	v10 =	vld [tilespmem:s10+$0x20];
	v8 =	vmax.f32 v2, $0.0e+00;
	v3 =	vmax.f32 v3, $0.0e+00;
	v2 =	vshll.u32 v5, $0x10  }
0xa2: {  	s2 =	simm.s32 $0x2CA0;
	v12 =	vld [tilespmem:s23+$0x40];
	v11 =	vshll.u32 v7, $0x10;
	v5 =	vand.u32 $0xFFFF0000, v5;
	v7 =	vand.u32 $0xFFFF0000, v7  }
0xa3: {  	v13 =	vshll.u32 v9, $0x10;
	v9 =	vand.u32 $0xFFFF0000, v9;
	v5 =	vadd.f32 v7, v5;
	v7 =	vld [tilespmem:s2+$0x40]  }
0xa4: {  	v16 =	vld [tilespmem:s23+$0xFFFFFFC0];
	v14 =	vshll.u32 v4, $0x10;
	v4 =	vand.u32 $0xFFFF0000, v4;
	v2 =	vadd.f32 v11, v2  }
0xa5: {  	v17 =	vld [tilespmem:s2+$0xFFFFFFC0];
	v13 =	vadd.f32 v14, v13;
	v4 =	vadd.f32 v4, v9;
	v15 =	vshll.u32 v6, $0x10  }
0xa6: {  	v19 =	vld [tilespmem:s23+$0xFFFFFF80];
	v6 =	vand.u32 $0xFFFF0000, v6;
	v14 =	vshll.u32 v10, $0x10;
	v10 =	vand.u32 $0xFFFF0000, v10  }
0xa7: {  	v11 =	vld [tilespmem:s2+$0xFFFFFF80];
	[tilespmem:s24+$0xFFFFFF20] =	vst v8;
	v9 =	vadd.f32 v14, v15;
	v13 =	vmax.f32 v13, $0.0e+00;
	v6 =	vadd.f32 v10, v6  }
0xa8: {  	[tilespmem:s24+$0xFFFFFF60] =	vst v3;
	v14 =	vld [tilespmem:s23+$0x0];
	v15 =	vshll.u32 v12, $0x10;
	v4 =	vmax.f32 v4, $0.0e+00;
	v18 =	vshll.u32 v7, $0x10  }
0xa9: {  	v10 =	vld [tilespmem:s2+$0x0];
	v12 =	vand.u32 $0xFFFF0000, v12;
	[tilespmem:s24+$0xFFFFFFA0] =	vst v13;
	v7 =	vand.u32 $0xFFFF0000, v7;
	v15 =	vadd.f32 v18, v15  }
0xaa: {  	v3 =	vshll.u32 v16, $0x10;
	[tilespmem:s24+$0xFFFFFFE0] =	vst v4;
	v9 =	vmax.f32 v9, $0.0e+00;
	v7 =	vadd.f32 v7, v12  }
0xab: {  	s3 =	simm.s32 $0x5620;
	v16 =	vand.u32 $0xFFFF0000, v16;
	v5 =	vmax.f32 v5, $0.0e+00;
	[tilespmem:s24+$0x20] =	vst v9;
	v15 =	vmax.f32 v15, $0.0e+00  }
0xac: {  	v13 =	vand.u32 $0xFFFF0000, v19;
	v12 =	vshll.u32 v17, $0x10;
	v7 =	vmax.f32 v7, $0.0e+00;
	[tilespmem:s3+$0x80] =	vst v15  }
0xad: {  	v8 =	vshll.u32 v11, $0x10;
	v11 =	vand.u32 $0xFFFF0000, v11;
	v9 =	vld [tilespmem:s10+$0xFFFFFFF0];
	v3 =	vadd.f32 v12, v3;
	[tilespmem:s3+$0xC0] =	vst v7  }
0xae: {  	v20 =	vshll.u32 v14, $0x10;
	v21 =	vshll.u32 v10, $0x10;
	v7 =	vshll.u32 v19, $0x10;
	v44 =	vld [tilespmem:s23+$0x50]  }
0xaf: {  	v14 =	vand.u32 $0xFFFF0000, v14;
	v10 =	vand.u32 $0xFFFF0000, v10;
	v4 =	vadd.f32 v8, v7;
	v8 =	vld [tilespmem:s2+$0x50]  }
0xb0: {  	v43 =	vld [tilespmem:s11+$0xFFFFFFB0];
	v6 =	vmax.f32 v6, $0.0e+00;
	v17 =	vand.u32 $0xFFFF0000, v17;
	v10 =	vadd.f32 v10, v14  }
0xb1: {  	[tilespmem:s24+$0x60] =	vst v6;
	v12 =	vadd.f32 v17, v16;
	v15 =	vld [tilespmem:s10+$0xFFFFFFB0];
	v3 =	vmax.f32 v3, $0.0e+00;
	v7 =	vadd.f32 v11, v13  }
0xb2: {  	v11 =	vld [tilespmem:s11+$0xFFFFFFF0];
	v13 =	vadd.f32 v21, v20;
	[tilespmem:s3+$0xFFFFFF80] =	vst v3;
	v10 =	vmax.f32 v10, $0.0e+00;
	v4 =	vmax.f32 v4, $0.0e+00  }
0xb3: {  	v6 =	vld [tilespmem:s11+$0x30];
	v49 =	vshll.u32 v9, $0x10;
	[tilespmem:s3+$0xFFFFFF00] =	vst v4;
	v4 =	vmax.f32 v7, $0.0e+00;
	v7 =	vmax.f32 v12, $0.0e+00  }
0xb4: {  	v12 =	vld [tilespmem:s10+$0x30];
	[tilespmem:s3+$0xFFFFFF40] =	vst v4;
	v4 =	vmax.f32 v13, $0.0e+00;
	v3 =	vshll.u32 v44, $0x10;
	v45 =	vshll.u32 v8, $0x10  }
0xb5: {  	[tilespmem:s3+$0xFFFFFFC0] =	vst v7;
	v14 =	vld [tilespmem:s23+$0xFFFFFF90];
	v7 =	vand.u32 $0xFFFF0000, v44;
	v8 =	vand.u32 $0xFFFF0000, v8;
	v3 =	vadd.f32 v45, v3  }
0xb6: {  	v9 =	vand.u32 $0xFFFF0000, v9;
	v13 =	vshll.u32 v43, $0x10;
	v46 =	vld [tilespmem:s2+$0xFFFFFF90];
	[tilespmem:s3+$0x0] =	vst v4;
	v4 =	vadd.f32 v8, v7  }
0xb7: {  	[tilespmem:s3+$0x40] =	vst v10;
	v47 =	vshll.u32 v15, $0x10;
	v48 =	vld [tilespmem:s23+$0xFFFFFFD0];
	v10 =	vshll.u32 v11, $0x10;
	v3 =	vmax.f32 v3, $0.0e+00  }
0xb8: {  	v7 =	vand.u32 $0xFFFF0000, v43;
	v8 =	vand.u32 $0xFFFF0000, v15;
	v15 =	vld [tilespmem:s2+$0xFFFFFFD0];
	[tilespmem:s3+$0x90] =	vst v3;
	v3 =	vmax.f32 v4, $0.0e+00  }
0xb9: {  	v50 =	vld [tilespmem:s23+$0x10];
	v10 =	vadd.f32 v49, v10;
	v7 =	vadd.f32 v8, v7;
	v8 =	vmax.f32 v2, $0.0e+00;
	[tilespmem:s3+$0xD0] =	vst v3  }
0xba: {  	v24 =	vshll.u32 v12, $0x10;
	v12 =	vand.u32 $0xFFFF0000, v12;
	v4 =	vand.u32 $0xFFFF0000, v11;
	v23 =	vld [tilespmem:s23+$0x60]  }
0xbb: {  	v11 =	vshll.u32 v14, $0x10;
	v14 =	vand.u32 $0xFFFF0000, v14;
	v3 =	vshll.u32 v6, $0x10;
	v25 =	vld [tilespmem:s2+$0x60]  }
0xbc: {  	v22 =	vshll.u32 v46, $0x10;
	v17 =	vand.u32 $0xFFFF0000, v46;
	v52 =	vshll.u32 v48, $0x10  }
0xbd: {  	v51 =	vld [tilespmem:s2+$0x10];
	v19 =	vand.u32 $0xFFFF0000, v48;
	v6 =	vand.u32 $0xFFFF0000, v6;
	v11 =	vadd.f32 v22, v11  }
0xbe: {  	v14 =	vadd.f32 v17, v14;
	v53 =	vshll.u32 v15, $0x10;
	v15 =	vand.u32 $0xFFFF0000, v15  }
0xbf: {  	v54 =	vshll.u32 v50, $0x10;
	v20 =	vand.u32 $0xFFFF0000, v50;
	v11 =	vmax.f32 v11, $0.0e+00  }
0xc0: {  	[tilespmem:s3+$0xFFFFFF10] =	vst v11;
	v11 =	vmax.f32 v14, $0.0e+00;
	v14 =	vshll.u32 v23, $0x10;
	v56 =	vshll.u32 v25, $0x10  }
0xc1: {  	[tilespmem:s3+$0xFFFFFF50] =	vst v11;
	v57 =	vand.u32 $0xFFFF0000, v25;
	v11 =	vadd.f32 v56, v14;
	v14 =	vand.u32 $0xFFFF0000, v23  }
0xc2: {  	[tilespmem:s24+$0xF0] =	vst v5;
	v55 =	vshll.u32 v51, $0x10;
	v21 =	vand.u32 $0xFFFF0000, v51;
	v58 =	vld [tilespmem:s23+$0xFFFFFFA0];
	v14 =	vadd.f32 v57, v14  }
0xc3: {  	[tilespmem:s24+$0xB0] =	vst v8;
	v17 =	vadd.f32 v53, v52;
	v15 =	vadd.f32 v15, v19;
	v59 =	vld [tilespmem:s2+$0xFFFFFFA0];
	v11 =	vmax.f32 v11, $0.0e+00  }
0xc4: {  	v19 =	vadd.f32 v55, v54;
	v5 =	vadd.f32 v21, v20;
	[tilespmem:s3+$0xA0] =	vst v11;
	v11 =	vmax.f32 v14, $0.0e+00  }
0xc5: {  	v3 =	vadd.f32 v24, v3;
	v17 =	vmax.f32 v17, $0.0e+00;
	v15 =	vmax.f32 v15, $0.0e+00;
	[tilespmem:s3+$0xE0] =	vst v11  }
0xc6: {  	v60 =	vmax.f32 v19, $0.0e+00;
	v5 =	vmax.f32 v5, $0.0e+00;
	[tilespmem:s3+$0xFFFFFF90] =	vst v17;
	v11 =	vadd.f32 v47, v13;
	v13 =	vld [tilespmem:s23+$0x70]  }
0xc7: {  	[tilespmem:s3+$0xFFFFFFD0] =	vst v15;
	v14 =	vadd.f32 v9, v4;
	v4 =	vadd.f32 v12, v6;
	v9 =	vshll.u32 v58, $0x10;
	v61 =	vld [tilespmem:s2+$0x70]  }
0xc8: {  	[tilespmem:s3+$0x10] =	vst v60;
	v2 =	vld [tilespmem:s23+$0xFFFFFFE0];
	v15 =	vand.u32 $0xFFFF0000, v58;
	v62 =	vshll.u32 v59, $0x10;
	v63 =	vand.u32 $0xFFFF0000, v59  }
0xc9: {  	[tilespmem:s3+$0x50] =	vst v5;
	v12 =	vadd.f32 v62, v9;
	v15 =	vadd.f32 v63, v15;
	v9 =	vld [tilespmem:s2+$0xFFFFFFE0];
	v5 =	vmax.f32 v11, $0.0e+00  }
0xca: {  	v8 =	vld [tilespmem:s23+$0x20];
	v6 =	vmax.f32 v10, $0.0e+00;
	v11 =	vmax.f32 v7, $0.0e+00;
	[tilespmem:s24+$0xFFFFFF30] =	vst v5;
	v5 =	vmax.f32 v14, $0.0e+00  }
0xcb: {  	v10 =	vld [tilespmem:s2+$0x20];
	v12 =	vmax.f32 v12, $0.0e+00;
	v14 =	vmax.f32 v15, $0.0e+00;
	[tilespmem:s24+$0xFFFFFF70] =	vst v11;
	v7 =	vshll.u32 v13, $0x10  }
0xcc: {  	s12 =	simm.s32 $0x5A0;
	s11 =	simm.s32 $0x4;
	s10 =	simm.s32 $0x2CA0;
	[tilespmem:s3+$0xFFFFFF20] =	vst v12;
	v11 =	vshll.u32 v61, $0x10;
	v12 =	vand.u32 $0xFFFF0000, v13;
	v13 =	vand.u32 $0xFFFF0000, v61  }
.LBB2_5:
0xcd: {  	v15 =	vld [tilespmem:s12+$0x40];
	[tilespmem:s3+$0xFFFFFF60] =	vst v14;
	v14 =	vshll.u32 v2, $0x10;
	v16 =	vand.u32 $0xFFFF0000, v2;
	v12 =	vadd.f32 v13, v12;
	s2 =	sadd.s32 $0x100, s2  }
0xce: {  	v2 =	vadd.f32 v11, v7;
	v13 =	vld [tilespmem:s2+$0x40];
	v17 =	vshll.u32 v9, $0x10;
	v9 =	vand.u32 $0xFFFF0000, v9;
	[tilespmem:s24+$0xFFFFFFB0] =	vst v6  }
0xcf: {  	v6 =	vld [tilespmem:s2+$0xFFFFFF80];
	v7 =	vshll.u32 v8, $0x10;
	v8 =	vand.u32 $0xFFFF0000, v8;
	v11 =	vmax.f32 v12, $0.0e+00;
	[tilespmem:s24+$0xFFFFFFF0] =	vst v5  }
0xd0: {  	v12 =	vadd.f32 v17, v14;
	v5 =	vld [tilespmem:s12+$0xFFFFFFC0];
	v14 =	vshll.u32 v10, $0x10;
	v10 =	vand.u32 $0xFFFF0000, v10;
	[tilespmem:s3+$0xF0] =	vst v11  }
0xd1: {  	v3 =	vmax.f32 v3, $0.0e+00;
	v9 =	vadd.f32 v9, v16;
	v11 =	vld [tilespmem:s2+$0xFFFFFFC0];
	v7 =	vadd.f32 v14, v7  }
0xd2: {  	v12 =	vmax.f32 v12, $0.0e+00;
	v8 =	vadd.f32 v10, v8;
	v14 =	vld [tilespmem:s12+$0x0];
	[tilespmem:s24+$0x30] =	vst v3;
	v3 =	vmax.f32 v4, $0.0e+00  }
0xd3: {  	v9 =	vmax.f32 v9, $0.0e+00;
	v10 =	vshll.u32 v15, $0x10;
	v4 =	vld [tilespmem:s2+$0x0];
	v16 =	vshll.u32 v13, $0x10;
	[tilespmem:s3+$0xFFFFFFA0] =	vst v12  }
0xd4: {  	s11 =	sadd.s32 $0x4, s11;
	v15 =	vand.u32 $0xFFFF0000, v15;
	v13 =	vand.u32 $0xFFFF0000, v13;
	v12 =	vld [tilespmem:s12+$0xFFFFFF80];
	v10 =	vadd.f32 v16, v10;
	[tilespmem:s3+$0xFFFFFFE0] =	vst v9  }
0xd5: {  	p2 =	slt.u32 s11, $0x4C;
	v9 =	vshll.u32 v6, $0x10;
	v6 =	vand.u32 $0xFFFF0000, v6;
	v13 =	vadd.f32 v13, v15;
	v15 =	vld [tilespmem:s23+$0xFFFFFFB0];
	[tilespmem:s24+$0x70] =	vst v3;
	s24 =	smov.u32 s3  }
0xd6: {  	v3 =	vshll.u32 v5, $0x10;
	s3 =	sadd.s32 $0x200, s3;
	v16 =	vshll.u32 v11, $0x10;
	v10 =	vmax.f32 v10, $0.0e+00;
	v17 =	vld [tilespmem:s10+$0xFFFFFFB0]  }
0xd7: {  	v5 =	vand.u32 $0xFFFF0000, v5;
	v11 =	vand.u32 $0xFFFF0000, v11;
	[tilespmem:s3+$0x80] =	vst v10;
	v10 =	vmax.f32 v13, $0.0e+00;
	v13 =	vld [tilespmem:s23+$0xFFFFFFF0]  }
0xd8: {  	v18 =	vshll.u32 v14, $0x10;
	v14 =	vand.u32 $0xFFFF0000, v14;
	v19 =	vshll.u32 v4, $0x10;
	[tilespmem:s3+$0xC0] =	vst v10;
	v10 =	vld [tilespmem:s10+$0xFFFFFFF0]  }
0xd9: {  	v4 =	vand.u32 $0xFFFF0000, v4;
	v20 =	vshll.u32 v12, $0x10;
	v12 =	vand.u32 $0xFFFF0000, v12;
	v21 =	vld [tilespmem:s12+$0x50]  }
0xda: {  	v7 =	vmax.f32 v7, $0.0e+00;
	v9 =	vadd.f32 v9, v20;
	v6 =	vadd.f32 v6, v12;
	v12 =	vld [tilespmem:s2+$0x50]  }
0xdb: {  	v3 =	vadd.f32 v16, v3;
	v5 =	vadd.f32 v11, v5;
	[tilespmem:s24+$0x20] =	vst v7;
	v7 =	vmax.f32 v8, $0.0e+00  }
0xdc: {  	v4 =	vadd.f32 v4, v14;
	v8 =	vmax.f32 v9, $0.0e+00;
	v9 =	vadd.f32 v19, v18;
	[tilespmem:s24+$0x60] =	vst v7  }
0xdd: {  	v3 =	vmax.f32 v3, $0.0e+00;
	v5 =	vmax.f32 v5, $0.0e+00;
	v6 =	vmax.f32 v6, $0.0e+00;
	[tilespmem:s3+$0xFFFFFF00] =	vst v8;
	v7 =	vld [tilespmem:s23+$0x30];
	s23 =	smov.u32 s12  }
0xde: {  	v4 =	vmax.f32 v4, $0.0e+00;
	v8 =	vshll.u32 v15, $0x10;
	[tilespmem:s3+$0xFFFFFF40] =	vst v6;
	v6 =	vmax.f32 v9, $0.0e+00;
	v9 =	vld [tilespmem:s10+$0x30];
	s10 =	smov.u32 s2  }
0xdf: {  	v16 =	vshll.u32 v17, $0x10;
	v11 =	vld [tilespmem:s12+$0xFFFFFF90];
	[tilespmem:s3+$0xFFFFFF80] =	vst v3;
	v3 =	vshll.u32 v21, $0x10;
	v14 =	vshll.u32 v12, $0x10  }
0xe0: {  	v12 =	vand.u32 $0xFFFF0000, v12;
	v18 =	vld [tilespmem:s2+$0xFFFFFF90];
	[tilespmem:s3+$0xFFFFFFC0] =	vst v5;
	v3 =	vadd.f32 v14, v3;
	v5 =	vand.u32 $0xFFFF0000, v21  }
0xe1: {  	v14 =	vld [tilespmem:s12+$0xFFFFFFD0];
	[tilespmem:s3+$0x0] =	vst v6;
	v5 =	vadd.f32 v12, v5;
	v6 =	vand.u32 $0xFFFF0000, v15;
	v12 =	vand.u32 $0xFFFF0000, v17  }
0xe2: {  	v17 =	vshll.u32 v10, $0x10;
	v15 =	vld [tilespmem:s2+$0xFFFFFFD0];
	[tilespmem:s3+$0x40] =	vst v4;
	v3 =	vmax.f32 v3, $0.0e+00;
	v4 =	vshll.u32 v13, $0x10  }
0xe3: {  	v10 =	vand.u32 $0xFFFF0000, v10;
	v19 =	vld [tilespmem:s12+$0x10];
	[tilespmem:s3+$0x90] =	vst v3;
	v3 =	vmax.f32 v5, $0.0e+00;
	v5 =	vand.u32 $0xFFFF0000, v13  }
0xe4: {  	v13 =	vshll.u32 v11, $0x10;
	v11 =	vand.u32 $0xFFFF0000, v11;
	v20 =	vld [tilespmem:s2+$0x10];
	[tilespmem:s3+$0xD0] =	vst v3;
	v3 =	vshll.u32 v7, $0x10  }
0xe5: {  	v23 =	vshll.u32 v9, $0x10;
	v21 =	vshll.u32 v18, $0x10;
	v18 =	vand.u32 $0xFFFF0000, v18;
	v22 =	vld [tilespmem:s12+$0x60]  }
0xe6: {  	v13 =	vadd.f32 v21, v13;
	v21 =	vshll.u32 v14, $0x10;
	v14 =	vand.u32 $0xFFFF0000, v14;
	v24 =	vld [tilespmem:s2+$0x60]  }
0xe7: {  	v11 =	vadd.f32 v18, v11;
	v18 =	vshll.u32 v15, $0x10;
	v15 =	vand.u32 $0xFFFF0000, v15  }
0xe8: {  	v18 =	vadd.f32 v18, v21;
	v21 =	vshll.u32 v19, $0x10;
	v19 =	vand.u32 $0xFFFF0000, v19  }
0xe9: {  	v14 =	vadd.f32 v15, v14;
	v15 =	vshll.u32 v20, $0x10;
	v20 =	vand.u32 $0xFFFF0000, v20  }
0xea: {  	v13 =	vmax.f32 v13, $0.0e+00;
	v15 =	vadd.f32 v15, v21;
	v19 =	vadd.f32 v20, v19  }
0xeb: {  	v11 =	vmax.f32 v11, $0.0e+00;
	[tilespmem:s3+$0xFFFFFF10] =	vst v13;
	v13 =	vshll.u32 v22, $0x10;
	v20 =	vshll.u32 v24, $0x10  }
0xec: {  	[tilespmem:s3+$0xFFFFFF50] =	vst v11;
	v11 =	vadd.f32 v20, v13;
	v13 =	vand.u32 $0xFFFF0000, v22;
	v20 =	vand.u32 $0xFFFF0000, v24  }
0xed: {  	v18 =	vmax.f32 v18, $0.0e+00;
	v14 =	vmax.f32 v14, $0.0e+00;
	v21 =	vld [tilespmem:s12+$0xFFFFFFA0];
	v13 =	vadd.f32 v20, v13  }
0xee: {  	v15 =	vmax.f32 v15, $0.0e+00;
	v20 =	vld [tilespmem:s2+$0xFFFFFFA0];
	[tilespmem:s3+$0xFFFFFF90] =	vst v18;
	v18 =	vmax.f32 v19, $0.0e+00;
	v11 =	vmax.f32 v11, $0.0e+00  }
0xef: {  	v9 =	vand.u32 $0xFFFF0000, v9;
	v7 =	vand.u32 $0xFFFF0000, v7;
	[tilespmem:s3+$0xA0] =	vst v11;
	v11 =	vmax.f32 v13, $0.0e+00  }
0xf0: {  	v8 =	vadd.f32 v16, v8;
	v6 =	vadd.f32 v12, v6;
	[tilespmem:s3+$0xE0] =	vst v11;
	v11 =	vmax.f32 v2, $0.0e+00  }
0xf1: {  	v5 =	vadd.f32 v10, v5;
	v13 =	vadd.f32 v17, v4;
	[tilespmem:s3+$0xFFFFFFD0] =	vst v14;
	v12 =	vld [tilespmem:s12+$0x70]  }
0xf2: {  	v3 =	vadd.f32 v23, v3;
	v10 =	vshll.u32 v21, $0x10;
	v14 =	vand.u32 $0xFFFF0000, v21;
	[tilespmem:s3+$0x10] =	vst v15;
	v15 =	vld [tilespmem:s2+$0x70]  }
.Ltmp1:
0xf3: {  	v4 =	vadd.f32 v9, v7;
	v16 =	vshll.u32 v20, $0x10;
	v17 =	vand.u32 $0xFFFF0000, v20;
	v2 =	vld [tilespmem:s12+$0xFFFFFFE0];
	[tilespmem:s3+$0x50] =	vst v18;
	(pc) =	sbr.rel @p2 .LBB2_5-.Ltmp1, $4  }
0xf4: {  	v7 =	vadd.f32 v16, v10;
	v10 =	vadd.f32 v17, v14;
	v9 =	vld [tilespmem:s2+$0xFFFFFFE0];
	v14 =	vmax.f32 v8, $0.0e+00;
	[tilespmem:s24+$0xB0] =	vst v11  }
0xf5: {  	v5 =	vmax.f32 v5, $0.0e+00;
	v11 =	vmax.f32 v6, $0.0e+00;
	v6 =	vmax.f32 v13, $0.0e+00;
	v8 =	vld [tilespmem:s12+$0x20];
	[tilespmem:s24+$0xFFFFFF30] =	vst v14  }
0xf6: {  	v13 =	vmax.f32 v7, $0.0e+00;
	v14 =	vmax.f32 v10, $0.0e+00;
	v10 =	vld [tilespmem:s2+$0x20];
	v7 =	vshll.u32 v12, $0x10;
	[tilespmem:s24+$0xFFFFFF70] =	vst v11  }
0xf7: {  	s12 =	sadd.s32 $0x100, s12;
	v12 =	vand.u32 $0xFFFF0000, v12;
	[tilespmem:s3+$0xFFFFFF20] =	vst v13;
	v11 =	vshll.u32 v15, $0x10;
	v13 =	vand.u32 $0xFFFF0000, v15  }
0xf8: {  	_ = 	snop  }
0xf9: {  	v15 =	vshll.u32 v2, $0x10;
	v16 =	vshll.u32 v9, $0x10  }
0xfa: {  	v2 =	vand.u32 $0xFFFF0000, v2;
	v9 =	vand.u32 $0xFFFF0000, v9;
	v15 =	vadd.f32 v16, v15  }
0xfb: {  	v41 =	vshll.u32 v8, $0x10;
	v2 =	vadd.f32 v9, v2  }
0xfc: {  	[tilespmem:s3+$0xFFFFFF60] =	vst v14;
	v8 =	vand.u32 $0xFFFF0000, v8;
	v9 =	vshll.u32 v10, $0x10;
	v14 =	vmax.f32 v15, $0.0e+00  }
0xfd: {  	v10 =	vand.u32 $0xFFFF0000, v10;
	v9 =	vadd.f32 v9, v41;
	v2 =	vmax.f32 v2, $0.0e+00;
	[tilespmem:s3+$0xFFFFFFA0] =	vst v14;
	v14 =	vld [tilespmem:s23+$0xFFFFFFB0]  }
0xfe: {  	v8 =	vadd.f32 v10, v8;
	[tilespmem:s3+$0xFFFFFFE0] =	vst v2;
	v2 =	vld [tilespmem:s10+$0xFFFFFFB0]  }
0xff: {  	v10 =	vld [tilespmem:s23+$0xFFFFFFF0];
	v9 =	vmax.f32 v9, $0.0e+00  }
0x100: {  	v7 =	vadd.f32 v11, v7;
	v15 =	vld [tilespmem:s10+$0xFFFFFFF0];
	v8 =	vmax.f32 v8, $0.0e+00;
	[tilespmem:s3+$0x20] =	vst v9  }
0x101: {  	v9 =	vadd.f32 v13, v12;
	[tilespmem:s3+$0x60] =	vst v8  }
0x102: {  	[tilespmem:s24+$0xFFFFFFB0] =	vst v6;
	v3 =	vmax.f32 v3, $0.0e+00;
	v4 =	vmax.f32 v4, $0.0e+00;
	v7 =	vmax.f32 v7, $0.0e+00;
	v8 =	vld [tilespmem:s23+$0x30]  }
0x103: {  	[tilespmem:s24+$0xFFFFFFF0] =	vst v5;
	v6 =	vmax.f32 v9, $0.0e+00;
	v9 =	vld [tilespmem:s10+$0x30];
	v5 =	vshll.u32 v14, $0x10;
	v11 =	vshll.u32 v2, $0x10  }
0x104: {  	v12 =	vand.u32 $0xFFFF0000, v14;
	[tilespmem:s3+$0xF0] =	vst v6;
	v2 =	vand.u32 $0xFFFF0000, v2;
	v6 =	vshll.u32 v10, $0x10  }
0x105: {  	[tilespmem:s24+$0x30] =	vst v3;
	v13 =	vshll.u32 v15, $0x10;
	v3 =	vand.u32 $0xFFFF0000, v10;
	v5 =	vadd.f32 v11, v5  }
0x106: {  	[tilespmem:s24+$0x70] =	vst v4;
	v10 =	vand.u32 $0xFFFF0000, v15;
	v2 =	vadd.f32 v2, v12;
	v6 =	vadd.f32 v13, v6  }
0x107: {  	[tilespmem:s3+$0xB0] =	vst v7;
	v3 =	vadd.f32 v10, v3;
	v4 =	vshll.u32 v8, $0x10;
	v5 =	vmax.f32 v5, $0.0e+00  }
0x108: {  	v7 =	vand.u32 $0xFFFF0000, v8;
	v2 =	vmax.f32 v2, $0.0e+00;
	v11 =	vshll.u32 v9, $0x10;
	[tilespmem:s3+$0xFFFFFF30] =	vst v5  }
0x109: {  	v5 =	vand.u32 $0xFFFF0000, v9;
	v6 =	vmax.f32 v6, $0.0e+00;
	[tilespmem:s3+$0xFFFFFF70] =	vst v2;
	v4 =	vadd.f32 v11, v4  }
0x10a: {  	v3 =	vmax.f32 v3, $0.0e+00;
	v2 =	vadd.f32 v5, v7;
	[tilespmem:s3+$0xFFFFFFB0] =	vst v6  }
0x10b: {  	[tilespmem:s3+$0xFFFFFFF0] =	vst v3;
	v3 =	vmax.f32 v4, $0.0e+00  }
0x10c: {  	v2 =	vmax.f32 v2, $0.0e+00;
	[tilespmem:s3+$0x30] =	vst v3  }
0x10d: {  	[tilespmem:s3+$0x70] =	vst v2  }
0x10e: {  	_ =	swait.ge [sflag:s9], $0xA0  }
0x10f: {  	[sflag:s9] =	ssyncset.done $0x0  }
0x110: {  	[sflag:s9] =	ssyncadd.s32 $0xFFFFFF60  }
0x111: {  	v2 =	vld [tilespmem:$0xA0]  }
0x112: {  	v3 =	vld [tilespmem:$0xF0]  }
0x113: {  	v4 =	vld [tilespmem:$0xB0]  }
0x114: {  	v5 =	vld [tilespmem:$0x100]  }
0x115: {  	v6 =	vld [tilespmem:$0xC0]  }
0x116: {  	v7 =	vld [tilespmem:$0x110];
	v2 =	vadd.s32 v0, v2  }
0x117: {  	[tilespmem:$0x190] =	vst v2;
	v2 =	vadd.s32 v0, v3;
	v3 =	vld [tilespmem:$0xD0]  }
0x118: {  	[tilespmem:$0x2D0] =	vst v2;
	v2 =	vadd.s32 v0, v4;
	v4 =	vld [tilespmem:$0x120]  }
0x119: {  	[tilespmem:$0x1A0] =	vst v2;
	v2 =	vadd.s32 v0, v5;
	v5 =	vld [tilespmem:$0xE0]  }
0x11a: {  	[tilespmem:$0x2E0] =	vst v2;
	v2 =	vadd.s32 v0, v6;
	v6 =	vld [tilespmem:$0x130]  }
0x11b: {  	[tilespmem:$0x1B0] =	vst v2;
	v2 =	vadd.s32 v0, v7  }
0x11c: {  	[tilespmem:$0x2F0] =	vst v2;
	v2 =	vadd.s32 v0, v3  }
0x11d: {  	[tilespmem:$0x1C0] =	vst v2;
	v2 =	vadd.s32 v0, v4  }
0x11e: {  	[tilespmem:$0x300] =	vst v2;
	v2 =	vadd.s32 v0, v5  }
0x11f: {  	[tilespmem:$0x1D0] =	vst v2;
	v2 =	vadd.s32 v0, v6  }
0x120: {  	s2 =	simm.s32 $0x190;
	p2 =	seq.s32 s21, $0x0;
	s10 =	simm.s32 $0x3F20;
	[tilespmem:$0x310] =	vst v2  }
0x121: {  	[tilespmem:s10], [sflag:$0x4] =	stream.indirect.gather [hbm4b:s5+s25], $0x40, s2, s25, $0xb8;
	[tilespmem:$0x1DBA0] =	vst v63  }
0x122: {  	s11 =	simm.s32 $0x2D0;
	s2 =	simm.s32 @!p2 $0x6  }
0x123: {  	[tilespmem:s13], [sflag:$0x4] =	stream.indirect.gather [hbm4b:s4+s25], $0x40, s11, s25, $0xb8;
	[tilespmem:$0x1DBA0] =	vst v63  }
0x124: {  	_ =	swait.ge @!p2 [sflag:s2], $0x2800  }
0x125: {  	[sflag:s2] =	ssyncset.done @!p2 $0x0  }
0x126: {  	[sflag:s2] =	ssyncadd.s32 @!p2 $0xFFFFD800  }
0x127: {  	v2 =	vld [tilespmem:$0xF0]  }
0x128: {  	v3 =	vld [tilespmem:$0x100]  }
0x129: {  	v4 =	vld [tilespmem:$0x110]  }
0x12a: {  	v5 =	vld [tilespmem:$0x120]  }
0x12b: {  	v6 =	vld [tilespmem:$0x130]  }
0x12c: {  	[tilespmem:$0x230] =	vst v2  }
0x12d: {  	[tilespmem:$0x240] =	vst v3  }
0x12e: {  	[tilespmem:$0x250] =	vst v4  }
0x12f: {  	s12 =	sadd.s32 s7, s18;
	[tilespmem:$0x260] =	vst v5  }
0x130: {  	s2 =	sshrl.u32 s12, $0x3;
	[tilespmem:$0x270] =	vst v6  }
0x131: {  	[spmem:s1] =	stream.indirect.scatter.add.f32 [tilespmem:s22], [sflag:$0x5], $0x80, s14, s25, $0xb8;
	[tilespmem:$0x1DBA0] =	vst v63  }
0x132: {  	s23 =	simm.s32 $0x0;
	s2 =	sadd.s32 s6, s2  }
0x133: {  	[tilespmem:s23], [sflag:$0x1] =	stream.strided.gather [hbm4b:s2+s25], $0xA0, s26, s25, $0x38;
	[tilespmem:$0x1DBA0] =	vst v63  }
0x134: {  	_ =	swait.ge [sflag:s15], $0x1400  }
0x135: {  	[sflag:s15] =	ssyncset.done $0x0  }
0x136: {  	[sflag:s15] =	ssyncadd.s32 $0xFFFFEC00  }
0x137: {  	_ =	swait.ge [sflag:s15], $0x1400  }
0x138: {  	[sflag:s15] =	ssyncset.done $0x0  }
0x139: {  	s11 =	simm.s32 $0x1810;
	[sflag:s15] =	ssyncadd.s32 $0xFFFFEC00  }
0x13a: {  	s24 =	simm.s32 $0x4010;
	v2 =	vld [tilespmem:s11+$0xFFFFFFD0]  }
0x13b: {  	v3 =	vld [tilespmem:s24+$0xFFFFFFD0];
	_ =	sdelay $0x3  }
0x13c: {  	v6 =	vld [tilespmem:s24+$0xFFFFFF10]  }
0x13d: {  	v7 =	vld [tilespmem:s24+$0xFFFFFF50];
	v4 =	vshll.u32 v2, $0x10;
	v5 =	vshll.u32 v3, $0x10  }
0x13e: {  	v2 =	vand.u32 $0xFFFF0000, v2;
	v3 =	vand.u32 $0xFFFF0000, v3;
	v4 =	vadd.f32 v5, v4;
	v5 =	vld [tilespmem:s11+$0xFFFFFF50]  }
0x13f: {  	v2 =	vadd.f32 v3, v2;
	v3 =	vld [tilespmem:s11+$0xFFFFFF10]  }
0x140: {  	s7 =	simm.s32 $0x7D10;
	v4 =	vmax.f32 v4, $0.0e+00  }
0x141: {  	v2 =	vmax.f32 v2, $0.0e+00;
	[tilespmem:s7+$0xFFFFFF90] =	vst v4  }
0x142: {  	[tilespmem:s7+$0xFFFFFFD0] =	vst v2  }
0x143: {  	v12 =	vshll.u32 v7, $0x10;
	v7 =	vand.u32 $0xFFFF0000, v7;
	v4 =	vshll.u32 v6, $0x10;
	v2 =	vld [tilespmem:s11+$0xFFFFFFE0]  }
0x144: {  	v6 =	vand.u32 $0xFFFF0000, v6;
	v8 =	vld [tilespmem:s24+$0xFFFFFFE0];
	v9 =	vshll.u32 v5, $0x10;
	v10 =	vshll.u32 v3, $0x10  }
0x145: {  	v3 =	vand.u32 $0xFFFF0000, v3;
	v5 =	vand.u32 $0xFFFF0000, v5;
	v4 =	vadd.f32 v4, v10  }
0x146: {  	v11 =	vld [tilespmem:s11+$0xFFFFFF90];
	v3 =	vadd.f32 v6, v3;
	v5 =	vadd.f32 v7, v5  }
0x147: {  	v6 =	vld [tilespmem:s24+$0xFFFFFF90];
	v9 =	vadd.f32 v12, v9  }
0x148: {  	v4 =	vmax.f32 v4, $0.0e+00;
	v3 =	vmax.f32 v3, $0.0e+00;
	v5 =	vmax.f32 v5, $0.0e+00  }
0x149: {  	[tilespmem:s7+$0xFFFFFE10] =	vst v4;
	v4 =	vmax.f32 v9, $0.0e+00;
	v7 =	vshll.u32 v2, $0x10;
	v9 =	vshll.u32 v8, $0x10  }
0x14a: {  	[tilespmem:s7+$0xFFFFFE50] =	vst v3;
	v2 =	vand.u32 $0xFFFF0000, v2;
	v3 =	vadd.f32 v9, v7;
	v7 =	vand.u32 $0xFFFF0000, v8  }
0x14b: {  	[tilespmem:s7+$0xFFFFFED0] =	vst v5;
	v8 =	vshll.u32 v11, $0x10;
	v9 =	vld [tilespmem:s11+$0xFFFFFF20];
	v2 =	vadd.f32 v7, v2  }
0x14c: {  	[tilespmem:s7+$0xFFFFFE90] =	vst v4;
	v10 =	vld [tilespmem:s24+$0xFFFFFF20];
	v4 =	vshll.u32 v6, $0x10;
	v7 =	vand.u32 $0xFFFF0000, v11;
	v3 =	vmax.f32 v3, $0.0e+00  }
0x14d: {  	v5 =	vand.u32 $0xFFFF0000, v6;
	v6 =	vld [tilespmem:s11+$0xFFFFFF60];
	v4 =	vadd.f32 v4, v8;
	[tilespmem:s7+$0xFFFFFFA0] =	vst v3;
	v2 =	vmax.f32 v2, $0.0e+00  }
0x14e: {  	v3 =	vadd.f32 v5, v7;
	v5 =	vld [tilespmem:s24+$0xFFFFFF60];
	[tilespmem:s7+$0xFFFFFFE0] =	vst v2  }
0x14f: {  	v2 =	vmax.f32 v4, $0.0e+00;
	v4 =	vld [tilespmem:s11+$0xFFFFFFF0]  }
0x150: {  	v3 =	vmax.f32 v3, $0.0e+00;
	[tilespmem:s7+$0xFFFFFF10] =	vst v2;
	v2 =	vld [tilespmem:s24+$0xFFFFFFF0]  }
0x151: {  	v7 =	vshll.u32 v10, $0x10;
	v10 =	vand.u32 $0xFFFF0000, v10;
	[tilespmem:s7+$0xFFFFFF50] =	vst v3;
	v3 =	vshll.u32 v9, $0x10  }
0x152: {  	v9 =	vand.u32 $0xFFFF0000, v9;
	v3 =	vadd.f32 v7, v3;
	v7 =	vshll.u32 v6, $0x10  }
0x153: {  	v8 =	vld [tilespmem:s11+$0xFFFFFFA0];
	v6 =	vand.u32 $0xFFFF0000, v6;
	v9 =	vadd.f32 v10, v9;
	v11 =	vshll.u32 v5, $0x10  }
0x154: {  	v10 =	vld [tilespmem:s24+$0xFFFFFFA0];
	v5 =	vand.u32 $0xFFFF0000, v5;
	v3 =	vmax.f32 v3, $0.0e+00;
	v7 =	vadd.f32 v11, v7  }
0x155: {  	[tilespmem:s7+$0xFFFFFE20] =	vst v3;
	v3 =	vmax.f32 v9, $0.0e+00;
	v9 =	vshll.u32 v4, $0x10;
	v12 =	vshll.u32 v2, $0x10  }
0x156: {  	v4 =	vand.u32 $0xFFFF0000, v4;
	v2 =	vand.u32 $0xFFFF0000, v2;
	[tilespmem:s7+$0xFFFFFE60] =	vst v3;
	v3 =	vadd.f32 v12, v9  }
0x157: {  	v5 =	vadd.f32 v5, v6;
	v2 =	vadd.f32 v2, v4;
	v11 =	vld [tilespmem:s11+$0xFFFFFF30]  }
0x158: {  	v9 =	vshll.u32 v8, $0x10;
	v4 =	vand.u32 $0xFFFF0000, v8;
	v6 =	vld [tilespmem:s24+$0xFFFFFF30];
	v3 =	vmax.f32 v3, $0.0e+00  }
0x159: {  	v8 =	vshll.u32 v10, $0x10;
	v10 =	vand.u32 $0xFFFF0000, v10;
	v2 =	vmax.f32 v2, $0.0e+00;
	[tilespmem:s7+$0xFFFFFFB0] =	vst v3  }
0x15a: {  	v7 =	vmax.f32 v7, $0.0e+00;
	v4 =	vadd.f32 v10, v4;
	v3 =	vadd.f32 v8, v9;
	[tilespmem:s7+$0xFFFFFFF0] =	vst v2  }
0x15b: {  	[tilespmem:s7+$0xFFFFFEA0] =	vst v7;
	v2 =	vmax.f32 v5, $0.0e+00;
	v5 =	vld [tilespmem:s11+$0x0]  }
0x15c: {  	v4 =	vmax.f32 v4, $0.0e+00;
	[tilespmem:s7+$0xFFFFFEE0] =	vst v2;
	v7 =	vld [tilespmem:s24+$0x0];
	v3 =	vmax.f32 v3, $0.0e+00;
	v2 =	vshll.u32 v11, $0x10  }
0x15d: {  	v9 =	vld [tilespmem:s11+$0xFFFFFF70];
	v8 =	vand.u32 $0xFFFF0000, v11;
	[tilespmem:s7+$0xFFFFFF20] =	vst v3;
	v3 =	vshll.u32 v6, $0x10;
	v6 =	vand.u32 $0xFFFF0000, v6  }
0x15e: {  	[tilespmem:s7+$0xFFFFFF60] =	vst v4;
	v4 =	vld [tilespmem:s24+$0xFFFFFF70];
	v2 =	vadd.f32 v3, v2;
	v3 =	vadd.f32 v6, v8  }
0x15f: {  	v6 =	vld [tilespmem:s11+$0xFFFFFFB0]  }
0x160: {  	s23 =	simm.s32 $0x1910;
	v10 =	vld [tilespmem:s24+$0xFFFFFFB0];
	v8 =	vmax.f32 v2, $0.0e+00;
	v3 =	vmax.f32 v3, $0.0e+00;
	v2 =	vshll.u32 v5, $0x10  }
0x161: {  	s2 =	simm.s32 $0x4110;
	v12 =	vld [tilespmem:s23+$0xFFFFFFD0];
	v11 =	vshll.u32 v7, $0x10;
	v5 =	vand.u32 $0xFFFF0000, v5;
	v7 =	vand.u32 $0xFFFF0000, v7  }
0x162: {  	v13 =	vshll.u32 v9, $0x10;
	v9 =	vand.u32 $0xFFFF0000, v9;
	v5 =	vadd.f32 v7, v5;
	v7 =	vld [tilespmem:s2+$0xFFFFFFD0]  }
0x163: {  	v42 =	vld [tilespmem:s23+$0xFFFFFF50];
	v14 =	vshll.u32 v4, $0x10;
	v4 =	vand.u32 $0xFFFF0000, v4;
	v2 =	vadd.f32 v11, v2  }
0x164: {  	v17 =	vld [tilespmem:s2+$0xFFFFFF50];
	v13 =	vadd.f32 v14, v13;
	v4 =	vadd.f32 v4, v9;
	v15 =	vshll.u32 v6, $0x10  }
0x165: {  	v19 =	vld [tilespmem:s23+$0xFFFFFF10];
	v6 =	vand.u32 $0xFFFF0000, v6;
	v14 =	vshll.u32 v10, $0x10;
	v10 =	vand.u32 $0xFFFF0000, v10  }
0x166: {  	v11 =	vld [tilespmem:s2+$0xFFFFFF10];
	[tilespmem:s7+$0xFFFFFE30] =	vst v8;
	v9 =	vadd.f32 v14, v15;
	v13 =	vmax.f32 v13, $0.0e+00;
	v6 =	vadd.f32 v10, v6  }
0x167: {  	[tilespmem:s7+$0xFFFFFE70] =	vst v3;
	v14 =	vld [tilespmem:s23+$0xFFFFFF90];
	v15 =	vshll.u32 v12, $0x10;
	v4 =	vmax.f32 v4, $0.0e+00;
	v18 =	vshll.u32 v7, $0x10  }
0x168: {  	v10 =	vld [tilespmem:s2+$0xFFFFFF90];
	v12 =	vand.u32 $0xFFFF0000, v12;
	[tilespmem:s7+$0xFFFFFEB0] =	vst v13;
	v7 =	vand.u32 $0xFFFF0000, v7;
	v15 =	vadd.f32 v18, v15  }
0x169: {  	v16 =	vand.u32 $0xFFFF0000, v42;
	[tilespmem:s7+$0xFFFFFEF0] =	vst v4;
	v9 =	vmax.f32 v9, $0.0e+00;
	v7 =	vadd.f32 v7, v12  }
0x16a: {  	s3 =	simm.s32 $0x7F10;
	v3 =	vshll.u32 v42, $0x10;
	v5 =	vmax.f32 v5, $0.0e+00;
	[tilespmem:s7+$0xFFFFFF30] =	vst v9;
	v15 =	vmax.f32 v15, $0.0e+00  }
0x16b: {  	v13 =	vand.u32 $0xFFFF0000, v19;
	v12 =	vshll.u32 v17, $0x10;
	v7 =	vmax.f32 v7, $0.0e+00;
	[tilespmem:s3+$0xFFFFFF90] =	vst v15  }
0x16c: {  	v8 =	vshll.u32 v11, $0x10;
	v11 =	vand.u32 $0xFFFF0000, v11;
	v9 =	vld [tilespmem:s24+$0xFFFFFF80];
	v3 =	vadd.f32 v12, v3;
	[tilespmem:s3+$0xFFFFFFD0] =	vst v7  }
0x16d: {  	v20 =	vshll.u32 v14, $0x10;
	v21 =	vshll.u32 v10, $0x10;
	v7 =	vshll.u32 v19, $0x10;
	v44 =	vld [tilespmem:s23+$0xFFFFFFE0]  }
0x16e: {  	v14 =	vand.u32 $0xFFFF0000, v14;
	v10 =	vand.u32 $0xFFFF0000, v10;
	v4 =	vadd.f32 v8, v7;
	v8 =	vld [tilespmem:s2+$0xFFFFFFE0]  }
0x16f: {  	v43 =	vld [tilespmem:s11+$0xFFFFFF40];
	v6 =	vmax.f32 v6, $0.0e+00;
	v17 =	vand.u32 $0xFFFF0000, v17;
	v10 =	vadd.f32 v10, v14  }
0x170: {  	[tilespmem:s7+$0xFFFFFF70] =	vst v6;
	v12 =	vadd.f32 v17, v16;
	v15 =	vld [tilespmem:s24+$0xFFFFFF40];
	v3 =	vmax.f32 v3, $0.0e+00;
	v7 =	vadd.f32 v11, v13  }
0x171: {  	v11 =	vld [tilespmem:s11+$0xFFFFFF80];
	v13 =	vadd.f32 v21, v20;
	[tilespmem:s3+$0xFFFFFE90] =	vst v3;
	v10 =	vmax.f32 v10, $0.0e+00;
	v4 =	vmax.f32 v4, $0.0e+00  }
0x172: {  	v6 =	vld [tilespmem:s11+$0xFFFFFFC0];
	v49 =	vshll.u32 v9, $0x10;
	[tilespmem:s3+$0xFFFFFE10] =	vst v4;
	v4 =	vmax.f32 v7, $0.0e+00;
	v7 =	vmax.f32 v12, $0.0e+00  }
0x173: {  	v12 =	vld [tilespmem:s24+$0xFFFFFFC0];
	[tilespmem:s3+$0xFFFFFE50] =	vst v4;
	v4 =	vmax.f32 v13, $0.0e+00;
	v3 =	vshll.u32 v44, $0x10;
	v45 =	vshll.u32 v8, $0x10  }
0x174: {  	[tilespmem:s3+$0xFFFFFED0] =	vst v7;
	v14 =	vld [tilespmem:s23+$0xFFFFFF20];
	v7 =	vand.u32 $0xFFFF0000, v44;
	v8 =	vand.u32 $0xFFFF0000, v8;
	v3 =	vadd.f32 v45, v3  }
0x175: {  	v9 =	vand.u32 $0xFFFF0000, v9;
	v13 =	vshll.u32 v43, $0x10;
	v46 =	vld [tilespmem:s2+$0xFFFFFF20];
	[tilespmem:s3+$0xFFFFFF10] =	vst v4;
	v4 =	vadd.f32 v8, v7  }
0x176: {  	[tilespmem:s3+$0xFFFFFF50] =	vst v10;
	v47 =	vshll.u32 v15, $0x10;
	v48 =	vld [tilespmem:s23+$0xFFFFFF60];
	v10 =	vshll.u32 v11, $0x10;
	v3 =	vmax.f32 v3, $0.0e+00  }
0x177: {  	v7 =	vand.u32 $0xFFFF0000, v43;
	v8 =	vand.u32 $0xFFFF0000, v15;
	v15 =	vld [tilespmem:s2+$0xFFFFFF60];
	[tilespmem:s3+$0xFFFFFFA0] =	vst v3;
	v3 =	vmax.f32 v4, $0.0e+00  }
0x178: {  	v50 =	vld [tilespmem:s23+$0xFFFFFFA0];
	v10 =	vadd.f32 v49, v10;
	v7 =	vadd.f32 v8, v7;
	v8 =	vmax.f32 v2, $0.0e+00;
	[tilespmem:s3+$0xFFFFFFE0] =	vst v3  }
0x179: {  	v24 =	vshll.u32 v12, $0x10;
	v12 =	vand.u32 $0xFFFF0000, v12;
	v4 =	vand.u32 $0xFFFF0000, v11;
	v23 =	vld [tilespmem:s23+$0xFFFFFFF0]  }
0x17a: {  	v11 =	vshll.u32 v14, $0x10;
	v14 =	vand.u32 $0xFFFF0000, v14;
	v3 =	vshll.u32 v6, $0x10;
	v25 =	vld [tilespmem:s2+$0xFFFFFFF0]  }
0x17b: {  	v22 =	vshll.u32 v46, $0x10;
	v17 =	vand.u32 $0xFFFF0000, v46;
	v52 =	vshll.u32 v48, $0x10  }
0x17c: {  	v51 =	vld [tilespmem:s2+$0xFFFFFFA0];
	v19 =	vand.u32 $0xFFFF0000, v48;
	v6 =	vand.u32 $0xFFFF0000, v6;
	v11 =	vadd.f32 v22, v11  }
0x17d: {  	v14 =	vadd.f32 v17, v14;
	v53 =	vshll.u32 v15, $0x10;
	v15 =	vand.u32 $0xFFFF0000, v15  }
0x17e: {  	v54 =	vshll.u32 v50, $0x10;
	v20 =	vand.u32 $0xFFFF0000, v50;
	v11 =	vmax.f32 v11, $0.0e+00  }
0x17f: {  	[tilespmem:s3+$0xFFFFFE20] =	vst v11;
	v11 =	vmax.f32 v14, $0.0e+00;
	v14 =	vshll.u32 v23, $0x10;
	v56 =	vshll.u32 v25, $0x10  }
0x180: {  	[tilespmem:s3+$0xFFFFFE60] =	vst v11;
	v57 =	vand.u32 $0xFFFF0000, v25;
	v11 =	vadd.f32 v56, v14;
	v14 =	vand.u32 $0xFFFF0000, v23  }
0x181: {  	[tilespmem:s7+$0x0] =	vst v5;
	v55 =	vshll.u32 v51, $0x10;
	v21 =	vand.u32 $0xFFFF0000, v51;
	v58 =	vld [tilespmem:s23+$0xFFFFFF30];
	v14 =	vadd.f32 v57, v14  }
0x182: {  	[tilespmem:s7+$0xFFFFFFC0] =	vst v8;
	v17 =	vadd.f32 v53, v52;
	v15 =	vadd.f32 v15, v19;
	v59 =	vld [tilespmem:s2+$0xFFFFFF30];
	v11 =	vmax.f32 v11, $0.0e+00  }
0x183: {  	v19 =	vadd.f32 v55, v54;
	v5 =	vadd.f32 v21, v20;
	[tilespmem:s3+$0xFFFFFFB0] =	vst v11;
	v11 =	vmax.f32 v14, $0.0e+00  }
0x184: {  	v3 =	vadd.f32 v24, v3;
	v17 =	vmax.f32 v17, $0.0e+00;
	v15 =	vmax.f32 v15, $0.0e+00;
	[tilespmem:s3+$0xFFFFFFF0] =	vst v11  }
0x185: {  	v60 =	vmax.f32 v19, $0.0e+00;
	v5 =	vmax.f32 v5, $0.0e+00;
	[tilespmem:s3+$0xFFFFFEA0] =	vst v17;
	v11 =	vadd.f32 v47, v13;
	v13 =	vld [tilespmem:s23+$0x0]  }
0x186: {  	[tilespmem:s3+$0xFFFFFEE0] =	vst v15;
	v14 =	vadd.f32 v9, v4;
	v4 =	vadd.f32 v12, v6;
	v9 =	vshll.u32 v58, $0x10;
	v61 =	vld [tilespmem:s2+$0x0]  }
0x187: {  	[tilespmem:s3+$0xFFFFFF20] =	vst v60;
	v2 =	vld [tilespmem:s23+$0xFFFFFF70];
	v15 =	vand.u32 $0xFFFF0000, v58;
	v62 =	vshll.u32 v59, $0x10;
	v63 =	vand.u32 $0xFFFF0000, v59  }
0x188: {  	[tilespmem:s3+$0xFFFFFF60] =	vst v5;
	v12 =	vadd.f32 v62, v9;
	v15 =	vadd.f32 v63, v15;
	v9 =	vld [tilespmem:s2+$0xFFFFFF70];
	v5 =	vmax.f32 v11, $0.0e+00  }
0x189: {  	v6 =	vmax.f32 v10, $0.0e+00;
	v11 =	vmax.f32 v7, $0.0e+00;
	v7 =	vld [tilespmem:s23+$0xFFFFFFB0];
	[tilespmem:s7+$0xFFFFFE40] =	vst v5;
	v5 =	vmax.f32 v14, $0.0e+00  }
0x18a: {  	v10 =	vld [tilespmem:s2+$0xFFFFFFB0];
	v12 =	vmax.f32 v12, $0.0e+00;
	v14 =	vmax.f32 v15, $0.0e+00;
	[tilespmem:s7+$0xFFFFFE80] =	vst v11;
	v8 =	vshll.u32 v13, $0x10  }
0x18b: {  	s10 =	simm.s32 $0x4110;
	s12 =	simm.s32 $0x1A10;
	s11 =	simm.s32 $0x4;
	[tilespmem:s3+$0xFFFFFE30] =	vst v12;
	v11 =	vshll.u32 v61, $0x10;
	v12 =	vand.u32 $0xFFFF0000, v13;
	v13 =	vand.u32 $0xFFFF0000, v61  }
.LBB2_7:
0x18c: {  	v15 =	vld [tilespmem:s12+$0xFFFFFFD0];
	[tilespmem:s3+$0xFFFFFE70] =	vst v14;
	v14 =	vshll.u32 v2, $0x10;
	v16 =	vand.u32 $0xFFFF0000, v2;
	v12 =	vadd.f32 v13, v12;
	s2 =	sadd.s32 $0x100, s2  }
0x18d: {  	v2 =	vadd.f32 v11, v8;
	v13 =	vld [tilespmem:s2+$0xFFFFFFD0];
	v17 =	vshll.u32 v9, $0x10;
	v9 =	vand.u32 $0xFFFF0000, v9;
	[tilespmem:s7+$0xFFFFFEC0] =	vst v6  }
0x18e: {  	v6 =	vld [tilespmem:s2+$0xFFFFFF10];
	v8 =	vshll.u32 v7, $0x10;
	v7 =	vand.u32 $0xFFFF0000, v7;
	v11 =	vmax.f32 v12, $0.0e+00;
	[tilespmem:s7+$0xFFFFFF00] =	vst v5  }
0x18f: {  	v12 =	vadd.f32 v17, v14;
	v5 =	vld [tilespmem:s12+$0xFFFFFF50];
	v14 =	vshll.u32 v10, $0x10;
	v10 =	vand.u32 $0xFFFF0000, v10;
	[tilespmem:s3+$0x0] =	vst v11  }
0x190: {  	v3 =	vmax.f32 v3, $0.0e+00;
	v9 =	vadd.f32 v9, v16;
	v11 =	vld [tilespmem:s2+$0xFFFFFF50];
	v8 =	vadd.f32 v14, v8  }
0x191: {  	v12 =	vmax.f32 v12, $0.0e+00;
	v7 =	vadd.f32 v10, v7;
	v14 =	vld [tilespmem:s12+$0xFFFFFF90];
	[tilespmem:s7+$0xFFFFFF40] =	vst v3;
	v3 =	vmax.f32 v4, $0.0e+00  }
0x192: {  	v9 =	vmax.f32 v9, $0.0e+00;
	v10 =	vshll.u32 v15, $0x10;
	v4 =	vld [tilespmem:s2+$0xFFFFFF90];
	v16 =	vshll.u32 v13, $0x10;
	[tilespmem:s3+$0xFFFFFEB0] =	vst v12  }
0x193: {  	s11 =	sadd.s32 $0x4, s11;
	v15 =	vand.u32 $0xFFFF0000, v15;
	v13 =	vand.u32 $0xFFFF0000, v13;
	v12 =	vld [tilespmem:s12+$0xFFFFFF10];
	v10 =	vadd.f32 v16, v10;
	[tilespmem:s3+$0xFFFFFEF0] =	vst v9  }
0x194: {  	p2 =	slt.u32 s11, $0x4C;
	v9 =	vshll.u32 v6, $0x10;
	v6 =	vand.u32 $0xFFFF0000, v6;
	v13 =	vadd.f32 v13, v15;
	v15 =	vld [tilespmem:s23+$0xFFFFFF40];
	[tilespmem:s7+$0xFFFFFF80] =	vst v3;
	s7 =	smov.u32 s3  }
0x195: {  	v3 =	vshll.u32 v5, $0x10;
	s3 =	sadd.s32 $0x200, s3;
	v16 =	vshll.u32 v11, $0x10;
	v10 =	vmax.f32 v10, $0.0e+00;
	v17 =	vld [tilespmem:s10+$0xFFFFFF40]  }
0x196: {  	v5 =	vand.u32 $0xFFFF0000, v5;
	v11 =	vand.u32 $0xFFFF0000, v11;
	[tilespmem:s3+$0xFFFFFF90] =	vst v10;
	v10 =	vmax.f32 v13, $0.0e+00;
	v13 =	vld [tilespmem:s23+$0xFFFFFF80]  }
0x197: {  	v18 =	vshll.u32 v14, $0x10;
	v14 =	vand.u32 $0xFFFF0000, v14;
	v19 =	vshll.u32 v4, $0x10;
	[tilespmem:s3+$0xFFFFFFD0] =	vst v10;
	v10 =	vld [tilespmem:s10+$0xFFFFFF80]  }
0x198: {  	v4 =	vand.u32 $0xFFFF0000, v4;
	v20 =	vshll.u32 v12, $0x10;
	v12 =	vand.u32 $0xFFFF0000, v12;
	v21 =	vld [tilespmem:s12+$0xFFFFFFE0]  }
0x199: {  	v8 =	vmax.f32 v8, $0.0e+00;
	v9 =	vadd.f32 v9, v20;
	v6 =	vadd.f32 v6, v12;
	v12 =	vld [tilespmem:s2+$0xFFFFFFE0]  }
0x19a: {  	v7 =	vmax.f32 v7, $0.0e+00;
	v3 =	vadd.f32 v16, v3;
	v5 =	vadd.f32 v11, v5;
	[tilespmem:s7+$0xFFFFFF30] =	vst v8  }
0x19b: {  	v4 =	vadd.f32 v4, v14;
	v8 =	vmax.f32 v9, $0.0e+00;
	v9 =	vadd.f32 v19, v18;
	[tilespmem:s7+$0xFFFFFF70] =	vst v7  }
0x19c: {  	v3 =	vmax.f32 v3, $0.0e+00;
	v5 =	vmax.f32 v5, $0.0e+00;
	v6 =	vmax.f32 v6, $0.0e+00;
	[tilespmem:s3+$0xFFFFFE10] =	vst v8;
	v7 =	vld [tilespmem:s23+$0xFFFFFFC0];
	s23 =	smov.u32 s12  }
0x19d: {  	v4 =	vmax.f32 v4, $0.0e+00;
	v8 =	vshll.u32 v15, $0x10;
	[tilespmem:s3+$0xFFFFFE50] =	vst v6;
	v6 =	vmax.f32 v9, $0.0e+00;
	v9 =	vld [tilespmem:s10+$0xFFFFFFC0];
	s10 =	smov.u32 s2  }
0x19e: {  	v16 =	vshll.u32 v17, $0x10;
	v11 =	vld [tilespmem:s12+$0xFFFFFF20];
	[tilespmem:s3+$0xFFFFFE90] =	vst v3;
	v3 =	vshll.u32 v21, $0x10;
	v14 =	vshll.u32 v12, $0x10  }
0x19f: {  	v12 =	vand.u32 $0xFFFF0000, v12;
	v18 =	vld [tilespmem:s2+$0xFFFFFF20];
	[tilespmem:s3+$0xFFFFFED0] =	vst v5;
	v3 =	vadd.f32 v14, v3;
	v5 =	vand.u32 $0xFFFF0000, v21  }
0x1a0: {  	v14 =	vld [tilespmem:s12+$0xFFFFFF60];
	[tilespmem:s3+$0xFFFFFF10] =	vst v6;
	v5 =	vadd.f32 v12, v5;
	v6 =	vand.u32 $0xFFFF0000, v15;
	v12 =	vand.u32 $0xFFFF0000, v17  }
0x1a1: {  	v17 =	vshll.u32 v10, $0x10;
	v15 =	vld [tilespmem:s2+$0xFFFFFF60];
	[tilespmem:s3+$0xFFFFFF50] =	vst v4;
	v3 =	vmax.f32 v3, $0.0e+00;
	v4 =	vshll.u32 v13, $0x10  }
0x1a2: {  	v10 =	vand.u32 $0xFFFF0000, v10;
	v19 =	vld [tilespmem:s12+$0xFFFFFFA0];
	[tilespmem:s3+$0xFFFFFFA0] =	vst v3;
	v3 =	vmax.f32 v5, $0.0e+00;
	v5 =	vand.u32 $0xFFFF0000, v13  }
0x1a3: {  	v13 =	vshll.u32 v11, $0x10;
	v11 =	vand.u32 $0xFFFF0000, v11;
	v20 =	vld [tilespmem:s2+$0xFFFFFFA0];
	[tilespmem:s3+$0xFFFFFFE0] =	vst v3;
	v3 =	vshll.u32 v7, $0x10  }
0x1a4: {  	v23 =	vshll.u32 v9, $0x10;
	v21 =	vshll.u32 v18, $0x10;
	v18 =	vand.u32 $0xFFFF0000, v18;
	v22 =	vld [tilespmem:s12+$0xFFFFFFF0]  }
0x1a5: {  	v13 =	vadd.f32 v21, v13;
	v21 =	vshll.u32 v14, $0x10;
	v14 =	vand.u32 $0xFFFF0000, v14;
	v24 =	vld [tilespmem:s2+$0xFFFFFFF0]  }
0x1a6: {  	v11 =	vadd.f32 v18, v11;
	v18 =	vshll.u32 v15, $0x10;
	v15 =	vand.u32 $0xFFFF0000, v15  }
0x1a7: {  	v18 =	vadd.f32 v18, v21;
	v21 =	vshll.u32 v19, $0x10;
	v19 =	vand.u32 $0xFFFF0000, v19  }
0x1a8: {  	v14 =	vadd.f32 v15, v14;
	v15 =	vshll.u32 v20, $0x10;
	v20 =	vand.u32 $0xFFFF0000, v20  }
0x1a9: {  	v13 =	vmax.f32 v13, $0.0e+00;
	v15 =	vadd.f32 v15, v21;
	v19 =	vadd.f32 v20, v19  }
0x1aa: {  	v11 =	vmax.f32 v11, $0.0e+00;
	[tilespmem:s3+$0xFFFFFE20] =	vst v13;
	v13 =	vshll.u32 v22, $0x10;
	v20 =	vshll.u32 v24, $0x10  }
0x1ab: {  	[tilespmem:s3+$0xFFFFFE60] =	vst v11;
	v11 =	vadd.f32 v20, v13;
	v13 =	vand.u32 $0xFFFF0000, v22;
	v20 =	vand.u32 $0xFFFF0000, v24  }
0x1ac: {  	v18 =	vmax.f32 v18, $0.0e+00;
	v14 =	vmax.f32 v14, $0.0e+00;
	v21 =	vld [tilespmem:s12+$0xFFFFFF30];
	v13 =	vadd.f32 v20, v13  }
0x1ad: {  	v15 =	vmax.f32 v15, $0.0e+00;
	v20 =	vld [tilespmem:s2+$0xFFFFFF30];
	[tilespmem:s3+$0xFFFFFEA0] =	vst v18;
	v18 =	vmax.f32 v19, $0.0e+00;
	v11 =	vmax.f32 v11, $0.0e+00  }
0x1ae: {  	v9 =	vand.u32 $0xFFFF0000, v9;
	v7 =	vand.u32 $0xFFFF0000, v7;
	[tilespmem:s3+$0xFFFFFFB0] =	vst v11;
	v11 =	vmax.f32 v13, $0.0e+00  }
0x1af: {  	v8 =	vadd.f32 v16, v8;
	v6 =	vadd.f32 v12, v6;
	[tilespmem:s3+$0xFFFFFFF0] =	vst v11;
	v11 =	vmax.f32 v2, $0.0e+00  }
0x1b0: {  	v5 =	vadd.f32 v10, v5;
	v13 =	vadd.f32 v17, v4;
	[tilespmem:s3+$0xFFFFFEE0] =	vst v14;
	v12 =	vld [tilespmem:s12+$0x0]  }
0x1b1: {  	v3 =	vadd.f32 v23, v3;
	v10 =	vshll.u32 v21, $0x10;
	v14 =	vand.u32 $0xFFFF0000, v21;
	[tilespmem:s3+$0xFFFFFF20] =	vst v15;
	v15 =	vld [tilespmem:s2+$0x0]  }
.Ltmp2:
0x1b2: {  	v4 =	vadd.f32 v9, v7;
	v16 =	vshll.u32 v20, $0x10;
	v17 =	vand.u32 $0xFFFF0000, v20;
	v2 =	vld [tilespmem:s12+$0xFFFFFF70];
	[tilespmem:s3+$0xFFFFFF60] =	vst v18;
	(pc) =	sbr.rel @p2 .LBB2_7-.Ltmp2, $4  }
0x1b3: {  	v8 =	vmax.f32 v8, $0.0e+00;
	v10 =	vadd.f32 v16, v10;
	v14 =	vadd.f32 v17, v14;
	v9 =	vld [tilespmem:s2+$0xFFFFFF70];
	[tilespmem:s7+$0xFFFFFFC0] =	vst v11  }
0x1b4: {  	v5 =	vmax.f32 v5, $0.0e+00;
	v11 =	vmax.f32 v6, $0.0e+00;
	v6 =	vmax.f32 v13, $0.0e+00;
	v7 =	vld [tilespmem:s12+$0xFFFFFFB0];
	[tilespmem:s7+$0xFFFFFE40] =	vst v8  }
0x1b5: {  	v13 =	vmax.f32 v10, $0.0e+00;
	v14 =	vmax.f32 v14, $0.0e+00;
	v10 =	vld [tilespmem:s2+$0xFFFFFFB0];
	v8 =	vshll.u32 v12, $0x10;
	[tilespmem:s7+$0xFFFFFE80] =	vst v11  }
0x1b6: {  	s12 =	sadd.s32 $0x100, s12;
	v12 =	vand.u32 $0xFFFF0000, v12;
	[tilespmem:s3+$0xFFFFFE30] =	vst v13;
	v11 =	vshll.u32 v15, $0x10;
	v13 =	vand.u32 $0xFFFF0000, v15  }
0x1b7: {  	_ = 	snop  }
0x1b8: {  	v15 =	vshll.u32 v2, $0x10;
	v16 =	vshll.u32 v9, $0x10  }
0x1b9: {  	v2 =	vand.u32 $0xFFFF0000, v2;
	v32 =	vand.u32 $0xFFFF0000, v9;
	v15 =	vadd.f32 v16, v15  }
0x1ba: {  	v33 =	vshll.u32 v7, $0x10;
	v2 =	vadd.f32 v32, v2  }
0x1bb: {  	[tilespmem:s3+$0xFFFFFE70] =	vst v14;
	v36 =	vand.u32 $0xFFFF0000, v7;
	v34 =	vshll.u32 v10, $0x10;
	v35 =	vmax.f32 v15, $0.0e+00  }
0x1bc: {  	v38 =	vld [tilespmem:s23+$0xFFFFFF40];
	v37 =	vand.u32 $0xFFFF0000, v10;
	v9 =	vadd.f32 v34, v33;
	v2 =	vmax.f32 v2, $0.0e+00;
	[tilespmem:s3+$0xFFFFFEB0] =	vst v35  }
0x1bd: {  	v7 =	vadd.f32 v37, v36;
	[tilespmem:s3+$0xFFFFFEF0] =	vst v2;
	v2 =	vld [tilespmem:s10+$0xFFFFFF40]  }
0x1be: {  	v39 =	vld [tilespmem:s23+$0xFFFFFF80];
	v9 =	vmax.f32 v9, $0.0e+00  }
0x1bf: {  	v12 =	vadd.f32 v13, v12;
	v40 =	vld [tilespmem:s10+$0xFFFFFF80];
	v7 =	vmax.f32 v7, $0.0e+00;
	[tilespmem:s3+$0xFFFFFF30] =	vst v9  }
0x1c0: {  	v41 =	vadd.f32 v11, v8;
	[tilespmem:s3+$0xFFFFFF70] =	vst v7  }
0x1c1: {  	[tilespmem:s7+$0xFFFFFEC0] =	vst v6;
	v3 =	vmax.f32 v3, $0.0e+00;
	v4 =	vmax.f32 v4, $0.0e+00;
	v43 =	vmax.f32 v12, $0.0e+00;
	v42 =	vld [tilespmem:s23+$0xFFFFFFC0]  }
0x1c2: {  	[tilespmem:s7+$0xFFFFFF00] =	vst v5;
	v45 =	vshll.u32 v38, $0x10;
	v47 =	vand.u32 $0xFFFF0000, v38;
	v7 =	vmax.f32 v41, $0.0e+00;
	v44 =	vld [tilespmem:s10+$0xFFFFFFC0]  }
0x1c3: {  	[tilespmem:s7+$0xFFFFFF40] =	vst v3;
	v46 =	vshll.u32 v2, $0x10;
	v2 =	vand.u32 $0xFFFF0000, v2;
	v48 =	vshll.u32 v39, $0x10  }
0x1c4: {  	[tilespmem:s7+$0xFFFFFF80] =	vst v4;
	v49 =	vshll.u32 v40, $0x10;
	v3 =	vand.u32 $0xFFFF0000, v39;
	v5 =	vadd.f32 v46, v45  }
0x1c5: {  	[tilespmem:s3+$0x0] =	vst v43;
	v9 =	vand.u32 $0xFFFF0000, v40;
	v2 =	vadd.f32 v2, v47;
	v6 =	vadd.f32 v49, v48  }
0x1c6: {  	[tilespmem:s3+$0xFFFFFFC0] =	vst v7;
	v3 =	vadd.f32 v9, v3;
	v50 =	vshll.u32 v42, $0x10;
	v5 =	vmax.f32 v5, $0.0e+00  }
0x1c7: {  	v51 =	vshll.u32 v44, $0x10;
	v52 =	vand.u32 $0xFFFF0000, v42;
	v2 =	vmax.f32 v2, $0.0e+00;
	[tilespmem:s3+$0xFFFFFE40] =	vst v5  }
0x1c8: {  	v53 =	vand.u32 $0xFFFF0000, v44;
	v4 =	vadd.f32 v51, v50;
	v6 =	vmax.f32 v6, $0.0e+00;
	[tilespmem:s3+$0xFFFFFE80] =	vst v2  }
0x1c9: {  	v2 =	vadd.f32 v53, v52;
	v3 =	vmax.f32 v3, $0.0e+00;
	[tilespmem:s3+$0xFFFFFEC0] =	vst v6  }
0x1ca: {  	[tilespmem:s3+$0xFFFFFF00] =	vst v3;
	v3 =	vmax.f32 v4, $0.0e+00  }
0x1cb: {  	v2 =	vmax.f32 v2, $0.0e+00;
	[tilespmem:s3+$0xFFFFFF40] =	vst v3  }
0x1cc: {  	[tilespmem:s3+$0xFFFFFF80] =	vst v2  }
0x1cd: {  	_ =	swait.ge [sflag:s28], $0xA0  }
0x1ce: {  	[sflag:s28] =	ssyncset.done $0x0  }
0x1cf: {  	[sflag:s28] =	ssyncadd.s32 $0xFFFFFF60  }
0x1d0: {  	v2 =	vld [tilespmem:$0x0]  }
0x1d1: {  	v3 =	vld [tilespmem:$0x50]  }
0x1d2: {  	v54 =	vld [tilespmem:$0x10]  }
0x1d3: {  	v55 =	vld [tilespmem:$0x60]  }
0x1d4: {  	v56 =	vld [tilespmem:$0x20]  }
0x1d5: {  	v57 =	vld [tilespmem:$0x70];
	v2 =	vadd.s32 v0, v2  }
0x1d6: {  	[tilespmem:$0x140] =	vst v2;
	v2 =	vadd.s32 v0, v3;
	v3 =	vld [tilespmem:$0x30]  }
0x1d7: {  	v58 =	vld [tilespmem:$0x80];
	[tilespmem:$0x280] =	vst v2;
	v2 =	vadd.s32 v0, v54  }
0x1d8: {  	v59 =	vld [tilespmem:$0x40];
	[tilespmem:$0x150] =	vst v2;
	v2 =	vadd.s32 v0, v55  }
0x1d9: {  	v60 =	vld [tilespmem:$0x90];
	[tilespmem:$0x290] =	vst v2;
	v2 =	vadd.s32 v0, v56  }
0x1da: {  	[tilespmem:$0x160] =	vst v2;
	v2 =	vadd.s32 v0, v57  }
0x1db: {  	[tilespmem:$0x2A0] =	vst v2;
	v2 =	vadd.s32 v0, v3  }
0x1dc: {  	[tilespmem:$0x170] =	vst v2;
	v2 =	vadd.s32 v0, v58  }
0x1dd: {  	[tilespmem:$0x2B0] =	vst v2;
	v2 =	vadd.s32 v0, v59  }
0x1de: {  	[tilespmem:$0x180] =	vst v2;
	v2 =	vadd.s32 v0, v60  }
0x1df: {  	[tilespmem:$0x2C0] =	vst v2  }
0x1e0: {  	[tilespmem:s30], [sflag:$0x3] =	stream.indirect.gather [hbm4b:s5+s25], $0x40, s29, s25, $0xb8;
	[tilespmem:$0x1DBA0] =	vst v63  }
0x1e1: {  	_ = 	snop  }
0x1e2: {  	[tilespmem:s0], [sflag:$0x3] =	stream.indirect.gather [hbm4b:s4+s25], $0x40, s31, s25, $0xb8;
	[tilespmem:$0x1DBA0] =	vst v63  }
0x1e3: {  	_ =	swait.ge [sflag:s16], $0x2800  }
0x1e4: {  	[sflag:s16] =	ssyncset.done $0x0  }
0x1e5: {  	[sflag:s16] =	ssyncadd.s32 $0xFFFFD800  }
0x1e6: {  	v2 =	vld [tilespmem:$0x50]  }
0x1e7: {  	v3 =	vld [tilespmem:$0x60]  }
0x1e8: {  	v61 =	vld [tilespmem:$0x70]  }
0x1e9: {  	v62 =	vld [tilespmem:$0x80]  }
0x1ea: {  	s21 =	sadd.s32 $0x1, s21;
	v63 =	vld [tilespmem:$0x90]  }
0x1eb: {  	p2 =	sne.s32 s21, $0x3E;
	[tilespmem:$0x1E0] =	vst v2  }
.Ltmp3:
0x1ec: {  	[tilespmem:$0x1F0] =	vst v3;
	(pc) =	sbr.rel @p2 .LBB2_4-.Ltmp3, $4  }
0x1ed: {  	[tilespmem:$0x200] =	vst v61  }
0x1ee: {  	[tilespmem:$0x210] =	vst v62  }
0x1ef: {  	[tilespmem:$0x220] =	vst v63  }
0x1f0: {  	[spmem:s1] =	stream.indirect.scatter.add.f32 [tilespmem:s20], [sflag:$0x6], $0x80, s19, s25, $0xb8;
	[tilespmem:$0x1DBA0] =	vst v63  }
0x1f1: {  	_ =	swait.ge [sflag:s8], $0x1400  }
0x1f2: {  	[sflag:s8] =	ssyncset.done $0x0  }
0x1f3: {  	[sflag:s8] =	ssyncadd.s32 $0xFFFFEC00  }
0x1f4: {  	_ =	swait.ge [sflag:s8], $0x1400  }
0x1f5: {  	[sflag:s8] =	ssyncset.done $0x0  }
0x1f6: {  	s11 =	simm.s32 $0x3A0;
	[sflag:s8] =	ssyncadd.s32 $0xFFFFEC00  }
0x1f7: {  	s10 =	simm.s32 $0x2BA0;
	v2 =	vld [tilespmem:s11+$0x40]  }
0x1f8: {  	v3 =	vld [tilespmem:s10+$0x40];
	_ =	sdelay $0x3  }
0x1f9: {  	v6 =	vld [tilespmem:s10+$0xFFFFFF80]  }
0x1fa: {  	v7 =	vld [tilespmem:s10+$0xFFFFFFC0];
	v4 =	vshll.u32 v2, $0x10;
	v5 =	vshll.u32 v3, $0x10  }
0x1fb: {  	v2 =	vand.u32 $0xFFFF0000, v2;
	v3 =	vand.u32 $0xFFFF0000, v3;
	v4 =	vadd.f32 v5, v4;
	v5 =	vld [tilespmem:s11+$0xFFFFFFC0]  }
0x1fc: {  	v2 =	vadd.f32 v3, v2;
	v3 =	vld [tilespmem:s11+$0xFFFFFF80]  }
0x1fd: {  	s7 =	simm.s32 $0x5420;
	v4 =	vmax.f32 v4, $0.0e+00  }
0x1fe: {  	v2 =	vmax.f32 v2, $0.0e+00;
	[tilespmem:s7+$0x80] =	vst v4  }
0x1ff: {  	[tilespmem:s7+$0xC0] =	vst v2  }
0x200: {  	v12 =	vshll.u32 v7, $0x10;
	v7 =	vand.u32 $0xFFFF0000, v7;
	v4 =	vshll.u32 v6, $0x10;
	v2 =	vld [tilespmem:s11+$0x50]  }
0x201: {  	v6 =	vand.u32 $0xFFFF0000, v6;
	v8 =	vld [tilespmem:s10+$0x50];
	v9 =	vshll.u32 v5, $0x10;
	v10 =	vshll.u32 v3, $0x10  }
0x202: {  	v3 =	vand.u32 $0xFFFF0000, v3;
	v5 =	vand.u32 $0xFFFF0000, v5;
	v4 =	vadd.f32 v4, v10  }
0x203: {  	v11 =	vld [tilespmem:s11+$0x0];
	v3 =	vadd.f32 v6, v3;
	v5 =	vadd.f32 v7, v5  }
0x204: {  	v6 =	vld [tilespmem:s10+$0x0];
	v9 =	vadd.f32 v12, v9  }
0x205: {  	v4 =	vmax.f32 v4, $0.0e+00;
	v3 =	vmax.f32 v3, $0.0e+00;
	v5 =	vmax.f32 v5, $0.0e+00  }
0x206: {  	[tilespmem:s7+$0xFFFFFF00] =	vst v4;
	v4 =	vmax.f32 v9, $0.0e+00;
	v7 =	vshll.u32 v2, $0x10;
	v9 =	vshll.u32 v8, $0x10  }
0x207: {  	[tilespmem:s7+$0xFFFFFF40] =	vst v3;
	v2 =	vand.u32 $0xFFFF0000, v2;
	v3 =	vadd.f32 v9, v7;
	v7 =	vand.u32 $0xFFFF0000, v8  }
0x208: {  	[tilespmem:s7+$0xFFFFFFC0] =	vst v5;
	v8 =	vshll.u32 v11, $0x10;
	v9 =	vld [tilespmem:s11+$0xFFFFFF90];
	v2 =	vadd.f32 v7, v2  }
0x209: {  	[tilespmem:s7+$0xFFFFFF80] =	vst v4;
	v10 =	vld [tilespmem:s10+$0xFFFFFF90];
	v4 =	vshll.u32 v6, $0x10;
	v7 =	vand.u32 $0xFFFF0000, v11;
	v3 =	vmax.f32 v3, $0.0e+00  }
0x20a: {  	v5 =	vand.u32 $0xFFFF0000, v6;
	v6 =	vld [tilespmem:s11+$0xFFFFFFD0];
	v4 =	vadd.f32 v4, v8;
	[tilespmem:s7+$0x90] =	vst v3;
	v2 =	vmax.f32 v2, $0.0e+00  }
0x20b: {  	v3 =	vadd.f32 v5, v7;
	v5 =	vld [tilespmem:s10+$0xFFFFFFD0];
	[tilespmem:s7+$0xD0] =	vst v2  }
0x20c: {  	v2 =	vmax.f32 v4, $0.0e+00;
	v4 =	vld [tilespmem:s11+$0x60]  }
0x20d: {  	v3 =	vmax.f32 v3, $0.0e+00;
	[tilespmem:s7+$0x0] =	vst v2;
	v2 =	vld [tilespmem:s10+$0x60]  }
0x20e: {  	v7 =	vshll.u32 v10, $0x10;
	v10 =	vand.u32 $0xFFFF0000, v10;
	[tilespmem:s7+$0x40] =	vst v3;
	v3 =	vshll.u32 v9, $0x10  }
0x20f: {  	v9 =	vand.u32 $0xFFFF0000, v9;
	v3 =	vadd.f32 v7, v3;
	v7 =	vshll.u32 v6, $0x10  }
0x210: {  	v8 =	vld [tilespmem:s11+$0x10];
	v6 =	vand.u32 $0xFFFF0000, v6;
	v9 =	vadd.f32 v10, v9;
	v11 =	vshll.u32 v5, $0x10  }
0x211: {  	v10 =	vld [tilespmem:s10+$0x10];
	v5 =	vand.u32 $0xFFFF0000, v5;
	v3 =	vmax.f32 v3, $0.0e+00;
	v7 =	vadd.f32 v11, v7  }
0x212: {  	[tilespmem:s7+$0xFFFFFF10] =	vst v3;
	v3 =	vmax.f32 v9, $0.0e+00;
	v9 =	vshll.u32 v4, $0x10;
	v12 =	vshll.u32 v2, $0x10  }
0x213: {  	v4 =	vand.u32 $0xFFFF0000, v4;
	v2 =	vand.u32 $0xFFFF0000, v2;
	[tilespmem:s7+$0xFFFFFF50] =	vst v3;
	v3 =	vadd.f32 v12, v9  }
0x214: {  	v5 =	vadd.f32 v5, v6;
	v2 =	vadd.f32 v2, v4;
	v11 =	vld [tilespmem:s11+$0xFFFFFFA0]  }
0x215: {  	v9 =	vshll.u32 v8, $0x10;
	v4 =	vand.u32 $0xFFFF0000, v8;
	v6 =	vld [tilespmem:s10+$0xFFFFFFA0];
	v3 =	vmax.f32 v3, $0.0e+00  }
0x216: {  	v8 =	vshll.u32 v10, $0x10;
	v10 =	vand.u32 $0xFFFF0000, v10;
	v2 =	vmax.f32 v2, $0.0e+00;
	[tilespmem:s7+$0xA0] =	vst v3  }
0x217: {  	v7 =	vmax.f32 v7, $0.0e+00;
	v4 =	vadd.f32 v10, v4;
	v3 =	vadd.f32 v8, v9;
	[tilespmem:s7+$0xE0] =	vst v2  }
0x218: {  	[tilespmem:s7+$0xFFFFFF90] =	vst v7;
	v2 =	vmax.f32 v5, $0.0e+00;
	v5 =	vld [tilespmem:s11+$0x70]  }
0x219: {  	v4 =	vmax.f32 v4, $0.0e+00;
	[tilespmem:s7+$0xFFFFFFD0] =	vst v2;
	v7 =	vld [tilespmem:s10+$0x70];
	v3 =	vmax.f32 v3, $0.0e+00;
	v2 =	vshll.u32 v11, $0x10  }
0x21a: {  	v9 =	vld [tilespmem:s11+$0xFFFFFFE0];
	v8 =	vand.u32 $0xFFFF0000, v11;
	[tilespmem:s7+$0x10] =	vst v3;
	v3 =	vshll.u32 v6, $0x10;
	v6 =	vand.u32 $0xFFFF0000, v6  }
0x21b: {  	[tilespmem:s7+$0x50] =	vst v4;
	v4 =	vld [tilespmem:s10+$0xFFFFFFE0];
	v2 =	vadd.f32 v3, v2;
	v3 =	vadd.f32 v6, v8  }
0x21c: {  	v6 =	vld [tilespmem:s11+$0x20]  }
0x21d: {  	s21 =	simm.s32 $0x4A0;
	v10 =	vld [tilespmem:s10+$0x20];
	v8 =	vmax.f32 v2, $0.0e+00;
	v3 =	vmax.f32 v3, $0.0e+00;
	v2 =	vshll.u32 v5, $0x10  }
0x21e: {  	s2 =	simm.s32 $0x2CA0;
	v12 =	vld [tilespmem:s21+$0x40];
	v11 =	vshll.u32 v7, $0x10;
	v5 =	vand.u32 $0xFFFF0000, v5;
	v7 =	vand.u32 $0xFFFF0000, v7  }
0x21f: {  	v13 =	vshll.u32 v9, $0x10;
	v9 =	vand.u32 $0xFFFF0000, v9;
	v5 =	vadd.f32 v7, v5;
	v7 =	vld [tilespmem:s2+$0x40]  }
0x220: {  	v16 =	vld [tilespmem:s21+$0xFFFFFFC0];
	v14 =	vshll.u32 v4, $0x10;
	v4 =	vand.u32 $0xFFFF0000, v4;
	v2 =	vadd.f32 v11, v2  }
0x221: {  	v17 =	vld [tilespmem:s2+$0xFFFFFFC0];
	v13 =	vadd.f32 v14, v13;
	v4 =	vadd.f32 v4, v9;
	v15 =	vshll.u32 v6, $0x10  }
0x222: {  	v19 =	vld [tilespmem:s21+$0xFFFFFF80];
	v6 =	vand.u32 $0xFFFF0000, v6;
	v14 =	vshll.u32 v10, $0x10;
	v10 =	vand.u32 $0xFFFF0000, v10  }
0x223: {  	v11 =	vld [tilespmem:s2+$0xFFFFFF80];
	[tilespmem:s7+$0xFFFFFF20] =	vst v8;
	v9 =	vadd.f32 v14, v15;
	v13 =	vmax.f32 v13, $0.0e+00;
	v6 =	vadd.f32 v10, v6  }
0x224: {  	[tilespmem:s7+$0xFFFFFF60] =	vst v3;
	v14 =	vld [tilespmem:s21+$0x0];
	v15 =	vshll.u32 v12, $0x10;
	v4 =	vmax.f32 v4, $0.0e+00;
	v18 =	vshll.u32 v7, $0x10  }
0x225: {  	v10 =	vld [tilespmem:s2+$0x0];
	v12 =	vand.u32 $0xFFFF0000, v12;
	[tilespmem:s7+$0xFFFFFFA0] =	vst v13;
	v7 =	vand.u32 $0xFFFF0000, v7;
	v15 =	vadd.f32 v18, v15  }
0x226: {  	v3 =	vshll.u32 v16, $0x10;
	[tilespmem:s7+$0xFFFFFFE0] =	vst v4;
	v9 =	vmax.f32 v9, $0.0e+00;
	v7 =	vadd.f32 v7, v12  }
0x227: {  	s3 =	simm.s32 $0x5620;
	v16 =	vand.u32 $0xFFFF0000, v16;
	v5 =	vmax.f32 v5, $0.0e+00;
	[tilespmem:s7+$0x20] =	vst v9;
	v15 =	vmax.f32 v15, $0.0e+00  }
0x228: {  	v13 =	vand.u32 $0xFFFF0000, v19;
	v12 =	vshll.u32 v17, $0x10;
	v7 =	vmax.f32 v7, $0.0e+00;
	[tilespmem:s3+$0x80] =	vst v15  }
0x229: {  	v8 =	vshll.u32 v11, $0x10;
	v11 =	vand.u32 $0xFFFF0000, v11;
	v9 =	vld [tilespmem:s10+$0xFFFFFFF0];
	v3 =	vadd.f32 v12, v3;
	[tilespmem:s3+$0xC0] =	vst v7  }
0x22a: {  	v20 =	vshll.u32 v14, $0x10;
	v21 =	vshll.u32 v10, $0x10;
	v7 =	vshll.u32 v19, $0x10;
	v44 =	vld [tilespmem:s21+$0x50]  }
0x22b: {  	v14 =	vand.u32 $0xFFFF0000, v14;
	v10 =	vand.u32 $0xFFFF0000, v10;
	v4 =	vadd.f32 v8, v7;
	v8 =	vld [tilespmem:s2+$0x50]  }
0x22c: {  	v43 =	vld [tilespmem:s11+$0xFFFFFFB0];
	v6 =	vmax.f32 v6, $0.0e+00;
	v17 =	vand.u32 $0xFFFF0000, v17;
	v10 =	vadd.f32 v10, v14  }
0x22d: {  	[tilespmem:s7+$0x60] =	vst v6;
	v12 =	vadd.f32 v17, v16;
	v15 =	vld [tilespmem:s10+$0xFFFFFFB0];
	v3 =	vmax.f32 v3, $0.0e+00;
	v7 =	vadd.f32 v11, v13  }
0x22e: {  	v11 =	vld [tilespmem:s11+$0xFFFFFFF0];
	v13 =	vadd.f32 v21, v20;
	[tilespmem:s3+$0xFFFFFF80] =	vst v3;
	v10 =	vmax.f32 v10, $0.0e+00;
	v4 =	vmax.f32 v4, $0.0e+00  }
0x22f: {  	v6 =	vld [tilespmem:s11+$0x30];
	v49 =	vshll.u32 v9, $0x10;
	[tilespmem:s3+$0xFFFFFF00] =	vst v4;
	v4 =	vmax.f32 v7, $0.0e+00;
	v7 =	vmax.f32 v12, $0.0e+00  }
0x230: {  	v12 =	vld [tilespmem:s10+$0x30];
	[tilespmem:s3+$0xFFFFFF40] =	vst v4;
	v4 =	vmax.f32 v13, $0.0e+00;
	v3 =	vshll.u32 v44, $0x10;
	v45 =	vshll.u32 v8, $0x10  }
0x231: {  	[tilespmem:s3+$0xFFFFFFC0] =	vst v7;
	v14 =	vld [tilespmem:s21+$0xFFFFFF90];
	v7 =	vand.u32 $0xFFFF0000, v44;
	v8 =	vand.u32 $0xFFFF0000, v8;
	v3 =	vadd.f32 v45, v3  }
0x232: {  	v9 =	vand.u32 $0xFFFF0000, v9;
	v13 =	vshll.u32 v43, $0x10;
	v46 =	vld [tilespmem:s2+$0xFFFFFF90];
	[tilespmem:s3+$0x0] =	vst v4;
	v4 =	vadd.f32 v8, v7  }
0x233: {  	[tilespmem:s3+$0x40] =	vst v10;
	v47 =	vshll.u32 v15, $0x10;
	v48 =	vld [tilespmem:s21+$0xFFFFFFD0];
	v10 =	vshll.u32 v11, $0x10;
	v3 =	vmax.f32 v3, $0.0e+00  }
0x234: {  	v7 =	vand.u32 $0xFFFF0000, v43;
	v8 =	vand.u32 $0xFFFF0000, v15;
	v15 =	vld [tilespmem:s2+$0xFFFFFFD0];
	[tilespmem:s3+$0x90] =	vst v3;
	v3 =	vmax.f32 v4, $0.0e+00  }
0x235: {  	v50 =	vld [tilespmem:s21+$0x10];
	v10 =	vadd.f32 v49, v10;
	v7 =	vadd.f32 v8, v7;
	v8 =	vmax.f32 v2, $0.0e+00;
	[tilespmem:s3+$0xD0] =	vst v3  }
0x236: {  	v24 =	vshll.u32 v12, $0x10;
	v12 =	vand.u32 $0xFFFF0000, v12;
	v4 =	vand.u32 $0xFFFF0000, v11;
	v23 =	vld [tilespmem:s21+$0x60]  }
0x237: {  	v11 =	vshll.u32 v14, $0x10;
	v14 =	vand.u32 $0xFFFF0000, v14;
	v3 =	vshll.u32 v6, $0x10;
	v25 =	vld [tilespmem:s2+$0x60]  }
0x238: {  	v22 =	vshll.u32 v46, $0x10;
	v17 =	vand.u32 $0xFFFF0000, v46;
	v52 =	vshll.u32 v48, $0x10  }
0x239: {  	v51 =	vld [tilespmem:s2+$0x10];
	v19 =	vand.u32 $0xFFFF0000, v48;
	v6 =	vand.u32 $0xFFFF0000, v6;
	v11 =	vadd.f32 v22, v11  }
0x23a: {  	v14 =	vadd.f32 v17, v14;
	v53 =	vshll.u32 v15, $0x10;
	v15 =	vand.u32 $0xFFFF0000, v15  }
0x23b: {  	v54 =	vshll.u32 v50, $0x10;
	v20 =	vand.u32 $0xFFFF0000, v50;
	v11 =	vmax.f32 v11, $0.0e+00  }
0x23c: {  	[tilespmem:s3+$0xFFFFFF10] =	vst v11;
	v11 =	vmax.f32 v14, $0.0e+00;
	v14 =	vshll.u32 v23, $0x10;
	v56 =	vshll.u32 v25, $0x10  }
0x23d: {  	[tilespmem:s3+$0xFFFFFF50] =	vst v11;
	v57 =	vand.u32 $0xFFFF0000, v25;
	v11 =	vadd.f32 v56, v14;
	v14 =	vand.u32 $0xFFFF0000, v23  }
0x23e: {  	[tilespmem:s7+$0xF0] =	vst v5;
	v55 =	vshll.u32 v51, $0x10;
	v21 =	vand.u32 $0xFFFF0000, v51;
	v58 =	vld [tilespmem:s21+$0xFFFFFFA0];
	v14 =	vadd.f32 v57, v14  }
0x23f: {  	[tilespmem:s7+$0xB0] =	vst v8;
	v17 =	vadd.f32 v53, v52;
	v15 =	vadd.f32 v15, v19;
	v59 =	vld [tilespmem:s2+$0xFFFFFFA0];
	v11 =	vmax.f32 v11, $0.0e+00  }
0x240: {  	v19 =	vadd.f32 v55, v54;
	v5 =	vadd.f32 v21, v20;
	[tilespmem:s3+$0xA0] =	vst v11;
	v11 =	vmax.f32 v14, $0.0e+00  }
0x241: {  	v3 =	vadd.f32 v24, v3;
	v17 =	vmax.f32 v17, $0.0e+00;
	v15 =	vmax.f32 v15, $0.0e+00;
	[tilespmem:s3+$0xE0] =	vst v11  }
0x242: {  	v60 =	vmax.f32 v19, $0.0e+00;
	v5 =	vmax.f32 v5, $0.0e+00;
	[tilespmem:s3+$0xFFFFFF90] =	vst v17;
	v11 =	vadd.f32 v47, v13;
	v13 =	vld [tilespmem:s21+$0x70]  }
0x243: {  	[tilespmem:s3+$0xFFFFFFD0] =	vst v15;
	v14 =	vadd.f32 v9, v4;
	v4 =	vadd.f32 v12, v6;
	v9 =	vshll.u32 v58, $0x10;
	v61 =	vld [tilespmem:s2+$0x70]  }
0x244: {  	[tilespmem:s3+$0x10] =	vst v60;
	v2 =	vld [tilespmem:s21+$0xFFFFFFE0];
	v15 =	vand.u32 $0xFFFF0000, v58;
	v62 =	vshll.u32 v59, $0x10;
	v63 =	vand.u32 $0xFFFF0000, v59  }
0x245: {  	[tilespmem:s3+$0x50] =	vst v5;
	v12 =	vadd.f32 v62, v9;
	v15 =	vadd.f32 v63, v15;
	v9 =	vld [tilespmem:s2+$0xFFFFFFE0];
	v5 =	vmax.f32 v11, $0.0e+00  }
0x246: {  	v6 =	vmax.f32 v10, $0.0e+00;
	v11 =	vmax.f32 v7, $0.0e+00;
	v7 =	vld [tilespmem:s21+$0x20];
	[tilespmem:s7+$0xFFFFFF30] =	vst v5;
	v5 =	vmax.f32 v14, $0.0e+00  }
0x247: {  	v10 =	vld [tilespmem:s2+$0x20];
	v12 =	vmax.f32 v12, $0.0e+00;
	v14 =	vmax.f32 v15, $0.0e+00;
	[tilespmem:s7+$0xFFFFFF70] =	vst v11;
	v8 =	vshll.u32 v13, $0x10  }
0x248: {  	s12 =	simm.s32 $0x5A0;
	s11 =	simm.s32 $0x4;
	s10 =	simm.s32 $0x2CA0;
	[tilespmem:s3+$0xFFFFFF20] =	vst v12;
	v11 =	vshll.u32 v61, $0x10;
	v12 =	vand.u32 $0xFFFF0000, v13;
	v13 =	vand.u32 $0xFFFF0000, v61  }
.LBB2_10:
0x249: {  	v15 =	vld [tilespmem:s12+$0x40];
	[tilespmem:s3+$0xFFFFFF60] =	vst v14;
	v14 =	vshll.u32 v2, $0x10;
	v16 =	vand.u32 $0xFFFF0000, v2;
	v12 =	vadd.f32 v13, v12;
	s2 =	sadd.s32 $0x100, s2  }
0x24a: {  	v2 =	vadd.f32 v11, v8;
	v13 =	vld [tilespmem:s2+$0x40];
	v17 =	vshll.u32 v9, $0x10;
	v9 =	vand.u32 $0xFFFF0000, v9;
	[tilespmem:s7+$0xFFFFFFB0] =	vst v6  }
0x24b: {  	v6 =	vld [tilespmem:s2+$0xFFFFFF80];
	v8 =	vshll.u32 v7, $0x10;
	v7 =	vand.u32 $0xFFFF0000, v7;
	v11 =	vmax.f32 v12, $0.0e+00;
	[tilespmem:s7+$0xFFFFFFF0] =	vst v5  }
0x24c: {  	v12 =	vadd.f32 v17, v14;
	v5 =	vld [tilespmem:s12+$0xFFFFFFC0];
	v14 =	vshll.u32 v10, $0x10;
	v10 =	vand.u32 $0xFFFF0000, v10;
	[tilespmem:s3+$0xF0] =	vst v11  }
0x24d: {  	v3 =	vmax.f32 v3, $0.0e+00;
	v9 =	vadd.f32 v9, v16;
	v11 =	vld [tilespmem:s2+$0xFFFFFFC0];
	v8 =	vadd.f32 v14, v8  }
0x24e: {  	v12 =	vmax.f32 v12, $0.0e+00;
	v7 =	vadd.f32 v10, v7;
	v14 =	vld [tilespmem:s12+$0x0];
	[tilespmem:s7+$0x30] =	vst v3;
	v3 =	vmax.f32 v4, $0.0e+00  }
0x24f: {  	v9 =	vmax.f32 v9, $0.0e+00;
	v10 =	vshll.u32 v15, $0x10;
	v4 =	vld [tilespmem:s2+$0x0];
	v16 =	vshll.u32 v13, $0x10;
	[tilespmem:s3+$0xFFFFFFA0] =	vst v12  }
0x250: {  	s11 =	sadd.s32 $0x4, s11;
	v15 =	vand.u32 $0xFFFF0000, v15;
	v13 =	vand.u32 $0xFFFF0000, v13;
	v12 =	vld [tilespmem:s12+$0xFFFFFF80];
	v10 =	vadd.f32 v16, v10;
	[tilespmem:s3+$0xFFFFFFE0] =	vst v9  }
0x251: {  	p2 =	slt.u32 s11, $0x4C;
	v9 =	vshll.u32 v6, $0x10;
	v6 =	vand.u32 $0xFFFF0000, v6;
	v13 =	vadd.f32 v13, v15;
	v15 =	vld [tilespmem:s21+$0xFFFFFFB0];
	[tilespmem:s7+$0x70] =	vst v3;
	s7 =	smov.u32 s3  }
0x252: {  	v3 =	vshll.u32 v5, $0x10;
	s3 =	sadd.s32 $0x200, s3;
	v16 =	vshll.u32 v11, $0x10;
	v10 =	vmax.f32 v10, $0.0e+00;
	v17 =	vld [tilespmem:s10+$0xFFFFFFB0]  }
0x253: {  	v5 =	vand.u32 $0xFFFF0000, v5;
	v11 =	vand.u32 $0xFFFF0000, v11;
	[tilespmem:s3+$0x80] =	vst v10;
	v10 =	vmax.f32 v13, $0.0e+00;
	v13 =	vld [tilespmem:s21+$0xFFFFFFF0]  }
0x254: {  	v18 =	vshll.u32 v14, $0x10;
	v14 =	vand.u32 $0xFFFF0000, v14;
	v19 =	vshll.u32 v4, $0x10;
	[tilespmem:s3+$0xC0] =	vst v10;
	v10 =	vld [tilespmem:s10+$0xFFFFFFF0]  }
0x255: {  	v4 =	vand.u32 $0xFFFF0000, v4;
	v20 =	vshll.u32 v12, $0x10;
	v12 =	vand.u32 $0xFFFF0000, v12;
	v21 =	vld [tilespmem:s12+$0x50]  }
0x256: {  	v8 =	vmax.f32 v8, $0.0e+00;
	v9 =	vadd.f32 v9, v20;
	v6 =	vadd.f32 v6, v12;
	v12 =	vld [tilespmem:s2+$0x50]  }
0x257: {  	v7 =	vmax.f32 v7, $0.0e+00;
	v3 =	vadd.f32 v16, v3;
	v5 =	vadd.f32 v11, v5;
	[tilespmem:s7+$0x20] =	vst v8  }
0x258: {  	v4 =	vadd.f32 v4, v14;
	v8 =	vmax.f32 v9, $0.0e+00;
	v9 =	vadd.f32 v19, v18;
	[tilespmem:s7+$0x60] =	vst v7  }
0x259: {  	v3 =	vmax.f32 v3, $0.0e+00;
	v5 =	vmax.f32 v5, $0.0e+00;
	v6 =	vmax.f32 v6, $0.0e+00;
	[tilespmem:s3+$0xFFFFFF00] =	vst v8;
	v7 =	vld [tilespmem:s21+$0x30];
	s21 =	smov.u32 s12  }
0x25a: {  	v4 =	vmax.f32 v4, $0.0e+00;
	v8 =	vshll.u32 v15, $0x10;
	[tilespmem:s3+$0xFFFFFF40] =	vst v6;
	v6 =	vmax.f32 v9, $0.0e+00;
	v9 =	vld [tilespmem:s10+$0x30];
	s10 =	smov.u32 s2  }
0x25b: {  	v16 =	vshll.u32 v17, $0x10;
	v11 =	vld [tilespmem:s12+$0xFFFFFF90];
	[tilespmem:s3+$0xFFFFFF80] =	vst v3;
	v3 =	vshll.u32 v21, $0x10;
	v14 =	vshll.u32 v12, $0x10  }
0x25c: {  	v12 =	vand.u32 $0xFFFF0000, v12;
	v18 =	vld [tilespmem:s2+$0xFFFFFF90];
	[tilespmem:s3+$0xFFFFFFC0] =	vst v5;
	v3 =	vadd.f32 v14, v3;
	v5 =	vand.u32 $0xFFFF0000, v21  }
0x25d: {  	v14 =	vld [tilespmem:s12+$0xFFFFFFD0];
	[tilespmem:s3+$0x0] =	vst v6;
	v5 =	vadd.f32 v12, v5;
	v6 =	vand.u32 $0xFFFF0000, v15;
	v12 =	vand.u32 $0xFFFF0000, v17  }
0x25e: {  	v17 =	vshll.u32 v10, $0x10;
	v15 =	vld [tilespmem:s2+$0xFFFFFFD0];
	[tilespmem:s3+$0x40] =	vst v4;
	v3 =	vmax.f32 v3, $0.0e+00;
	v4 =	vshll.u32 v13, $0x10  }
0x25f: {  	v10 =	vand.u32 $0xFFFF0000, v10;
	v19 =	vld [tilespmem:s12+$0x10];
	[tilespmem:s3+$0x90] =	vst v3;
	v3 =	vmax.f32 v5, $0.0e+00;
	v5 =	vand.u32 $0xFFFF0000, v13  }
0x260: {  	v13 =	vshll.u32 v11, $0x10;
	v11 =	vand.u32 $0xFFFF0000, v11;
	v20 =	vld [tilespmem:s2+$0x10];
	[tilespmem:s3+$0xD0] =	vst v3;
	v3 =	vshll.u32 v7, $0x10  }
0x261: {  	v23 =	vshll.u32 v9, $0x10;
	v21 =	vshll.u32 v18, $0x10;
	v18 =	vand.u32 $0xFFFF0000, v18;
	v22 =	vld [tilespmem:s12+$0x60]  }
0x262: {  	v13 =	vadd.f32 v21, v13;
	v21 =	vshll.u32 v14, $0x10;
	v14 =	vand.u32 $0xFFFF0000, v14;
	v24 =	vld [tilespmem:s2+$0x60]  }
0x263: {  	v11 =	vadd.f32 v18, v11;
	v18 =	vshll.u32 v15, $0x10;
	v15 =	vand.u32 $0xFFFF0000, v15  }
0x264: {  	v18 =	vadd.f32 v18, v21;
	v21 =	vshll.u32 v19, $0x10;
	v19 =	vand.u32 $0xFFFF0000, v19  }
0x265: {  	v14 =	vadd.f32 v15, v14;
	v15 =	vshll.u32 v20, $0x10;
	v20 =	vand.u32 $0xFFFF0000, v20  }
0x266: {  	v13 =	vmax.f32 v13, $0.0e+00;
	v15 =	vadd.f32 v15, v21;
	v19 =	vadd.f32 v20, v19  }
0x267: {  	v11 =	vmax.f32 v11, $0.0e+00;
	[tilespmem:s3+$0xFFFFFF10] =	vst v13;
	v13 =	vshll.u32 v22, $0x10;
	v20 =	vshll.u32 v24, $0x10  }
0x268: {  	[tilespmem:s3+$0xFFFFFF50] =	vst v11;
	v11 =	vadd.f32 v20, v13;
	v13 =	vand.u32 $0xFFFF0000, v22;
	v20 =	vand.u32 $0xFFFF0000, v24  }
0x269: {  	v18 =	vmax.f32 v18, $0.0e+00;
	v14 =	vmax.f32 v14, $0.0e+00;
	v21 =	vld [tilespmem:s12+$0xFFFFFFA0];
	v13 =	vadd.f32 v20, v13  }
0x26a: {  	v15 =	vmax.f32 v15, $0.0e+00;
	v20 =	vld [tilespmem:s2+$0xFFFFFFA0];
	[tilespmem:s3+$0xFFFFFF90] =	vst v18;
	v18 =	vmax.f32 v19, $0.0e+00;
	v11 =	vmax.f32 v11, $0.0e+00  }
0x26b: {  	v9 =	vand.u32 $0xFFFF0000, v9;
	v7 =	vand.u32 $0xFFFF0000, v7;
	[tilespmem:s3+$0xA0] =	vst v11;
	v11 =	vmax.f32 v13, $0.0e+00  }
0x26c: {  	v8 =	vadd.f32 v16, v8;
	v6 =	vadd.f32 v12, v6;
	[tilespmem:s3+$0xE0] =	vst v11;
	v11 =	vmax.f32 v2, $0.0e+00  }
0x26d: {  	v5 =	vadd.f32 v10, v5;
	v13 =	vadd.f32 v17, v4;
	[tilespmem:s3+$0xFFFFFFD0] =	vst v14;
	v12 =	vld [tilespmem:s12+$0x70]  }
0x26e: {  	v3 =	vadd.f32 v23, v3;
	v10 =	vshll.u32 v21, $0x10;
	v14 =	vand.u32 $0xFFFF0000, v21;
	[tilespmem:s3+$0x10] =	vst v15;
	v15 =	vld [tilespmem:s2+$0x70]  }
.Ltmp4:
0x26f: {  	v4 =	vadd.f32 v9, v7;
	v16 =	vshll.u32 v20, $0x10;
	v17 =	vand.u32 $0xFFFF0000, v20;
	v2 =	vld [tilespmem:s12+$0xFFFFFFE0];
	[tilespmem:s3+$0x50] =	vst v18;
	(pc) =	sbr.rel @p2 .LBB2_10-.Ltmp4, $4  }
0x270: {  	v8 =	vmax.f32 v8, $0.0e+00;
	v10 =	vadd.f32 v16, v10;
	v14 =	vadd.f32 v17, v14;
	v9 =	vld [tilespmem:s2+$0xFFFFFFE0];
	[tilespmem:s7+$0xB0] =	vst v11  }
0x271: {  	v5 =	vmax.f32 v5, $0.0e+00;
	v11 =	vmax.f32 v6, $0.0e+00;
	v6 =	vmax.f32 v13, $0.0e+00;
	v7 =	vld [tilespmem:s12+$0x20];
	[tilespmem:s7+$0xFFFFFF30] =	vst v8  }
0x272: {  	v13 =	vmax.f32 v10, $0.0e+00;
	v14 =	vmax.f32 v14, $0.0e+00;
	v10 =	vld [tilespmem:s2+$0x20];
	v8 =	vshll.u32 v12, $0x10;
	[tilespmem:s7+$0xFFFFFF70] =	vst v11  }
0x273: {  	s12 =	sadd.s32 $0x100, s12;
	v12 =	vand.u32 $0xFFFF0000, v12;
	[tilespmem:s3+$0xFFFFFF20] =	vst v13;
	v11 =	vshll.u32 v15, $0x10;
	v13 =	vand.u32 $0xFFFF0000, v15  }
0x274: {  	_ = 	snop  }
0x275: {  	v15 =	vshll.u32 v2, $0x10;
	v16 =	vshll.u32 v9, $0x10  }
0x276: {  	v2 =	vand.u32 $0xFFFF0000, v2;
	v42 =	vand.u32 $0xFFFF0000, v9;
	v15 =	vadd.f32 v16, v15  }
0x277: {  	v43 =	vshll.u32 v7, $0x10;
	v2 =	vadd.f32 v42, v2  }
0x278: {  	[tilespmem:s3+$0xFFFFFF60] =	vst v14;
	v46 =	vand.u32 $0xFFFF0000, v7;
	v44 =	vshll.u32 v10, $0x10;
	v45 =	vmax.f32 v15, $0.0e+00  }
0x279: {  	v48 =	vld [tilespmem:s21+$0xFFFFFFB0];
	v47 =	vand.u32 $0xFFFF0000, v10;
	v9 =	vadd.f32 v44, v43;
	v2 =	vmax.f32 v2, $0.0e+00;
	[tilespmem:s3+$0xFFFFFFA0] =	vst v45  }
0x27a: {  	v7 =	vadd.f32 v47, v46;
	[tilespmem:s3+$0xFFFFFFE0] =	vst v2;
	v2 =	vld [tilespmem:s10+$0xFFFFFFB0]  }
0x27b: {  	v49 =	vld [tilespmem:s21+$0xFFFFFFF0];
	v9 =	vmax.f32 v9, $0.0e+00  }
0x27c: {  	v12 =	vadd.f32 v13, v12;
	v50 =	vld [tilespmem:s10+$0xFFFFFFF0];
	v7 =	vmax.f32 v7, $0.0e+00;
	[tilespmem:s3+$0x20] =	vst v9  }
0x27d: {  	v51 =	vadd.f32 v11, v8;
	[tilespmem:s3+$0x60] =	vst v7  }
0x27e: {  	[tilespmem:s7+$0xFFFFFFB0] =	vst v6;
	v3 =	vmax.f32 v3, $0.0e+00;
	v4 =	vmax.f32 v4, $0.0e+00;
	v53 =	vmax.f32 v12, $0.0e+00;
	v52 =	vld [tilespmem:s21+$0x30]  }
0x27f: {  	[tilespmem:s7+$0xFFFFFFF0] =	vst v5;
	v55 =	vshll.u32 v48, $0x10;
	v57 =	vand.u32 $0xFFFF0000, v48;
	v7 =	vmax.f32 v51, $0.0e+00;
	v54 =	vld [tilespmem:s10+$0x30]  }
0x280: {  	[tilespmem:s7+$0x30] =	vst v3;
	v56 =	vshll.u32 v2, $0x10;
	v2 =	vand.u32 $0xFFFF0000, v2;
	v58 =	vshll.u32 v49, $0x10  }
0x281: {  	[tilespmem:s7+$0x70] =	vst v4;
	v59 =	vshll.u32 v50, $0x10;
	v3 =	vand.u32 $0xFFFF0000, v49;
	v5 =	vadd.f32 v56, v55  }
0x282: {  	[tilespmem:s3+$0xF0] =	vst v53;
	v9 =	vand.u32 $0xFFFF0000, v50;
	v2 =	vadd.f32 v2, v57;
	v6 =	vadd.f32 v59, v58  }
0x283: {  	[tilespmem:s3+$0xB0] =	vst v7;
	v3 =	vadd.f32 v9, v3;
	v60 =	vshll.u32 v52, $0x10;
	v5 =	vmax.f32 v5, $0.0e+00  }
0x284: {  	v61 =	vshll.u32 v54, $0x10;
	v62 =	vand.u32 $0xFFFF0000, v52;
	v2 =	vmax.f32 v2, $0.0e+00;
	[tilespmem:s3+$0xFFFFFF30] =	vst v5  }
0x285: {  	v63 =	vand.u32 $0xFFFF0000, v54;
	v4 =	vadd.f32 v61, v60;
	v6 =	vmax.f32 v6, $0.0e+00;
	[tilespmem:s3+$0xFFFFFF70] =	vst v2  }
0x286: {  	v2 =	vadd.f32 v63, v62;
	v3 =	vmax.f32 v3, $0.0e+00;
	[tilespmem:s3+$0xFFFFFFB0] =	vst v6  }
0x287: {  	[tilespmem:s3+$0xFFFFFFF0] =	vst v3;
	v3 =	vmax.f32 v4, $0.0e+00  }
0x288: {  	v2 =	vmax.f32 v2, $0.0e+00;
	[tilespmem:s3+$0x30] =	vst v3  }
0x289: {  	s2 =	simm.s32 $0x6;
	[tilespmem:s3+$0x70] =	vst v2  }
0x28a: {  	_ =	swait.ge [sflag:s2], $0x2800  }
0x28b: {  	[sflag:s2] =	ssyncset.done $0x0  }
0x28c: {  	[sflag:s2] =	ssyncadd.s32 $0xFFFFD800  }
0x28d: {  	[spmem:s1] =	stream.indirect.scatter.add.f32 [tilespmem:s22], [sflag:$0x5], $0x80, s14, s25, $0xb8;
	[tilespmem:$0x1DBA0] =	vst v63  }
0x28e: {  	_ =	swait.ge [sflag:s16], $0x2800  }
0x28f: {  	[sflag:s16] =	ssyncset.done $0x0  }
0x290: {  	[sflag:s16] =	ssyncadd.s32 $0xFFFFD800  }
0x291: {  	[bflag:$0x0] =	sbarrier.arrive $0xFFFF  }
0x292: {  	s3 =	rddreg [dreg:$0xf]  }
0x293: {  	s2 =	simm.s32 @p1 $0x1FC7;
	s7 =	rddreg [dreg:$0x11]  }
0x294: {  	[hbm:s3], [sflag:s2] =	dma.local @p1 [spmem:s7], $0x2800  }
0x295: {  	s2 =	simm.s32 @p1 $0x7  }
0x296: {  	_ =	swait.ge @p1 [sflag:s2], $0x2800  }
0x297: {  	s3 =	stileid.u32;
	s12 =	rddreg [dreg:$0x4]  }
0x298: {  	s3 =	sshll.u32 @!p1 s3, $0x6;
	[sflag:s2] =	ssyncset.done @p1 $0x0;
	s7 =	rddreg [dreg:$0xe]  }
0x299: {  	[sflag:s2] =	ssyncadd.s32 @p1 $0xFFFFD800;
	s2 =	sor.u32 @!p1 $0x1C07, s3;
	s3 =	sshrl.u32 @!p1 s12, $0x3  }
0x29a: {  	[hbm:s7], [sflag:s2] =	dma.local @!p1 [spmem:s3], $0x2700  }
0x29b: {  	s2 =	simm.s32 @!p1 $0x7  }
0x29c: {  	_ =	swait.ge @!p1 [sflag:s2], $0x2700  }
0x29d: {  	s23 =	rddreg [dreg:$0x12]  }
0x29e: {  	s24 =	rddreg [dreg:$0x10];
	s7 =	sadd.s32 $0x1, s23  }
0x29f: {  	p2 =	sne.s32 s7, s24  }
.Ltmp5:
0x2a0: {  	_ = 	snop;
	(pc) =	sbr.rel @p2 .LBB2_1-.Ltmp5, $3  }
0x2a1: {  	_ =	sdelay $0x1  }
0x2a2: {  	[sflag:s2] =	ssyncset.done @!p1 $0x0  }
0x2a3: {  	[sflag:s2] =	ssyncadd.s32 @!p1 $0xFFFFD900  }
0x2a4: {  	_ =	sfence.sel $0x180000  }
0x2a5: {  	[bflag:$0x0] =	sbarrier.arrive $0xFFFF  }
0x2a6: {  	_ =	strace $0x90000047  }
0x2a7: {  	s0 =	stileid.u32;
	[bflag:$0x2] =	sbarrier.arrive $0xFFFF  }
0x2a8: {  	p0 =	sne.s32 s0, $0x0;
	s0 =	rddreg [dreg:$0x3]  }
0x2a9: {  	s0 =	sadd.s32 @!p0 $0x100000, s0  }
0x2aa: {  	[sflag:s0] =	ssyncadd.tile.s32 @!p0 $0x1;
	_ =	shalt  }
.Lfunc_end2:
_tile_overlayer_lowered:
.L_overlay_start_2:
0x2ab: {  	(tag) =	ssettag $0x2  }
0x2ac: {  	s0 =	rddreg [dreg:$0x0];
	s2 =	stileid.u32  }
0x2ad: {  	s1 =	rddreg [dreg:$0x1];
	p0 =	sne.s32 s2, $0x0  }
0x2ae: {  	s3 =	rddreg [dreg:$0x2];
	[bflag:$0x3] =	sbarrier.arrive $0xFFFF;
	s2 =	simm.s32 @!p0 $0x1C07  }
0x2af: {  	[timem:s3], [sflag:s2] =	dma.local @!p0 [hbm:s0], s1  }
0x2b0: {  	s0 =	simm.s32 @!p0 $0x7  }
0x2b1: {  	_ =	swait.ge @!p0 [sflag:s0], s1  }
0x2b2: {  	s1 =	ssub.s32 @!p0 $0x0, s1;
	[sflag:s0] =	ssyncset.done @!p0 $0x0  }
0x2b3: {  	[sflag:s0] =	ssyncadd.s32 @!p0 s1  }
0x2b4: {  	[bflag:$0x3] =	sbarrier.arrive $0xFFFF  }
0x2b5: {  	_ =	shalt  }

</sc_bundles>
